<compile_context>
chip_gen: v7x
topology: tpu7x:2x2x1
jax: 0.10.2.dev20260603
libtpu: 0.0.44.dev20260713+nightly
codegen_flags: <defaults>
</compile_context>

<pallas_src>
import functools

import jax
import jax.numpy as jnp
import numpy as np
from jax import lax
from jax.experimental import pallas as pl
from jax.experimental.pallas import tpu as pltpu
from jax.experimental.pallas import tpu_sc as plsc

B = 4096
F = 26
V = 100000
E = 32
D = 128
NUM_TOKENS = 8
SEED = 0

_perm = np.random.RandomState(SEED).permutation(F)
_GROUPS = [
    _perm[F * i // NUM_TOKENS: F * (i + 1) // NUM_TOKENS].tolist()
    for i in range(NUM_TOKENS)
]

_GS = np.zeros((F, NUM_TOKENS), dtype=np.float32)
for _t, _g in enumerate(_GROUPS):
    for _f in _g:
        _GS[_f, _t] = 1.0 / len(_g)

_G = np.zeros((F * E, NUM_TOKENS * E), dtype=np.float32)
for _t, _g in enumerate(_GROUPS):
    for _f in _g:
        for _e in range(E):
            _G[_f * E + _e, _t * E + _e] = 1.0 / len(_g)

_NC, _NS = 2, 16
_NW = _NC * _NS
_BF = B * F
_RPW = _BF // _NW
_CH = 128
_NCH = _RPW // _CH
_RING = 6
_AHEAD = 4


def _sc_gather_body(idx_hbm, table_hbm, out_hbm, idx_v, rows_v, gsem, wsem):
    wid = lax.axis_index("s") * _NC + lax.axis_index("c")
    table2d = table_hbm
    pltpu.sync_copy(idx_hbm.at[pl.ds(wid * _RPW, _RPW)], idx_v)

    def gather(j):
        return pltpu.make_async_copy(
            table2d.at[idx_v.at[pl.ds(j * _CH, _CH)]],
            rows_v.at[j % _RING],
            gsem.at[j % _RING],
        )

    def write(j):
        return pltpu.make_async_copy(
            rows_v.at[j % _RING],
            out_hbm.at[pl.ds(wid * _RPW + j * _CH, _CH)],
            wsem.at[j % _RING],
        )

    for j in range(_AHEAD):
        gather(j).start()
    for j in range(_NCH):
        gather(j).wait()
        write(j).start()
        k = j + _AHEAD
        if k < _NCH:
            if k - _RING >= 0:
                write(k - _RING).wait()
            gather(k).start()
    for j in range(_NCH - _RING, _NCH):
        write(j).wait()


@functools.cache
def _sc_gather():
    return pl.kernel(
        _sc_gather_body,
        mesh=plsc.VectorSubcoreMesh(
            core_axis_name="c", subcore_axis_name="s", num_cores=_NC
        ),
        out_type=jax.ShapeDtypeStruct((_BF, E), jnp.float32),
        compiler_params=pltpu.CompilerParams(use_tc_tiling_on_sc=False),
        scratch_types=[
            pltpu.VMEM((_RPW,), jnp.int32),
            pltpu.VMEM((_RING, _CH, E), jnp.float32),
            pltpu.SemaphoreType.DMA((_RING,)),
            pltpu.SemaphoreType.DMA((_RING,)),
        ],
    )


def _tc_body(feats_ref, mask_ref, g_ref, p_ref, w_ref, b_ref, gamma_ref,
             beta_ref, out_ref):
    x = jnp.dot(feats_ref[...], g_ref[...], preferred_element_type=jnp.float32)
    x = x + jnp.dot(mask_ref[...], p_ref[...],
                    preferred_element_type=jnp.float32)
    gamma = gamma_ref[...]
    beta = beta_ref[...]
    bias = b_ref[...]
    for t in range(NUM_TOKENS):
        xt = x[:, t * E:(t + 1) * E]
        y = jnp.dot(xt, w_ref[...], preferred_element_type=jnp.float32) + bias
        y = y * jax.nn.sigmoid(y)
        mu = jnp.mean(y, axis=-1, keepdims=True)
        var = jnp.mean((y - mu) ** 2, axis=-1, keepdims=True)
        out_ref[:, t, :] = (y - mu) * lax.rsqrt(var + 1e-5) * gamma + beta


_TC_BLOCK = 512


def kernel(int_feats, missing_mask, tables, missing_emb, W, b, gamma, beta):
    offsets = (jnp.arange(F, dtype=jnp.int32) * V)[None, :]
    idx = (int_feats + offsets).reshape(_BF)

    feats_flat = _sc_gather()(idx, tables[0])
    feats2d = feats_flat.reshape(B, F * E)

    p_mat = (jnp.asarray(_GS)[:, :, None] * missing_emb[0][:, None, :]
             ).reshape(F, NUM_TOKENS * E)

    grid = B // _TC_BLOCK
    out = pl.pallas_call(
        _tc_body,
        grid=(grid,),
        in_specs=[
            pl.BlockSpec((_TC_BLOCK, F * E), lambda i: (i, 0)),
            pl.BlockSpec((_TC_BLOCK, F), lambda i: (i, 0)),
            pl.BlockSpec((F * E, NUM_TOKENS * E), lambda i: (0, 0)),
            pl.BlockSpec((F, NUM_TOKENS * E), lambda i: (0, 0)),
            pl.BlockSpec((E, D), lambda i: (0, 0)),
            pl.BlockSpec((1, D), lambda i: (0, 0)),
            pl.BlockSpec((1, D), lambda i: (0, 0)),
            pl.BlockSpec((1, D), lambda i: (0, 0)),
        ],
        out_specs=pl.BlockSpec((_TC_BLOCK, NUM_TOKENS, D), lambda i: (i, 0, 0)),
        out_shape=jax.ShapeDtypeStruct((B, NUM_TOKENS, D), jnp.float32),
    )(feats2d, missing_mask, jnp.asarray(_G), p_mat, W,
      b.reshape(1, D), gamma.reshape(1, D), beta.reshape(1, D))
    return out

# --- scband reference (transcript-rebuilt; emitter-appended) ---
"""Pipeline reference for scband-pcvrrank-up-72103910965638 (READ-ONLY COPY).

The authoritative reference and input builder live on the scoring server;
editing this copy changes nothing except your own understanding.
"""

import jax, jax.numpy as jnp
import numpy as np

B = 4096
F = 26
V = 100000
E = 32
T = 1
D = 128
NUM_TOKENS = 8
SEED = 0

_perm = np.random.RandomState(SEED).permutation(F)
GROUPS = [_perm[F * i // NUM_TOKENS: F * (i + 1) // NUM_TOKENS].tolist() for i in range(NUM_TOKENS)]


def _layer_norm(x, gamma, beta, eps=1e-5):
    mu = x.mean(axis=-1, keepdims=True)
    var = ((x - mu) ** 2).mean(axis=-1, keepdims=True)
    return (x - mu) / jnp.sqrt(var + eps) * gamma + beta


def setup_inputs(seed: int = 0):
    key = jax.random.key(seed)
    ks = jax.random.split(key, 8)
    int_feats = jax.random.randint(ks[0], (B, F), 0, V, dtype=jnp.int32)
    missing_mask = jax.random.uniform(ks[1], (B, F), dtype=jnp.float32)
    tables = jax.random.normal(ks[2], (T, F * V, E), dtype=jnp.float32) * 0.02
    missing_emb = jax.random.normal(ks[3], (T, F, E), dtype=jnp.float32) * 0.02
    W = jax.random.normal(ks[4], (E * T, D), dtype=jnp.float32) * (1.0 / np.sqrt(E * T))
    b = jnp.zeros((D,), dtype=jnp.float32)
    gamma = jnp.ones((D,), dtype=jnp.float32)
    beta = jnp.zeros((D,), dtype=jnp.float32)
    return {"int_feats": int_feats, "missing_mask": missing_mask, "tables": tables,
            "missing_emb": missing_emb, "W": W, "b": b, "gamma": gamma, "beta": beta}


def reference(int_feats, missing_mask, tables, missing_emb, W, b, gamma, beta):
    # RandomPermutationSparseTokenizer forward (embedding-lookup core of PCVRRankUp)
    offsets = (jnp.arange(F, dtype=int_feats.dtype) * V)[None, :]
    idx = int_feats + offsets  # [B, F] indices into fused table
    table_feats = []
    for t in range(T):
        feats = jnp.take(tables[t], idx, axis=0)  # [B, F, E] gather
        feats = feats + missing_mask[:, :, None] * missing_emb[t][None, :, :]
        table_feats.append(feats)
    token_list = []
    for group in GROUPS:
        g = jnp.asarray(group)
        views = [tf[:, g, :].mean(axis=1) for tf in table_feats]  # [B, E] each
        x = jnp.concatenate(views, axis=-1)  # [B, E*T]
        x = x @ W + b
        x = jax.nn.silu(x)
        x = _layer_norm(x, gamma, beta)
        token_list.append(x)
    return jnp.stack(token_list, axis=1)  # [B, NUM_TOKENS, D]

if __name__ == "__main__":
    import jax
    _d = setup_inputs()
    print(jax.jit(kernel)(*tuple(_d.values())))

</pallas_src>

<mosaic_0001>
#map = affine_map<(d0, d1) -> (0)>
#map1 = affine_map<(d0, d1) -> (0, 0)>
module attributes {stable_mosaic.version = 14 : i64} {
  func.func @_sc_gather_body(%arg0: i32, %arg1: i32, %arg2: memref<106496xi32, #tpu.memory_space<hbm>>, %arg3: memref<2600000x32xf32, #tpu.memory_space<hbm>>, %arg4: memref<106496x32xf32, #tpu.memory_space<hbm>>, %arg5: memref<3328xi32, #tpu.memory_space<vmem>>, %arg6: memref<6x128x32xf32, #tpu.memory_space<vmem>>, %arg7: memref<6x!tpu.dma_semaphore, #tpu.memory_space<semaphore_mem>>, %arg8: memref<6x!tpu.dma_semaphore, #tpu.memory_space<semaphore_mem>>) attributes {dimension_semantics = [#tpu.dimension_semantics<core_parallel>, #tpu.dimension_semantics<subcore_parallel>], iteration_bounds = array<i64: 2, 16>, scalar_prefetch = 0 : i64, scratch_operands = 4 : i64, tpu.core_type = #tpu.core_type<sc_vector_subcore>, window_params = [{transform_indices = #map}, {transform_indices = #map1}, {transform_indices = #map1}]} {
    %mul3A = arith.constant 2 : i32
    %mul3A_0 = arith.muli %arg1, %mul3A : i32
    %add3A = arith.addi %mul3A_0, %arg0 : i32
    %mul3A_1 = arith.constant 3328 : i32
    %mul3A_2 = arith.muli %add3A, %mul3A_1 : i32
    "tpu.region"() ({
      %run_scoped3A = tpu.sem_alloc : memref<!tpu.dma_semaphore, #tpu.memory_space<semaphore_mem>>
      %dma_start3A_1717 = tpu.memref_slice %arg2[%mul3A_2] : memref<106496xi32, #tpu.memory_space<hbm>> -> memref<3328xi32, #tpu.memory_space<hbm>>
      %dma_start3A_1718 = tpu.memref_slice %arg2[%mul3A_2] : memref<106496xi32, #tpu.memory_space<hbm>> -> memref<3328xi32, #tpu.memory_space<hbm>>
      tpu.enqueue_dma source(%dma_start3A_1718 : memref<3328xi32, #tpu.memory_space<hbm>>) target(%arg5 : memref<3328xi32, #tpu.memory_space<vmem>>) target_semaphore(%run_scoped3A : memref<!tpu.dma_semaphore, #tpu.memory_space<semaphore_mem>>)
      %dma_wait3A_1719 = tpu.memref_slice %arg2[%mul3A_2] : memref<106496xi32, #tpu.memory_space<hbm>> -> memref<3328xi32, #tpu.memory_space<hbm>>
      %dma_wait3A_1720 = tpu.memref_slice %arg2[%mul3A_2] : memref<106496xi32, #tpu.memory_space<hbm>> -> memref<3328xi32, #tpu.memory_space<hbm>>
      tpu.wait_dma2 semaphore(%run_scoped3A : memref<!tpu.dma_semaphore, #tpu.memory_space<semaphore_mem>>) src(%dma_wait3A_1720 : memref<3328xi32, #tpu.memory_space<hbm>>) dst(%arg5 : memref<3328xi32, #tpu.memory_space<vmem>>)
      tpu.yield
    }) : () -> ()
    %dma_start3A = arith.constant 0 : i32
    %dma_start3A_3 = arith.constant 0 : i32
    %dma_start3A_4 = arith.constant 0 : i32
    %dma_start3A_5 = arith.constant 0 : i32
    %dma_start3A_6 = tpu.memref_slice %arg6[%dma_start3A, %dma_start3A_4, %dma_start3A_5] : memref<6x128x32xf32, #tpu.memory_space<vmem>> -> memref<1x128x32xf32, #tpu.memory_space<vmem>>
    %dma_start3A_7 = tpu.memref_squeeze %dma_start3A_6 : memref<1x128x32xf32, #tpu.memory_space<vmem>> -> memref<128x32xf32, #tpu.memory_space<vmem>>
    %dma_start3A_8 = arith.constant 0 : i32
    %dma_start3A_9 = tpu.memref_slice %arg5[%dma_start3A_8] : memref<3328xi32, #tpu.memory_space<vmem>> -> memref<128xi32, #tpu.memory_space<vmem>>
    %dma_start3A_10 = arith.constant 0 : i32
    %dma_start3A_11 = arith.constant 0 : i32
    %dma_start3A_12 = tpu.memref_slice %arg3[%dma_start3A_10, %dma_start3A_11] : memref<2600000x32xf32, #tpu.memory_space<hbm>> -> memref<2600000x32xf32, #tpu.memory_space<hbm>>
    %dma_start3A_13 = tpu.memref_slice %arg7[%dma_start3A_3] : memref<6x!tpu.dma_semaphore, #tpu.memory_space<semaphore_mem>> -> memref<1x!tpu.dma_semaphore, #tpu.memory_space<semaphore_mem>>
    %dma_start3A_14 = tpu.memref_squeeze %dma_start3A_13 : memref<1x!tpu.dma_semaphore, #tpu.memory_space<semaphore_mem>> -> memref<!tpu.dma_semaphore, #tpu.memory_space<semaphore_mem>>
    tpu.enqueue_indirect_dma source(%dma_start3A_12 : memref<2600000x32xf32, #tpu.memory_space<hbm>>) target(%dma_start3A_7 : memref<128x32xf32, #tpu.memory_space<vmem>>) offsets(%dma_start3A_9 : memref<128xi32, #tpu.memory_space<vmem>>) semaphore(%dma_start3A_14 : memref<!tpu.dma_semaphore, #tpu.memory_space<semaphore_mem>>)
    %dma_start3A_15 = arith.constant 1 : i32
    %dma_start3A_16 = arith.constant 1 : i32
    %dma_start3A_17 = arith.constant 0 : i32
    %dma_start3A_18 = arith.constant 0 : i32
    %dma_start3A_19 = tpu.memref_slice %arg6[%dma_start3A_15, %dma_start3A_17, %dma_start3A_18] : memref<6x128x32xf32, #tpu.memory_space<vmem>> -> memref<1x128x32xf32, #tpu.memory_space<vmem>>
    %dma_start3A_20 = tpu.memref_squeeze %dma_start3A_19 : memref<1x128x32xf32, #tpu.memory_space<vmem>> -> memref<128x32xf32, #tpu.memory_space<vmem>>
    %dma_start3A_21 = arith.constant 128 : i32
    %dma_start3A_22 = tpu.memref_slice %arg5[%dma_start3A_21] : memref<3328xi32, #tpu.memory_space<vmem>> -> memref<128xi32, #tpu.memory_space<vmem>>
    %dma_start3A_23 = arith.constant 0 : i32
    %dma_start3A_24 = arith.constant 0 : i32
    %dma_start3A_25 = tpu.memref_slice %arg3[%dma_start3A_23, %dma_start3A_24] : memref<2600000x32xf32, #tpu.memory_space<hbm>> -> memref<2600000x32xf32, #tpu.memory_space<hbm>>
    %dma_start3A_26 = tpu.memref_slice %arg7[%dma_start3A_16] : memref<6x!tpu.dma_semaphore, #tpu.memory_space<semaphore_mem>> -> memref<1x!tpu.dma_semaphore, #tpu.memory_space<semaphore_mem>>
    %dma_start3A_27 = tpu.memref_squeeze %dma_start3A_26 : memref<1x!tpu.dma_semaphore, #tpu.memory_space<semaphore_mem>> -> memref<!tpu.dma_semaphore, #tpu.memory_space<semaphore_mem>>
    tpu.enqueue_indirect_dma source(%dma_start3A_25 : memref<2600000x32xf32, #tpu.memory_space<hbm>>) target(%dma_start3A_20 : memref<128x32xf32, #tpu.memory_space<vmem>>) offsets(%dma_start3A_22 : memref<128xi32, #tpu.memory_space<vmem>>) semaphore(%dma_start3A_27 : memref<!tpu.dma_semaphore, #tpu.memory_space<semaphore_mem>>)
    %dma_start3A_28 = arith.constant 2 : i32
    %dma_start3A_29 = arith.constant 2 : i32
    %dma_start3A_30 = arith.constant 0 : i32
    %dma_start3A_31 = arith.constant 0 : i32
    %dma_start3A_32 = tpu.memref_slice %arg6[%dma_start3A_28, %dma_start3A_30, %dma_start3A_31] : memref<6x128x32xf32, #tpu.memory_space<vmem>> -> memref<1x128x32xf32, #tpu.memory_space<vmem>>
    %dma_start3A_33 = tpu.memref_squeeze %dma_start3A_32 : memref<1x128x32xf32, #tpu.memory_space<vmem>> -> memref<128x32xf32, #tpu.memory_space<vmem>>
    %dma_start3A_34 = arith.constant 256 : i32
    %dma_start3A_35 = tpu.memref_slice %arg5[%dma_start3A_34] : memref<3328xi32, #tpu.memory_space<vmem>> -> memref<128xi32, #tpu.memory_space<vmem>>
    %dma_start3A_36 = arith.constant 0 : i32
    %dma_start3A_37 = arith.constant 0 : i32
    %dma_start3A_38 = tpu.memref_slice %arg3[%dma_start3A_36, %dma_start3A_37] : memref<2600000x32xf32, #tpu.memory_space<hbm>> -> memref<2600000x32xf32, #tpu.memory_space<hbm>>
    %dma_start3A_39 = tpu.memref_slice %arg7[%dma_start3A_29] : memref<6x!tpu.dma_semaphore, #tpu.memory_space<semaphore_mem>> -> memref<1x!tpu.dma_semaphore, #tpu.memory_space<semaphore_mem>>
    %dma_start3A_40 = tpu.memref_squeeze %dma_start3A_39 : memref<1x!tpu.dma_semaphore, #tpu.memory_space<semaphore_mem>> -> memref<!tpu.dma_semaphore, #tpu.memory_space<semaphore_mem>>
    tpu.enqueue_indirect_dma source(%dma_start3A_38 : memref<2600000x32xf32, #tpu.memory_space<hbm>>) target(%dma_start3A_33 : memref<128x32xf32, #tpu.memory_space<vmem>>) offsets(%dma_start3A_35 : memref<128xi32, #tpu.memory_space<vmem>>) semaphore(%dma_start3A_40 : memref<!tpu.dma_semaphore, #tpu.memory_space<semaphore_mem>>)
    %dma_start3A_41 = arith.constant 3 : i32
    %dma_start3A_42 = arith.constant 3 : i32
    %dma_start3A_43 = arith.constant 0 : i32
    %dma_start3A_44 = arith.constant 0 : i32
    %dma_start3A_45 = tpu.memref_slice %arg6[%dma_start3A_41, %dma_start3A_43, %dma_start3A_44] : memref<6x128x32xf32, #tpu.memory_space<vmem>> -> memref<1x128x32xf32, #tpu.memory_space<vmem>>
    %dma_start3A_46 = tpu.memref_squeeze %dma_start3A_45 : memref<1x128x32xf32, #tpu.memory_space<vmem>> -> memref<128x32xf32, #tpu.memory_space<vmem>>
    %dma_start3A_47 = arith.constant 384 : i32
    %dma_start3A_48 = tpu.memref_slice %arg5[%dma_start3A_47] : memref<3328xi32, #tpu.memory_space<vmem>> -> memref<128xi32, #tpu.memory_space<vmem>>
    %dma_start3A_49 = arith.constant 0 : i32
    %dma_start3A_50 = arith.constant 0 : i32
    %dma_start3A_51 = tpu.memref_slice %arg3[%dma_start3A_49, %dma_start3A_50] : memref<2600000x32xf32, #tpu.memory_space<hbm>> -> memref<2600000x32xf32, #tpu.memory_space<hbm>>
    %dma_start3A_52 = tpu.memref_slice %arg7[%dma_start3A_42] : memref<6x!tpu.dma_semaphore, #tpu.memory_space<semaphore_mem>> -> memref<1x!tpu.dma_semaphore, #tpu.memory_space<semaphore_mem>>
    %dma_start3A_53 = tpu.memref_squeeze %dma_start3A_52 : memref<1x!tpu.dma_semaphore, #tpu.memory_space<semaphore_mem>> -> memref<!tpu.dma_semaphore, #tpu.memory_space<semaphore_mem>>
    tpu.enqueue_indirect_dma source(%dma_start3A_51 : memref<2600000x32xf32, #tpu.memory_space<hbm>>) target(%dma_start3A_46 : memref<128x32xf32, #tpu.memory_space<vmem>>) offsets(%dma_start3A_48 : memref<128xi32, #tpu.memory_space<vmem>>) semaphore(%dma_start3A_53 : memref<!tpu.dma_semaphore, #tpu.memory_space<semaphore_mem>>)
    %dma_wait3A = arith.constant 0 : i32
    %dma_wait3A_54 = arith.constant 0 : i32
    %dma_wait3A_55 = arith.constant 0 : i32
    %dma_wait3A_56 = arith.constant 0 : i32
    %dma_wait3A_57 = tpu.memref_slice %arg6[%dma_wait3A, %dma_wait3A_55, %dma_wait3A_56] : memref<6x128x32xf32, #tpu.memory_space<vmem>> -> memref<1x128x32xf32, #tpu.memory_space<vmem>>
    %dma_wait3A_58 = tpu.memref_squeeze %dma_wait3A_57 : memref<1x128x32xf32, #tpu.memory_space<vmem>> -> memref<128x32xf32, #tpu.memory_space<vmem>>
    %dma_wait3A_59 = arith.constant 0 : i32
    %dma_wait3A_60 = tpu.memref_slice %arg5[%dma_wait3A_59] : memref<3328xi32, #tpu.memory_space<vmem>> -> memref<128xi32, #tpu.memory_space<vmem>>
    %dma_wait3A_61 = arith.constant 0 : i32
    %dma_wait3A_62 = arith.constant 0 : i32
    %dma_wait3A_63 = tpu.memref_slice %arg3[%dma_wait3A_61, %dma_wait3A_62] : memref<2600000x32xf32, #tpu.memory_space<hbm>> -> memref<2600000x32xf32, #tpu.memory_space<hbm>>
    %dma_wait3A_64 = tpu.memref_slice %arg7[%dma_wait3A_54] : memref<6x!tpu.dma_semaphore, #tpu.memory_space<semaphore_mem>> -> memref<1x!tpu.dma_semaphore, #tpu.memory_space<semaphore_mem>>
    %dma_wait3A_65 = tpu.memref_squeeze %dma_wait3A_64 : memref<1x!tpu.dma_semaphore, #tpu.memory_space<semaphore_mem>> -> memref<!tpu.dma_semaphore, #tpu.memory_space<semaphore_mem>>
    tpu.wait_indirect_dma semaphore(%dma_wait3A_65 : memref<!tpu.dma_semaphore, #tpu.memory_space<semaphore_mem>>) src(%dma_wait3A_63 : memref<2600000x32xf32, #tpu.memory_space<hbm>>) dst(%dma_wait3A_58 : memref<128x32xf32, #tpu.memory_space<vmem>>)
    %mul3A_66 = arith.constant 3328 : i32
    %mul3A_67 = arith.muli %add3A, %mul3A_66 : i32
    %add3A_68 = arith.constant 0 : i32
    %add3A_69 = arith.addi %mul3A_67, %add3A_68 : i32
    %dma_start3A_70 = arith.constant 0 : i32
    %dma_start3A_71 = arith.constant 0 : i32
    %dma_start3A_72 = arith.constant 0 : i32
    %dma_start3A_73 = arith.constant 0 : i32
    %dma_start3A_74 = tpu.memref_slice %arg6[%dma_start3A_70, %dma_start3A_72, %dma_start3A_73] : memref<6x128x32xf32, #tpu.memory_space<vmem>> -> memref<1x128x32xf32, #tpu.memory_space<vmem>>
    %dma_start3A_75 = tpu.memref_squeeze %dma_start3A_74 : memref<1x128x32xf32, #tpu.memory_space<vmem>> -> memref<128x32xf32, #tpu.memory_space<vmem>>
    %dma_start3A_76 = arith.constant 0 : i32
    %dma_start3A_77 = tpu.memref_slice %arg4[%add3A_69, %dma_start3A_76] : memref<106496x32xf32, #tpu.memory_space<hbm>> -> memref<128x32xf32, #tpu.memory_space<hbm>>
    %dma_start3A_78 = tpu.memref_slice %arg8[%dma_start3A_71] : memref<6x!tpu.dma_semaphore, #tpu.memory_space<semaphore_mem>> -> memref<1x!tpu.dma_semaphore, #tpu.memory_space<semaphore_mem>>
    %dma_start3A_79 = tpu.memref_squeeze %dma_start3A_78 : memref<1x!tpu.dma_semaphore, #tpu.memory_space<semaphore_mem>> -> memref<!tpu.dma_semaphore, #tpu.memory_space<semaphore_mem>>
    %dma_start3A_80 = arith.constant 0 : i32
    %dma_start3A_81 = tpu.memref_slice %arg4[%add3A_69, %dma_start3A_80] : memref<106496x32xf32, #tpu.memory_space<hbm>> -> memref<128x32xf32, #tpu.memory_space<hbm>>
    %dma_start3A_82 = arith.constant 0 : i32
    %dma_start3A_83 = arith.constant 0 : i32
    %dma_start3A_84 = tpu.memref_slice %arg6[%dma_start3A_70, %dma_start3A_82, %dma_start3A_83] : memref<6x128x32xf32, #tpu.memory_space<vmem>> -> memref<1x128x32xf32, #tpu.memory_space<vmem>>
    %dma_start3A_85 = tpu.memref_squeeze %dma_start3A_84 : memref<1x128x32xf32, #tpu.memory_space<vmem>> -> memref<128x32xf32, #tpu.memory_space<vmem>>
    tpu.enqueue_dma source(%dma_start3A_85 : memref<128x32xf32, #tpu.memory_space<vmem>>) target(%dma_start3A_81 : memref<128x32xf32, #tpu.memory_space<hbm>>) target_semaphore(%dma_start3A_79 : memref<!tpu.dma_semaphore, #tpu.memory_space<semaphore_mem>>)
    %dma_start3A_86 = arith.constant 4 : i32
    %dma_start3A_87 = arith.constant 4 : i32
    %dma_start3A_88 = arith.constant 0 : i32
    %dma_start3A_89 = arith.constant 0 : i32
    %dma_start3A_90 = tpu.memref_slice %arg6[%dma_start3A_86, %dma_start3A_88, %dma_start3A_89] : memref<6x128x32xf32, #tpu.memory_space<vmem>> -> memref<1x128x32xf32, #tpu.memory_space<vmem>>
    %dma_start3A_91 = tpu.memref_squeeze %dma_start3A_90 : memref<1x128x32xf32, #tpu.memory_space<vmem>> -> memref<128x32xf32, #tpu.memory_space<vmem>>
    %dma_start3A_92 = arith.constant 512 : i32
    %dma_start3A_93 = tpu.memref_slice %arg5[%dma_start3A_92] : memref<3328xi32, #tpu.memory_space<vmem>> -> memref<128xi32, #tpu.memory_space<vmem>>
    %dma_start3A_94 = arith.constant 0 : i32
    %dma_start3A_95 = arith.constant 0 : i32
    %dma_start3A_96 = tpu.memref_slice %arg3[%dma_start3A_94, %dma_start3A_95] : memref<2600000x32xf32, #tpu.memory_space<hbm>> -> memref<2600000x32xf32, #tpu.memory_space<hbm>>
    %dma_start3A_97 = tpu.memref_slice %arg7[%dma_start3A_87] : memref<6x!tpu.dma_semaphore, #tpu.memory_space<semaphore_mem>> -> memref<1x!tpu.dma_semaphore, #tpu.memory_space<semaphore_mem>>
    %dma_start3A_98 = tpu.memref_squeeze %dma_start3A_97 : memref<1x!tpu.dma_semaphore, #tpu.memory_space<semaphore_mem>> -> memref<!tpu.dma_semaphore, #tpu.memory_space<semaphore_mem>>
    tpu.enqueue_indirect_dma source(%dma_start3A_96 : memref<2600000x32xf32, #tpu.memory_space<hbm>>) target(%dma_start3A_91 : memref<128x32xf32, #tpu.memory_space<vmem>>) offsets(%dma_start3A_93 : memref<128xi32, #tpu.memory_space<vmem>>) semaphore(%dma_start3A_98 : memref<!tpu.dma_semaphore, #tpu.memory_space<semaphore_mem>>)
    %dma_wait3A_99 = arith.constant 1 : i32
    %dma_wait3A_100 = arith.constant 1 : i32
    %dma_wait3A_101 = arith.constant 0 : i32
    %dma_wait3A_102 = arith.constant 0 : i32
    %dma_wait3A_103 = tpu.memref_slice %arg6[%dma_wait3A_99, %dma_wait3A_101, %dma_wait3A_102] : memref<6x128x32xf32, #tpu.memory_space<vmem>> -> memref<1x128x32xf32, #tpu.memory_space<vmem>>
    %dma_wait3A_104 = tpu.memref_squeeze %dma_wait3A_103 : memref<1x128x32xf32, #tpu.memory_space<vmem>> -> memref<128x32xf32, #tpu.memory_space<vmem>>
    %dma_wait3A_105 = arith.constant 128 : i32
    %dma_wait3A_106 = tpu.memref_slice %arg5[%dma_wait3A_105] : memref<3328xi32, #tpu.memory_space<vmem>> -> memref<128xi32, #tpu.memory_space<vmem>>
    %dma_wait3A_107 = arith.constant 0 : i32
    %dma_wait3A_108 = arith.constant 0 : i32
    %dma_wait3A_109 = tpu.memref_slice %arg3[%dma_wait3A_107, %dma_wait3A_108] : memref<2600000x32xf32, #tpu.memory_space<hbm>> -> memref<2600000x32xf32, #tpu.memory_space<hbm>>
    %dma_wait3A_110 = tpu.memref_slice %arg7[%dma_wait3A_100] : memref<6x!tpu.dma_semaphore, #tpu.memory_space<semaphore_mem>> -> memref<1x!tpu.dma_semaphore, #tpu.memory_space<semaphore_mem>>
    %dma_wait3A_111 = tpu.memref_squeeze %dma_wait3A_110 : memref<1x!tpu.dma_semaphore, #tpu.memory_space<semaphore_mem>> -> memref<!tpu.dma_semaphore, #tpu.memory_space<semaphore_mem>>
    tpu.wait_indirect_dma semaphore(%dma_wait3A_111 : memref<!tpu.dma_semaphore, #tpu.memory_space<semaphore_mem>>) src(%dma_wait3A_109 : memref<2600000x32xf32, #tpu.memory_space<hbm>>) dst(%dma_wait3A_104 : memref<128x32xf32, #tpu.memory_space<vmem>>)
    %mul3A_112 = arith.constant 3328 : i32
    %mul3A_113 = arith.muli %add3A, %mul3A_112 : i32
    %add3A_114 = arith.constant 128 : i32
    %add3A_115 = arith.addi %mul3A_113, %add3A_114 : i32
    %dma_start3A_116 = arith.constant 1 : i32
    %dma_start3A_117 = arith.constant 1 : i32
    %dma_start3A_118 = arith.constant 0 : i32
    %dma_start3A_119 = arith.constant 0 : i32
    %dma_start3A_120 = tpu.memref_slice %arg6[%dma_start3A_116, %dma_start3A_118, %dma_start3A_119] : memref<6x128x32xf32, #tpu.memory_space<vmem>> -> memref<1x128x32xf32, #tpu.memory_space<vmem>>
    %dma_start3A_121 = tpu.memref_squeeze %dma_start3A_120 : memref<1x128x32xf32, #tpu.memory_space<vmem>> -> memref<128x32xf32, #tpu.memory_space<vmem>>
    %dma_start3A_122 = arith.constant 0 : i32
    %dma_start3A_123 = tpu.memref_slice %arg4[%add3A_115, %dma_start3A_122] : memref<106496x32xf32, #tpu.memory_space<hbm>> -> memref<128x32xf32, #tpu.memory_space<hbm>>
    %dma_start3A_124 = tpu.memref_slice %arg8[%dma_start3A_117] : memref<6x!tpu.dma_semaphore, #tpu.memory_space<semaphore_mem>> -> memref<1x!tpu.dma_semaphore, #tpu.memory_space<semaphore_mem>>
    %dma_start3A_125 = tpu.memref_squeeze %dma_start3A_124 : memref<1x!tpu.dma_semaphore, #tpu.memory_space<semaphore_mem>> -> memref<!tpu.dma_semaphore, #tpu.memory_space<semaphore_mem>>
    %dma_start3A_126 = arith.constant 0 : i32
    %dma_start3A_127 = tpu.memref_slice %arg4[%add3A_115, %dma_start3A_126] : memref<106496x32xf32, #tpu.memory_space<hbm>> -> memref<128x32xf32, #tpu.memory_space<hbm>>
    %dma_start3A_128 = arith.constant 0 : i32
    %dma_start3A_129 = arith.constant 0 : i32
    %dma_start3A_130 = tpu.memref_slice %arg6[%dma_start3A_116, %dma_start3A_128, %dma_start3A_129] : memref<6x128x32xf32, #tpu.memory_space<vmem>> -> memref<1x128x32xf32, #tpu.memory_space<vmem>>
    %dma_start3A_131 = tpu.memref_squeeze %dma_start3A_130 : memref<1x128x32xf32, #tpu.memory_space<vmem>> -> memref<128x32xf32, #tpu.memory_space<vmem>>
    tpu.enqueue_dma source(%dma_start3A_131 : memref<128x32xf32, #tpu.memory_space<vmem>>) target(%dma_start3A_127 : memref<128x32xf32, #tpu.memory_space<hbm>>) target_semaphore(%dma_start3A_125 : memref<!tpu.dma_semaphore, #tpu.memory_space<semaphore_mem>>)
    %dma_start3A_132 = arith.constant 5 : i32
    %dma_start3A_133 = arith.constant 5 : i32
    %dma_start3A_134 = arith.constant 0 : i32
    %dma_start3A_135 = arith.constant 0 : i32
    %dma_start3A_136 = tpu.memref_slice %arg6[%dma_start3A_132, %dma_start3A_134, %dma_start3A_135] : memref<6x128x32xf32, #tpu.memory_space<vmem>> -> memref<1x128x32xf32, #tpu.memory_space<vmem>>
    %dma_start3A_137 = tpu.memref_squeeze %dma_start3A_136 : memref<1x128x32xf32, #tpu.memory_space<vmem>> -> memref<128x32xf32, #tpu.memory_space<vmem>>
    %dma_start3A_138 = arith.constant 640 : i32
    %dma_start3A_139 = tpu.memref_slice %arg5[%dma_start3A_138] : memref<3328xi32, #tpu.memory_space<vmem>> -> memref<128xi32, #tpu.memory_space<vmem>>
    %dma_start3A_140 = arith.constant 0 : i32
    %dma_start3A_141 = arith.constant 0 : i32
    %dma_start3A_142 = tpu.memref_slice %arg3[%dma_start3A_140, %dma_start3A_141] : memref<2600000x32xf32, #tpu.memory_space<hbm>> -> memref<2600000x32xf32, #tpu.memory_space<hbm>>
    %dma_start3A_143 = tpu.memref_slice %arg7[%dma_start3A_133] : memref<6x!tpu.dma_semaphore, #tpu.memory_space<semaphore_mem>> -> memref<1x!tpu.dma_semaphore, #tpu.memory_space<semaphore_mem>>
    %dma_start3A_144 = tpu.memref_squeeze %dma_start3A_143 : memref<1x!tpu.dma_semaphore, #tpu.memory_space<semaphore_mem>> -> memref<!tpu.dma_semaphore, #tpu.memory_space<semaphore_mem>>
    tpu.enqueue_indirect_dma source(%dma_start3A_142 : memref<2600000x32xf32, #tpu.memory_space<hbm>>) target(%dma_start3A_137 : memref<128x32xf32, #tpu.memory_space<vmem>>) offsets(%dma_start3A_139 : memref<128xi32, #tpu.memory_space<vmem>>) semaphore(%dma_start3A_144 : memref<!tpu.dma_semaphore, #tpu.memory_space<semaphore_mem>>)
    %dma_wait3A_145 = arith.constant 2 : i32
    %dma_wait3A_146 = arith.constant 2 : i32
    %dma_wait3A_147 = arith.constant 0 : i32
    %dma_wait3A_148 = arith.constant 0 : i32
    %dma_wait3A_149 = tpu.memref_slice %arg6[%dma_wait3A_145, %dma_wait3A_147, %dma_wait3A_148] : memref<6x128x32xf32, #tpu.memory_space<vmem>> -> memref<1x128x32xf32, #tpu.memory_space<vmem>>
    %dma_wait3A_150 = tpu.memref_squeeze %dma_wait3A_149 : memref<1x128x32xf32, #tpu.memory_space<vmem>> -> memref<128x32xf32, #tpu.memory_space<vmem>>
    %dma_wait3A_151 = arith.constant 256 : i32
    %dma_wait3A_152 = tpu.memref_slice %arg5[%dma_wait3A_151] : memref<3328xi32, #tpu.memory_space<vmem>> -> memref<128xi32, #tpu.memory_space<vmem>>
    %dma_wait3A_153 = arith.constant 0 : i32
    %dma_wait3A_154 = arith.constant 0 : i32
    %dma_wait3A_155 = tpu.memref_slice %arg3[%dma_wait3A_153, %dma_wait3A_154] : memref<2600000x32xf32, #tpu.memory_space<hbm>> -> memref<2600000x32xf32, #tpu.memory_space<hbm>>
    %dma_wait3A_156 = tpu.memref_slice %arg7[%dma_wait3A_146] : memref<6x!tpu.dma_semaphore, #tpu.memory_space<semaphore_mem>> -> memref<1x!tpu.dma_semaphore, #tpu.memory_space<semaphore_mem>>
    %dma_wait3A_157 = tpu.memref_squeeze %dma_wait3A_156 : memref<1x!tpu.dma_semaphore, #tpu.memory_space<semaphore_mem>> -> memref<!tpu.dma_semaphore, #tpu.memory_space<semaphore_mem>>
    tpu.wait_indirect_dma semaphore(%dma_wait3A_157 : memref<!tpu.dma_semaphore, #tpu.memory_space<semaphore_mem>>) src(%dma_wait3A_155 : memref<2600000x32xf32, #tpu.memory_space<hbm>>) dst(%dma_wait3A_150 : memref<128x32xf32, #tpu.memory_space<vmem>>)
    %mul3A_158 = arith.constant 3328 : i32
    %mul3A_159 = arith.muli %add3A, %mul3A_158 : i32
    %add3A_160 = arith.constant 256 : i32
    %add3A_161 = arith.addi %mul3A_159, %add3A_160 : i32
    %dma_start3A_162 = arith.constant 2 : i32
    %dma_start3A_163 = arith.constant 2 : i32
    %dma_start3A_164 = arith.constant 0 : i32
    %dma_start3A_165 = arith.constant 0 : i32
    %dma_start3A_166 = tpu.memref_slice %arg6[%dma_start3A_162, %dma_start3A_164, %dma_start3A_165] : memref<6x128x32xf32, #tpu.memory_space<vmem>> -> memref<1x128x32xf32, #tpu.memory_space<vmem>>
    %dma_start3A_167 = tpu.memref_squeeze %dma_start3A_166 : memref<1x128x32xf32, #tpu.memory_space<vmem>> -> memref<128x32xf32, #tpu.memory_space<vmem>>
    %dma_start3A_168 = arith.constant 0 : i32
    %dma_start3A_169 = tpu.memref_slice %arg4[%add3A_161, %dma_start3A_168] : memref<106496x32xf32, #tpu.memory_space<hbm>> -> memref<128x32xf32, #tpu.memory_space<hbm>>
    %dma_start3A_170 = tpu.memref_slice %arg8[%dma_start3A_163] : memref<6x!tpu.dma_semaphore, #tpu.memory_space<semaphore_mem>> -> memref<1x!tpu.dma_semaphore, #tpu.memory_space<semaphore_mem>>
    %dma_start3A_171 = tpu.memref_squeeze %dma_start3A_170 : memref<1x!tpu.dma_semaphore, #tpu.memory_space<semaphore_mem>> -> memref<!tpu.dma_semaphore, #tpu.memory_space<semaphore_mem>>
    %dma_start3A_172 = arith.constant 0 : i32
    %dma_start3A_173 = tpu.memref_slice %arg4[%add3A_161, %dma_start3A_172] : memref<106496x32xf32, #tpu.memory_space<hbm>> -> memref<128x32xf32, #tpu.memory_space<hbm>>
    %dma_start3A_174 = arith.constant 0 : i32
    %dma_start3A_175 = arith.constant 0 : i32
    %dma_start3A_176 = tpu.memref_slice %arg6[%dma_start3A_162, %dma_start3A_174, %dma_start3A_175] : memref<6x128x32xf32, #tpu.memory_space<vmem>> -> memref<1x128x32xf32, #tpu.memory_space<vmem>>
    %dma_start3A_177 = tpu.memref_squeeze %dma_start3A_176 : memref<1x128x32xf32, #tpu.memory_space<vmem>> -> memref<128x32xf32, #tpu.memory_space<vmem>>
    tpu.enqueue_dma source(%dma_start3A_177 : memref<128x32xf32, #tpu.memory_space<vmem>>) target(%dma_start3A_173 : memref<128x32xf32, #tpu.memory_space<hbm>>) target_semaphore(%dma_start3A_171 : memref<!tpu.dma_semaphore, #tpu.memory_space<semaphore_mem>>)
    %mul3A_178 = arith.constant 3328 : i32
    %mul3A_179 = arith.muli %add3A, %mul3A_178 : i32
    %add3A_180 = arith.constant 0 : i32
    %add3A_181 = arith.addi %mul3A_179, %add3A_180 : i32
    %dma_wait3A_182 = arith.constant 0 : i32
    %dma_wait3A_183 = arith.constant 0 : i32
    %dma_wait3A_184 = arith.constant 0 : i32
    %dma_wait3A_185 = arith.constant 0 : i32
    %dma_wait3A_186 = tpu.memref_slice %arg6[%dma_wait3A_182, %dma_wait3A_184, %dma_wait3A_185] : memref<6x128x32xf32, #tpu.memory_space<vmem>> -> memref<1x128x32xf32, #tpu.memory_space<vmem>>
    %dma_wait3A_187 = tpu.memref_squeeze %dma_wait3A_186 : memref<1x128x32xf32, #tpu.memory_space<vmem>> -> memref<128x32xf32, #tpu.memory_space<vmem>>
    %dma_wait3A_188 = arith.constant 0 : i32
    %dma_wait3A_189 = tpu.memref_slice %arg4[%add3A_181, %dma_wait3A_188] : memref<106496x32xf32, #tpu.memory_space<hbm>> -> memref<128x32xf32, #tpu.memory_space<hbm>>
    %dma_wait3A_190 = tpu.memref_slice %arg8[%dma_wait3A_183] : memref<6x!tpu.dma_semaphore, #tpu.memory_space<semaphore_mem>> -> memref<1x!tpu.dma_semaphore, #tpu.memory_space<semaphore_mem>>
    %dma_wait3A_191 = tpu.memref_squeeze %dma_wait3A_190 : memref<1x!tpu.dma_semaphore, #tpu.memory_space<semaphore_mem>> -> memref<!tpu.dma_semaphore, #tpu.memory_space<semaphore_mem>>
    %dma_wait3A_192 = arith.constant 0 : i32
    %dma_wait3A_193 = tpu.memref_slice %arg4[%add3A_181, %dma_wait3A_192] : memref<106496x32xf32, #tpu.memory_space<hbm>> -> memref<128x32xf32, #tpu.memory_space<hbm>>
    %dma_wait3A_194 = arith.constant 0 : i32
    %dma_wait3A_195 = arith.constant 0 : i32
    %dma_wait3A_196 = tpu.memref_slice %arg6[%dma_wait3A_182, %dma_wait3A_194, %dma_wait3A_195] : memref<6x128x32xf32, #tpu.memory_space<vmem>> -> memref<1x128x32xf32, #tpu.memory_space<vmem>>
    %dma_wait3A_197 = tpu.memref_squeeze %dma_wait3A_196 : memref<1x128x32xf32, #tpu.memory_space<vmem>> -> memref<128x32xf32, #tpu.memory_space<vmem>>
    tpu.wait_dma2 semaphore(%dma_wait3A_191 : memref<!tpu.dma_semaphore, #tpu.memory_space<semaphore_mem>>) src(%dma_wait3A_197 : memref<128x32xf32, #tpu.memory_space<vmem>>) dst(%dma_wait3A_193 : memref<128x32xf32, #tpu.memory_space<hbm>>)
    %dma_start3A_198 = arith.constant 0 : i32
    %dma_start3A_199 = arith.constant 0 : i32
    %dma_start3A_200 = arith.constant 0 : i32
    %dma_start3A_201 = arith.constant 0 : i32
    %dma_start3A_202 = tpu.memref_slice %arg6[%dma_start3A_198, %dma_start3A_200, %dma_start3A_201] : memref<6x128x32xf32, #tpu.memory_space<vmem>> -> memref<1x128x32xf32, #tpu.memory_space<vmem>>
    %dma_start3A_203 = tpu.memref_squeeze %dma_start3A_202 : memref<1x128x32xf32, #tpu.memory_space<vmem>> -> memref<128x32xf32, #tpu.memory_space<vmem>>
    %dma_start3A_204 = arith.constant 768 : i32
    %dma_start3A_205 = tpu.memref_slice %arg5[%dma_start3A_204] : memref<3328xi32, #tpu.memory_space<vmem>> -> memref<128xi32, #tpu.memory_space<vmem>>
    %dma_start3A_206 = arith.constant 0 : i32
    %dma_start3A_207 = arith.constant 0 : i32
    %dma_start3A_208 = tpu.memref_slice %arg3[%dma_start3A_206, %dma_start3A_207] : memref<2600000x32xf32, #tpu.memory_space<hbm>> -> memref<2600000x32xf32, #tpu.memory_space<hbm>>
    %dma_start3A_209 = tpu.memref_slice %arg7[%dma_start3A_199] : memref<6x!tpu.dma_semaphore, #tpu.memory_space<semaphore_mem>> -> memref<1x!tpu.dma_semaphore, #tpu.memory_space<semaphore_mem>>
    %dma_start3A_210 = tpu.memref_squeeze %dma_start3A_209 : memref<1x!tpu.dma_semaphore, #tpu.memory_space<semaphore_mem>> -> memref<!tpu.dma_semaphore, #tpu.memory_space<semaphore_mem>>
    tpu.enqueue_indirect_dma source(%dma_start3A_208 : memref<2600000x32xf32, #tpu.memory_space<hbm>>) target(%dma_start3A_203 : memref<128x32xf32, #tpu.memory_space<vmem>>) offsets(%dma_start3A_205 : memref<128xi32, #tpu.memory_space<vmem>>) semaphore(%dma_start3A_210 : memref<!tpu.dma_semaphore, #tpu.memory_space<semaphore_mem>>)
    %dma_wait3A_211 = arith.constant 3 : i32
    %dma_wait3A_212 = arith.constant 3 : i32
    %dma_wait3A_213 = arith.constant 0 : i32
    %dma_wait3A_214 = arith.constant 0 : i32
    %dma_wait3A_215 = tpu.memref_slice %arg6[%dma_wait3A_211, %dma_wait3A_213, %dma_wait3A_214] : memref<6x128x32xf32, #tpu.memory_space<vmem>> -> memref<1x128x32xf32, #tpu.memory_space<vmem>>
    %dma_wait3A_216 = tpu.memref_squeeze %dma_wait3A_215 : memref<1x128x32xf32, #tpu.memory_space<vmem>> -> memref<128x32xf32, #tpu.memory_space<vmem>>
    %dma_wait3A_217 = arith.constant 384 : i32
    %dma_wait3A_218 = tpu.memref_slice %arg5[%dma_wait3A_217] : memref<3328xi32, #tpu.memory_space<vmem>> -> memref<128xi32, #tpu.memory_space<vmem>>
    %dma_wait3A_219 = arith.constant 0 : i32
    %dma_wait3A_220 = arith.constant 0 : i32
    %dma_wait3A_221 = tpu.memref_slice %arg3[%dma_wait3A_219, %dma_wait3A_220] : memref<2600000x32xf32, #tpu.memory_space<hbm>> -> memref<2600000x32xf32, #tpu.memory_space<hbm>>
    %dma_wait3A_222 = tpu.memref_slice %arg7[%dma_wait3A_212] : memref<6x!tpu.dma_semaphore, #tpu.memory_space<semaphore_mem>> -> memref<1x!tpu.dma_semaphore, #tpu.memory_space<semaphore_mem>>
    %dma_wait3A_223 = tpu.memref_squeeze %dma_wait3A_222 : memref<1x!tpu.dma_semaphore, #tpu.memory_space<semaphore_mem>> -> memref<!tpu.dma_semaphore, #tpu.memory_space<semaphore_mem>>
    tpu.wait_indirect_dma semaphore(%dma_wait3A_223 : memref<!tpu.dma_semaphore, #tpu.memory_space<semaphore_mem>>) src(%dma_wait3A_221 : memref<2600000x32xf32, #tpu.memory_space<hbm>>) dst(%dma_wait3A_216 : memref<128x32xf32, #tpu.memory_space<vmem>>)
    %mul3A_224 = arith.constant 3328 : i32
    %mul3A_225 = arith.muli %add3A, %mul3A_224 : i32
    %add3A_226 = arith.constant 384 : i32
    %add3A_227 = arith.addi %mul3A_225, %add3A_226 : i32
    %dma_start3A_228 = arith.constant 3 : i32
    %dma_start3A_229 = arith.constant 3 : i32
    %dma_start3A_230 = arith.constant 0 : i32
    %dma_start3A_231 = arith.constant 0 : i32
    %dma_start3A_232 = tpu.memref_slice %arg6[%dma_start3A_228, %dma_start3A_230, %dma_start3A_231] : memref<6x128x32xf32, #tpu.memory_space<vmem>> -> memref<1x128x32xf32, #tpu.memory_space<vmem>>
    %dma_start3A_233 = tpu.memref_squeeze %dma_start3A_232 : memref<1x128x32xf32, #tpu.memory_space<vmem>> -> memref<128x32xf32, #tpu.memory_space<vmem>>
    %dma_start3A_234 = arith.constant 0 : i32
    %dma_start3A_235 = tpu.memref_slice %arg4[%add3A_227, %dma_start3A_234] : memref<106496x32xf32, #tpu.memory_space<hbm>> -> memref<128x32xf32, #tpu.memory_space<hbm>>
    %dma_start3A_236 = tpu.memref_slice %arg8[%dma_start3A_229] : memref<6x!tpu.dma_semaphore, #tpu.memory_space<semaphore_mem>> -> memref<1x!tpu.dma_semaphore, #tpu.memory_space<semaphore_mem>>
    %dma_start3A_237 = tpu.memref_squeeze %dma_start3A_236 : memref<1x!tpu.dma_semaphore, #tpu.memory_space<semaphore_mem>> -> memref<!tpu.dma_semaphore, #tpu.memory_space<semaphore_mem>>
    %dma_start3A_238 = arith.constant 0 : i32
    %dma_start3A_239 = tpu.memref_slice %arg4[%add3A_227, %dma_start3A_238] : memref<106496x32xf32, #tpu.memory_space<hbm>> -> memref<128x32xf32, #tpu.memory_space<hbm>>
    %dma_start3A_240 = arith.constant 0 : i32
    %dma_start3A_241 = arith.constant 0 : i32
    %dma_start3A_242 = tpu.memref_slice %arg6[%dma_start3A_228, %dma_start3A_240, %dma_start3A_241] : memref<6x128x32xf32, #tpu.memory_space<vmem>> -> memref<1x128x32xf32, #tpu.memory_space<vmem>>
    %dma_start3A_243 = tpu.memref_squeeze %dma_start3A_242 : memref<1x128x32xf32, #tpu.memory_space<vmem>> -> memref<128x32xf32, #tpu.memory_space<vmem>>
    tpu.enqueue_dma source(%dma_start3A_243 : memref<128x32xf32, #tpu.memory_space<vmem>>) target(%dma_start3A_239 : memref<128x32xf32, #tpu.memory_space<hbm>>) target_semaphore(%dma_start3A_237 : memref<!tpu.dma_semaphore, #tpu.memory_space<semaphore_mem>>)
    %mul3A_244 = arith.constant 3328 : i32
    %mul3A_245 = arith.muli %add3A, %mul3A_244 : i32
    %add3A_246 = arith.constant 128 : i32
    %add3A_247 = arith.addi %mul3A_245, %add3A_246 : i32
    %dma_wait3A_248 = arith.constant 1 : i32
    %dma_wait3A_249 = arith.constant 1 : i32
    %dma_wait3A_250 = arith.constant 0 : i32
    %dma_wait3A_251 = arith.constant 0 : i32
    %dma_wait3A_252 = tpu.memref_slice %arg6[%dma_wait3A_248, %dma_wait3A_250, %dma_wait3A_251] : memref<6x128x32xf32, #tpu.memory_space<vmem>> -> memref<1x128x32xf32, #tpu.memory_space<vmem>>
    %dma_wait3A_253 = tpu.memref_squeeze %dma_wait3A_252 : memref<1x128x32xf32, #tpu.memory_space<vmem>> -> memref<128x32xf32, #tpu.memory_space<vmem>>
    %dma_wait3A_254 = arith.constant 0 : i32
    %dma_wait3A_255 = tpu.memref_slice %arg4[%add3A_247, %dma_wait3A_254] : memref<106496x32xf32, #tpu.memory_space<hbm>> -> memref<128x32xf32, #tpu.memory_space<hbm>>
    %dma_wait3A_256 = tpu.memref_slice %arg8[%dma_wait3A_249] : memref<6x!tpu.dma_semaphore, #tpu.memory_space<semaphore_mem>> -> memref<1x!tpu.dma_semaphore, #tpu.memory_space<semaphore_mem>>
    %dma_wait3A_257 = tpu.memref_squeeze %dma_wait3A_256 : memref<1x!tpu.dma_semaphore, #tpu.memory_space<semaphore_mem>> -> memref<!tpu.dma_semaphore, #tpu.memory_space<semaphore_mem>>
    %dma_wait3A_258 = arith.constant 0 : i32
    %dma_wait3A_259 = tpu.memref_slice %arg4[%add3A_247, %dma_wait3A_258] : memref<106496x32xf32, #tpu.memory_space<hbm>> -> memref<128x32xf32, #tpu.memory_space<hbm>>
    %dma_wait3A_260 = arith.constant 0 : i32
    %dma_wait3A_261 = arith.constant 0 : i32
    %dma_wait3A_262 = tpu.memref_slice %arg6[%dma_wait3A_248, %dma_wait3A_260, %dma_wait3A_261] : memref<6x128x32xf32, #tpu.memory_space<vmem>> -> memref<1x128x32xf32, #tpu.memory_space<vmem>>
    %dma_wait3A_263 = tpu.memref_squeeze %dma_wait3A_262 : memref<1x128x32xf32, #tpu.memory_space<vmem>> -> memref<128x32xf32, #tpu.memory_space<vmem>>
    tpu.wait_dma2 semaphore(%dma_wait3A_257 : memref<!tpu.dma_semaphore, #tpu.memory_space<semaphore_mem>>) src(%dma_wait3A_263 : memref<128x32xf32, #tpu.memory_space<vmem>>) dst(%dma_wait3A_259 : memref<128x32xf32, #tpu.memory_space<hbm>>)
    %dma_start3A_264 = arith.constant 1 : i32
    %dma_start3A_265 = arith.constant 1 : i32
    %dma_start3A_266 = arith.constant 0 : i32
    %dma_start3A_267 = arith.constant 0 : i32
    %dma_start3A_268 = tpu.memref_slice %arg6[%dma_start3A_264, %dma_start3A_266, %dma_start3A_267] : memref<6x128x32xf32, #tpu.memory_space<vmem>> -> memref<1x128x32xf32, #tpu.memory_space<vmem>>
    %dma_start3A_269 = tpu.memref_squeeze %dma_start3A_268 : memref<1x128x32xf32, #tpu.memory_space<vmem>> -> memref<128x32xf32, #tpu.memory_space<vmem>>
    %dma_start3A_270 = arith.constant 896 : i32
    %dma_start3A_271 = tpu.memref_slice %arg5[%dma_start3A_270] : memref<3328xi32, #tpu.memory_space<vmem>> -> memref<128xi32, #tpu.memory_space<vmem>>
    %dma_start3A_272 = arith.constant 0 : i32
    %dma_start3A_273 = arith.constant 0 : i32
    %dma_start3A_274 = tpu.memref_slice %arg3[%dma_start3A_272, %dma_start3A_273] : memref<2600000x32xf32, #tpu.memory_space<hbm>> -> memref<2600000x32xf32, #tpu.memory_space<hbm>>
    %dma_start3A_275 = tpu.memref_slice %arg7[%dma_start3A_265] : memref<6x!tpu.dma_semaphore, #tpu.memory_space<semaphore_mem>> -> memref<1x!tpu.dma_semaphore, #tpu.memory_space<semaphore_mem>>
    %dma_start3A_276 = tpu.memref_squeeze %dma_start3A_275 : memref<1x!tpu.dma_semaphore, #tpu.memory_space<semaphore_mem>> -> memref<!tpu.dma_semaphore, #tpu.memory_space<semaphore_mem>>
    tpu.enqueue_indirect_dma source(%dma_start3A_274 : memref<2600000x32xf32, #tpu.memory_space<hbm>>) target(%dma_start3A_269 : memref<128x32xf32, #tpu.memory_space<vmem>>) offsets(%dma_start3A_271 : memref<128xi32, #tpu.memory_space<vmem>>) semaphore(%dma_start3A_276 : memref<!tpu.dma_semaphore, #tpu.memory_space<semaphore_mem>>)
    %dma_wait3A_277 = arith.constant 4 : i32
    %dma_wait3A_278 = arith.constant 4 : i32
    %dma_wait3A_279 = arith.constant 0 : i32
    %dma_wait3A_280 = arith.constant 0 : i32
    %dma_wait3A_281 = tpu.memref_slice %arg6[%dma_wait3A_277, %dma_wait3A_279, %dma_wait3A_280] : memref<6x128x32xf32, #tpu.memory_space<vmem>> -> memref<1x128x32xf32, #tpu.memory_space<vmem>>
    %dma_wait3A_282 = tpu.memref_squeeze %dma_wait3A_281 : memref<1x128x32xf32, #tpu.memory_space<vmem>> -> memref<128x32xf32, #tpu.memory_space<vmem>>
    %dma_wait3A_283 = arith.constant 512 : i32
    %dma_wait3A_284 = tpu.memref_slice %arg5[%dma_wait3A_283] : memref<3328xi32, #tpu.memory_space<vmem>> -> memref<128xi32, #tpu.memory_space<vmem>>
    %dma_wait3A_285 = arith.constant 0 : i32
    %dma_wait3A_286 = arith.constant 0 : i32
    %dma_wait3A_287 = tpu.memref_slice %arg3[%dma_wait3A_285, %dma_wait3A_286] : memref<2600000x32xf32, #tpu.memory_space<hbm>> -> memref<2600000x32xf32, #tpu.memory_space<hbm>>
    %dma_wait3A_288 = tpu.memref_slice %arg7[%dma_wait3A_278] : memref<6x!tpu.dma_semaphore, #tpu.memory_space<semaphore_mem>> -> memref<1x!tpu.dma_semaphore, #tpu.memory_space<semaphore_mem>>
    %dma_wait3A_289 = tpu.memref_squeeze %dma_wait3A_288 : memref<1x!tpu.dma_semaphore, #tpu.memory_space<semaphore_mem>> -> memref<!tpu.dma_semaphore, #tpu.memory_space<semaphore_mem>>
    tpu.wait_indirect_dma semaphore(%dma_wait3A_289 : memref<!tpu.dma_semaphore, #tpu.memory_space<semaphore_mem>>) src(%dma_wait3A_287 : memref<2600000x32xf32, #tpu.memory_space<hbm>>) dst(%dma_wait3A_282 : memref<128x32xf32, #tpu.memory_space<vmem>>)
    %mul3A_290 = arith.constant 3328 : i32
    %mul3A_291 = arith.muli %add3A, %mul3A_290 : i32
    %add3A_292 = arith.constant 512 : i32
    %add3A_293 = arith.addi %mul3A_291, %add3A_292 : i32
    %dma_start3A_294 = arith.constant 4 : i32
    %dma_start3A_295 = arith.constant 4 : i32
    %dma_start3A_296 = arith.constant 0 : i32
    %dma_start3A_297 = arith.constant 0 : i32
    %dma_start3A_298 = tpu.memref_slice %arg6[%dma_start3A_294, %dma_start3A_296, %dma_start3A_297] : memref<6x128x32xf32, #tpu.memory_space<vmem>> -> memref<1x128x32xf32, #tpu.memory_space<vmem>>
    %dma_start3A_299 = tpu.memref_squeeze %dma_start3A_298 : memref<1x128x32xf32, #tpu.memory_space<vmem>> -> memref<128x32xf32, #tpu.memory_space<vmem>>
    %dma_start3A_300 = arith.constant 0 : i32
    %dma_start3A_301 = tpu.memref_slice %arg4[%add3A_293, %dma_start3A_300] : memref<106496x32xf32, #tpu.memory_space<hbm>> -> memref<128x32xf32, #tpu.memory_space<hbm>>
    %dma_start3A_302 = tpu.memref_slice %arg8[%dma_start3A_295] : memref<6x!tpu.dma_semaphore, #tpu.memory_space<semaphore_mem>> -> memref<1x!tpu.dma_semaphore, #tpu.memory_space<semaphore_mem>>
    %dma_start3A_303 = tpu.memref_squeeze %dma_start3A_302 : memref<1x!tpu.dma_semaphore, #tpu.memory_space<semaphore_mem>> -> memref<!tpu.dma_semaphore, #tpu.memory_space<semaphore_mem>>
    %dma_start3A_304 = arith.constant 0 : i32
    %dma_start3A_305 = tpu.memref_slice %arg4[%add3A_293, %dma_start3A_304] : memref<106496x32xf32, #tpu.memory_space<hbm>> -> memref<128x32xf32, #tpu.memory_space<hbm>>
    %dma_start3A_306 = arith.constant 0 : i32
    %dma_start3A_307 = arith.constant 0 : i32
    %dma_start3A_308 = tpu.memref_slice %arg6[%dma_start3A_294, %dma_start3A_306, %dma_start3A_307] : memref<6x128x32xf32, #tpu.memory_space<vmem>> -> memref<1x128x32xf32, #tpu.memory_space<vmem>>
    %dma_start3A_309 = tpu.memref_squeeze %dma_start3A_308 : memref<1x128x32xf32, #tpu.memory_space<vmem>> -> memref<128x32xf32, #tpu.memory_space<vmem>>
    tpu.enqueue_dma source(%dma_start3A_309 : memref<128x32xf32, #tpu.memory_space<vmem>>) target(%dma_start3A_305 : memref<128x32xf32, #tpu.memory_space<hbm>>) target_semaphore(%dma_start3A_303 : memref<!tpu.dma_semaphore, #tpu.memory_space<semaphore_mem>>)
    %mul3A_310 = arith.constant 3328 : i32
    %mul3A_311 = arith.muli %add3A, %mul3A_310 : i32
    %add3A_312 = arith.constant 256 : i32
    %add3A_313 = arith.addi %mul3A_311, %add3A_312 : i32
    %dma_wait3A_314 = arith.constant 2 : i32
    %dma_wait3A_315 = arith.constant 2 : i32
    %dma_wait3A_316 = arith.constant 0 : i32
    %dma_wait3A_317 = arith.constant 0 : i32
    %dma_wait3A_318 = tpu.memref_slice %arg6[%dma_wait3A_314, %dma_wait3A_316, %dma_wait3A_317] : memref<6x128x32xf32, #tpu.memory_space<vmem>> -> memref<1x128x32xf32, #tpu.memory_space<vmem>>
    %dma_wait3A_319 = tpu.memref_squeeze %dma_wait3A_318 : memref<1x128x32xf32, #tpu.memory_space<vmem>> -> memref<128x32xf32, #tpu.memory_space<vmem>>
    %dma_wait3A_320 = arith.constant 0 : i32
    %dma_wait3A_321 = tpu.memref_slice %arg4[%add3A_313, %dma_wait3A_320] : memref<106496x32xf32, #tpu.memory_space<hbm>> -> memref<128x32xf32, #tpu.memory_space<hbm>>
    %dma_wait3A_322 = tpu.memref_slice %arg8[%dma_wait3A_315] : memref<6x!tpu.dma_semaphore, #tpu.memory_space<semaphore_mem>> -> memref<1x!tpu.dma_semaphore, #tpu.memory_space<semaphore_mem>>
    %dma_wait3A_323 = tpu.memref_squeeze %dma_wait3A_322 : memref<1x!tpu.dma_semaphore, #tpu.memory_space<semaphore_mem>> -> memref<!tpu.dma_semaphore, #tpu.memory_space<semaphore_mem>>
    %dma_wait3A_324 = arith.constant 0 : i32
    %dma_wait3A_325 = tpu.memref_slice %arg4[%add3A_313, %dma_wait3A_324] : memref<106496x32xf32, #tpu.memory_space<hbm>> -> memref<128x32xf32, #tpu.memory_space<hbm>>
    %dma_wait3A_326 = arith.constant 0 : i32
    %dma_wait3A_327 = arith.constant 0 : i32
    %dma_wait3A_328 = tpu.memref_slice %arg6[%dma_wait3A_314, %dma_wait3A_326, %dma_wait3A_327] : memref<6x128x32xf32, #tpu.memory_space<vmem>> -> memref<1x128x32xf32, #tpu.memory_space<vmem>>
    %dma_wait3A_329 = tpu.memref_squeeze %dma_wait3A_328 : memref<1x128x32xf32, #tpu.memory_space<vmem>> -> memref<128x32xf32, #tpu.memory_space<vmem>>
    tpu.wait_dma2 semaphore(%dma_wait3A_323 : memref<!tpu.dma_semaphore, #tpu.memory_space<semaphore_mem>>) src(%dma_wait3A_329 : memref<128x32xf32, #tpu.memory_space<vmem>>) dst(%dma_wait3A_325 : memref<128x32xf32, #tpu.memory_space<hbm>>)
    %dma_start3A_330 = arith.constant 2 : i32
    %dma_start3A_331 = arith.constant 2 : i32
    %dma_start3A_332 = arith.constant 0 : i32
    %dma_start3A_333 = arith.constant 0 : i32
    %dma_start3A_334 = tpu.memref_slice %arg6[%dma_start3A_330, %dma_start3A_332, %dma_start3A_333] : memref<6x128x32xf32, #tpu.memory_space<vmem>> -> memref<1x128x32xf32, #tpu.memory_space<vmem>>
    %dma_start3A_335 = tpu.memref_squeeze %dma_start3A_334 : memref<1x128x32xf32, #tpu.memory_space<vmem>> -> memref<128x32xf32, #tpu.memory_space<vmem>>
    %dma_start3A_336 = arith.constant 1024 : i32
    %dma_start3A_337 = tpu.memref_slice %arg5[%dma_start3A_336] : memref<3328xi32, #tpu.memory_space<vmem>> -> memref<128xi32, #tpu.memory_space<vmem>>
    %dma_start3A_338 = arith.constant 0 : i32
    %dma_start3A_339 = arith.constant 0 : i32
    %dma_start3A_340 = tpu.memref_slice %arg3[%dma_start3A_338, %dma_start3A_339] : memref<2600000x32xf32, #tpu.memory_space<hbm>> -> memref<2600000x32xf32, #tpu.memory_space<hbm>>
    %dma_start3A_341 = tpu.memref_slice %arg7[%dma_start3A_331] : memref<6x!tpu.dma_semaphore, #tpu.memory_space<semaphore_mem>> -> memref<1x!tpu.dma_semaphore, #tpu.memory_space<semaphore_mem>>
    %dma_start3A_342 = tpu.memref_squeeze %dma_start3A_341 : memref<1x!tpu.dma_semaphore, #tpu.memory_space<semaphore_mem>> -> memref<!tpu.dma_semaphore, #tpu.memory_space<semaphore_mem>>
    tpu.enqueue_indirect_dma source(%dma_start3A_340 : memref<2600000x32xf32, #tpu.memory_space<hbm>>) target(%dma_start3A_335 : memref<128x32xf32, #tpu.memory_space<vmem>>) offsets(%dma_start3A_337 : memref<128xi32, #tpu.memory_space<vmem>>) semaphore(%dma_start3A_342 : memref<!tpu.dma_semaphore, #tpu.memory_space<semaphore_mem>>)
    %dma_wait3A_343 = arith.constant 5 : i32
    %dma_wait3A_344 = arith.constant 5 : i32
    %dma_wait3A_345 = arith.constant 0 : i32
    %dma_wait3A_346 = arith.constant 0 : i32
    %dma_wait3A_347 = tpu.memref_slice %arg6[%dma_wait3A_343, %dma_wait3A_345, %dma_wait3A_346] : memref<6x128x32xf32, #tpu.memory_space<vmem>> -> memref<1x128x32xf32, #tpu.memory_space<vmem>>
    %dma_wait3A_348 = tpu.memref_squeeze %dma_wait3A_347 : memref<1x128x32xf32, #tpu.memory_space<vmem>> -> memref<128x32xf32, #tpu.memory_space<vmem>>
    %dma_wait3A_349 = arith.constant 640 : i32
    %dma_wait3A_350 = tpu.memref_slice %arg5[%dma_wait3A_349] : memref<3328xi32, #tpu.memory_space<vmem>> -> memref<128xi32, #tpu.memory_space<vmem>>
    %dma_wait3A_351 = arith.constant 0 : i32
    %dma_wait3A_352 = arith.constant 0 : i32
    %dma_wait3A_353 = tpu.memref_slice %arg3[%dma_wait3A_351, %dma_wait3A_352] : memref<2600000x32xf32, #tpu.memory_space<hbm>> -> memref<2600000x32xf32, #tpu.memory_space<hbm>>
    %dma_wait3A_354 = tpu.memref_slice %arg7[%dma_wait3A_344] : memref<6x!tpu.dma_semaphore, #tpu.memory_space<semaphore_mem>> -> memref<1x!tpu.dma_semaphore, #tpu.memory_space<semaphore_mem>>
    %dma_wait3A_355 = tpu.memref_squeeze %dma_wait3A_354 : memref<1x!tpu.dma_semaphore, #tpu.memory_space<semaphore_mem>> -> memref<!tpu.dma_semaphore, #tpu.memory_space<semaphore_mem>>
    tpu.wait_indirect_dma semaphore(%dma_wait3A_355 : memref<!tpu.dma_semaphore, #tpu.memory_space<semaphore_mem>>) src(%dma_wait3A_353 : memref<2600000x32xf32, #tpu.memory_space<hbm>>) dst(%dma_wait3A_348 : memref<128x32xf32, #tpu.memory_space<vmem>>)
    %mul3A_356 = arith.constant 3328 : i32
    %mul3A_357 = arith.muli %add3A, %mul3A_356 : i32
    %add3A_358 = arith.constant 640 : i32
    %add3A_359 = arith.addi %mul3A_357, %add3A_358 : i32
    %dma_start3A_360 = arith.constant 5 : i32
    %dma_start3A_361 = arith.constant 5 : i32
    %dma_start3A_362 = arith.constant 0 : i32
    %dma_start3A_363 = arith.constant 0 : i32
    %dma_start3A_364 = tpu.memref_slice %arg6[%dma_start3A_360, %dma_start3A_362, %dma_start3A_363] : memref<6x128x32xf32, #tpu.memory_space<vmem>> -> memref<1x128x32xf32, #tpu.memory_space<vmem>>
    %dma_start3A_365 = tpu.memref_squeeze %dma_start3A_364 : memref<1x128x32xf32, #tpu.memory_space<vmem>> -> memref<128x32xf32, #tpu.memory_space<vmem>>
    %dma_start3A_366 = arith.constant 0 : i32
    %dma_start3A_367 = tpu.memref_slice %arg4[%add3A_359, %dma_start3A_366] : memref<106496x32xf32, #tpu.memory_space<hbm>> -> memref<128x32xf32, #tpu.memory_space<hbm>>
    %dma_start3A_368 = tpu.memref_slice %arg8[%dma_start3A_361] : memref<6x!tpu.dma_semaphore, #tpu.memory_space<semaphore_mem>> -> memref<1x!tpu.dma_semaphore, #tpu.memory_space<semaphore_mem>>
    %dma_start3A_369 = tpu.memref_squeeze %dma_start3A_368 : memref<1x!tpu.dma_semaphore, #tpu.memory_space<semaphore_mem>> -> memref<!tpu.dma_semaphore, #tpu.memory_space<semaphore_mem>>
    %dma_start3A_370 = arith.constant 0 : i32
    %dma_start3A_371 = tpu.memref_slice %arg4[%add3A_359, %dma_start3A_370] : memref<106496x32xf32, #tpu.memory_space<hbm>> -> memref<128x32xf32, #tpu.memory_space<hbm>>
    %dma_start3A_372 = arith.constant 0 : i32
    %dma_start3A_373 = arith.constant 0 : i32
    %dma_start3A_374 = tpu.memref_slice %arg6[%dma_start3A_360, %dma_start3A_372, %dma_start3A_373] : memref<6x128x32xf32, #tpu.memory_space<vmem>> -> memref<1x128x32xf32, #tpu.memory_space<vmem>>
    %dma_start3A_375 = tpu.memref_squeeze %dma_start3A_374 : memref<1x128x32xf32, #tpu.memory_space<vmem>> -> memref<128x32xf32, #tpu.memory_space<vmem>>
    tpu.enqueue_dma source(%dma_start3A_375 : memref<128x32xf32, #tpu.memory_space<vmem>>) target(%dma_start3A_371 : memref<128x32xf32, #tpu.memory_space<hbm>>) target_semaphore(%dma_start3A_369 : memref<!tpu.dma_semaphore, #tpu.memory_space<semaphore_mem>>)
    %mul3A_376 = arith.constant 3328 : i32
    %mul3A_377 = arith.muli %add3A, %mul3A_376 : i32
    %add3A_378 = arith.constant 384 : i32
    %add3A_379 = arith.addi %mul3A_377, %add3A_378 : i32
    %dma_wait3A_380 = arith.constant 3 : i32
    %dma_wait3A_381 = arith.constant 3 : i32
    %dma_wait3A_382 = arith.constant 0 : i32
    %dma_wait3A_383 = arith.constant 0 : i32
    %dma_wait3A_384 = tpu.memref_slice %arg6[%dma_wait3A_380, %dma_wait3A_382, %dma_wait3A_383] : memref<6x128x32xf32, #tpu.memory_space<vmem>> -> memref<1x128x32xf32, #tpu.memory_space<vmem>>
    %dma_wait3A_385 = tpu.memref_squeeze %dma_wait3A_384 : memref<1x128x32xf32, #tpu.memory_space<vmem>> -> memref<128x32xf32, #tpu.memory_space<vmem>>
    %dma_wait3A_386 = arith.constant 0 : i32
    %dma_wait3A_387 = tpu.memref_slice %arg4[%add3A_379, %dma_wait3A_386] : memref<106496x32xf32, #tpu.memory_space<hbm>> -> memref<128x32xf32, #tpu.memory_space<hbm>>
    %dma_wait3A_388 = tpu.memref_slice %arg8[%dma_wait3A_381] : memref<6x!tpu.dma_semaphore, #tpu.memory_space<semaphore_mem>> -> memref<1x!tpu.dma_semaphore, #tpu.memory_space<semaphore_mem>>
    %dma_wait3A_389 = tpu.memref_squeeze %dma_wait3A_388 : memref<1x!tpu.dma_semaphore, #tpu.memory_space<semaphore_mem>> -> memref<!tpu.dma_semaphore, #tpu.memory_space<semaphore_mem>>
    %dma_wait3A_390 = arith.constant 0 : i32
    %dma_wait3A_391 = tpu.memref_slice %arg4[%add3A_379, %dma_wait3A_390] : memref<106496x32xf32, #tpu.memory_space<hbm>> -> memref<128x32xf32, #tpu.memory_space<hbm>>
    %dma_wait3A_392 = arith.constant 0 : i32
    %dma_wait3A_393 = arith.constant 0 : i32
    %dma_wait3A_394 = tpu.memref_slice %arg6[%dma_wait3A_380, %dma_wait3A_392, %dma_wait3A_393] : memref<6x128x32xf32, #tpu.memory_space<vmem>> -> memref<1x128x32xf32, #tpu.memory_space<vmem>>
    %dma_wait3A_395 = tpu.memref_squeeze %dma_wait3A_394 : memref<1x128x32xf32, #tpu.memory_space<vmem>> -> memref<128x32xf32, #tpu.memory_space<vmem>>
    tpu.wait_dma2 semaphore(%dma_wait3A_389 : memref<!tpu.dma_semaphore, #tpu.memory_space<semaphore_mem>>) src(%dma_wait3A_395 : memref<128x32xf32, #tpu.memory_space<vmem>>) dst(%dma_wait3A_391 : memref<128x32xf32, #tpu.memory_space<hbm>>)
    %dma_start3A_396 = arith.constant 3 : i32
    %dma_start3A_397 = arith.constant 3 : i32
    %dma_start3A_398 = arith.constant 0 : i32
    %dma_start3A_399 = arith.constant 0 : i32
    %dma_start3A_400 = tpu.memref_slice %arg6[%dma_start3A_396, %dma_start3A_398, %dma_start3A_399] : memref<6x128x32xf32, #tpu.memory_space<vmem>> -> memref<1x128x32xf32, #tpu.memory_space<vmem>>
    %dma_start3A_401 = tpu.memref_squeeze %dma_start3A_400 : memref<1x128x32xf32, #tpu.memory_space<vmem>> -> memref<128x32xf32, #tpu.memory_space<vmem>>
    %dma_start3A_402 = arith.constant 1152 : i32
    %dma_start3A_403 = tpu.memref_slice %arg5[%dma_start3A_402] : memref<3328xi32, #tpu.memory_space<vmem>> -> memref<128xi32, #tpu.memory_space<vmem>>
    %dma_start3A_404 = arith.constant 0 : i32
    %dma_start3A_405 = arith.constant 0 : i32
    %dma_start3A_406 = tpu.memref_slice %arg3[%dma_start3A_404, %dma_start3A_405] : memref<2600000x32xf32, #tpu.memory_space<hbm>> -> memref<2600000x32xf32, #tpu.memory_space<hbm>>
    %dma_start3A_407 = tpu.memref_slice %arg7[%dma_start3A_397] : memref<6x!tpu.dma_semaphore, #tpu.memory_space<semaphore_mem>> -> memref<1x!tpu.dma_semaphore, #tpu.memory_space<semaphore_mem>>
    %dma_start3A_408 = tpu.memref_squeeze %dma_start3A_407 : memref<1x!tpu.dma_semaphore, #tpu.memory_space<semaphore_mem>> -> memref<!tpu.dma_semaphore, #tpu.memory_space<semaphore_mem>>
    tpu.enqueue_indirect_dma source(%dma_start3A_406 : memref<2600000x32xf32, #tpu.memory_space<hbm>>) target(%dma_start3A_401 : memref<128x32xf32, #tpu.memory_space<vmem>>) offsets(%dma_start3A_403 : memref<128xi32, #tpu.memory_space<vmem>>) semaphore(%dma_start3A_408 : memref<!tpu.dma_semaphore, #tpu.memory_space<semaphore_mem>>)
    %dma_wait3A_409 = arith.constant 0 : i32
    %dma_wait3A_410 = arith.constant 0 : i32
    %dma_wait3A_411 = arith.constant 0 : i32
    %dma_wait3A_412 = arith.constant 0 : i32
    %dma_wait3A_413 = tpu.memref_slice %arg6[%dma_wait3A_409, %dma_wait3A_411, %dma_wait3A_412] : memref<6x128x32xf32, #tpu.memory_space<vmem>> -> memref<1x128x32xf32, #tpu.memory_space<vmem>>
    %dma_wait3A_414 = tpu.memref_squeeze %dma_wait3A_413 : memref<1x128x32xf32, #tpu.memory_space<vmem>> -> memref<128x32xf32, #tpu.memory_space<vmem>>
    %dma_wait3A_415 = arith.constant 768 : i32
    %dma_wait3A_416 = tpu.memref_slice %arg5[%dma_wait3A_415] : memref<3328xi32, #tpu.memory_space<vmem>> -> memref<128xi32, #tpu.memory_space<vmem>>
    %dma_wait3A_417 = arith.constant 0 : i32
    %dma_wait3A_418 = arith.constant 0 : i32
    %dma_wait3A_419 = tpu.memref_slice %arg3[%dma_wait3A_417, %dma_wait3A_418] : memref<2600000x32xf32, #tpu.memory_space<hbm>> -> memref<2600000x32xf32, #tpu.memory_space<hbm>>
    %dma_wait3A_420 = tpu.memref_slice %arg7[%dma_wait3A_410] : memref<6x!tpu.dma_semaphore, #tpu.memory_space<semaphore_mem>> -> memref<1x!tpu.dma_semaphore, #tpu.memory_space<semaphore_mem>>
    %dma_wait3A_421 = tpu.memref_squeeze %dma_wait3A_420 : memref<1x!tpu.dma_semaphore, #tpu.memory_space<semaphore_mem>> -> memref<!tpu.dma_semaphore, #tpu.memory_space<semaphore_mem>>
    tpu.wait_indirect_dma semaphore(%dma_wait3A_421 : memref<!tpu.dma_semaphore, #tpu.memory_space<semaphore_mem>>) src(%dma_wait3A_419 : memref<2600000x32xf32, #tpu.memory_space<hbm>>) dst(%dma_wait3A_414 : memref<128x32xf32, #tpu.memory_space<vmem>>)
    %mul3A_422 = arith.constant 3328 : i32
    %mul3A_423 = arith.muli %add3A, %mul3A_422 : i32
    %add3A_424 = arith.constant 768 : i32
    %add3A_425 = arith.addi %mul3A_423, %add3A_424 : i32
    %dma_start3A_426 = arith.constant 0 : i32
    %dma_start3A_427 = arith.constant 0 : i32
    %dma_start3A_428 = arith.constant 0 : i32
    %dma_start3A_429 = arith.constant 0 : i32
    %dma_start3A_430 = tpu.memref_slice %arg6[%dma_start3A_426, %dma_start3A_428, %dma_start3A_429] : memref<6x128x32xf32, #tpu.memory_space<vmem>> -> memref<1x128x32xf32, #tpu.memory_space<vmem>>
    %dma_start3A_431 = tpu.memref_squeeze %dma_start3A_430 : memref<1x128x32xf32, #tpu.memory_space<vmem>> -> memref<128x32xf32, #tpu.memory_space<vmem>>
    %dma_start3A_432 = arith.constant 0 : i32
    %dma_start3A_433 = tpu.memref_slice %arg4[%add3A_425, %dma_start3A_432] : memref<106496x32xf32, #tpu.memory_space<hbm>> -> memref<128x32xf32, #tpu.memory_space<hbm>>
    %dma_start3A_434 = tpu.memref_slice %arg8[%dma_start3A_427] : memref<6x!tpu.dma_semaphore, #tpu.memory_space<semaphore_mem>> -> memref<1x!tpu.dma_semaphore, #tpu.memory_space<semaphore_mem>>
    %dma_start3A_435 = tpu.memref_squeeze %dma_start3A_434 : memref<1x!tpu.dma_semaphore, #tpu.memory_space<semaphore_mem>> -> memref<!tpu.dma_semaphore, #tpu.memory_space<semaphore_mem>>
    %dma_start3A_436 = arith.constant 0 : i32
    %dma_start3A_437 = tpu.memref_slice %arg4[%add3A_425, %dma_start3A_436] : memref<106496x32xf32, #tpu.memory_space<hbm>> -> memref<128x32xf32, #tpu.memory_space<hbm>>
    %dma_start3A_438 = arith.constant 0 : i32
    %dma_start3A_439 = arith.constant 0 : i32
    %dma_start3A_440 = tpu.memref_slice %arg6[%dma_start3A_426, %dma_start3A_438, %dma_start3A_439] : memref<6x128x32xf32, #tpu.memory_space<vmem>> -> memref<1x128x32xf32, #tpu.memory_space<vmem>>
    %dma_start3A_441 = tpu.memref_squeeze %dma_start3A_440 : memref<1x128x32xf32, #tpu.memory_space<vmem>> -> memref<128x32xf32, #tpu.memory_space<vmem>>
    tpu.enqueue_dma source(%dma_start3A_441 : memref<128x32xf32, #tpu.memory_space<vmem>>) target(%dma_start3A_437 : memref<128x32xf32, #tpu.memory_space<hbm>>) target_semaphore(%dma_start3A_435 : memref<!tpu.dma_semaphore, #tpu.memory_space<semaphore_mem>>)
    %mul3A_442 = arith.constant 3328 : i32
    %mul3A_443 = arith.muli %add3A, %mul3A_442 : i32
    %add3A_444 = arith.constant 512 : i32
    %add3A_445 = arith.addi %mul3A_443, %add3A_444 : i32
    %dma_wait3A_446 = arith.constant 4 : i32
    %dma_wait3A_447 = arith.constant 4 : i32
    %dma_wait3A_448 = arith.constant 0 : i32
    %dma_wait3A_449 = arith.constant 0 : i32
    %dma_wait3A_450 = tpu.memref_slice %arg6[%dma_wait3A_446, %dma_wait3A_448, %dma_wait3A_449] : memref<6x128x32xf32, #tpu.memory_space<vmem>> -> memref<1x128x32xf32, #tpu.memory_space<vmem>>
    %dma_wait3A_451 = tpu.memref_squeeze %dma_wait3A_450 : memref<1x128x32xf32, #tpu.memory_space<vmem>> -> memref<128x32xf32, #tpu.memory_space<vmem>>
    %dma_wait3A_452 = arith.constant 0 : i32
    %dma_wait3A_453 = tpu.memref_slice %arg4[%add3A_445, %dma_wait3A_452] : memref<106496x32xf32, #tpu.memory_space<hbm>> -> memref<128x32xf32, #tpu.memory_space<hbm>>
    %dma_wait3A_454 = tpu.memref_slice %arg8[%dma_wait3A_447] : memref<6x!tpu.dma_semaphore, #tpu.memory_space<semaphore_mem>> -> memref<1x!tpu.dma_semaphore, #tpu.memory_space<semaphore_mem>>
    %dma_wait3A_455 = tpu.memref_squeeze %dma_wait3A_454 : memref<1x!tpu.dma_semaphore, #tpu.memory_space<semaphore_mem>> -> memref<!tpu.dma_semaphore, #tpu.memory_space<semaphore_mem>>
    %dma_wait3A_456 = arith.constant 0 : i32
    %dma_wait3A_457 = tpu.memref_slice %arg4[%add3A_445, %dma_wait3A_456] : memref<106496x32xf32, #tpu.memory_space<hbm>> -> memref<128x32xf32, #tpu.memory_space<hbm>>
    %dma_wait3A_458 = arith.constant 0 : i32
    %dma_wait3A_459 = arith.constant 0 : i32
    %dma_wait3A_460 = tpu.memref_slice %arg6[%dma_wait3A_446, %dma_wait3A_458, %dma_wait3A_459] : memref<6x128x32xf32, #tpu.memory_space<vmem>> -> memref<1x128x32xf32, #tpu.memory_space<vmem>>
    %dma_wait3A_461 = tpu.memref_squeeze %dma_wait3A_460 : memref<1x128x32xf32, #tpu.memory_space<vmem>> -> memref<128x32xf32, #tpu.memory_space<vmem>>
    tpu.wait_dma2 semaphore(%dma_wait3A_455 : memref<!tpu.dma_semaphore, #tpu.memory_space<semaphore_mem>>) src(%dma_wait3A_461 : memref<128x32xf32, #tpu.memory_space<vmem>>) dst(%dma_wait3A_457 : memref<128x32xf32, #tpu.memory_space<hbm>>)
    %dma_start3A_462 = arith.constant 4 : i32
    %dma_start3A_463 = arith.constant 4 : i32
    %dma_start3A_464 = arith.constant 0 : i32
    %dma_start3A_465 = arith.constant 0 : i32
    %dma_start3A_466 = tpu.memref_slice %arg6[%dma_start3A_462, %dma_start3A_464, %dma_start3A_465] : memref<6x128x32xf32, #tpu.memory_space<vmem>> -> memref<1x128x32xf32, #tpu.memory_space<vmem>>
    %dma_start3A_467 = tpu.memref_squeeze %dma_start3A_466 : memref<1x128x32xf32, #tpu.memory_space<vmem>> -> memref<128x32xf32, #tpu.memory_space<vmem>>
    %dma_start3A_468 = arith.constant 1280 : i32
    %dma_start3A_469 = tpu.memref_slice %arg5[%dma_start3A_468] : memref<3328xi32, #tpu.memory_space<vmem>> -> memref<128xi32, #tpu.memory_space<vmem>>
    %dma_start3A_470 = arith.constant 0 : i32
    %dma_start3A_471 = arith.constant 0 : i32
    %dma_start3A_472 = tpu.memref_slice %arg3[%dma_start3A_470, %dma_start3A_471] : memref<2600000x32xf32, #tpu.memory_space<hbm>> -> memref<2600000x32xf32, #tpu.memory_space<hbm>>
    %dma_start3A_473 = tpu.memref_slice %arg7[%dma_start3A_463] : memref<6x!tpu.dma_semaphore, #tpu.memory_space<semaphore_mem>> -> memref<1x!tpu.dma_semaphore, #tpu.memory_space<semaphore_mem>>
    %dma_start3A_474 = tpu.memref_squeeze %dma_start3A_473 : memref<1x!tpu.dma_semaphore, #tpu.memory_space<semaphore_mem>> -> memref<!tpu.dma_semaphore, #tpu.memory_space<semaphore_mem>>
    tpu.enqueue_indirect_dma source(%dma_start3A_472 : memref<2600000x32xf32, #tpu.memory_space<hbm>>) target(%dma_start3A_467 : memref<128x32xf32, #tpu.memory_space<vmem>>) offsets(%dma_start3A_469 : memref<128xi32, #tpu.memory_space<vmem>>) semaphore(%dma_start3A_474 : memref<!tpu.dma_semaphore, #tpu.memory_space<semaphore_mem>>)
    %dma_wait3A_475 = arith.constant 1 : i32
    %dma_wait3A_476 = arith.constant 1 : i32
    %dma_wait3A_477 = arith.constant 0 : i32
    %dma_wait3A_478 = arith.constant 0 : i32
    %dma_wait3A_479 = tpu.memref_slice %arg6[%dma_wait3A_475, %dma_wait3A_477, %dma_wait3A_478] : memref<6x128x32xf32, #tpu.memory_space<vmem>> -> memref<1x128x32xf32, #tpu.memory_space<vmem>>
    %dma_wait3A_480 = tpu.memref_squeeze %dma_wait3A_479 : memref<1x128x32xf32, #tpu.memory_space<vmem>> -> memref<128x32xf32, #tpu.memory_space<vmem>>
    %dma_wait3A_481 = arith.constant 896 : i32
    %dma_wait3A_482 = tpu.memref_slice %arg5[%dma_wait3A_481] : memref<3328xi32, #tpu.memory_space<vmem>> -> memref<128xi32, #tpu.memory_space<vmem>>
    %dma_wait3A_483 = arith.constant 0 : i32
    %dma_wait3A_484 = arith.constant 0 : i32
    %dma_wait3A_485 = tpu.memref_slice %arg3[%dma_wait3A_483, %dma_wait3A_484] : memref<2600000x32xf32, #tpu.memory_space<hbm>> -> memref<2600000x32xf32, #tpu.memory_space<hbm>>
    %dma_wait3A_486 = tpu.memref_slice %arg7[%dma_wait3A_476] : memref<6x!tpu.dma_semaphore, #tpu.memory_space<semaphore_mem>> -> memref<1x!tpu.dma_semaphore, #tpu.memory_space<semaphore_mem>>
    %dma_wait3A_487 = tpu.memref_squeeze %dma_wait3A_486 : memref<1x!tpu.dma_semaphore, #tpu.memory_space<semaphore_mem>> -> memref<!tpu.dma_semaphore, #tpu.memory_space<semaphore_mem>>
    tpu.wait_indirect_dma semaphore(%dma_wait3A_487 : memref<!tpu.dma_semaphore, #tpu.memory_space<semaphore_mem>>) src(%dma_wait3A_485 : memref<2600000x32xf32, #tpu.memory_space<hbm>>) dst(%dma_wait3A_480 : memref<128x32xf32, #tpu.memory_space<vmem>>)
    %mul3A_488 = arith.constant 3328 : i32
    %mul3A_489 = arith.muli %add3A, %mul3A_488 : i32
    %add3A_490 = arith.constant 896 : i32
    %add3A_491 = arith.addi %mul3A_489, %add3A_490 : i32
    %dma_start3A_492 = arith.constant 1 : i32
    %dma_start3A_493 = arith.constant 1 : i32
    %dma_start3A_494 = arith.constant 0 : i32
    %dma_start3A_495 = arith.constant 0 : i32
    %dma_start3A_496 = tpu.memref_slice %arg6[%dma_start3A_492, %dma_start3A_494, %dma_start3A_495] : memref<6x128x32xf32, #tpu.memory_space<vmem>> -> memref<1x128x32xf32, #tpu.memory_space<vmem>>
    %dma_start3A_497 = tpu.memref_squeeze %dma_start3A_496 : memref<1x128x32xf32, #tpu.memory_space<vmem>> -> memref<128x32xf32, #tpu.memory_space<vmem>>
    %dma_start3A_498 = arith.constant 0 : i32
    %dma_start3A_499 = tpu.memref_slice %arg4[%add3A_491, %dma_start3A_498] : memref<106496x32xf32, #tpu.memory_space<hbm>> -> memref<128x32xf32, #tpu.memory_space<hbm>>
    %dma_start3A_500 = tpu.memref_slice %arg8[%dma_start3A_493] : memref<6x!tpu.dma_semaphore, #tpu.memory_space<semaphore_mem>> -> memref<1x!tpu.dma_semaphore, #tpu.memory_space<semaphore_mem>>
    %dma_start3A_501 = tpu.memref_squeeze %dma_start3A_500 : memref<1x!tpu.dma_semaphore, #tpu.memory_space<semaphore_mem>> -> memref<!tpu.dma_semaphore, #tpu.memory_space<semaphore_mem>>
    %dma_start3A_502 = arith.constant 0 : i32
    %dma_start3A_503 = tpu.memref_slice %arg4[%add3A_491, %dma_start3A_502] : memref<106496x32xf32, #tpu.memory_space<hbm>> -> memref<128x32xf32, #tpu.memory_space<hbm>>
    %dma_start3A_504 = arith.constant 0 : i32
    %dma_start3A_505 = arith.constant 0 : i32
    %dma_start3A_506 = tpu.memref_slice %arg6[%dma_start3A_492, %dma_start3A_504, %dma_start3A_505] : memref<6x128x32xf32, #tpu.memory_space<vmem>> -> memref<1x128x32xf32, #tpu.memory_space<vmem>>
    %dma_start3A_507 = tpu.memref_squeeze %dma_start3A_506 : memref<1x128x32xf32, #tpu.memory_space<vmem>> -> memref<128x32xf32, #tpu.memory_space<vmem>>
    tpu.enqueue_dma source(%dma_start3A_507 : memref<128x32xf32, #tpu.memory_space<vmem>>) target(%dma_start3A_503 : memref<128x32xf32, #tpu.memory_space<hbm>>) target_semaphore(%dma_start3A_501 : memref<!tpu.dma_semaphore, #tpu.memory_space<semaphore_mem>>)
    %mul3A_508 = arith.constant 3328 : i32
    %mul3A_509 = arith.muli %add3A, %mul3A_508 : i32
    %add3A_510 = arith.constant 640 : i32
    %add3A_511 = arith.addi %mul3A_509, %add3A_510 : i32
    %dma_wait3A_512 = arith.constant 5 : i32
    %dma_wait3A_513 = arith.constant 5 : i32
    %dma_wait3A_514 = arith.constant 0 : i32
    %dma_wait3A_515 = arith.constant 0 : i32
    %dma_wait3A_516 = tpu.memref_slice %arg6[%dma_wait3A_512, %dma_wait3A_514, %dma_wait3A_515] : memref<6x128x32xf32, #tpu.memory_space<vmem>> -> memref<1x128x32xf32, #tpu.memory_space<vmem>>
    %dma_wait3A_517 = tpu.memref_squeeze %dma_wait3A_516 : memref<1x128x32xf32, #tpu.memory_space<vmem>> -> memref<128x32xf32, #tpu.memory_space<vmem>>
    %dma_wait3A_518 = arith.constant 0 : i32
    %dma_wait3A_519 = tpu.memref_slice %arg4[%add3A_511, %dma_wait3A_518] : memref<106496x32xf32, #tpu.memory_space<hbm>> -> memref<128x32xf32, #tpu.memory_space<hbm>>
    %dma_wait3A_520 = tpu.memref_slice %arg8[%dma_wait3A_513] : memref<6x!tpu.dma_semaphore, #tpu.memory_space<semaphore_mem>> -> memref<1x!tpu.dma_semaphore, #tpu.memory_space<semaphore_mem>>
    %dma_wait3A_521 = tpu.memref_squeeze %dma_wait3A_520 : memref<1x!tpu.dma_semaphore, #tpu.memory_space<semaphore_mem>> -> memref<!tpu.dma_semaphore, #tpu.memory_space<semaphore_mem>>
    %dma_wait3A_522 = arith.constant 0 : i32
    %dma_wait3A_523 = tpu.memref_slice %arg4[%add3A_511, %dma_wait3A_522] : memref<106496x32xf32, #tpu.memory_space<hbm>> -> memref<128x32xf32, #tpu.memory_space<hbm>>
    %dma_wait3A_524 = arith.constant 0 : i32
    %dma_wait3A_525 = arith.constant 0 : i32
    %dma_wait3A_526 = tpu.memref_slice %arg6[%dma_wait3A_512, %dma_wait3A_524, %dma_wait3A_525] : memref<6x128x32xf32, #tpu.memory_space<vmem>> -> memref<1x128x32xf32, #tpu.memory_space<vmem>>
    %dma_wait3A_527 = tpu.memref_squeeze %dma_wait3A_526 : memref<1x128x32xf32, #tpu.memory_space<vmem>> -> memref<128x32xf32, #tpu.memory_space<vmem>>
    tpu.wait_dma2 semaphore(%dma_wait3A_521 : memref<!tpu.dma_semaphore, #tpu.memory_space<semaphore_mem>>) src(%dma_wait3A_527 : memref<128x32xf32, #tpu.memory_space<vmem>>) dst(%dma_wait3A_523 : memref<128x32xf32, #tpu.memory_space<hbm>>)
    %dma_start3A_528 = arith.constant 5 : i32
    %dma_start3A_529 = arith.constant 5 : i32
    %dma_start3A_530 = arith.constant 0 : i32
    %dma_start3A_531 = arith.constant 0 : i32
    %dma_start3A_532 = tpu.memref_slice %arg6[%dma_start3A_528, %dma_start3A_530, %dma_start3A_531] : memref<6x128x32xf32, #tpu.memory_space<vmem>> -> memref<1x128x32xf32, #tpu.memory_space<vmem>>
    %dma_start3A_533 = tpu.memref_squeeze %dma_start3A_532 : memref<1x128x32xf32, #tpu.memory_space<vmem>> -> memref<128x32xf32, #tpu.memory_space<vmem>>
    %dma_start3A_534 = arith.constant 1408 : i32
    %dma_start3A_535 = tpu.memref_slice %arg5[%dma_start3A_534] : memref<3328xi32, #tpu.memory_space<vmem>> -> memref<128xi32, #tpu.memory_space<vmem>>
    %dma_start3A_536 = arith.constant 0 : i32
    %dma_start3A_537 = arith.constant 0 : i32
    %dma_start3A_538 = tpu.memref_slice %arg3[%dma_start3A_536, %dma_start3A_537] : memref<2600000x32xf32, #tpu.memory_space<hbm>> -> memref<2600000x32xf32, #tpu.memory_space<hbm>>
    %dma_start3A_539 = tpu.memref_slice %arg7[%dma_start3A_529] : memref<6x!tpu.dma_semaphore, #tpu.memory_space<semaphore_mem>> -> memref<1x!tpu.dma_semaphore, #tpu.memory_space<semaphore_mem>>
    %dma_start3A_540 = tpu.memref_squeeze %dma_start3A_539 : memref<1x!tpu.dma_semaphore, #tpu.memory_space<semaphore_mem>> -> memref<!tpu.dma_semaphore, #tpu.memory_space<semaphore_mem>>
    tpu.enqueue_indirect_dma source(%dma_start3A_538 : memref<2600000x32xf32, #tpu.memory_space<hbm>>) target(%dma_start3A_533 : memref<128x32xf32, #tpu.memory_space<vmem>>) offsets(%dma_start3A_535 : memref<128xi32, #tpu.memory_space<vmem>>) semaphore(%dma_start3A_540 : memref<!tpu.dma_semaphore, #tpu.memory_space<semaphore_mem>>)
    %dma_wait3A_541 = arith.constant 2 : i32
    %dma_wait3A_542 = arith.constant 2 : i32
    %dma_wait3A_543 = arith.constant 0 : i32
    %dma_wait3A_544 = arith.constant 0 : i32
    %dma_wait3A_545 = tpu.memref_slice %arg6[%dma_wait3A_541, %dma_wait3A_543, %dma_wait3A_544] : memref<6x128x32xf32, #tpu.memory_space<vmem>> -> memref<1x128x32xf32, #tpu.memory_space<vmem>>
    %dma_wait3A_546 = tpu.memref_squeeze %dma_wait3A_545 : memref<1x128x32xf32, #tpu.memory_space<vmem>> -> memref<128x32xf32, #tpu.memory_space<vmem>>
    %dma_wait3A_547 = arith.constant 1024 : i32
    %dma_wait3A_548 = tpu.memref_slice %arg5[%dma_wait3A_547] : memref<3328xi32, #tpu.memory_space<vmem>> -> memref<128xi32, #tpu.memory_space<vmem>>
    %dma_wait3A_549 = arith.constant 0 : i32
    %dma_wait3A_550 = arith.constant 0 : i32
    %dma_wait3A_551 = tpu.memref_slice %arg3[%dma_wait3A_549, %dma_wait3A_550] : memref<2600000x32xf32, #tpu.memory_space<hbm>> -> memref<2600000x32xf32, #tpu.memory_space<hbm>>
    %dma_wait3A_552 = tpu.memref_slice %arg7[%dma_wait3A_542] : memref<6x!tpu.dma_semaphore, #tpu.memory_space<semaphore_mem>> -> memref<1x!tpu.dma_semaphore, #tpu.memory_space<semaphore_mem>>
    %dma_wait3A_553 = tpu.memref_squeeze %dma_wait3A_552 : memref<1x!tpu.dma_semaphore, #tpu.memory_space<semaphore_mem>> -> memref<!tpu.dma_semaphore, #tpu.memory_space<semaphore_mem>>
    tpu.wait_indirect_dma semaphore(%dma_wait3A_553 : memref<!tpu.dma_semaphore, #tpu.memory_space<semaphore_mem>>) src(%dma_wait3A_551 : memref<2600000x32xf32, #tpu.memory_space<hbm>>) dst(%dma_wait3A_546 : memref<128x32xf32, #tpu.memory_space<vmem>>)
    %mul3A_554 = arith.constant 3328 : i32
    %mul3A_555 = arith.muli %add3A, %mul3A_554 : i32
    %add3A_556 = arith.constant 1024 : i32
    %add3A_557 = arith.addi %mul3A_555, %add3A_556 : i32
    %dma_start3A_558 = arith.constant 2 : i32
    %dma_start3A_559 = arith.constant 2 : i32
    %dma_start3A_560 = arith.constant 0 : i32
    %dma_start3A_561 = arith.constant 0 : i32
    %dma_start3A_562 = tpu.memref_slice %arg6[%dma_start3A_558, %dma_start3A_560, %dma_start3A_561] : memref<6x128x32xf32, #tpu.memory_space<vmem>> -> memref<1x128x32xf32, #tpu.memory_space<vmem>>
    %dma_start3A_563 = tpu.memref_squeeze %dma_start3A_562 : memref<1x128x32xf32, #tpu.memory_space<vmem>> -> memref<128x32xf32, #tpu.memory_space<vmem>>
    %dma_start3A_564 = arith.constant 0 : i32
    %dma_start3A_565 = tpu.memref_slice %arg4[%add3A_557, %dma_start3A_564] : memref<106496x32xf32, #tpu.memory_space<hbm>> -> memref<128x32xf32, #tpu.memory_space<hbm>>
    %dma_start3A_566 = tpu.memref_slice %arg8[%dma_start3A_559] : memref<6x!tpu.dma_semaphore, #tpu.memory_space<semaphore_mem>> -> memref<1x!tpu.dma_semaphore, #tpu.memory_space<semaphore_mem>>
    %dma_start3A_567 = tpu.memref_squeeze %dma_start3A_566 : memref<1x!tpu.dma_semaphore, #tpu.memory_space<semaphore_mem>> -> memref<!tpu.dma_semaphore, #tpu.memory_space<semaphore_mem>>
    %dma_start3A_568 = arith.constant 0 : i32
    %dma_start3A_569 = tpu.memref_slice %arg4[%add3A_557, %dma_start3A_568] : memref<106496x32xf32, #tpu.memory_space<hbm>> -> memref<128x32xf32, #tpu.memory_space<hbm>>
    %dma_start3A_570 = arith.constant 0 : i32
    %dma_start3A_571 = arith.constant 0 : i32
    %dma_start3A_572 = tpu.memref_slice %arg6[%dma_start3A_558, %dma_start3A_570, %dma_start3A_571] : memref<6x128x32xf32, #tpu.memory_space<vmem>> -> memref<1x128x32xf32, #tpu.memory_space<vmem>>
    %dma_start3A_573 = tpu.memref_squeeze %dma_start3A_572 : memref<1x128x32xf32, #tpu.memory_space<vmem>> -> memref<128x32xf32, #tpu.memory_space<vmem>>
    tpu.enqueue_dma source(%dma_start3A_573 : memref<128x32xf32, #tpu.memory_space<vmem>>) target(%dma_start3A_569 : memref<128x32xf32, #tpu.memory_space<hbm>>) target_semaphore(%dma_start3A_567 : memref<!tpu.dma_semaphore, #tpu.memory_space<semaphore_mem>>)
    %mul3A_574 = arith.constant 3328 : i32
    %mul3A_575 = arith.muli %add3A, %mul3A_574 : i32
    %add3A_576 = arith.constant 768 : i32
    %add3A_577 = arith.addi %mul3A_575, %add3A_576 : i32
    %dma_wait3A_578 = arith.constant 0 : i32
    %dma_wait3A_579 = arith.constant 0 : i32
    %dma_wait3A_580 = arith.constant 0 : i32
    %dma_wait3A_581 = arith.constant 0 : i32
    %dma_wait3A_582 = tpu.memref_slice %arg6[%dma_wait3A_578, %dma_wait3A_580, %dma_wait3A_581] : memref<6x128x32xf32, #tpu.memory_space<vmem>> -> memref<1x128x32xf32, #tpu.memory_space<vmem>>
    %dma_wait3A_583 = tpu.memref_squeeze %dma_wait3A_582 : memref<1x128x32xf32, #tpu.memory_space<vmem>> -> memref<128x32xf32, #tpu.memory_space<vmem>>
    %dma_wait3A_584 = arith.constant 0 : i32
    %dma_wait3A_585 = tpu.memref_slice %arg4[%add3A_577, %dma_wait3A_584] : memref<106496x32xf32, #tpu.memory_space<hbm>> -> memref<128x32xf32, #tpu.memory_space<hbm>>
    %dma_wait3A_586 = tpu.memref_slice %arg8[%dma_wait3A_579] : memref<6x!tpu.dma_semaphore, #tpu.memory_space<semaphore_mem>> -> memref<1x!tpu.dma_semaphore, #tpu.memory_space<semaphore_mem>>
    %dma_wait3A_587 = tpu.memref_squeeze %dma_wait3A_586 : memref<1x!tpu.dma_semaphore, #tpu.memory_space<semaphore_mem>> -> memref<!tpu.dma_semaphore, #tpu.memory_space<semaphore_mem>>
    %dma_wait3A_588 = arith.constant 0 : i32
    %dma_wait3A_589 = tpu.memref_slice %arg4[%add3A_577, %dma_wait3A_588] : memref<106496x32xf32, #tpu.memory_space<hbm>> -> memref<128x32xf32, #tpu.memory_space<hbm>>
    %dma_wait3A_590 = arith.constant 0 : i32
    %dma_wait3A_591 = arith.constant 0 : i32
    %dma_wait3A_592 = tpu.memref_slice %arg6[%dma_wait3A_578, %dma_wait3A_590, %dma_wait3A_591] : memref<6x128x32xf32, #tpu.memory_space<vmem>> -> memref<1x128x32xf32, #tpu.memory_space<vmem>>
    %dma_wait3A_593 = tpu.memref_squeeze %dma_wait3A_592 : memref<1x128x32xf32, #tpu.memory_space<vmem>> -> memref<128x32xf32, #tpu.memory_space<vmem>>
    tpu.wait_dma2 semaphore(%dma_wait3A_587 : memref<!tpu.dma_semaphore, #tpu.memory_space<semaphore_mem>>) src(%dma_wait3A_593 : memref<128x32xf32, #tpu.memory_space<vmem>>) dst(%dma_wait3A_589 : memref<128x32xf32, #tpu.memory_space<hbm>>)
    %dma_start3A_594 = arith.constant 0 : i32
    %dma_start3A_595 = arith.constant 0 : i32
    %dma_start3A_596 = arith.constant 0 : i32
    %dma_start3A_597 = arith.constant 0 : i32
    %dma_start3A_598 = tpu.memref_slice %arg6[%dma_start3A_594, %dma_start3A_596, %dma_start3A_597] : memref<6x128x32xf32, #tpu.memory_space<vmem>> -> memref<1x128x32xf32, #tpu.memory_space<vmem>>
    %dma_start3A_599 = tpu.memref_squeeze %dma_start3A_598 : memref<1x128x32xf32, #tpu.memory_space<vmem>> -> memref<128x32xf32, #tpu.memory_space<vmem>>
    %dma_start3A_600 = arith.constant 1536 : i32
    %dma_start3A_601 = tpu.memref_slice %arg5[%dma_start3A_600] : memref<3328xi32, #tpu.memory_space<vmem>> -> memref<128xi32, #tpu.memory_space<vmem>>
    %dma_start3A_602 = arith.constant 0 : i32
    %dma_start3A_603 = arith.constant 0 : i32
    %dma_start3A_604 = tpu.memref_slice %arg3[%dma_start3A_602, %dma_start3A_603] : memref<2600000x32xf32, #tpu.memory_space<hbm>> -> memref<2600000x32xf32, #tpu.memory_space<hbm>>
    %dma_start3A_605 = tpu.memref_slice %arg7[%dma_start3A_595] : memref<6x!tpu.dma_semaphore, #tpu.memory_space<semaphore_mem>> -> memref<1x!tpu.dma_semaphore, #tpu.memory_space<semaphore_mem>>
    %dma_start3A_606 = tpu.memref_squeeze %dma_start3A_605 : memref<1x!tpu.dma_semaphore, #tpu.memory_space<semaphore_mem>> -> memref<!tpu.dma_semaphore, #tpu.memory_space<semaphore_mem>>
    tpu.enqueue_indirect_dma source(%dma_start3A_604 : memref<2600000x32xf32, #tpu.memory_space<hbm>>) target(%dma_start3A_599 : memref<128x32xf32, #tpu.memory_space<vmem>>) offsets(%dma_start3A_601 : memref<128xi32, #tpu.memory_space<vmem>>) semaphore(%dma_start3A_606 : memref<!tpu.dma_semaphore, #tpu.memory_space<semaphore_mem>>)
    %dma_wait3A_607 = arith.constant 3 : i32
    %dma_wait3A_608 = arith.constant 3 : i32
    %dma_wait3A_609 = arith.constant 0 : i32
    %dma_wait3A_610 = arith.constant 0 : i32
    %dma_wait3A_611 = tpu.memref_slice %arg6[%dma_wait3A_607, %dma_wait3A_609, %dma_wait3A_610] : memref<6x128x32xf32, #tpu.memory_space<vmem>> -> memref<1x128x32xf32, #tpu.memory_space<vmem>>
    %dma_wait3A_612 = tpu.memref_squeeze %dma_wait3A_611 : memref<1x128x32xf32, #tpu.memory_space<vmem>> -> memref<128x32xf32, #tpu.memory_space<vmem>>
    %dma_wait3A_613 = arith.constant 1152 : i32
    %dma_wait3A_614 = tpu.memref_slice %arg5[%dma_wait3A_613] : memref<3328xi32, #tpu.memory_space<vmem>> -> memref<128xi32, #tpu.memory_space<vmem>>
    %dma_wait3A_615 = arith.constant 0 : i32
    %dma_wait3A_616 = arith.constant 0 : i32
    %dma_wait3A_617 = tpu.memref_slice %arg3[%dma_wait3A_615, %dma_wait3A_616] : memref<2600000x32xf32, #tpu.memory_space<hbm>> -> memref<2600000x32xf32, #tpu.memory_space<hbm>>
    %dma_wait3A_618 = tpu.memref_slice %arg7[%dma_wait3A_608] : memref<6x!tpu.dma_semaphore, #tpu.memory_space<semaphore_mem>> -> memref<1x!tpu.dma_semaphore, #tpu.memory_space<semaphore_mem>>
    %dma_wait3A_619 = tpu.memref_squeeze %dma_wait3A_618 : memref<1x!tpu.dma_semaphore, #tpu.memory_space<semaphore_mem>> -> memref<!tpu.dma_semaphore, #tpu.memory_space<semaphore_mem>>
    tpu.wait_indirect_dma semaphore(%dma_wait3A_619 : memref<!tpu.dma_semaphore, #tpu.memory_space<semaphore_mem>>) src(%dma_wait3A_617 : memref<2600000x32xf32, #tpu.memory_space<hbm>>) dst(%dma_wait3A_612 : memref<128x32xf32, #tpu.memory_space<vmem>>)
    %mul3A_620 = arith.constant 3328 : i32
    %mul3A_621 = arith.muli %add3A, %mul3A_620 : i32
    %add3A_622 = arith.constant 1152 : i32
    %add3A_623 = arith.addi %mul3A_621, %add3A_622 : i32
    %dma_start3A_624 = arith.constant 3 : i32
    %dma_start3A_625 = arith.constant 3 : i32
    %dma_start3A_626 = arith.constant 0 : i32
    %dma_start3A_627 = arith.constant 0 : i32
    %dma_start3A_628 = tpu.memref_slice %arg6[%dma_start3A_624, %dma_start3A_626, %dma_start3A_627] : memref<6x128x32xf32, #tpu.memory_space<vmem>> -> memref<1x128x32xf32, #tpu.memory_space<vmem>>
    %dma_start3A_629 = tpu.memref_squeeze %dma_start3A_628 : memref<1x128x32xf32, #tpu.memory_space<vmem>> -> memref<128x32xf32, #tpu.memory_space<vmem>>
    %dma_start3A_630 = arith.constant 0 : i32
    %dma_start3A_631 = tpu.memref_slice %arg4[%add3A_623, %dma_start3A_630] : memref<106496x32xf32, #tpu.memory_space<hbm>> -> memref<128x32xf32, #tpu.memory_space<hbm>>
    %dma_start3A_632 = tpu.memref_slice %arg8[%dma_start3A_625] : memref<6x!tpu.dma_semaphore, #tpu.memory_space<semaphore_mem>> -> memref<1x!tpu.dma_semaphore, #tpu.memory_space<semaphore_mem>>
    %dma_start3A_633 = tpu.memref_squeeze %dma_start3A_632 : memref<1x!tpu.dma_semaphore, #tpu.memory_space<semaphore_mem>> -> memref<!tpu.dma_semaphore, #tpu.memory_space<semaphore_mem>>
    %dma_start3A_634 = arith.constant 0 : i32
    %dma_start3A_635 = tpu.memref_slice %arg4[%add3A_623, %dma_start3A_634] : memref<106496x32xf32, #tpu.memory_space<hbm>> -> memref<128x32xf32, #tpu.memory_space<hbm>>
    %dma_start3A_636 = arith.constant 0 : i32
    %dma_start3A_637 = arith.constant 0 : i32
    %dma_start3A_638 = tpu.memref_slice %arg6[%dma_start3A_624, %dma_start3A_636, %dma_start3A_637] : memref<6x128x32xf32, #tpu.memory_space<vmem>> -> memref<1x128x32xf32, #tpu.memory_space<vmem>>
    %dma_start3A_639 = tpu.memref_squeeze %dma_start3A_638 : memref<1x128x32xf32, #tpu.memory_space<vmem>> -> memref<128x32xf32, #tpu.memory_space<vmem>>
    tpu.enqueue_dma source(%dma_start3A_639 : memref<128x32xf32, #tpu.memory_space<vmem>>) target(%dma_start3A_635 : memref<128x32xf32, #tpu.memory_space<hbm>>) target_semaphore(%dma_start3A_633 : memref<!tpu.dma_semaphore, #tpu.memory_space<semaphore_mem>>)
    %mul3A_640 = arith.constant 3328 : i32
    %mul3A_641 = arith.muli %add3A, %mul3A_640 : i32
    %add3A_642 = arith.constant 896 : i32
    %add3A_643 = arith.addi %mul3A_641, %add3A_642 : i32
    %dma_wait3A_644 = arith.constant 1 : i32
    %dma_wait3A_645 = arith.constant 1 : i32
    %dma_wait3A_646 = arith.constant 0 : i32
    %dma_wait3A_647 = arith.constant 0 : i32
    %dma_wait3A_648 = tpu.memref_slice %arg6[%dma_wait3A_644, %dma_wait3A_646, %dma_wait3A_647] : memref<6x128x32xf32, #tpu.memory_space<vmem>> -> memref<1x128x32xf32, #tpu.memory_space<vmem>>
    %dma_wait3A_649 = tpu.memref_squeeze %dma_wait3A_648 : memref<1x128x32xf32, #tpu.memory_space<vmem>> -> memref<128x32xf32, #tpu.memory_space<vmem>>
    %dma_wait3A_650 = arith.constant 0 : i32
    %dma_wait3A_651 = tpu.memref_slice %arg4[%add3A_643, %dma_wait3A_650] : memref<106496x32xf32, #tpu.memory_space<hbm>> -> memref<128x32xf32, #tpu.memory_space<hbm>>
    %dma_wait3A_652 = tpu.memref_slice %arg8[%dma_wait3A_645] : memref<6x!tpu.dma_semaphore, #tpu.memory_space<semaphore_mem>> -> memref<1x!tpu.dma_semaphore, #tpu.memory_space<semaphore_mem>>
    %dma_wait3A_653 = tpu.memref_squeeze %dma_wait3A_652 : memref<1x!tpu.dma_semaphore, #tpu.memory_space<semaphore_mem>> -> memref<!tpu.dma_semaphore, #tpu.memory_space<semaphore_mem>>
    %dma_wait3A_654 = arith.constant 0 : i32
    %dma_wait3A_655 = tpu.memref_slice %arg4[%add3A_643, %dma_wait3A_654] : memref<106496x32xf32, #tpu.memory_space<hbm>> -> memref<128x32xf32, #tpu.memory_space<hbm>>
    %dma_wait3A_656 = arith.constant 0 : i32
    %dma_wait3A_657 = arith.constant 0 : i32
    %dma_wait3A_658 = tpu.memref_slice %arg6[%dma_wait3A_644, %dma_wait3A_656, %dma_wait3A_657] : memref<6x128x32xf32, #tpu.memory_space<vmem>> -> memref<1x128x32xf32, #tpu.memory_space<vmem>>
    %dma_wait3A_659 = tpu.memref_squeeze %dma_wait3A_658 : memref<1x128x32xf32, #tpu.memory_space<vmem>> -> memref<128x32xf32, #tpu.memory_space<vmem>>
    tpu.wait_dma2 semaphore(%dma_wait3A_653 : memref<!tpu.dma_semaphore, #tpu.memory_space<semaphore_mem>>) src(%dma_wait3A_659 : memref<128x32xf32, #tpu.memory_space<vmem>>) dst(%dma_wait3A_655 : memref<128x32xf32, #tpu.memory_space<hbm>>)
    %dma_start3A_660 = arith.constant 1 : i32
    %dma_start3A_661 = arith.constant 1 : i32
    %dma_start3A_662 = arith.constant 0 : i32
    %dma_start3A_663 = arith.constant 0 : i32
    %dma_start3A_664 = tpu.memref_slice %arg6[%dma_start3A_660, %dma_start3A_662, %dma_start3A_663] : memref<6x128x32xf32, #tpu.memory_space<vmem>> -> memref<1x128x32xf32, #tpu.memory_space<vmem>>
    %dma_start3A_665 = tpu.memref_squeeze %dma_start3A_664 : memref<1x128x32xf32, #tpu.memory_space<vmem>> -> memref<128x32xf32, #tpu.memory_space<vmem>>
    %dma_start3A_666 = arith.constant 1664 : i32
    %dma_start3A_667 = tpu.memref_slice %arg5[%dma_start3A_666] : memref<3328xi32, #tpu.memory_space<vmem>> -> memref<128xi32, #tpu.memory_space<vmem>>
    %dma_start3A_668 = arith.constant 0 : i32
    %dma_start3A_669 = arith.constant 0 : i32
    %dma_start3A_670 = tpu.memref_slice %arg3[%dma_start3A_668, %dma_start3A_669] : memref<2600000x32xf32, #tpu.memory_space<hbm>> -> memref<2600000x32xf32, #tpu.memory_space<hbm>>
    %dma_start3A_671 = tpu.memref_slice %arg7[%dma_start3A_661] : memref<6x!tpu.dma_semaphore, #tpu.memory_space<semaphore_mem>> -> memref<1x!tpu.dma_semaphore, #tpu.memory_space<semaphore_mem>>
    %dma_start3A_672 = tpu.memref_squeeze %dma_start3A_671 : memref<1x!tpu.dma_semaphore, #tpu.memory_space<semaphore_mem>> -> memref<!tpu.dma_semaphore, #tpu.memory_space<semaphore_mem>>
    tpu.enqueue_indirect_dma source(%dma_start3A_670 : memref<2600000x32xf32, #tpu.memory_space<hbm>>) target(%dma_start3A_665 : memref<128x32xf32, #tpu.memory_space<vmem>>) offsets(%dma_start3A_667 : memref<128xi32, #tpu.memory_space<vmem>>) semaphore(%dma_start3A_672 : memref<!tpu.dma_semaphore, #tpu.memory_space<semaphore_mem>>)
    %dma_wait3A_673 = arith.constant 4 : i32
    %dma_wait3A_674 = arith.constant 4 : i32
    %dma_wait3A_675 = arith.constant 0 : i32
    %dma_wait3A_676 = arith.constant 0 : i32
    %dma_wait3A_677 = tpu.memref_slice %arg6[%dma_wait3A_673, %dma_wait3A_675, %dma_wait3A_676] : memref<6x128x32xf32, #tpu.memory_space<vmem>> -> memref<1x128x32xf32, #tpu.memory_space<vmem>>
    %dma_wait3A_678 = tpu.memref_squeeze %dma_wait3A_677 : memref<1x128x32xf32, #tpu.memory_space<vmem>> -> memref<128x32xf32, #tpu.memory_space<vmem>>
    %dma_wait3A_679 = arith.constant 1280 : i32
    %dma_wait3A_680 = tpu.memref_slice %arg5[%dma_wait3A_679] : memref<3328xi32, #tpu.memory_space<vmem>> -> memref<128xi32, #tpu.memory_space<vmem>>
    %dma_wait3A_681 = arith.constant 0 : i32
    %dma_wait3A_682 = arith.constant 0 : i32
    %dma_wait3A_683 = tpu.memref_slice %arg3[%dma_wait3A_681, %dma_wait3A_682] : memref<2600000x32xf32, #tpu.memory_space<hbm>> -> memref<2600000x32xf32, #tpu.memory_space<hbm>>
    %dma_wait3A_684 = tpu.memref_slice %arg7[%dma_wait3A_674] : memref<6x!tpu.dma_semaphore, #tpu.memory_space<semaphore_mem>> -> memref<1x!tpu.dma_semaphore, #tpu.memory_space<semaphore_mem>>
    %dma_wait3A_685 = tpu.memref_squeeze %dma_wait3A_684 : memref<1x!tpu.dma_semaphore, #tpu.memory_space<semaphore_mem>> -> memref<!tpu.dma_semaphore, #tpu.memory_space<semaphore_mem>>
    tpu.wait_indirect_dma semaphore(%dma_wait3A_685 : memref<!tpu.dma_semaphore, #tpu.memory_space<semaphore_mem>>) src(%dma_wait3A_683 : memref<2600000x32xf32, #tpu.memory_space<hbm>>) dst(%dma_wait3A_678 : memref<128x32xf32, #tpu.memory_space<vmem>>)
    %mul3A_686 = arith.constant 3328 : i32
    %mul3A_687 = arith.muli %add3A, %mul3A_686 : i32
    %add3A_688 = arith.constant 1280 : i32
    %add3A_689 = arith.addi %mul3A_687, %add3A_688 : i32
    %dma_start3A_690 = arith.constant 4 : i32
    %dma_start3A_691 = arith.constant 4 : i32
    %dma_start3A_692 = arith.constant 0 : i32
    %dma_start3A_693 = arith.constant 0 : i32
    %dma_start3A_694 = tpu.memref_slice %arg6[%dma_start3A_690, %dma_start3A_692, %dma_start3A_693] : memref<6x128x32xf32, #tpu.memory_space<vmem>> -> memref<1x128x32xf32, #tpu.memory_space<vmem>>
    %dma_start3A_695 = tpu.memref_squeeze %dma_start3A_694 : memref<1x128x32xf32, #tpu.memory_space<vmem>> -> memref<128x32xf32, #tpu.memory_space<vmem>>
    %dma_start3A_696 = arith.constant 0 : i32
    %dma_start3A_697 = tpu.memref_slice %arg4[%add3A_689, %dma_start3A_696] : memref<106496x32xf32, #tpu.memory_space<hbm>> -> memref<128x32xf32, #tpu.memory_space<hbm>>
    %dma_start3A_698 = tpu.memref_slice %arg8[%dma_start3A_691] : memref<6x!tpu.dma_semaphore, #tpu.memory_space<semaphore_mem>> -> memref<1x!tpu.dma_semaphore, #tpu.memory_space<semaphore_mem>>
    %dma_start3A_699 = tpu.memref_squeeze %dma_start3A_698 : memref<1x!tpu.dma_semaphore, #tpu.memory_space<semaphore_mem>> -> memref<!tpu.dma_semaphore, #tpu.memory_space<semaphore_mem>>
    %dma_start3A_700 = arith.constant 0 : i32
    %dma_start3A_701 = tpu.memref_slice %arg4[%add3A_689, %dma_start3A_700] : memref<106496x32xf32, #tpu.memory_space<hbm>> -> memref<128x32xf32, #tpu.memory_space<hbm>>
    %dma_start3A_702 = arith.constant 0 : i32
    %dma_start3A_703 = arith.constant 0 : i32
    %dma_start3A_704 = tpu.memref_slice %arg6[%dma_start3A_690, %dma_start3A_702, %dma_start3A_703] : memref<6x128x32xf32, #tpu.memory_space<vmem>> -> memref<1x128x32xf32, #tpu.memory_space<vmem>>
    %dma_start3A_705 = tpu.memref_squeeze %dma_start3A_704 : memref<1x128x32xf32, #tpu.memory_space<vmem>> -> memref<128x32xf32, #tpu.memory_space<vmem>>
    tpu.enqueue_dma source(%dma_start3A_705 : memref<128x32xf32, #tpu.memory_space<vmem>>) target(%dma_start3A_701 : memref<128x32xf32, #tpu.memory_space<hbm>>) target_semaphore(%dma_start3A_699 : memref<!tpu.dma_semaphore, #tpu.memory_space<semaphore_mem>>)
    %mul3A_706 = arith.constant 3328 : i32
    %mul3A_707 = arith.muli %add3A, %mul3A_706 : i32
    %add3A_708 = arith.constant 1024 : i32
    %add3A_709 = arith.addi %mul3A_707, %add3A_708 : i32
    %dma_wait3A_710 = arith.constant 2 : i32
    %dma_wait3A_711 = arith.constant 2 : i32
    %dma_wait3A_712 = arith.constant 0 : i32
    %dma_wait3A_713 = arith.constant 0 : i32
    %dma_wait3A_714 = tpu.memref_slice %arg6[%dma_wait3A_710, %dma_wait3A_712, %dma_wait3A_713] : memref<6x128x32xf32, #tpu.memory_space<vmem>> -> memref<1x128x32xf32, #tpu.memory_space<vmem>>
    %dma_wait3A_715 = tpu.memref_squeeze %dma_wait3A_714 : memref<1x128x32xf32, #tpu.memory_space<vmem>> -> memref<128x32xf32, #tpu.memory_space<vmem>>
    %dma_wait3A_716 = arith.constant 0 : i32
    %dma_wait3A_717 = tpu.memref_slice %arg4[%add3A_709, %dma_wait3A_716] : memref<106496x32xf32, #tpu.memory_space<hbm>> -> memref<128x32xf32, #tpu.memory_space<hbm>>
    %dma_wait3A_718 = tpu.memref_slice %arg8[%dma_wait3A_711] : memref<6x!tpu.dma_semaphore, #tpu.memory_space<semaphore_mem>> -> memref<1x!tpu.dma_semaphore, #tpu.memory_space<semaphore_mem>>
    %dma_wait3A_719 = tpu.memref_squeeze %dma_wait3A_718 : memref<1x!tpu.dma_semaphore, #tpu.memory_space<semaphore_mem>> -> memref<!tpu.dma_semaphore, #tpu.memory_space<semaphore_mem>>
    %dma_wait3A_720 = arith.constant 0 : i32
    %dma_wait3A_721 = tpu.memref_slice %arg4[%add3A_709, %dma_wait3A_720] : memref<106496x32xf32, #tpu.memory_space<hbm>> -> memref<128x32xf32, #tpu.memory_space<hbm>>
    %dma_wait3A_722 = arith.constant 0 : i32
    %dma_wait3A_723 = arith.constant 0 : i32
    %dma_wait3A_724 = tpu.memref_slice %arg6[%dma_wait3A_710, %dma_wait3A_722, %dma_wait3A_723] : memref<6x128x32xf32, #tpu.memory_space<vmem>> -> memref<1x128x32xf32, #tpu.memory_space<vmem>>
    %dma_wait3A_725 = tpu.memref_squeeze %dma_wait3A_724 : memref<1x128x32xf32, #tpu.memory_space<vmem>> -> memref<128x32xf32, #tpu.memory_space<vmem>>
    tpu.wait_dma2 semaphore(%dma_wait3A_719 : memref<!tpu.dma_semaphore, #tpu.memory_space<semaphore_mem>>) src(%dma_wait3A_725 : memref<128x32xf32, #tpu.memory_space<vmem>>) dst(%dma_wait3A_721 : memref<128x32xf32, #tpu.memory_space<hbm>>)
    %dma_start3A_726 = arith.constant 2 : i32
    %dma_start3A_727 = arith.constant 2 : i32
    %dma_start3A_728 = arith.constant 0 : i32
    %dma_start3A_729 = arith.constant 0 : i32
    %dma_start3A_730 = tpu.memref_slice %arg6[%dma_start3A_726, %dma_start3A_728, %dma_start3A_729] : memref<6x128x32xf32, #tpu.memory_space<vmem>> -> memref<1x128x32xf32, #tpu.memory_space<vmem>>
    %dma_start3A_731 = tpu.memref_squeeze %dma_start3A_730 : memref<1x128x32xf32, #tpu.memory_space<vmem>> -> memref<128x32xf32, #tpu.memory_space<vmem>>
    %dma_start3A_732 = arith.constant 1792 : i32
    %dma_start3A_733 = tpu.memref_slice %arg5[%dma_start3A_732] : memref<3328xi32, #tpu.memory_space<vmem>> -> memref<128xi32, #tpu.memory_space<vmem>>
    %dma_start3A_734 = arith.constant 0 : i32
    %dma_start3A_735 = arith.constant 0 : i32
    %dma_start3A_736 = tpu.memref_slice %arg3[%dma_start3A_734, %dma_start3A_735] : memref<2600000x32xf32, #tpu.memory_space<hbm>> -> memref<2600000x32xf32, #tpu.memory_space<hbm>>
    %dma_start3A_737 = tpu.memref_slice %arg7[%dma_start3A_727] : memref<6x!tpu.dma_semaphore, #tpu.memory_space<semaphore_mem>> -> memref<1x!tpu.dma_semaphore, #tpu.memory_space<semaphore_mem>>
    %dma_start3A_738 = tpu.memref_squeeze %dma_start3A_737 : memref<1x!tpu.dma_semaphore, #tpu.memory_space<semaphore_mem>> -> memref<!tpu.dma_semaphore, #tpu.memory_space<semaphore_mem>>
    tpu.enqueue_indirect_dma source(%dma_start3A_736 : memref<2600000x32xf32, #tpu.memory_space<hbm>>) target(%dma_start3A_731 : memref<128x32xf32, #tpu.memory_space<vmem>>) offsets(%dma_start3A_733 : memref<128xi32, #tpu.memory_space<vmem>>) semaphore(%dma_start3A_738 : memref<!tpu.dma_semaphore, #tpu.memory_space<semaphore_mem>>)
    %dma_wait3A_739 = arith.constant 5 : i32
    %dma_wait3A_740 = arith.constant 5 : i32
    %dma_wait3A_741 = arith.constant 0 : i32
    %dma_wait3A_742 = arith.constant 0 : i32
    %dma_wait3A_743 = tpu.memref_slice %arg6[%dma_wait3A_739, %dma_wait3A_741, %dma_wait3A_742] : memref<6x128x32xf32, #tpu.memory_space<vmem>> -> memref<1x128x32xf32, #tpu.memory_space<vmem>>
    %dma_wait3A_744 = tpu.memref_squeeze %dma_wait3A_743 : memref<1x128x32xf32, #tpu.memory_space<vmem>> -> memref<128x32xf32, #tpu.memory_space<vmem>>
    %dma_wait3A_745 = arith.constant 1408 : i32
    %dma_wait3A_746 = tpu.memref_slice %arg5[%dma_wait3A_745] : memref<3328xi32, #tpu.memory_space<vmem>> -> memref<128xi32, #tpu.memory_space<vmem>>
    %dma_wait3A_747 = arith.constant 0 : i32
    %dma_wait3A_748 = arith.constant 0 : i32
    %dma_wait3A_749 = tpu.memref_slice %arg3[%dma_wait3A_747, %dma_wait3A_748] : memref<2600000x32xf32, #tpu.memory_space<hbm>> -> memref<2600000x32xf32, #tpu.memory_space<hbm>>
    %dma_wait3A_750 = tpu.memref_slice %arg7[%dma_wait3A_740] : memref<6x!tpu.dma_semaphore, #tpu.memory_space<semaphore_mem>> -> memref<1x!tpu.dma_semaphore, #tpu.memory_space<semaphore_mem>>
    %dma_wait3A_751 = tpu.memref_squeeze %dma_wait3A_750 : memref<1x!tpu.dma_semaphore, #tpu.memory_space<semaphore_mem>> -> memref<!tpu.dma_semaphore, #tpu.memory_space<semaphore_mem>>
    tpu.wait_indirect_dma semaphore(%dma_wait3A_751 : memref<!tpu.dma_semaphore, #tpu.memory_space<semaphore_mem>>) src(%dma_wait3A_749 : memref<2600000x32xf32, #tpu.memory_space<hbm>>) dst(%dma_wait3A_744 : memref<128x32xf32, #tpu.memory_space<vmem>>)
    %mul3A_752 = arith.constant 3328 : i32
    %mul3A_753 = arith.muli %add3A, %mul3A_752 : i32
    %add3A_754 = arith.constant 1408 : i32
    %add3A_755 = arith.addi %mul3A_753, %add3A_754 : i32
    %dma_start3A_756 = arith.constant 5 : i32
    %dma_start3A_757 = arith.constant 5 : i32
    %dma_start3A_758 = arith.constant 0 : i32
    %dma_start3A_759 = arith.constant 0 : i32
    %dma_start3A_760 = tpu.memref_slice %arg6[%dma_start3A_756, %dma_start3A_758, %dma_start3A_759] : memref<6x128x32xf32, #tpu.memory_space<vmem>> -> memref<1x128x32xf32, #tpu.memory_space<vmem>>
    %dma_start3A_761 = tpu.memref_squeeze %dma_start3A_760 : memref<1x128x32xf32, #tpu.memory_space<vmem>> -> memref<128x32xf32, #tpu.memory_space<vmem>>
    %dma_start3A_762 = arith.constant 0 : i32
    %dma_start3A_763 = tpu.memref_slice %arg4[%add3A_755, %dma_start3A_762] : memref<106496x32xf32, #tpu.memory_space<hbm>> -> memref<128x32xf32, #tpu.memory_space<hbm>>
    %dma_start3A_764 = tpu.memref_slice %arg8[%dma_start3A_757] : memref<6x!tpu.dma_semaphore, #tpu.memory_space<semaphore_mem>> -> memref<1x!tpu.dma_semaphore, #tpu.memory_space<semaphore_mem>>
    %dma_start3A_765 = tpu.memref_squeeze %dma_start3A_764 : memref<1x!tpu.dma_semaphore, #tpu.memory_space<semaphore_mem>> -> memref<!tpu.dma_semaphore, #tpu.memory_space<semaphore_mem>>
    %dma_start3A_766 = arith.constant 0 : i32
    %dma_start3A_767 = tpu.memref_slice %arg4[%add3A_755, %dma_start3A_766] : memref<106496x32xf32, #tpu.memory_space<hbm>> -> memref<128x32xf32, #tpu.memory_space<hbm>>
    %dma_start3A_768 = arith.constant 0 : i32
    %dma_start3A_769 = arith.constant 0 : i32
    %dma_start3A_770 = tpu.memref_slice %arg6[%dma_start3A_756, %dma_start3A_768, %dma_start3A_769] : memref<6x128x32xf32, #tpu.memory_space<vmem>> -> memref<1x128x32xf32, #tpu.memory_space<vmem>>
    %dma_start3A_771 = tpu.memref_squeeze %dma_start3A_770 : memref<1x128x32xf32, #tpu.memory_space<vmem>> -> memref<128x32xf32, #tpu.memory_space<vmem>>
    tpu.enqueue_dma source(%dma_start3A_771 : memref<128x32xf32, #tpu.memory_space<vmem>>) target(%dma_start3A_767 : memref<128x32xf32, #tpu.memory_space<hbm>>) target_semaphore(%dma_start3A_765 : memref<!tpu.dma_semaphore, #tpu.memory_space<semaphore_mem>>)
    %mul3A_772 = arith.constant 3328 : i32
    %mul3A_773 = arith.muli %add3A, %mul3A_772 : i32
    %add3A_774 = arith.constant 1152 : i32
    %add3A_775 = arith.addi %mul3A_773, %add3A_774 : i32
    %dma_wait3A_776 = arith.constant 3 : i32
    %dma_wait3A_777 = arith.constant 3 : i32
    %dma_wait3A_778 = arith.constant 0 : i32
    %dma_wait3A_779 = arith.constant 0 : i32
    %dma_wait3A_780 = tpu.memref_slice %arg6[%dma_wait3A_776, %dma_wait3A_778, %dma_wait3A_779] : memref<6x128x32xf32, #tpu.memory_space<vmem>> -> memref<1x128x32xf32, #tpu.memory_space<vmem>>
    %dma_wait3A_781 = tpu.memref_squeeze %dma_wait3A_780 : memref<1x128x32xf32, #tpu.memory_space<vmem>> -> memref<128x32xf32, #tpu.memory_space<vmem>>
    %dma_wait3A_782 = arith.constant 0 : i32
    %dma_wait3A_783 = tpu.memref_slice %arg4[%add3A_775, %dma_wait3A_782] : memref<106496x32xf32, #tpu.memory_space<hbm>> -> memref<128x32xf32, #tpu.memory_space<hbm>>
    %dma_wait3A_784 = tpu.memref_slice %arg8[%dma_wait3A_777] : memref<6x!tpu.dma_semaphore, #tpu.memory_space<semaphore_mem>> -> memref<1x!tpu.dma_semaphore, #tpu.memory_space<semaphore_mem>>
    %dma_wait3A_785 = tpu.memref_squeeze %dma_wait3A_784 : memref<1x!tpu.dma_semaphore, #tpu.memory_space<semaphore_mem>> -> memref<!tpu.dma_semaphore, #tpu.memory_space<semaphore_mem>>
    %dma_wait3A_786 = arith.constant 0 : i32
    %dma_wait3A_787 = tpu.memref_slice %arg4[%add3A_775, %dma_wait3A_786] : memref<106496x32xf32, #tpu.memory_space<hbm>> -> memref<128x32xf32, #tpu.memory_space<hbm>>
    %dma_wait3A_788 = arith.constant 0 : i32
    %dma_wait3A_789 = arith.constant 0 : i32
    %dma_wait3A_790 = tpu.memref_slice %arg6[%dma_wait3A_776, %dma_wait3A_788, %dma_wait3A_789] : memref<6x128x32xf32, #tpu.memory_space<vmem>> -> memref<1x128x32xf32, #tpu.memory_space<vmem>>
    %dma_wait3A_791 = tpu.memref_squeeze %dma_wait3A_790 : memref<1x128x32xf32, #tpu.memory_space<vmem>> -> memref<128x32xf32, #tpu.memory_space<vmem>>
    tpu.wait_dma2 semaphore(%dma_wait3A_785 : memref<!tpu.dma_semaphore, #tpu.memory_space<semaphore_mem>>) src(%dma_wait3A_791 : memref<128x32xf32, #tpu.memory_space<vmem>>) dst(%dma_wait3A_787 : memref<128x32xf32, #tpu.memory_space<hbm>>)
    %dma_start3A_792 = arith.constant 3 : i32
    %dma_start3A_793 = arith.constant 3 : i32
    %dma_start3A_794 = arith.constant 0 : i32
    %dma_start3A_795 = arith.constant 0 : i32
    %dma_start3A_796 = tpu.memref_slice %arg6[%dma_start3A_792, %dma_start3A_794, %dma_start3A_795] : memref<6x128x32xf32, #tpu.memory_space<vmem>> -> memref<1x128x32xf32, #tpu.memory_space<vmem>>
    %dma_start3A_797 = tpu.memref_squeeze %dma_start3A_796 : memref<1x128x32xf32, #tpu.memory_space<vmem>> -> memref<128x32xf32, #tpu.memory_space<vmem>>
    %dma_start3A_798 = arith.constant 1920 : i32
    %dma_start3A_799 = tpu.memref_slice %arg5[%dma_start3A_798] : memref<3328xi32, #tpu.memory_space<vmem>> -> memref<128xi32, #tpu.memory_space<vmem>>
    %dma_start3A_800 = arith.constant 0 : i32
    %dma_start3A_801 = arith.constant 0 : i32
    %dma_start3A_802 = tpu.memref_slice %arg3[%dma_start3A_800, %dma_start3A_801] : memref<2600000x32xf32, #tpu.memory_space<hbm>> -> memref<2600000x32xf32, #tpu.memory_space<hbm>>
    %dma_start3A_803 = tpu.memref_slice %arg7[%dma_start3A_793] : memref<6x!tpu.dma_semaphore, #tpu.memory_space<semaphore_mem>> -> memref<1x!tpu.dma_semaphore, #tpu.memory_space<semaphore_mem>>
    %dma_start3A_804 = tpu.memref_squeeze %dma_start3A_803 : memref<1x!tpu.dma_semaphore, #tpu.memory_space<semaphore_mem>> -> memref<!tpu.dma_semaphore, #tpu.memory_space<semaphore_mem>>
    tpu.enqueue_indirect_dma source(%dma_start3A_802 : memref<2600000x32xf32, #tpu.memory_space<hbm>>) target(%dma_start3A_797 : memref<128x32xf32, #tpu.memory_space<vmem>>) offsets(%dma_start3A_799 : memref<128xi32, #tpu.memory_space<vmem>>) semaphore(%dma_start3A_804 : memref<!tpu.dma_semaphore, #tpu.memory_space<semaphore_mem>>)
    %dma_wait3A_805 = arith.constant 0 : i32
    %dma_wait3A_806 = arith.constant 0 : i32
    %dma_wait3A_807 = arith.constant 0 : i32
    %dma_wait3A_808 = arith.constant 0 : i32
    %dma_wait3A_809 = tpu.memref_slice %arg6[%dma_wait3A_805, %dma_wait3A_807, %dma_wait3A_808] : memref<6x128x32xf32, #tpu.memory_space<vmem>> -> memref<1x128x32xf32, #tpu.memory_space<vmem>>
    %dma_wait3A_810 = tpu.memref_squeeze %dma_wait3A_809 : memref<1x128x32xf32, #tpu.memory_space<vmem>> -> memref<128x32xf32, #tpu.memory_space<vmem>>
    %dma_wait3A_811 = arith.constant 1536 : i32
    %dma_wait3A_812 = tpu.memref_slice %arg5[%dma_wait3A_811] : memref<3328xi32, #tpu.memory_space<vmem>> -> memref<128xi32, #tpu.memory_space<vmem>>
    %dma_wait3A_813 = arith.constant 0 : i32
    %dma_wait3A_814 = arith.constant 0 : i32
    %dma_wait3A_815 = tpu.memref_slice %arg3[%dma_wait3A_813, %dma_wait3A_814] : memref<2600000x32xf32, #tpu.memory_space<hbm>> -> memref<2600000x32xf32, #tpu.memory_space<hbm>>
    %dma_wait3A_816 = tpu.memref_slice %arg7[%dma_wait3A_806] : memref<6x!tpu.dma_semaphore, #tpu.memory_space<semaphore_mem>> -> memref<1x!tpu.dma_semaphore, #tpu.memory_space<semaphore_mem>>
    %dma_wait3A_817 = tpu.memref_squeeze %dma_wait3A_816 : memref<1x!tpu.dma_semaphore, #tpu.memory_space<semaphore_mem>> -> memref<!tpu.dma_semaphore, #tpu.memory_space<semaphore_mem>>
    tpu.wait_indirect_dma semaphore(%dma_wait3A_817 : memref<!tpu.dma_semaphore, #tpu.memory_space<semaphore_mem>>) src(%dma_wait3A_815 : memref<2600000x32xf32, #tpu.memory_space<hbm>>) dst(%dma_wait3A_810 : memref<128x32xf32, #tpu.memory_space<vmem>>)
    %mul3A_818 = arith.constant 3328 : i32
    %mul3A_819 = arith.muli %add3A, %mul3A_818 : i32
    %add3A_820 = arith.constant 1536 : i32
    %add3A_821 = arith.addi %mul3A_819, %add3A_820 : i32
    %dma_start3A_822 = arith.constant 0 : i32
    %dma_start3A_823 = arith.constant 0 : i32
    %dma_start3A_824 = arith.constant 0 : i32
    %dma_start3A_825 = arith.constant 0 : i32
    %dma_start3A_826 = tpu.memref_slice %arg6[%dma_start3A_822, %dma_start3A_824, %dma_start3A_825] : memref<6x128x32xf32, #tpu.memory_space<vmem>> -> memref<1x128x32xf32, #tpu.memory_space<vmem>>
    %dma_start3A_827 = tpu.memref_squeeze %dma_start3A_826 : memref<1x128x32xf32, #tpu.memory_space<vmem>> -> memref<128x32xf32, #tpu.memory_space<vmem>>
    %dma_start3A_828 = arith.constant 0 : i32
    %dma_start3A_829 = tpu.memref_slice %arg4[%add3A_821, %dma_start3A_828] : memref<106496x32xf32, #tpu.memory_space<hbm>> -> memref<128x32xf32, #tpu.memory_space<hbm>>
    %dma_start3A_830 = tpu.memref_slice %arg8[%dma_start3A_823] : memref<6x!tpu.dma_semaphore, #tpu.memory_space<semaphore_mem>> -> memref<1x!tpu.dma_semaphore, #tpu.memory_space<semaphore_mem>>
    %dma_start3A_831 = tpu.memref_squeeze %dma_start3A_830 : memref<1x!tpu.dma_semaphore, #tpu.memory_space<semaphore_mem>> -> memref<!tpu.dma_semaphore, #tpu.memory_space<semaphore_mem>>
    %dma_start3A_832 = arith.constant 0 : i32
    %dma_start3A_833 = tpu.memref_slice %arg4[%add3A_821, %dma_start3A_832] : memref<106496x32xf32, #tpu.memory_space<hbm>> -> memref<128x32xf32, #tpu.memory_space<hbm>>
    %dma_start3A_834 = arith.constant 0 : i32
    %dma_start3A_835 = arith.constant 0 : i32
    %dma_start3A_836 = tpu.memref_slice %arg6[%dma_start3A_822, %dma_start3A_834, %dma_start3A_835] : memref<6x128x32xf32, #tpu.memory_space<vmem>> -> memref<1x128x32xf32, #tpu.memory_space<vmem>>
    %dma_start3A_837 = tpu.memref_squeeze %dma_start3A_836 : memref<1x128x32xf32, #tpu.memory_space<vmem>> -> memref<128x32xf32, #tpu.memory_space<vmem>>
    tpu.enqueue_dma source(%dma_start3A_837 : memref<128x32xf32, #tpu.memory_space<vmem>>) target(%dma_start3A_833 : memref<128x32xf32, #tpu.memory_space<hbm>>) target_semaphore(%dma_start3A_831 : memref<!tpu.dma_semaphore, #tpu.memory_space<semaphore_mem>>)
    %mul3A_838 = arith.constant 3328 : i32
    %mul3A_839 = arith.muli %add3A, %mul3A_838 : i32
    %add3A_840 = arith.constant 1280 : i32
    %add3A_841 = arith.addi %mul3A_839, %add3A_840 : i32
    %dma_wait3A_842 = arith.constant 4 : i32
    %dma_wait3A_843 = arith.constant 4 : i32
    %dma_wait3A_844 = arith.constant 0 : i32
    %dma_wait3A_845 = arith.constant 0 : i32
    %dma_wait3A_846 = tpu.memref_slice %arg6[%dma_wait3A_842, %dma_wait3A_844, %dma_wait3A_845] : memref<6x128x32xf32, #tpu.memory_space<vmem>> -> memref<1x128x32xf32, #tpu.memory_space<vmem>>
    %dma_wait3A_847 = tpu.memref_squeeze %dma_wait3A_846 : memref<1x128x32xf32, #tpu.memory_space<vmem>> -> memref<128x32xf32, #tpu.memory_space<vmem>>
    %dma_wait3A_848 = arith.constant 0 : i32
    %dma_wait3A_849 = tpu.memref_slice %arg4[%add3A_841, %dma_wait3A_848] : memref<106496x32xf32, #tpu.memory_space<hbm>> -> memref<128x32xf32, #tpu.memory_space<hbm>>
    %dma_wait3A_850 = tpu.memref_slice %arg8[%dma_wait3A_843] : memref<6x!tpu.dma_semaphore, #tpu.memory_space<semaphore_mem>> -> memref<1x!tpu.dma_semaphore, #tpu.memory_space<semaphore_mem>>
    %dma_wait3A_851 = tpu.memref_squeeze %dma_wait3A_850 : memref<1x!tpu.dma_semaphore, #tpu.memory_space<semaphore_mem>> -> memref<!tpu.dma_semaphore, #tpu.memory_space<semaphore_mem>>
    %dma_wait3A_852 = arith.constant 0 : i32
    %dma_wait3A_853 = tpu.memref_slice %arg4[%add3A_841, %dma_wait3A_852] : memref<106496x32xf32, #tpu.memory_space<hbm>> -> memref<128x32xf32, #tpu.memory_space<hbm>>
    %dma_wait3A_854 = arith.constant 0 : i32
    %dma_wait3A_855 = arith.constant 0 : i32
    %dma_wait3A_856 = tpu.memref_slice %arg6[%dma_wait3A_842, %dma_wait3A_854, %dma_wait3A_855] : memref<6x128x32xf32, #tpu.memory_space<vmem>> -> memref<1x128x32xf32, #tpu.memory_space<vmem>>
    %dma_wait3A_857 = tpu.memref_squeeze %dma_wait3A_856 : memref<1x128x32xf32, #tpu.memory_space<vmem>> -> memref<128x32xf32, #tpu.memory_space<vmem>>
    tpu.wait_dma2 semaphore(%dma_wait3A_851 : memref<!tpu.dma_semaphore, #tpu.memory_space<semaphore_mem>>) src(%dma_wait3A_857 : memref<128x32xf32, #tpu.memory_space<vmem>>) dst(%dma_wait3A_853 : memref<128x32xf32, #tpu.memory_space<hbm>>)
    %dma_start3A_858 = arith.constant 4 : i32
    %dma_start3A_859 = arith.constant 4 : i32
    %dma_start3A_860 = arith.constant 0 : i32
    %dma_start3A_861 = arith.constant 0 : i32
    %dma_start3A_862 = tpu.memref_slice %arg6[%dma_start3A_858, %dma_start3A_860, %dma_start3A_861] : memref<6x128x32xf32, #tpu.memory_space<vmem>> -> memref<1x128x32xf32, #tpu.memory_space<vmem>>
    %dma_start3A_863 = tpu.memref_squeeze %dma_start3A_862 : memref<1x128x32xf32, #tpu.memory_space<vmem>> -> memref<128x32xf32, #tpu.memory_space<vmem>>
    %dma_start3A_864 = arith.constant 2048 : i32
    %dma_start3A_865 = tpu.memref_slice %arg5[%dma_start3A_864] : memref<3328xi32, #tpu.memory_space<vmem>> -> memref<128xi32, #tpu.memory_space<vmem>>
    %dma_start3A_866 = arith.constant 0 : i32
    %dma_start3A_867 = arith.constant 0 : i32
    %dma_start3A_868 = tpu.memref_slice %arg3[%dma_start3A_866, %dma_start3A_867] : memref<2600000x32xf32, #tpu.memory_space<hbm>> -> memref<2600000x32xf32, #tpu.memory_space<hbm>>
    %dma_start3A_869 = tpu.memref_slice %arg7[%dma_start3A_859] : memref<6x!tpu.dma_semaphore, #tpu.memory_space<semaphore_mem>> -> memref<1x!tpu.dma_semaphore, #tpu.memory_space<semaphore_mem>>
    %dma_start3A_870 = tpu.memref_squeeze %dma_start3A_869 : memref<1x!tpu.dma_semaphore, #tpu.memory_space<semaphore_mem>> -> memref<!tpu.dma_semaphore, #tpu.memory_space<semaphore_mem>>
    tpu.enqueue_indirect_dma source(%dma_start3A_868 : memref<2600000x32xf32, #tpu.memory_space<hbm>>) target(%dma_start3A_863 : memref<128x32xf32, #tpu.memory_space<vmem>>) offsets(%dma_start3A_865 : memref<128xi32, #tpu.memory_space<vmem>>) semaphore(%dma_start3A_870 : memref<!tpu.dma_semaphore, #tpu.memory_space<semaphore_mem>>)
    %dma_wait3A_871 = arith.constant 1 : i32
    %dma_wait3A_872 = arith.constant 1 : i32
    %dma_wait3A_873 = arith.constant 0 : i32
    %dma_wait3A_874 = arith.constant 0 : i32
    %dma_wait3A_875 = tpu.memref_slice %arg6[%dma_wait3A_871, %dma_wait3A_873, %dma_wait3A_874] : memref<6x128x32xf32, #tpu.memory_space<vmem>> -> memref<1x128x32xf32, #tpu.memory_space<vmem>>
    %dma_wait3A_876 = tpu.memref_squeeze %dma_wait3A_875 : memref<1x128x32xf32, #tpu.memory_space<vmem>> -> memref<128x32xf32, #tpu.memory_space<vmem>>
    %dma_wait3A_877 = arith.constant 1664 : i32
    %dma_wait3A_878 = tpu.memref_slice %arg5[%dma_wait3A_877] : memref<3328xi32, #tpu.memory_space<vmem>> -> memref<128xi32, #tpu.memory_space<vmem>>
    %dma_wait3A_879 = arith.constant 0 : i32
    %dma_wait3A_880 = arith.constant 0 : i32
    %dma_wait3A_881 = tpu.memref_slice %arg3[%dma_wait3A_879, %dma_wait3A_880] : memref<2600000x32xf32, #tpu.memory_space<hbm>> -> memref<2600000x32xf32, #tpu.memory_space<hbm>>
    %dma_wait3A_882 = tpu.memref_slice %arg7[%dma_wait3A_872] : memref<6x!tpu.dma_semaphore, #tpu.memory_space<semaphore_mem>> -> memref<1x!tpu.dma_semaphore, #tpu.memory_space<semaphore_mem>>
    %dma_wait3A_883 = tpu.memref_squeeze %dma_wait3A_882 : memref<1x!tpu.dma_semaphore, #tpu.memory_space<semaphore_mem>> -> memref<!tpu.dma_semaphore, #tpu.memory_space<semaphore_mem>>
    tpu.wait_indirect_dma semaphore(%dma_wait3A_883 : memref<!tpu.dma_semaphore, #tpu.memory_space<semaphore_mem>>) src(%dma_wait3A_881 : memref<2600000x32xf32, #tpu.memory_space<hbm>>) dst(%dma_wait3A_876 : memref<128x32xf32, #tpu.memory_space<vmem>>)
    %mul3A_884 = arith.constant 3328 : i32
    %mul3A_885 = arith.muli %add3A, %mul3A_884 : i32
    %add3A_886 = arith.constant 1664 : i32
    %add3A_887 = arith.addi %mul3A_885, %add3A_886 : i32
    %dma_start3A_888 = arith.constant 1 : i32
    %dma_start3A_889 = arith.constant 1 : i32
    %dma_start3A_890 = arith.constant 0 : i32
    %dma_start3A_891 = arith.constant 0 : i32
    %dma_start3A_892 = tpu.memref_slice %arg6[%dma_start3A_888, %dma_start3A_890, %dma_start3A_891] : memref<6x128x32xf32, #tpu.memory_space<vmem>> -> memref<1x128x32xf32, #tpu.memory_space<vmem>>
    %dma_start3A_893 = tpu.memref_squeeze %dma_start3A_892 : memref<1x128x32xf32, #tpu.memory_space<vmem>> -> memref<128x32xf32, #tpu.memory_space<vmem>>
    %dma_start3A_894 = arith.constant 0 : i32
    %dma_start3A_895 = tpu.memref_slice %arg4[%add3A_887, %dma_start3A_894] : memref<106496x32xf32, #tpu.memory_space<hbm>> -> memref<128x32xf32, #tpu.memory_space<hbm>>
    %dma_start3A_896 = tpu.memref_slice %arg8[%dma_start3A_889] : memref<6x!tpu.dma_semaphore, #tpu.memory_space<semaphore_mem>> -> memref<1x!tpu.dma_semaphore, #tpu.memory_space<semaphore_mem>>
    %dma_start3A_897 = tpu.memref_squeeze %dma_start3A_896 : memref<1x!tpu.dma_semaphore, #tpu.memory_space<semaphore_mem>> -> memref<!tpu.dma_semaphore, #tpu.memory_space<semaphore_mem>>
    %dma_start3A_898 = arith.constant 0 : i32
    %dma_start3A_899 = tpu.memref_slice %arg4[%add3A_887, %dma_start3A_898] : memref<106496x32xf32, #tpu.memory_space<hbm>> -> memref<128x32xf32, #tpu.memory_space<hbm>>
    %dma_start3A_900 = arith.constant 0 : i32
    %dma_start3A_901 = arith.constant 0 : i32
    %dma_start3A_902 = tpu.memref_slice %arg6[%dma_start3A_888, %dma_start3A_900, %dma_start3A_901] : memref<6x128x32xf32, #tpu.memory_space<vmem>> -> memref<1x128x32xf32, #tpu.memory_space<vmem>>
    %dma_start3A_903 = tpu.memref_squeeze %dma_start3A_902 : memref<1x128x32xf32, #tpu.memory_space<vmem>> -> memref<128x32xf32, #tpu.memory_space<vmem>>
    tpu.enqueue_dma source(%dma_start3A_903 : memref<128x32xf32, #tpu.memory_space<vmem>>) target(%dma_start3A_899 : memref<128x32xf32, #tpu.memory_space<hbm>>) target_semaphore(%dma_start3A_897 : memref<!tpu.dma_semaphore, #tpu.memory_space<semaphore_mem>>)
    %mul3A_904 = arith.constant 3328 : i32
    %mul3A_905 = arith.muli %add3A, %mul3A_904 : i32
    %add3A_906 = arith.constant 1408 : i32
    %add3A_907 = arith.addi %mul3A_905, %add3A_906 : i32
    %dma_wait3A_908 = arith.constant 5 : i32
    %dma_wait3A_909 = arith.constant 5 : i32
    %dma_wait3A_910 = arith.constant 0 : i32
    %dma_wait3A_911 = arith.constant 0 : i32
    %dma_wait3A_912 = tpu.memref_slice %arg6[%dma_wait3A_908, %dma_wait3A_910, %dma_wait3A_911] : memref<6x128x32xf32, #tpu.memory_space<vmem>> -> memref<1x128x32xf32, #tpu.memory_space<vmem>>
    %dma_wait3A_913 = tpu.memref_squeeze %dma_wait3A_912 : memref<1x128x32xf32, #tpu.memory_space<vmem>> -> memref<128x32xf32, #tpu.memory_space<vmem>>
    %dma_wait3A_914 = arith.constant 0 : i32
    %dma_wait3A_915 = tpu.memref_slice %arg4[%add3A_907, %dma_wait3A_914] : memref<106496x32xf32, #tpu.memory_space<hbm>> -> memref<128x32xf32, #tpu.memory_space<hbm>>
    %dma_wait3A_916 = tpu.memref_slice %arg8[%dma_wait3A_909] : memref<6x!tpu.dma_semaphore, #tpu.memory_space<semaphore_mem>> -> memref<1x!tpu.dma_semaphore, #tpu.memory_space<semaphore_mem>>
    %dma_wait3A_917 = tpu.memref_squeeze %dma_wait3A_916 : memref<1x!tpu.dma_semaphore, #tpu.memory_space<semaphore_mem>> -> memref<!tpu.dma_semaphore, #tpu.memory_space<semaphore_mem>>
    %dma_wait3A_918 = arith.constant 0 : i32
    %dma_wait3A_919 = tpu.memref_slice %arg4[%add3A_907, %dma_wait3A_918] : memref<106496x32xf32, #tpu.memory_space<hbm>> -> memref<128x32xf32, #tpu.memory_space<hbm>>
    %dma_wait3A_920 = arith.constant 0 : i32
    %dma_wait3A_921 = arith.constant 0 : i32
    %dma_wait3A_922 = tpu.memref_slice %arg6[%dma_wait3A_908, %dma_wait3A_920, %dma_wait3A_921] : memref<6x128x32xf32, #tpu.memory_space<vmem>> -> memref<1x128x32xf32, #tpu.memory_space<vmem>>
    %dma_wait3A_923 = tpu.memref_squeeze %dma_wait3A_922 : memref<1x128x32xf32, #tpu.memory_space<vmem>> -> memref<128x32xf32, #tpu.memory_space<vmem>>
    tpu.wait_dma2 semaphore(%dma_wait3A_917 : memref<!tpu.dma_semaphore, #tpu.memory_space<semaphore_mem>>) src(%dma_wait3A_923 : memref<128x32xf32, #tpu.memory_space<vmem>>) dst(%dma_wait3A_919 : memref<128x32xf32, #tpu.memory_space<hbm>>)
    %dma_start3A_924 = arith.constant 5 : i32
    %dma_start3A_925 = arith.constant 5 : i32
    %dma_start3A_926 = arith.constant 0 : i32
    %dma_start3A_927 = arith.constant 0 : i32
    %dma_start3A_928 = tpu.memref_slice %arg6[%dma_start3A_924, %dma_start3A_926, %dma_start3A_927] : memref<6x128x32xf32, #tpu.memory_space<vmem>> -> memref<1x128x32xf32, #tpu.memory_space<vmem>>
    %dma_start3A_929 = tpu.memref_squeeze %dma_start3A_928 : memref<1x128x32xf32, #tpu.memory_space<vmem>> -> memref<128x32xf32, #tpu.memory_space<vmem>>
    %dma_start3A_930 = arith.constant 2176 : i32
    %dma_start3A_931 = tpu.memref_slice %arg5[%dma_start3A_930] : memref<3328xi32, #tpu.memory_space<vmem>> -> memref<128xi32, #tpu.memory_space<vmem>>
    %dma_start3A_932 = arith.constant 0 : i32
    %dma_start3A_933 = arith.constant 0 : i32
    %dma_start3A_934 = tpu.memref_slice %arg3[%dma_start3A_932, %dma_start3A_933] : memref<2600000x32xf32, #tpu.memory_space<hbm>> -> memref<2600000x32xf32, #tpu.memory_space<hbm>>
    %dma_start3A_935 = tpu.memref_slice %arg7[%dma_start3A_925] : memref<6x!tpu.dma_semaphore, #tpu.memory_space<semaphore_mem>> -> memref<1x!tpu.dma_semaphore, #tpu.memory_space<semaphore_mem>>
    %dma_start3A_936 = tpu.memref_squeeze %dma_start3A_935 : memref<1x!tpu.dma_semaphore, #tpu.memory_space<semaphore_mem>> -> memref<!tpu.dma_semaphore, #tpu.memory_space<semaphore_mem>>
    tpu.enqueue_indirect_dma source(%dma_start3A_934 : memref<2600000x32xf32, #tpu.memory_space<hbm>>) target(%dma_start3A_929 : memref<128x32xf32, #tpu.memory_space<vmem>>) offsets(%dma_start3A_931 : memref<128xi32, #tpu.memory_space<vmem>>) semaphore(%dma_start3A_936 : memref<!tpu.dma_semaphore, #tpu.memory_space<semaphore_mem>>)
    %dma_wait3A_937 = arith.constant 2 : i32
    %dma_wait3A_938 = arith.constant 2 : i32
    %dma_wait3A_939 = arith.constant 0 : i32
    %dma_wait3A_940 = arith.constant 0 : i32
    %dma_wait3A_941 = tpu.memref_slice %arg6[%dma_wait3A_937, %dma_wait3A_939, %dma_wait3A_940] : memref<6x128x32xf32, #tpu.memory_space<vmem>> -> memref<1x128x32xf32, #tpu.memory_space<vmem>>
    %dma_wait3A_942 = tpu.memref_squeeze %dma_wait3A_941 : memref<1x128x32xf32, #tpu.memory_space<vmem>> -> memref<128x32xf32, #tpu.memory_space<vmem>>
    %dma_wait3A_943 = arith.constant 1792 : i32
    %dma_wait3A_944 = tpu.memref_slice %arg5[%dma_wait3A_943] : memref<3328xi32, #tpu.memory_space<vmem>> -> memref<128xi32, #tpu.memory_space<vmem>>
    %dma_wait3A_945 = arith.constant 0 : i32
    %dma_wait3A_946 = arith.constant 0 : i32
    %dma_wait3A_947 = tpu.memref_slice %arg3[%dma_wait3A_945, %dma_wait3A_946] : memref<2600000x32xf32, #tpu.memory_space<hbm>> -> memref<2600000x32xf32, #tpu.memory_space<hbm>>
    %dma_wait3A_948 = tpu.memref_slice %arg7[%dma_wait3A_938] : memref<6x!tpu.dma_semaphore, #tpu.memory_space<semaphore_mem>> -> memref<1x!tpu.dma_semaphore, #tpu.memory_space<semaphore_mem>>
    %dma_wait3A_949 = tpu.memref_squeeze %dma_wait3A_948 : memref<1x!tpu.dma_semaphore, #tpu.memory_space<semaphore_mem>> -> memref<!tpu.dma_semaphore, #tpu.memory_space<semaphore_mem>>
    tpu.wait_indirect_dma semaphore(%dma_wait3A_949 : memref<!tpu.dma_semaphore, #tpu.memory_space<semaphore_mem>>) src(%dma_wait3A_947 : memref<2600000x32xf32, #tpu.memory_space<hbm>>) dst(%dma_wait3A_942 : memref<128x32xf32, #tpu.memory_space<vmem>>)
    %mul3A_950 = arith.constant 3328 : i32
    %mul3A_951 = arith.muli %add3A, %mul3A_950 : i32
    %add3A_952 = arith.constant 1792 : i32
    %add3A_953 = arith.addi %mul3A_951, %add3A_952 : i32
    %dma_start3A_954 = arith.constant 2 : i32
    %dma_start3A_955 = arith.constant 2 : i32
    %dma_start3A_956 = arith.constant 0 : i32
    %dma_start3A_957 = arith.constant 0 : i32
    %dma_start3A_958 = tpu.memref_slice %arg6[%dma_start3A_954, %dma_start3A_956, %dma_start3A_957] : memref<6x128x32xf32, #tpu.memory_space<vmem>> -> memref<1x128x32xf32, #tpu.memory_space<vmem>>
    %dma_start3A_959 = tpu.memref_squeeze %dma_start3A_958 : memref<1x128x32xf32, #tpu.memory_space<vmem>> -> memref<128x32xf32, #tpu.memory_space<vmem>>
    %dma_start3A_960 = arith.constant 0 : i32
    %dma_start3A_961 = tpu.memref_slice %arg4[%add3A_953, %dma_start3A_960] : memref<106496x32xf32, #tpu.memory_space<hbm>> -> memref<128x32xf32, #tpu.memory_space<hbm>>
    %dma_start3A_962 = tpu.memref_slice %arg8[%dma_start3A_955] : memref<6x!tpu.dma_semaphore, #tpu.memory_space<semaphore_mem>> -> memref<1x!tpu.dma_semaphore, #tpu.memory_space<semaphore_mem>>
    %dma_start3A_963 = tpu.memref_squeeze %dma_start3A_962 : memref<1x!tpu.dma_semaphore, #tpu.memory_space<semaphore_mem>> -> memref<!tpu.dma_semaphore, #tpu.memory_space<semaphore_mem>>
    %dma_start3A_964 = arith.constant 0 : i32
    %dma_start3A_965 = tpu.memref_slice %arg4[%add3A_953, %dma_start3A_964] : memref<106496x32xf32, #tpu.memory_space<hbm>> -> memref<128x32xf32, #tpu.memory_space<hbm>>
    %dma_start3A_966 = arith.constant 0 : i32
    %dma_start3A_967 = arith.constant 0 : i32
    %dma_start3A_968 = tpu.memref_slice %arg6[%dma_start3A_954, %dma_start3A_966, %dma_start3A_967] : memref<6x128x32xf32, #tpu.memory_space<vmem>> -> memref<1x128x32xf32, #tpu.memory_space<vmem>>
    %dma_start3A_969 = tpu.memref_squeeze %dma_start3A_968 : memref<1x128x32xf32, #tpu.memory_space<vmem>> -> memref<128x32xf32, #tpu.memory_space<vmem>>
    tpu.enqueue_dma source(%dma_start3A_969 : memref<128x32xf32, #tpu.memory_space<vmem>>) target(%dma_start3A_965 : memref<128x32xf32, #tpu.memory_space<hbm>>) target_semaphore(%dma_start3A_963 : memref<!tpu.dma_semaphore, #tpu.memory_space<semaphore_mem>>)
    %mul3A_970 = arith.constant 3328 : i32
    %mul3A_971 = arith.muli %add3A, %mul3A_970 : i32
    %add3A_972 = arith.constant 1536 : i32
    %add3A_973 = arith.addi %mul3A_971, %add3A_972 : i32
    %dma_wait3A_974 = arith.constant 0 : i32
    %dma_wait3A_975 = arith.constant 0 : i32
    %dma_wait3A_976 = arith.constant 0 : i32
    %dma_wait3A_977 = arith.constant 0 : i32
    %dma_wait3A_978 = tpu.memref_slice %arg6[%dma_wait3A_974, %dma_wait3A_976, %dma_wait3A_977] : memref<6x128x32xf32, #tpu.memory_space<vmem>> -> memref<1x128x32xf32, #tpu.memory_space<vmem>>
    %dma_wait3A_979 = tpu.memref_squeeze %dma_wait3A_978 : memref<1x128x32xf32, #tpu.memory_space<vmem>> -> memref<128x32xf32, #tpu.memory_space<vmem>>
    %dma_wait3A_980 = arith.constant 0 : i32
    %dma_wait3A_981 = tpu.memref_slice %arg4[%add3A_973, %dma_wait3A_980] : memref<106496x32xf32, #tpu.memory_space<hbm>> -> memref<128x32xf32, #tpu.memory_space<hbm>>
    %dma_wait3A_982 = tpu.memref_slice %arg8[%dma_wait3A_975] : memref<6x!tpu.dma_semaphore, #tpu.memory_space<semaphore_mem>> -> memref<1x!tpu.dma_semaphore, #tpu.memory_space<semaphore_mem>>
    %dma_wait3A_983 = tpu.memref_squeeze %dma_wait3A_982 : memref<1x!tpu.dma_semaphore, #tpu.memory_space<semaphore_mem>> -> memref<!tpu.dma_semaphore, #tpu.memory_space<semaphore_mem>>
    %dma_wait3A_984 = arith.constant 0 : i32
    %dma_wait3A_985 = tpu.memref_slice %arg4[%add3A_973, %dma_wait3A_984] : memref<106496x32xf32, #tpu.memory_space<hbm>> -> memref<128x32xf32, #tpu.memory_space<hbm>>
    %dma_wait3A_986 = arith.constant 0 : i32
    %dma_wait3A_987 = arith.constant 0 : i32
    %dma_wait3A_988 = tpu.memref_slice %arg6[%dma_wait3A_974, %dma_wait3A_986, %dma_wait3A_987] : memref<6x128x32xf32, #tpu.memory_space<vmem>> -> memref<1x128x32xf32, #tpu.memory_space<vmem>>
    %dma_wait3A_989 = tpu.memref_squeeze %dma_wait3A_988 : memref<1x128x32xf32, #tpu.memory_space<vmem>> -> memref<128x32xf32, #tpu.memory_space<vmem>>
    tpu.wait_dma2 semaphore(%dma_wait3A_983 : memref<!tpu.dma_semaphore, #tpu.memory_space<semaphore_mem>>) src(%dma_wait3A_989 : memref<128x32xf32, #tpu.memory_space<vmem>>) dst(%dma_wait3A_985 : memref<128x32xf32, #tpu.memory_space<hbm>>)
    %dma_start3A_990 = arith.constant 0 : i32
    %dma_start3A_991 = arith.constant 0 : i32
    %dma_start3A_992 = arith.constant 0 : i32
    %dma_start3A_993 = arith.constant 0 : i32
    %dma_start3A_994 = tpu.memref_slice %arg6[%dma_start3A_990, %dma_start3A_992, %dma_start3A_993] : memref<6x128x32xf32, #tpu.memory_space<vmem>> -> memref<1x128x32xf32, #tpu.memory_space<vmem>>
    %dma_start3A_995 = tpu.memref_squeeze %dma_start3A_994 : memref<1x128x32xf32, #tpu.memory_space<vmem>> -> memref<128x32xf32, #tpu.memory_space<vmem>>
    %dma_start3A_996 = arith.constant 2304 : i32
    %dma_start3A_997 = tpu.memref_slice %arg5[%dma_start3A_996] : memref<3328xi32, #tpu.memory_space<vmem>> -> memref<128xi32, #tpu.memory_space<vmem>>
    %dma_start3A_998 = arith.constant 0 : i32
    %dma_start3A_999 = arith.constant 0 : i32
    %dma_start3A_1000 = tpu.memref_slice %arg3[%dma_start3A_998, %dma_start3A_999] : memref<2600000x32xf32, #tpu.memory_space<hbm>> -> memref<2600000x32xf32, #tpu.memory_space<hbm>>
    %dma_start3A_1001 = tpu.memref_slice %arg7[%dma_start3A_991] : memref<6x!tpu.dma_semaphore, #tpu.memory_space<semaphore_mem>> -> memref<1x!tpu.dma_semaphore, #tpu.memory_space<semaphore_mem>>
    %dma_start3A_1002 = tpu.memref_squeeze %dma_start3A_1001 : memref<1x!tpu.dma_semaphore, #tpu.memory_space<semaphore_mem>> -> memref<!tpu.dma_semaphore, #tpu.memory_space<semaphore_mem>>
    tpu.enqueue_indirect_dma source(%dma_start3A_1000 : memref<2600000x32xf32, #tpu.memory_space<hbm>>) target(%dma_start3A_995 : memref<128x32xf32, #tpu.memory_space<vmem>>) offsets(%dma_start3A_997 : memref<128xi32, #tpu.memory_space<vmem>>) semaphore(%dma_start3A_1002 : memref<!tpu.dma_semaphore, #tpu.memory_space<semaphore_mem>>)
    %dma_wait3A_1003 = arith.constant 3 : i32
    %dma_wait3A_1004 = arith.constant 3 : i32
    %dma_wait3A_1005 = arith.constant 0 : i32
    %dma_wait3A_1006 = arith.constant 0 : i32
    %dma_wait3A_1007 = tpu.memref_slice %arg6[%dma_wait3A_1003, %dma_wait3A_1005, %dma_wait3A_1006] : memref<6x128x32xf32, #tpu.memory_space<vmem>> -> memref<1x128x32xf32, #tpu.memory_space<vmem>>
    %dma_wait3A_1008 = tpu.memref_squeeze %dma_wait3A_1007 : memref<1x128x32xf32, #tpu.memory_space<vmem>> -> memref<128x32xf32, #tpu.memory_space<vmem>>
    %dma_wait3A_1009 = arith.constant 1920 : i32
    %dma_wait3A_1010 = tpu.memref_slice %arg5[%dma_wait3A_1009] : memref<3328xi32, #tpu.memory_space<vmem>> -> memref<128xi32, #tpu.memory_space<vmem>>
    %dma_wait3A_1011 = arith.constant 0 : i32
    %dma_wait3A_1012 = arith.constant 0 : i32
    %dma_wait3A_1013 = tpu.memref_slice %arg3[%dma_wait3A_1011, %dma_wait3A_1012] : memref<2600000x32xf32, #tpu.memory_space<hbm>> -> memref<2600000x32xf32, #tpu.memory_space<hbm>>
    %dma_wait3A_1014 = tpu.memref_slice %arg7[%dma_wait3A_1004] : memref<6x!tpu.dma_semaphore, #tpu.memory_space<semaphore_mem>> -> memref<1x!tpu.dma_semaphore, #tpu.memory_space<semaphore_mem>>
    %dma_wait3A_1015 = tpu.memref_squeeze %dma_wait3A_1014 : memref<1x!tpu.dma_semaphore, #tpu.memory_space<semaphore_mem>> -> memref<!tpu.dma_semaphore, #tpu.memory_space<semaphore_mem>>
    tpu.wait_indirect_dma semaphore(%dma_wait3A_1015 : memref<!tpu.dma_semaphore, #tpu.memory_space<semaphore_mem>>) src(%dma_wait3A_1013 : memref<2600000x32xf32, #tpu.memory_space<hbm>>) dst(%dma_wait3A_1008 : memref<128x32xf32, #tpu.memory_space<vmem>>)
    %mul3A_1016 = arith.constant 3328 : i32
    %mul3A_1017 = arith.muli %add3A, %mul3A_1016 : i32
    %add3A_1018 = arith.constant 1920 : i32
    %add3A_1019 = arith.addi %mul3A_1017, %add3A_1018 : i32
    %dma_start3A_1020 = arith.constant 3 : i32
    %dma_start3A_1021 = arith.constant 3 : i32
    %dma_start3A_1022 = arith.constant 0 : i32
    %dma_start3A_1023 = arith.constant 0 : i32
    %dma_start3A_1024 = tpu.memref_slice %arg6[%dma_start3A_1020, %dma_start3A_1022, %dma_start3A_1023] : memref<6x128x32xf32, #tpu.memory_space<vmem>> -> memref<1x128x32xf32, #tpu.memory_space<vmem>>
    %dma_start3A_1025 = tpu.memref_squeeze %dma_start3A_1024 : memref<1x128x32xf32, #tpu.memory_space<vmem>> -> memref<128x32xf32, #tpu.memory_space<vmem>>
    %dma_start3A_1026 = arith.constant 0 : i32
    %dma_start3A_1027 = tpu.memref_slice %arg4[%add3A_1019, %dma_start3A_1026] : memref<106496x32xf32, #tpu.memory_space<hbm>> -> memref<128x32xf32, #tpu.memory_space<hbm>>
    %dma_start3A_1028 = tpu.memref_slice %arg8[%dma_start3A_1021] : memref<6x!tpu.dma_semaphore, #tpu.memory_space<semaphore_mem>> -> memref<1x!tpu.dma_semaphore, #tpu.memory_space<semaphore_mem>>
    %dma_start3A_1029 = tpu.memref_squeeze %dma_start3A_1028 : memref<1x!tpu.dma_semaphore, #tpu.memory_space<semaphore_mem>> -> memref<!tpu.dma_semaphore, #tpu.memory_space<semaphore_mem>>
    %dma_start3A_1030 = arith.constant 0 : i32
    %dma_start3A_1031 = tpu.memref_slice %arg4[%add3A_1019, %dma_start3A_1030] : memref<106496x32xf32, #tpu.memory_space<hbm>> -> memref<128x32xf32, #tpu.memory_space<hbm>>
    %dma_start3A_1032 = arith.constant 0 : i32
    %dma_start3A_1033 = arith.constant 0 : i32
    %dma_start3A_1034 = tpu.memref_slice %arg6[%dma_start3A_1020, %dma_start3A_1032, %dma_start3A_1033] : memref<6x128x32xf32, #tpu.memory_space<vmem>> -> memref<1x128x32xf32, #tpu.memory_space<vmem>>
    %dma_start3A_1035 = tpu.memref_squeeze %dma_start3A_1034 : memref<1x128x32xf32, #tpu.memory_space<vmem>> -> memref<128x32xf32, #tpu.memory_space<vmem>>
    tpu.enqueue_dma source(%dma_start3A_1035 : memref<128x32xf32, #tpu.memory_space<vmem>>) target(%dma_start3A_1031 : memref<128x32xf32, #tpu.memory_space<hbm>>) target_semaphore(%dma_start3A_1029 : memref<!tpu.dma_semaphore, #tpu.memory_space<semaphore_mem>>)
    %mul3A_1036 = arith.constant 3328 : i32
    %mul3A_1037 = arith.muli %add3A, %mul3A_1036 : i32
    %add3A_1038 = arith.constant 1664 : i32
    %add3A_1039 = arith.addi %mul3A_1037, %add3A_1038 : i32
    %dma_wait3A_1040 = arith.constant 1 : i32
    %dma_wait3A_1041 = arith.constant 1 : i32
    %dma_wait3A_1042 = arith.constant 0 : i32
    %dma_wait3A_1043 = arith.constant 0 : i32
    %dma_wait3A_1044 = tpu.memref_slice %arg6[%dma_wait3A_1040, %dma_wait3A_1042, %dma_wait3A_1043] : memref<6x128x32xf32, #tpu.memory_space<vmem>> -> memref<1x128x32xf32, #tpu.memory_space<vmem>>
    %dma_wait3A_1045 = tpu.memref_squeeze %dma_wait3A_1044 : memref<1x128x32xf32, #tpu.memory_space<vmem>> -> memref<128x32xf32, #tpu.memory_space<vmem>>
    %dma_wait3A_1046 = arith.constant 0 : i32
    %dma_wait3A_1047 = tpu.memref_slice %arg4[%add3A_1039, %dma_wait3A_1046] : memref<106496x32xf32, #tpu.memory_space<hbm>> -> memref<128x32xf32, #tpu.memory_space<hbm>>
    %dma_wait3A_1048 = tpu.memref_slice %arg8[%dma_wait3A_1041] : memref<6x!tpu.dma_semaphore, #tpu.memory_space<semaphore_mem>> -> memref<1x!tpu.dma_semaphore, #tpu.memory_space<semaphore_mem>>
    %dma_wait3A_1049 = tpu.memref_squeeze %dma_wait3A_1048 : memref<1x!tpu.dma_semaphore, #tpu.memory_space<semaphore_mem>> -> memref<!tpu.dma_semaphore, #tpu.memory_space<semaphore_mem>>
    %dma_wait3A_1050 = arith.constant 0 : i32
    %dma_wait3A_1051 = tpu.memref_slice %arg4[%add3A_1039, %dma_wait3A_1050] : memref<106496x32xf32, #tpu.memory_space<hbm>> -> memref<128x32xf32, #tpu.memory_space<hbm>>
    %dma_wait3A_1052 = arith.constant 0 : i32
    %dma_wait3A_1053 = arith.constant 0 : i32
    %dma_wait3A_1054 = tpu.memref_slice %arg6[%dma_wait3A_1040, %dma_wait3A_1052, %dma_wait3A_1053] : memref<6x128x32xf32, #tpu.memory_space<vmem>> -> memref<1x128x32xf32, #tpu.memory_space<vmem>>
    %dma_wait3A_1055 = tpu.memref_squeeze %dma_wait3A_1054 : memref<1x128x32xf32, #tpu.memory_space<vmem>> -> memref<128x32xf32, #tpu.memory_space<vmem>>
    tpu.wait_dma2 semaphore(%dma_wait3A_1049 : memref<!tpu.dma_semaphore, #tpu.memory_space<semaphore_mem>>) src(%dma_wait3A_1055 : memref<128x32xf32, #tpu.memory_space<vmem>>) dst(%dma_wait3A_1051 : memref<128x32xf32, #tpu.memory_space<hbm>>)
    %dma_start3A_1056 = arith.constant 1 : i32
    %dma_start3A_1057 = arith.constant 1 : i32
    %dma_start3A_1058 = arith.constant 0 : i32
    %dma_start3A_1059 = arith.constant 0 : i32
    %dma_start3A_1060 = tpu.memref_slice %arg6[%dma_start3A_1056, %dma_start3A_1058, %dma_start3A_1059] : memref<6x128x32xf32, #tpu.memory_space<vmem>> -> memref<1x128x32xf32, #tpu.memory_space<vmem>>
    %dma_start3A_1061 = tpu.memref_squeeze %dma_start3A_1060 : memref<1x128x32xf32, #tpu.memory_space<vmem>> -> memref<128x32xf32, #tpu.memory_space<vmem>>
    %dma_start3A_1062 = arith.constant 2432 : i32
    %dma_start3A_1063 = tpu.memref_slice %arg5[%dma_start3A_1062] : memref<3328xi32, #tpu.memory_space<vmem>> -> memref<128xi32, #tpu.memory_space<vmem>>
    %dma_start3A_1064 = arith.constant 0 : i32
    %dma_start3A_1065 = arith.constant 0 : i32
    %dma_start3A_1066 = tpu.memref_slice %arg3[%dma_start3A_1064, %dma_start3A_1065] : memref<2600000x32xf32, #tpu.memory_space<hbm>> -> memref<2600000x32xf32, #tpu.memory_space<hbm>>
    %dma_start3A_1067 = tpu.memref_slice %arg7[%dma_start3A_1057] : memref<6x!tpu.dma_semaphore, #tpu.memory_space<semaphore_mem>> -> memref<1x!tpu.dma_semaphore, #tpu.memory_space<semaphore_mem>>
    %dma_start3A_1068 = tpu.memref_squeeze %dma_start3A_1067 : memref<1x!tpu.dma_semaphore, #tpu.memory_space<semaphore_mem>> -> memref<!tpu.dma_semaphore, #tpu.memory_space<semaphore_mem>>
    tpu.enqueue_indirect_dma source(%dma_start3A_1066 : memref<2600000x32xf32, #tpu.memory_space<hbm>>) target(%dma_start3A_1061 : memref<128x32xf32, #tpu.memory_space<vmem>>) offsets(%dma_start3A_1063 : memref<128xi32, #tpu.memory_space<vmem>>) semaphore(%dma_start3A_1068 : memref<!tpu.dma_semaphore, #tpu.memory_space<semaphore_mem>>)
    %dma_wait3A_1069 = arith.constant 4 : i32
    %dma_wait3A_1070 = arith.constant 4 : i32
    %dma_wait3A_1071 = arith.constant 0 : i32
    %dma_wait3A_1072 = arith.constant 0 : i32
    %dma_wait3A_1073 = tpu.memref_slice %arg6[%dma_wait3A_1069, %dma_wait3A_1071, %dma_wait3A_1072] : memref<6x128x32xf32, #tpu.memory_space<vmem>> -> memref<1x128x32xf32, #tpu.memory_space<vmem>>
    %dma_wait3A_1074 = tpu.memref_squeeze %dma_wait3A_1073 : memref<1x128x32xf32, #tpu.memory_space<vmem>> -> memref<128x32xf32, #tpu.memory_space<vmem>>
    %dma_wait3A_1075 = arith.constant 2048 : i32
    %dma_wait3A_1076 = tpu.memref_slice %arg5[%dma_wait3A_1075] : memref<3328xi32, #tpu.memory_space<vmem>> -> memref<128xi32, #tpu.memory_space<vmem>>
    %dma_wait3A_1077 = arith.constant 0 : i32
    %dma_wait3A_1078 = arith.constant 0 : i32
    %dma_wait3A_1079 = tpu.memref_slice %arg3[%dma_wait3A_1077, %dma_wait3A_1078] : memref<2600000x32xf32, #tpu.memory_space<hbm>> -> memref<2600000x32xf32, #tpu.memory_space<hbm>>
    %dma_wait3A_1080 = tpu.memref_slice %arg7[%dma_wait3A_1070] : memref<6x!tpu.dma_semaphore, #tpu.memory_space<semaphore_mem>> -> memref<1x!tpu.dma_semaphore, #tpu.memory_space<semaphore_mem>>
    %dma_wait3A_1081 = tpu.memref_squeeze %dma_wait3A_1080 : memref<1x!tpu.dma_semaphore, #tpu.memory_space<semaphore_mem>> -> memref<!tpu.dma_semaphore, #tpu.memory_space<semaphore_mem>>
    tpu.wait_indirect_dma semaphore(%dma_wait3A_1081 : memref<!tpu.dma_semaphore, #tpu.memory_space<semaphore_mem>>) src(%dma_wait3A_1079 : memref<2600000x32xf32, #tpu.memory_space<hbm>>) dst(%dma_wait3A_1074 : memref<128x32xf32, #tpu.memory_space<vmem>>)
    %mul3A_1082 = arith.constant 3328 : i32
    %mul3A_1083 = arith.muli %add3A, %mul3A_1082 : i32
    %add3A_1084 = arith.constant 2048 : i32
    %add3A_1085 = arith.addi %mul3A_1083, %add3A_1084 : i32
    %dma_start3A_1086 = arith.constant 4 : i32
    %dma_start3A_1087 = arith.constant 4 : i32
    %dma_start3A_1088 = arith.constant 0 : i32
    %dma_start3A_1089 = arith.constant 0 : i32
    %dma_start3A_1090 = tpu.memref_slice %arg6[%dma_start3A_1086, %dma_start3A_1088, %dma_start3A_1089] : memref<6x128x32xf32, #tpu.memory_space<vmem>> -> memref<1x128x32xf32, #tpu.memory_space<vmem>>
    %dma_start3A_1091 = tpu.memref_squeeze %dma_start3A_1090 : memref<1x128x32xf32, #tpu.memory_space<vmem>> -> memref<128x32xf32, #tpu.memory_space<vmem>>
    %dma_start3A_1092 = arith.constant 0 : i32
    %dma_start3A_1093 = tpu.memref_slice %arg4[%add3A_1085, %dma_start3A_1092] : memref<106496x32xf32, #tpu.memory_space<hbm>> -> memref<128x32xf32, #tpu.memory_space<hbm>>
    %dma_start3A_1094 = tpu.memref_slice %arg8[%dma_start3A_1087] : memref<6x!tpu.dma_semaphore, #tpu.memory_space<semaphore_mem>> -> memref<1x!tpu.dma_semaphore, #tpu.memory_space<semaphore_mem>>
    %dma_start3A_1095 = tpu.memref_squeeze %dma_start3A_1094 : memref<1x!tpu.dma_semaphore, #tpu.memory_space<semaphore_mem>> -> memref<!tpu.dma_semaphore, #tpu.memory_space<semaphore_mem>>
    %dma_start3A_1096 = arith.constant 0 : i32
    %dma_start3A_1097 = tpu.memref_slice %arg4[%add3A_1085, %dma_start3A_1096] : memref<106496x32xf32, #tpu.memory_space<hbm>> -> memref<128x32xf32, #tpu.memory_space<hbm>>
    %dma_start3A_1098 = arith.constant 0 : i32
    %dma_start3A_1099 = arith.constant 0 : i32
    %dma_start3A_1100 = tpu.memref_slice %arg6[%dma_start3A_1086, %dma_start3A_1098, %dma_start3A_1099] : memref<6x128x32xf32, #tpu.memory_space<vmem>> -> memref<1x128x32xf32, #tpu.memory_space<vmem>>
    %dma_start3A_1101 = tpu.memref_squeeze %dma_start3A_1100 : memref<1x128x32xf32, #tpu.memory_space<vmem>> -> memref<128x32xf32, #tpu.memory_space<vmem>>
    tpu.enqueue_dma source(%dma_start3A_1101 : memref<128x32xf32, #tpu.memory_space<vmem>>) target(%dma_start3A_1097 : memref<128x32xf32, #tpu.memory_space<hbm>>) target_semaphore(%dma_start3A_1095 : memref<!tpu.dma_semaphore, #tpu.memory_space<semaphore_mem>>)
    %mul3A_1102 = arith.constant 3328 : i32
    %mul3A_1103 = arith.muli %add3A, %mul3A_1102 : i32
    %add3A_1104 = arith.constant 1792 : i32
    %add3A_1105 = arith.addi %mul3A_1103, %add3A_1104 : i32
    %dma_wait3A_1106 = arith.constant 2 : i32
    %dma_wait3A_1107 = arith.constant 2 : i32
    %dma_wait3A_1108 = arith.constant 0 : i32
    %dma_wait3A_1109 = arith.constant 0 : i32
    %dma_wait3A_1110 = tpu.memref_slice %arg6[%dma_wait3A_1106, %dma_wait3A_1108, %dma_wait3A_1109] : memref<6x128x32xf32, #tpu.memory_space<vmem>> -> memref<1x128x32xf32, #tpu.memory_space<vmem>>
    %dma_wait3A_1111 = tpu.memref_squeeze %dma_wait3A_1110 : memref<1x128x32xf32, #tpu.memory_space<vmem>> -> memref<128x32xf32, #tpu.memory_space<vmem>>
    %dma_wait3A_1112 = arith.constant 0 : i32
    %dma_wait3A_1113 = tpu.memref_slice %arg4[%add3A_1105, %dma_wait3A_1112] : memref<106496x32xf32, #tpu.memory_space<hbm>> -> memref<128x32xf32, #tpu.memory_space<hbm>>
    %dma_wait3A_1114 = tpu.memref_slice %arg8[%dma_wait3A_1107] : memref<6x!tpu.dma_semaphore, #tpu.memory_space<semaphore_mem>> -> memref<1x!tpu.dma_semaphore, #tpu.memory_space<semaphore_mem>>
    %dma_wait3A_1115 = tpu.memref_squeeze %dma_wait3A_1114 : memref<1x!tpu.dma_semaphore, #tpu.memory_space<semaphore_mem>> -> memref<!tpu.dma_semaphore, #tpu.memory_space<semaphore_mem>>
    %dma_wait3A_1116 = arith.constant 0 : i32
    %dma_wait3A_1117 = tpu.memref_slice %arg4[%add3A_1105, %dma_wait3A_1116] : memref<106496x32xf32, #tpu.memory_space<hbm>> -> memref<128x32xf32, #tpu.memory_space<hbm>>
    %dma_wait3A_1118 = arith.constant 0 : i32
    %dma_wait3A_1119 = arith.constant 0 : i32
    %dma_wait3A_1120 = tpu.memref_slice %arg6[%dma_wait3A_1106, %dma_wait3A_1118, %dma_wait3A_1119] : memref<6x128x32xf32, #tpu.memory_space<vmem>> -> memref<1x128x32xf32, #tpu.memory_space<vmem>>
    %dma_wait3A_1121 = tpu.memref_squeeze %dma_wait3A_1120 : memref<1x128x32xf32, #tpu.memory_space<vmem>> -> memref<128x32xf32, #tpu.memory_space<vmem>>
    tpu.wait_dma2 semaphore(%dma_wait3A_1115 : memref<!tpu.dma_semaphore, #tpu.memory_space<semaphore_mem>>) src(%dma_wait3A_1121 : memref<128x32xf32, #tpu.memory_space<vmem>>) dst(%dma_wait3A_1117 : memref<128x32xf32, #tpu.memory_space<hbm>>)
    %dma_start3A_1122 = arith.constant 2 : i32
    %dma_start3A_1123 = arith.constant 2 : i32
    %dma_start3A_1124 = arith.constant 0 : i32
    %dma_start3A_1125 = arith.constant 0 : i32
    %dma_start3A_1126 = tpu.memref_slice %arg6[%dma_start3A_1122, %dma_start3A_1124, %dma_start3A_1125] : memref<6x128x32xf32, #tpu.memory_space<vmem>> -> memref<1x128x32xf32, #tpu.memory_space<vmem>>
    %dma_start3A_1127 = tpu.memref_squeeze %dma_start3A_1126 : memref<1x128x32xf32, #tpu.memory_space<vmem>> -> memref<128x32xf32, #tpu.memory_space<vmem>>
    %dma_start3A_1128 = arith.constant 2560 : i32
    %dma_start3A_1129 = tpu.memref_slice %arg5[%dma_start3A_1128] : memref<3328xi32, #tpu.memory_space<vmem>> -> memref<128xi32, #tpu.memory_space<vmem>>
    %dma_start3A_1130 = arith.constant 0 : i32
    %dma_start3A_1131 = arith.constant 0 : i32
    %dma_start3A_1132 = tpu.memref_slice %arg3[%dma_start3A_1130, %dma_start3A_1131] : memref<2600000x32xf32, #tpu.memory_space<hbm>> -> memref<2600000x32xf32, #tpu.memory_space<hbm>>
    %dma_start3A_1133 = tpu.memref_slice %arg7[%dma_start3A_1123] : memref<6x!tpu.dma_semaphore, #tpu.memory_space<semaphore_mem>> -> memref<1x!tpu.dma_semaphore, #tpu.memory_space<semaphore_mem>>
    %dma_start3A_1134 = tpu.memref_squeeze %dma_start3A_1133 : memref<1x!tpu.dma_semaphore, #tpu.memory_space<semaphore_mem>> -> memref<!tpu.dma_semaphore, #tpu.memory_space<semaphore_mem>>
    tpu.enqueue_indirect_dma source(%dma_start3A_1132 : memref<2600000x32xf32, #tpu.memory_space<hbm>>) target(%dma_start3A_1127 : memref<128x32xf32, #tpu.memory_space<vmem>>) offsets(%dma_start3A_1129 : memref<128xi32, #tpu.memory_space<vmem>>) semaphore(%dma_start3A_1134 : memref<!tpu.dma_semaphore, #tpu.memory_space<semaphore_mem>>)
    %dma_wait3A_1135 = arith.constant 5 : i32
    %dma_wait3A_1136 = arith.constant 5 : i32
    %dma_wait3A_1137 = arith.constant 0 : i32
    %dma_wait3A_1138 = arith.constant 0 : i32
    %dma_wait3A_1139 = tpu.memref_slice %arg6[%dma_wait3A_1135, %dma_wait3A_1137, %dma_wait3A_1138] : memref<6x128x32xf32, #tpu.memory_space<vmem>> -> memref<1x128x32xf32, #tpu.memory_space<vmem>>
    %dma_wait3A_1140 = tpu.memref_squeeze %dma_wait3A_1139 : memref<1x128x32xf32, #tpu.memory_space<vmem>> -> memref<128x32xf32, #tpu.memory_space<vmem>>
    %dma_wait3A_1141 = arith.constant 2176 : i32
    %dma_wait3A_1142 = tpu.memref_slice %arg5[%dma_wait3A_1141] : memref<3328xi32, #tpu.memory_space<vmem>> -> memref<128xi32, #tpu.memory_space<vmem>>
    %dma_wait3A_1143 = arith.constant 0 : i32
    %dma_wait3A_1144 = arith.constant 0 : i32
    %dma_wait3A_1145 = tpu.memref_slice %arg3[%dma_wait3A_1143, %dma_wait3A_1144] : memref<2600000x32xf32, #tpu.memory_space<hbm>> -> memref<2600000x32xf32, #tpu.memory_space<hbm>>
    %dma_wait3A_1146 = tpu.memref_slice %arg7[%dma_wait3A_1136] : memref<6x!tpu.dma_semaphore, #tpu.memory_space<semaphore_mem>> -> memref<1x!tpu.dma_semaphore, #tpu.memory_space<semaphore_mem>>
    %dma_wait3A_1147 = tpu.memref_squeeze %dma_wait3A_1146 : memref<1x!tpu.dma_semaphore, #tpu.memory_space<semaphore_mem>> -> memref<!tpu.dma_semaphore, #tpu.memory_space<semaphore_mem>>
    tpu.wait_indirect_dma semaphore(%dma_wait3A_1147 : memref<!tpu.dma_semaphore, #tpu.memory_space<semaphore_mem>>) src(%dma_wait3A_1145 : memref<2600000x32xf32, #tpu.memory_space<hbm>>) dst(%dma_wait3A_1140 : memref<128x32xf32, #tpu.memory_space<vmem>>)
    %mul3A_1148 = arith.constant 3328 : i32
    %mul3A_1149 = arith.muli %add3A, %mul3A_1148 : i32
    %add3A_1150 = arith.constant 2176 : i32
    %add3A_1151 = arith.addi %mul3A_1149, %add3A_1150 : i32
    %dma_start3A_1152 = arith.constant 5 : i32
    %dma_start3A_1153 = arith.constant 5 : i32
    %dma_start3A_1154 = arith.constant 0 : i32
    %dma_start3A_1155 = arith.constant 0 : i32
    %dma_start3A_1156 = tpu.memref_slice %arg6[%dma_start3A_1152, %dma_start3A_1154, %dma_start3A_1155] : memref<6x128x32xf32, #tpu.memory_space<vmem>> -> memref<1x128x32xf32, #tpu.memory_space<vmem>>
    %dma_start3A_1157 = tpu.memref_squeeze %dma_start3A_1156 : memref<1x128x32xf32, #tpu.memory_space<vmem>> -> memref<128x32xf32, #tpu.memory_space<vmem>>
    %dma_start3A_1158 = arith.constant 0 : i32
    %dma_start3A_1159 = tpu.memref_slice %arg4[%add3A_1151, %dma_start3A_1158] : memref<106496x32xf32, #tpu.memory_space<hbm>> -> memref<128x32xf32, #tpu.memory_space<hbm>>
    %dma_start3A_1160 = tpu.memref_slice %arg8[%dma_start3A_1153] : memref<6x!tpu.dma_semaphore, #tpu.memory_space<semaphore_mem>> -> memref<1x!tpu.dma_semaphore, #tpu.memory_space<semaphore_mem>>
    %dma_start3A_1161 = tpu.memref_squeeze %dma_start3A_1160 : memref<1x!tpu.dma_semaphore, #tpu.memory_space<semaphore_mem>> -> memref<!tpu.dma_semaphore, #tpu.memory_space<semaphore_mem>>
    %dma_start3A_1162 = arith.constant 0 : i32
    %dma_start3A_1163 = tpu.memref_slice %arg4[%add3A_1151, %dma_start3A_1162] : memref<106496x32xf32, #tpu.memory_space<hbm>> -> memref<128x32xf32, #tpu.memory_space<hbm>>
    %dma_start3A_1164 = arith.constant 0 : i32
    %dma_start3A_1165 = arith.constant 0 : i32
    %dma_start3A_1166 = tpu.memref_slice %arg6[%dma_start3A_1152, %dma_start3A_1164, %dma_start3A_1165] : memref<6x128x32xf32, #tpu.memory_space<vmem>> -> memref<1x128x32xf32, #tpu.memory_space<vmem>>
    %dma_start3A_1167 = tpu.memref_squeeze %dma_start3A_1166 : memref<1x128x32xf32, #tpu.memory_space<vmem>> -> memref<128x32xf32, #tpu.memory_space<vmem>>
    tpu.enqueue_dma source(%dma_start3A_1167 : memref<128x32xf32, #tpu.memory_space<vmem>>) target(%dma_start3A_1163 : memref<128x32xf32, #tpu.memory_space<hbm>>) target_semaphore(%dma_start3A_1161 : memref<!tpu.dma_semaphore, #tpu.memory_space<semaphore_mem>>)
    %mul3A_1168 = arith.constant 3328 : i32
    %mul3A_1169 = arith.muli %add3A, %mul3A_1168 : i32
    %add3A_1170 = arith.constant 1920 : i32
    %add3A_1171 = arith.addi %mul3A_1169, %add3A_1170 : i32
    %dma_wait3A_1172 = arith.constant 3 : i32
    %dma_wait3A_1173 = arith.constant 3 : i32
    %dma_wait3A_1174 = arith.constant 0 : i32
    %dma_wait3A_1175 = arith.constant 0 : i32
    %dma_wait3A_1176 = tpu.memref_slice %arg6[%dma_wait3A_1172, %dma_wait3A_1174, %dma_wait3A_1175] : memref<6x128x32xf32, #tpu.memory_space<vmem>> -> memref<1x128x32xf32, #tpu.memory_space<vmem>>
    %dma_wait3A_1177 = tpu.memref_squeeze %dma_wait3A_1176 : memref<1x128x32xf32, #tpu.memory_space<vmem>> -> memref<128x32xf32, #tpu.memory_space<vmem>>
    %dma_wait3A_1178 = arith.constant 0 : i32
    %dma_wait3A_1179 = tpu.memref_slice %arg4[%add3A_1171, %dma_wait3A_1178] : memref<106496x32xf32, #tpu.memory_space<hbm>> -> memref<128x32xf32, #tpu.memory_space<hbm>>
    %dma_wait3A_1180 = tpu.memref_slice %arg8[%dma_wait3A_1173] : memref<6x!tpu.dma_semaphore, #tpu.memory_space<semaphore_mem>> -> memref<1x!tpu.dma_semaphore, #tpu.memory_space<semaphore_mem>>
    %dma_wait3A_1181 = tpu.memref_squeeze %dma_wait3A_1180 : memref<1x!tpu.dma_semaphore, #tpu.memory_space<semaphore_mem>> -> memref<!tpu.dma_semaphore, #tpu.memory_space<semaphore_mem>>
    %dma_wait3A_1182 = arith.constant 0 : i32
    %dma_wait3A_1183 = tpu.memref_slice %arg4[%add3A_1171, %dma_wait3A_1182] : memref<106496x32xf32, #tpu.memory_space<hbm>> -> memref<128x32xf32, #tpu.memory_space<hbm>>
    %dma_wait3A_1184 = arith.constant 0 : i32
    %dma_wait3A_1185 = arith.constant 0 : i32
    %dma_wait3A_1186 = tpu.memref_slice %arg6[%dma_wait3A_1172, %dma_wait3A_1184, %dma_wait3A_1185] : memref<6x128x32xf32, #tpu.memory_space<vmem>> -> memref<1x128x32xf32, #tpu.memory_space<vmem>>
    %dma_wait3A_1187 = tpu.memref_squeeze %dma_wait3A_1186 : memref<1x128x32xf32, #tpu.memory_space<vmem>> -> memref<128x32xf32, #tpu.memory_space<vmem>>
    tpu.wait_dma2 semaphore(%dma_wait3A_1181 : memref<!tpu.dma_semaphore, #tpu.memory_space<semaphore_mem>>) src(%dma_wait3A_1187 : memref<128x32xf32, #tpu.memory_space<vmem>>) dst(%dma_wait3A_1183 : memref<128x32xf32, #tpu.memory_space<hbm>>)
    %dma_start3A_1188 = arith.constant 3 : i32
    %dma_start3A_1189 = arith.constant 3 : i32
    %dma_start3A_1190 = arith.constant 0 : i32
    %dma_start3A_1191 = arith.constant 0 : i32
    %dma_start3A_1192 = tpu.memref_slice %arg6[%dma_start3A_1188, %dma_start3A_1190, %dma_start3A_1191] : memref<6x128x32xf32, #tpu.memory_space<vmem>> -> memref<1x128x32xf32, #tpu.memory_space<vmem>>
    %dma_start3A_1193 = tpu.memref_squeeze %dma_start3A_1192 : memref<1x128x32xf32, #tpu.memory_space<vmem>> -> memref<128x32xf32, #tpu.memory_space<vmem>>
    %dma_start3A_1194 = arith.constant 2688 : i32
    %dma_start3A_1195 = tpu.memref_slice %arg5[%dma_start3A_1194] : memref<3328xi32, #tpu.memory_space<vmem>> -> memref<128xi32, #tpu.memory_space<vmem>>
    %dma_start3A_1196 = arith.constant 0 : i32
    %dma_start3A_1197 = arith.constant 0 : i32
    %dma_start3A_1198 = tpu.memref_slice %arg3[%dma_start3A_1196, %dma_start3A_1197] : memref<2600000x32xf32, #tpu.memory_space<hbm>> -> memref<2600000x32xf32, #tpu.memory_space<hbm>>
    %dma_start3A_1199 = tpu.memref_slice %arg7[%dma_start3A_1189] : memref<6x!tpu.dma_semaphore, #tpu.memory_space<semaphore_mem>> -> memref<1x!tpu.dma_semaphore, #tpu.memory_space<semaphore_mem>>
    %dma_start3A_1200 = tpu.memref_squeeze %dma_start3A_1199 : memref<1x!tpu.dma_semaphore, #tpu.memory_space<semaphore_mem>> -> memref<!tpu.dma_semaphore, #tpu.memory_space<semaphore_mem>>
    tpu.enqueue_indirect_dma source(%dma_start3A_1198 : memref<2600000x32xf32, #tpu.memory_space<hbm>>) target(%dma_start3A_1193 : memref<128x32xf32, #tpu.memory_space<vmem>>) offsets(%dma_start3A_1195 : memref<128xi32, #tpu.memory_space<vmem>>) semaphore(%dma_start3A_1200 : memref<!tpu.dma_semaphore, #tpu.memory_space<semaphore_mem>>)
    %dma_wait3A_1201 = arith.constant 0 : i32
    %dma_wait3A_1202 = arith.constant 0 : i32
    %dma_wait3A_1203 = arith.constant 0 : i32
    %dma_wait3A_1204 = arith.constant 0 : i32
    %dma_wait3A_1205 = tpu.memref_slice %arg6[%dma_wait3A_1201, %dma_wait3A_1203, %dma_wait3A_1204] : memref<6x128x32xf32, #tpu.memory_space<vmem>> -> memref<1x128x32xf32, #tpu.memory_space<vmem>>
    %dma_wait3A_1206 = tpu.memref_squeeze %dma_wait3A_1205 : memref<1x128x32xf32, #tpu.memory_space<vmem>> -> memref<128x32xf32, #tpu.memory_space<vmem>>
    %dma_wait3A_1207 = arith.constant 2304 : i32
    %dma_wait3A_1208 = tpu.memref_slice %arg5[%dma_wait3A_1207] : memref<3328xi32, #tpu.memory_space<vmem>> -> memref<128xi32, #tpu.memory_space<vmem>>
    %dma_wait3A_1209 = arith.constant 0 : i32
    %dma_wait3A_1210 = arith.constant 0 : i32
    %dma_wait3A_1211 = tpu.memref_slice %arg3[%dma_wait3A_1209, %dma_wait3A_1210] : memref<2600000x32xf32, #tpu.memory_space<hbm>> -> memref<2600000x32xf32, #tpu.memory_space<hbm>>
    %dma_wait3A_1212 = tpu.memref_slice %arg7[%dma_wait3A_1202] : memref<6x!tpu.dma_semaphore, #tpu.memory_space<semaphore_mem>> -> memref<1x!tpu.dma_semaphore, #tpu.memory_space<semaphore_mem>>
    %dma_wait3A_1213 = tpu.memref_squeeze %dma_wait3A_1212 : memref<1x!tpu.dma_semaphore, #tpu.memory_space<semaphore_mem>> -> memref<!tpu.dma_semaphore, #tpu.memory_space<semaphore_mem>>
    tpu.wait_indirect_dma semaphore(%dma_wait3A_1213 : memref<!tpu.dma_semaphore, #tpu.memory_space<semaphore_mem>>) src(%dma_wait3A_1211 : memref<2600000x32xf32, #tpu.memory_space<hbm>>) dst(%dma_wait3A_1206 : memref<128x32xf32, #tpu.memory_space<vmem>>)
    %mul3A_1214 = arith.constant 3328 : i32
    %mul3A_1215 = arith.muli %add3A, %mul3A_1214 : i32
    %add3A_1216 = arith.constant 2304 : i32
    %add3A_1217 = arith.addi %mul3A_1215, %add3A_1216 : i32
    %dma_start3A_1218 = arith.constant 0 : i32
    %dma_start3A_1219 = arith.constant 0 : i32
    %dma_start3A_1220 = arith.constant 0 : i32
    %dma_start3A_1221 = arith.constant 0 : i32
    %dma_start3A_1222 = tpu.memref_slice %arg6[%dma_start3A_1218, %dma_start3A_1220, %dma_start3A_1221] : memref<6x128x32xf32, #tpu.memory_space<vmem>> -> memref<1x128x32xf32, #tpu.memory_space<vmem>>
    %dma_start3A_1223 = tpu.memref_squeeze %dma_start3A_1222 : memref<1x128x32xf32, #tpu.memory_space<vmem>> -> memref<128x32xf32, #tpu.memory_space<vmem>>
    %dma_start3A_1224 = arith.constant 0 : i32
    %dma_start3A_1225 = tpu.memref_slice %arg4[%add3A_1217, %dma_start3A_1224] : memref<106496x32xf32, #tpu.memory_space<hbm>> -> memref<128x32xf32, #tpu.memory_space<hbm>>
    %dma_start3A_1226 = tpu.memref_slice %arg8[%dma_start3A_1219] : memref<6x!tpu.dma_semaphore, #tpu.memory_space<semaphore_mem>> -> memref<1x!tpu.dma_semaphore, #tpu.memory_space<semaphore_mem>>
    %dma_start3A_1227 = tpu.memref_squeeze %dma_start3A_1226 : memref<1x!tpu.dma_semaphore, #tpu.memory_space<semaphore_mem>> -> memref<!tpu.dma_semaphore, #tpu.memory_space<semaphore_mem>>
    %dma_start3A_1228 = arith.constant 0 : i32
    %dma_start3A_1229 = tpu.memref_slice %arg4[%add3A_1217, %dma_start3A_1228] : memref<106496x32xf32, #tpu.memory_space<hbm>> -> memref<128x32xf32, #tpu.memory_space<hbm>>
    %dma_start3A_1230 = arith.constant 0 : i32
    %dma_start3A_1231 = arith.constant 0 : i32
    %dma_start3A_1232 = tpu.memref_slice %arg6[%dma_start3A_1218, %dma_start3A_1230, %dma_start3A_1231] : memref<6x128x32xf32, #tpu.memory_space<vmem>> -> memref<1x128x32xf32, #tpu.memory_space<vmem>>
    %dma_start3A_1233 = tpu.memref_squeeze %dma_start3A_1232 : memref<1x128x32xf32, #tpu.memory_space<vmem>> -> memref<128x32xf32, #tpu.memory_space<vmem>>
    tpu.enqueue_dma source(%dma_start3A_1233 : memref<128x32xf32, #tpu.memory_space<vmem>>) target(%dma_start3A_1229 : memref<128x32xf32, #tpu.memory_space<hbm>>) target_semaphore(%dma_start3A_1227 : memref<!tpu.dma_semaphore, #tpu.memory_space<semaphore_mem>>)
    %mul3A_1234 = arith.constant 3328 : i32
    %mul3A_1235 = arith.muli %add3A, %mul3A_1234 : i32
    %add3A_1236 = arith.constant 2048 : i32
    %add3A_1237 = arith.addi %mul3A_1235, %add3A_1236 : i32
    %dma_wait3A_1238 = arith.constant 4 : i32
    %dma_wait3A_1239 = arith.constant 4 : i32
    %dma_wait3A_1240 = arith.constant 0 : i32
    %dma_wait3A_1241 = arith.constant 0 : i32
    %dma_wait3A_1242 = tpu.memref_slice %arg6[%dma_wait3A_1238, %dma_wait3A_1240, %dma_wait3A_1241] : memref<6x128x32xf32, #tpu.memory_space<vmem>> -> memref<1x128x32xf32, #tpu.memory_space<vmem>>
    %dma_wait3A_1243 = tpu.memref_squeeze %dma_wait3A_1242 : memref<1x128x32xf32, #tpu.memory_space<vmem>> -> memref<128x32xf32, #tpu.memory_space<vmem>>
    %dma_wait3A_1244 = arith.constant 0 : i32
    %dma_wait3A_1245 = tpu.memref_slice %arg4[%add3A_1237, %dma_wait3A_1244] : memref<106496x32xf32, #tpu.memory_space<hbm>> -> memref<128x32xf32, #tpu.memory_space<hbm>>
    %dma_wait3A_1246 = tpu.memref_slice %arg8[%dma_wait3A_1239] : memref<6x!tpu.dma_semaphore, #tpu.memory_space<semaphore_mem>> -> memref<1x!tpu.dma_semaphore, #tpu.memory_space<semaphore_mem>>
    %dma_wait3A_1247 = tpu.memref_squeeze %dma_wait3A_1246 : memref<1x!tpu.dma_semaphore, #tpu.memory_space<semaphore_mem>> -> memref<!tpu.dma_semaphore, #tpu.memory_space<semaphore_mem>>
    %dma_wait3A_1248 = arith.constant 0 : i32
    %dma_wait3A_1249 = tpu.memref_slice %arg4[%add3A_1237, %dma_wait3A_1248] : memref<106496x32xf32, #tpu.memory_space<hbm>> -> memref<128x32xf32, #tpu.memory_space<hbm>>
    %dma_wait3A_1250 = arith.constant 0 : i32
    %dma_wait3A_1251 = arith.constant 0 : i32
    %dma_wait3A_1252 = tpu.memref_slice %arg6[%dma_wait3A_1238, %dma_wait3A_1250, %dma_wait3A_1251] : memref<6x128x32xf32, #tpu.memory_space<vmem>> -> memref<1x128x32xf32, #tpu.memory_space<vmem>>
    %dma_wait3A_1253 = tpu.memref_squeeze %dma_wait3A_1252 : memref<1x128x32xf32, #tpu.memory_space<vmem>> -> memref<128x32xf32, #tpu.memory_space<vmem>>
    tpu.wait_dma2 semaphore(%dma_wait3A_1247 : memref<!tpu.dma_semaphore, #tpu.memory_space<semaphore_mem>>) src(%dma_wait3A_1253 : memref<128x32xf32, #tpu.memory_space<vmem>>) dst(%dma_wait3A_1249 : memref<128x32xf32, #tpu.memory_space<hbm>>)
    %dma_start3A_1254 = arith.constant 4 : i32
    %dma_start3A_1255 = arith.constant 4 : i32
    %dma_start3A_1256 = arith.constant 0 : i32
    %dma_start3A_1257 = arith.constant 0 : i32
    %dma_start3A_1258 = tpu.memref_slice %arg6[%dma_start3A_1254, %dma_start3A_1256, %dma_start3A_1257] : memref<6x128x32xf32, #tpu.memory_space<vmem>> -> memref<1x128x32xf32, #tpu.memory_space<vmem>>
    %dma_start3A_1259 = tpu.memref_squeeze %dma_start3A_1258 : memref<1x128x32xf32, #tpu.memory_space<vmem>> -> memref<128x32xf32, #tpu.memory_space<vmem>>
    %dma_start3A_1260 = arith.constant 2816 : i32
    %dma_start3A_1261 = tpu.memref_slice %arg5[%dma_start3A_1260] : memref<3328xi32, #tpu.memory_space<vmem>> -> memref<128xi32, #tpu.memory_space<vmem>>
    %dma_start3A_1262 = arith.constant 0 : i32
    %dma_start3A_1263 = arith.constant 0 : i32
    %dma_start3A_1264 = tpu.memref_slice %arg3[%dma_start3A_1262, %dma_start3A_1263] : memref<2600000x32xf32, #tpu.memory_space<hbm>> -> memref<2600000x32xf32, #tpu.memory_space<hbm>>
    %dma_start3A_1265 = tpu.memref_slice %arg7[%dma_start3A_1255] : memref<6x!tpu.dma_semaphore, #tpu.memory_space<semaphore_mem>> -> memref<1x!tpu.dma_semaphore, #tpu.memory_space<semaphore_mem>>
    %dma_start3A_1266 = tpu.memref_squeeze %dma_start3A_1265 : memref<1x!tpu.dma_semaphore, #tpu.memory_space<semaphore_mem>> -> memref<!tpu.dma_semaphore, #tpu.memory_space<semaphore_mem>>
    tpu.enqueue_indirect_dma source(%dma_start3A_1264 : memref<2600000x32xf32, #tpu.memory_space<hbm>>) target(%dma_start3A_1259 : memref<128x32xf32, #tpu.memory_space<vmem>>) offsets(%dma_start3A_1261 : memref<128xi32, #tpu.memory_space<vmem>>) semaphore(%dma_start3A_1266 : memref<!tpu.dma_semaphore, #tpu.memory_space<semaphore_mem>>)
    %dma_wait3A_1267 = arith.constant 1 : i32
    %dma_wait3A_1268 = arith.constant 1 : i32
    %dma_wait3A_1269 = arith.constant 0 : i32
    %dma_wait3A_1270 = arith.constant 0 : i32
    %dma_wait3A_1271 = tpu.memref_slice %arg6[%dma_wait3A_1267, %dma_wait3A_1269, %dma_wait3A_1270] : memref<6x128x32xf32, #tpu.memory_space<vmem>> -> memref<1x128x32xf32, #tpu.memory_space<vmem>>
    %dma_wait3A_1272 = tpu.memref_squeeze %dma_wait3A_1271 : memref<1x128x32xf32, #tpu.memory_space<vmem>> -> memref<128x32xf32, #tpu.memory_space<vmem>>
    %dma_wait3A_1273 = arith.constant 2432 : i32
    %dma_wait3A_1274 = tpu.memref_slice %arg5[%dma_wait3A_1273] : memref<3328xi32, #tpu.memory_space<vmem>> -> memref<128xi32, #tpu.memory_space<vmem>>
    %dma_wait3A_1275 = arith.constant 0 : i32
    %dma_wait3A_1276 = arith.constant 0 : i32
    %dma_wait3A_1277 = tpu.memref_slice %arg3[%dma_wait3A_1275, %dma_wait3A_1276] : memref<2600000x32xf32, #tpu.memory_space<hbm>> -> memref<2600000x32xf32, #tpu.memory_space<hbm>>
    %dma_wait3A_1278 = tpu.memref_slice %arg7[%dma_wait3A_1268] : memref<6x!tpu.dma_semaphore, #tpu.memory_space<semaphore_mem>> -> memref<1x!tpu.dma_semaphore, #tpu.memory_space<semaphore_mem>>
    %dma_wait3A_1279 = tpu.memref_squeeze %dma_wait3A_1278 : memref<1x!tpu.dma_semaphore, #tpu.memory_space<semaphore_mem>> -> memref<!tpu.dma_semaphore, #tpu.memory_space<semaphore_mem>>
    tpu.wait_indirect_dma semaphore(%dma_wait3A_1279 : memref<!tpu.dma_semaphore, #tpu.memory_space<semaphore_mem>>) src(%dma_wait3A_1277 : memref<2600000x32xf32, #tpu.memory_space<hbm>>) dst(%dma_wait3A_1272 : memref<128x32xf32, #tpu.memory_space<vmem>>)
    %mul3A_1280 = arith.constant 3328 : i32
    %mul3A_1281 = arith.muli %add3A, %mul3A_1280 : i32
    %add3A_1282 = arith.constant 2432 : i32
    %add3A_1283 = arith.addi %mul3A_1281, %add3A_1282 : i32
    %dma_start3A_1284 = arith.constant 1 : i32
    %dma_start3A_1285 = arith.constant 1 : i32
    %dma_start3A_1286 = arith.constant 0 : i32
    %dma_start3A_1287 = arith.constant 0 : i32
    %dma_start3A_1288 = tpu.memref_slice %arg6[%dma_start3A_1284, %dma_start3A_1286, %dma_start3A_1287] : memref<6x128x32xf32, #tpu.memory_space<vmem>> -> memref<1x128x32xf32, #tpu.memory_space<vmem>>
    %dma_start3A_1289 = tpu.memref_squeeze %dma_start3A_1288 : memref<1x128x32xf32, #tpu.memory_space<vmem>> -> memref<128x32xf32, #tpu.memory_space<vmem>>
    %dma_start3A_1290 = arith.constant 0 : i32
    %dma_start3A_1291 = tpu.memref_slice %arg4[%add3A_1283, %dma_start3A_1290] : memref<106496x32xf32, #tpu.memory_space<hbm>> -> memref<128x32xf32, #tpu.memory_space<hbm>>
    %dma_start3A_1292 = tpu.memref_slice %arg8[%dma_start3A_1285] : memref<6x!tpu.dma_semaphore, #tpu.memory_space<semaphore_mem>> -> memref<1x!tpu.dma_semaphore, #tpu.memory_space<semaphore_mem>>
    %dma_start3A_1293 = tpu.memref_squeeze %dma_start3A_1292 : memref<1x!tpu.dma_semaphore, #tpu.memory_space<semaphore_mem>> -> memref<!tpu.dma_semaphore, #tpu.memory_space<semaphore_mem>>
    %dma_start3A_1294 = arith.constant 0 : i32
    %dma_start3A_1295 = tpu.memref_slice %arg4[%add3A_1283, %dma_start3A_1294] : memref<106496x32xf32, #tpu.memory_space<hbm>> -> memref<128x32xf32, #tpu.memory_space<hbm>>
    %dma_start3A_1296 = arith.constant 0 : i32
    %dma_start3A_1297 = arith.constant 0 : i32
    %dma_start3A_1298 = tpu.memref_slice %arg6[%dma_start3A_1284, %dma_start3A_1296, %dma_start3A_1297] : memref<6x128x32xf32, #tpu.memory_space<vmem>> -> memref<1x128x32xf32, #tpu.memory_space<vmem>>
    %dma_start3A_1299 = tpu.memref_squeeze %dma_start3A_1298 : memref<1x128x32xf32, #tpu.memory_space<vmem>> -> memref<128x32xf32, #tpu.memory_space<vmem>>
    tpu.enqueue_dma source(%dma_start3A_1299 : memref<128x32xf32, #tpu.memory_space<vmem>>) target(%dma_start3A_1295 : memref<128x32xf32, #tpu.memory_space<hbm>>) target_semaphore(%dma_start3A_1293 : memref<!tpu.dma_semaphore, #tpu.memory_space<semaphore_mem>>)
    %mul3A_1300 = arith.constant 3328 : i32
    %mul3A_1301 = arith.muli %add3A, %mul3A_1300 : i32
    %add3A_1302 = arith.constant 2176 : i32
    %add3A_1303 = arith.addi %mul3A_1301, %add3A_1302 : i32
    %dma_wait3A_1304 = arith.constant 5 : i32
    %dma_wait3A_1305 = arith.constant 5 : i32
    %dma_wait3A_1306 = arith.constant 0 : i32
    %dma_wait3A_1307 = arith.constant 0 : i32
    %dma_wait3A_1308 = tpu.memref_slice %arg6[%dma_wait3A_1304, %dma_wait3A_1306, %dma_wait3A_1307] : memref<6x128x32xf32, #tpu.memory_space<vmem>> -> memref<1x128x32xf32, #tpu.memory_space<vmem>>
    %dma_wait3A_1309 = tpu.memref_squeeze %dma_wait3A_1308 : memref<1x128x32xf32, #tpu.memory_space<vmem>> -> memref<128x32xf32, #tpu.memory_space<vmem>>
    %dma_wait3A_1310 = arith.constant 0 : i32
    %dma_wait3A_1311 = tpu.memref_slice %arg4[%add3A_1303, %dma_wait3A_1310] : memref<106496x32xf32, #tpu.memory_space<hbm>> -> memref<128x32xf32, #tpu.memory_space<hbm>>
    %dma_wait3A_1312 = tpu.memref_slice %arg8[%dma_wait3A_1305] : memref<6x!tpu.dma_semaphore, #tpu.memory_space<semaphore_mem>> -> memref<1x!tpu.dma_semaphore, #tpu.memory_space<semaphore_mem>>
    %dma_wait3A_1313 = tpu.memref_squeeze %dma_wait3A_1312 : memref<1x!tpu.dma_semaphore, #tpu.memory_space<semaphore_mem>> -> memref<!tpu.dma_semaphore, #tpu.memory_space<semaphore_mem>>
    %dma_wait3A_1314 = arith.constant 0 : i32
    %dma_wait3A_1315 = tpu.memref_slice %arg4[%add3A_1303, %dma_wait3A_1314] : memref<106496x32xf32, #tpu.memory_space<hbm>> -> memref<128x32xf32, #tpu.memory_space<hbm>>
    %dma_wait3A_1316 = arith.constant 0 : i32
    %dma_wait3A_1317 = arith.constant 0 : i32
    %dma_wait3A_1318 = tpu.memref_slice %arg6[%dma_wait3A_1304, %dma_wait3A_1316, %dma_wait3A_1317] : memref<6x128x32xf32, #tpu.memory_space<vmem>> -> memref<1x128x32xf32, #tpu.memory_space<vmem>>
    %dma_wait3A_1319 = tpu.memref_squeeze %dma_wait3A_1318 : memref<1x128x32xf32, #tpu.memory_space<vmem>> -> memref<128x32xf32, #tpu.memory_space<vmem>>
    tpu.wait_dma2 semaphore(%dma_wait3A_1313 : memref<!tpu.dma_semaphore, #tpu.memory_space<semaphore_mem>>) src(%dma_wait3A_1319 : memref<128x32xf32, #tpu.memory_space<vmem>>) dst(%dma_wait3A_1315 : memref<128x32xf32, #tpu.memory_space<hbm>>)
    %dma_start3A_1320 = arith.constant 5 : i32
    %dma_start3A_1321 = arith.constant 5 : i32
    %dma_start3A_1322 = arith.constant 0 : i32
    %dma_start3A_1323 = arith.constant 0 : i32
    %dma_start3A_1324 = tpu.memref_slice %arg6[%dma_start3A_1320, %dma_start3A_1322, %dma_start3A_1323] : memref<6x128x32xf32, #tpu.memory_space<vmem>> -> memref<1x128x32xf32, #tpu.memory_space<vmem>>
    %dma_start3A_1325 = tpu.memref_squeeze %dma_start3A_1324 : memref<1x128x32xf32, #tpu.memory_space<vmem>> -> memref<128x32xf32, #tpu.memory_space<vmem>>
    %dma_start3A_1326 = arith.constant 2944 : i32
    %dma_start3A_1327 = tpu.memref_slice %arg5[%dma_start3A_1326] : memref<3328xi32, #tpu.memory_space<vmem>> -> memref<128xi32, #tpu.memory_space<vmem>>
    %dma_start3A_1328 = arith.constant 0 : i32
    %dma_start3A_1329 = arith.constant 0 : i32
    %dma_start3A_1330 = tpu.memref_slice %arg3[%dma_start3A_1328, %dma_start3A_1329] : memref<2600000x32xf32, #tpu.memory_space<hbm>> -> memref<2600000x32xf32, #tpu.memory_space<hbm>>
    %dma_start3A_1331 = tpu.memref_slice %arg7[%dma_start3A_1321] : memref<6x!tpu.dma_semaphore, #tpu.memory_space<semaphore_mem>> -> memref<1x!tpu.dma_semaphore, #tpu.memory_space<semaphore_mem>>
    %dma_start3A_1332 = tpu.memref_squeeze %dma_start3A_1331 : memref<1x!tpu.dma_semaphore, #tpu.memory_space<semaphore_mem>> -> memref<!tpu.dma_semaphore, #tpu.memory_space<semaphore_mem>>
    tpu.enqueue_indirect_dma source(%dma_start3A_1330 : memref<2600000x32xf32, #tpu.memory_space<hbm>>) target(%dma_start3A_1325 : memref<128x32xf32, #tpu.memory_space<vmem>>) offsets(%dma_start3A_1327 : memref<128xi32, #tpu.memory_space<vmem>>) semaphore(%dma_start3A_1332 : memref<!tpu.dma_semaphore, #tpu.memory_space<semaphore_mem>>)
    %dma_wait3A_1333 = arith.constant 2 : i32
    %dma_wait3A_1334 = arith.constant 2 : i32
    %dma_wait3A_1335 = arith.constant 0 : i32
    %dma_wait3A_1336 = arith.constant 0 : i32
    %dma_wait3A_1337 = tpu.memref_slice %arg6[%dma_wait3A_1333, %dma_wait3A_1335, %dma_wait3A_1336] : memref<6x128x32xf32, #tpu.memory_space<vmem>> -> memref<1x128x32xf32, #tpu.memory_space<vmem>>
    %dma_wait3A_1338 = tpu.memref_squeeze %dma_wait3A_1337 : memref<1x128x32xf32, #tpu.memory_space<vmem>> -> memref<128x32xf32, #tpu.memory_space<vmem>>
    %dma_wait3A_1339 = arith.constant 2560 : i32
    %dma_wait3A_1340 = tpu.memref_slice %arg5[%dma_wait3A_1339] : memref<3328xi32, #tpu.memory_space<vmem>> -> memref<128xi32, #tpu.memory_space<vmem>>
    %dma_wait3A_1341 = arith.constant 0 : i32
    %dma_wait3A_1342 = arith.constant 0 : i32
    %dma_wait3A_1343 = tpu.memref_slice %arg3[%dma_wait3A_1341, %dma_wait3A_1342] : memref<2600000x32xf32, #tpu.memory_space<hbm>> -> memref<2600000x32xf32, #tpu.memory_space<hbm>>
    %dma_wait3A_1344 = tpu.memref_slice %arg7[%dma_wait3A_1334] : memref<6x!tpu.dma_semaphore, #tpu.memory_space<semaphore_mem>> -> memref<1x!tpu.dma_semaphore, #tpu.memory_space<semaphore_mem>>
    %dma_wait3A_1345 = tpu.memref_squeeze %dma_wait3A_1344 : memref<1x!tpu.dma_semaphore, #tpu.memory_space<semaphore_mem>> -> memref<!tpu.dma_semaphore, #tpu.memory_space<semaphore_mem>>
    tpu.wait_indirect_dma semaphore(%dma_wait3A_1345 : memref<!tpu.dma_semaphore, #tpu.memory_space<semaphore_mem>>) src(%dma_wait3A_1343 : memref<2600000x32xf32, #tpu.memory_space<hbm>>) dst(%dma_wait3A_1338 : memref<128x32xf32, #tpu.memory_space<vmem>>)
    %mul3A_1346 = arith.constant 3328 : i32
    %mul3A_1347 = arith.muli %add3A, %mul3A_1346 : i32
    %add3A_1348 = arith.constant 2560 : i32
    %add3A_1349 = arith.addi %mul3A_1347, %add3A_1348 : i32
    %dma_start3A_1350 = arith.constant 2 : i32
    %dma_start3A_1351 = arith.constant 2 : i32
    %dma_start3A_1352 = arith.constant 0 : i32
    %dma_start3A_1353 = arith.constant 0 : i32
    %dma_start3A_1354 = tpu.memref_slice %arg6[%dma_start3A_1350, %dma_start3A_1352, %dma_start3A_1353] : memref<6x128x32xf32, #tpu.memory_space<vmem>> -> memref<1x128x32xf32, #tpu.memory_space<vmem>>
    %dma_start3A_1355 = tpu.memref_squeeze %dma_start3A_1354 : memref<1x128x32xf32, #tpu.memory_space<vmem>> -> memref<128x32xf32, #tpu.memory_space<vmem>>
    %dma_start3A_1356 = arith.constant 0 : i32
    %dma_start3A_1357 = tpu.memref_slice %arg4[%add3A_1349, %dma_start3A_1356] : memref<106496x32xf32, #tpu.memory_space<hbm>> -> memref<128x32xf32, #tpu.memory_space<hbm>>
    %dma_start3A_1358 = tpu.memref_slice %arg8[%dma_start3A_1351] : memref<6x!tpu.dma_semaphore, #tpu.memory_space<semaphore_mem>> -> memref<1x!tpu.dma_semaphore, #tpu.memory_space<semaphore_mem>>
    %dma_start3A_1359 = tpu.memref_squeeze %dma_start3A_1358 : memref<1x!tpu.dma_semaphore, #tpu.memory_space<semaphore_mem>> -> memref<!tpu.dma_semaphore, #tpu.memory_space<semaphore_mem>>
    %dma_start3A_1360 = arith.constant 0 : i32
    %dma_start3A_1361 = tpu.memref_slice %arg4[%add3A_1349, %dma_start3A_1360] : memref<106496x32xf32, #tpu.memory_space<hbm>> -> memref<128x32xf32, #tpu.memory_space<hbm>>
    %dma_start3A_1362 = arith.constant 0 : i32
    %dma_start3A_1363 = arith.constant 0 : i32
    %dma_start3A_1364 = tpu.memref_slice %arg6[%dma_start3A_1350, %dma_start3A_1362, %dma_start3A_1363] : memref<6x128x32xf32, #tpu.memory_space<vmem>> -> memref<1x128x32xf32, #tpu.memory_space<vmem>>
    %dma_start3A_1365 = tpu.memref_squeeze %dma_start3A_1364 : memref<1x128x32xf32, #tpu.memory_space<vmem>> -> memref<128x32xf32, #tpu.memory_space<vmem>>
    tpu.enqueue_dma source(%dma_start3A_1365 : memref<128x32xf32, #tpu.memory_space<vmem>>) target(%dma_start3A_1361 : memref<128x32xf32, #tpu.memory_space<hbm>>) target_semaphore(%dma_start3A_1359 : memref<!tpu.dma_semaphore, #tpu.memory_space<semaphore_mem>>)
    %mul3A_1366 = arith.constant 3328 : i32
    %mul3A_1367 = arith.muli %add3A, %mul3A_1366 : i32
    %add3A_1368 = arith.constant 2304 : i32
    %add3A_1369 = arith.addi %mul3A_1367, %add3A_1368 : i32
    %dma_wait3A_1370 = arith.constant 0 : i32
    %dma_wait3A_1371 = arith.constant 0 : i32
    %dma_wait3A_1372 = arith.constant 0 : i32
    %dma_wait3A_1373 = arith.constant 0 : i32
    %dma_wait3A_1374 = tpu.memref_slice %arg6[%dma_wait3A_1370, %dma_wait3A_1372, %dma_wait3A_1373] : memref<6x128x32xf32, #tpu.memory_space<vmem>> -> memref<1x128x32xf32, #tpu.memory_space<vmem>>
    %dma_wait3A_1375 = tpu.memref_squeeze %dma_wait3A_1374 : memref<1x128x32xf32, #tpu.memory_space<vmem>> -> memref<128x32xf32, #tpu.memory_space<vmem>>
    %dma_wait3A_1376 = arith.constant 0 : i32
    %dma_wait3A_1377 = tpu.memref_slice %arg4[%add3A_1369, %dma_wait3A_1376] : memref<106496x32xf32, #tpu.memory_space<hbm>> -> memref<128x32xf32, #tpu.memory_space<hbm>>
    %dma_wait3A_1378 = tpu.memref_slice %arg8[%dma_wait3A_1371] : memref<6x!tpu.dma_semaphore, #tpu.memory_space<semaphore_mem>> -> memref<1x!tpu.dma_semaphore, #tpu.memory_space<semaphore_mem>>
    %dma_wait3A_1379 = tpu.memref_squeeze %dma_wait3A_1378 : memref<1x!tpu.dma_semaphore, #tpu.memory_space<semaphore_mem>> -> memref<!tpu.dma_semaphore, #tpu.memory_space<semaphore_mem>>
    %dma_wait3A_1380 = arith.constant 0 : i32
    %dma_wait3A_1381 = tpu.memref_slice %arg4[%add3A_1369, %dma_wait3A_1380] : memref<106496x32xf32, #tpu.memory_space<hbm>> -> memref<128x32xf32, #tpu.memory_space<hbm>>
    %dma_wait3A_1382 = arith.constant 0 : i32
    %dma_wait3A_1383 = arith.constant 0 : i32
    %dma_wait3A_1384 = tpu.memref_slice %arg6[%dma_wait3A_1370, %dma_wait3A_1382, %dma_wait3A_1383] : memref<6x128x32xf32, #tpu.memory_space<vmem>> -> memref<1x128x32xf32, #tpu.memory_space<vmem>>
    %dma_wait3A_1385 = tpu.memref_squeeze %dma_wait3A_1384 : memref<1x128x32xf32, #tpu.memory_space<vmem>> -> memref<128x32xf32, #tpu.memory_space<vmem>>
    tpu.wait_dma2 semaphore(%dma_wait3A_1379 : memref<!tpu.dma_semaphore, #tpu.memory_space<semaphore_mem>>) src(%dma_wait3A_1385 : memref<128x32xf32, #tpu.memory_space<vmem>>) dst(%dma_wait3A_1381 : memref<128x32xf32, #tpu.memory_space<hbm>>)
    %dma_start3A_1386 = arith.constant 0 : i32
    %dma_start3A_1387 = arith.constant 0 : i32
    %dma_start3A_1388 = arith.constant 0 : i32
    %dma_start3A_1389 = arith.constant 0 : i32
    %dma_start3A_1390 = tpu.memref_slice %arg6[%dma_start3A_1386, %dma_start3A_1388, %dma_start3A_1389] : memref<6x128x32xf32, #tpu.memory_space<vmem>> -> memref<1x128x32xf32, #tpu.memory_space<vmem>>
    %dma_start3A_1391 = tpu.memref_squeeze %dma_start3A_1390 : memref<1x128x32xf32, #tpu.memory_space<vmem>> -> memref<128x32xf32, #tpu.memory_space<vmem>>
    %dma_start3A_1392 = arith.constant 3072 : i32
    %dma_start3A_1393 = tpu.memref_slice %arg5[%dma_start3A_1392] : memref<3328xi32, #tpu.memory_space<vmem>> -> memref<128xi32, #tpu.memory_space<vmem>>
    %dma_start3A_1394 = arith.constant 0 : i32
    %dma_start3A_1395 = arith.constant 0 : i32
    %dma_start3A_1396 = tpu.memref_slice %arg3[%dma_start3A_1394, %dma_start3A_1395] : memref<2600000x32xf32, #tpu.memory_space<hbm>> -> memref<2600000x32xf32, #tpu.memory_space<hbm>>
    %dma_start3A_1397 = tpu.memref_slice %arg7[%dma_start3A_1387] : memref<6x!tpu.dma_semaphore, #tpu.memory_space<semaphore_mem>> -> memref<1x!tpu.dma_semaphore, #tpu.memory_space<semaphore_mem>>
    %dma_start3A_1398 = tpu.memref_squeeze %dma_start3A_1397 : memref<1x!tpu.dma_semaphore, #tpu.memory_space<semaphore_mem>> -> memref<!tpu.dma_semaphore, #tpu.memory_space<semaphore_mem>>
    tpu.enqueue_indirect_dma source(%dma_start3A_1396 : memref<2600000x32xf32, #tpu.memory_space<hbm>>) target(%dma_start3A_1391 : memref<128x32xf32, #tpu.memory_space<vmem>>) offsets(%dma_start3A_1393 : memref<128xi32, #tpu.memory_space<vmem>>) semaphore(%dma_start3A_1398 : memref<!tpu.dma_semaphore, #tpu.memory_space<semaphore_mem>>)
    %dma_wait3A_1399 = arith.constant 3 : i32
    %dma_wait3A_1400 = arith.constant 3 : i32
    %dma_wait3A_1401 = arith.constant 0 : i32
    %dma_wait3A_1402 = arith.constant 0 : i32
    %dma_wait3A_1403 = tpu.memref_slice %arg6[%dma_wait3A_1399, %dma_wait3A_1401, %dma_wait3A_1402] : memref<6x128x32xf32, #tpu.memory_space<vmem>> -> memref<1x128x32xf32, #tpu.memory_space<vmem>>
    %dma_wait3A_1404 = tpu.memref_squeeze %dma_wait3A_1403 : memref<1x128x32xf32, #tpu.memory_space<vmem>> -> memref<128x32xf32, #tpu.memory_space<vmem>>
    %dma_wait3A_1405 = arith.constant 2688 : i32
    %dma_wait3A_1406 = tpu.memref_slice %arg5[%dma_wait3A_1405] : memref<3328xi32, #tpu.memory_space<vmem>> -> memref<128xi32, #tpu.memory_space<vmem>>
    %dma_wait3A_1407 = arith.constant 0 : i32
    %dma_wait3A_1408 = arith.constant 0 : i32
    %dma_wait3A_1409 = tpu.memref_slice %arg3[%dma_wait3A_1407, %dma_wait3A_1408] : memref<2600000x32xf32, #tpu.memory_space<hbm>> -> memref<2600000x32xf32, #tpu.memory_space<hbm>>
    %dma_wait3A_1410 = tpu.memref_slice %arg7[%dma_wait3A_1400] : memref<6x!tpu.dma_semaphore, #tpu.memory_space<semaphore_mem>> -> memref<1x!tpu.dma_semaphore, #tpu.memory_space<semaphore_mem>>
    %dma_wait3A_1411 = tpu.memref_squeeze %dma_wait3A_1410 : memref<1x!tpu.dma_semaphore, #tpu.memory_space<semaphore_mem>> -> memref<!tpu.dma_semaphore, #tpu.memory_space<semaphore_mem>>
    tpu.wait_indirect_dma semaphore(%dma_wait3A_1411 : memref<!tpu.dma_semaphore, #tpu.memory_space<semaphore_mem>>) src(%dma_wait3A_1409 : memref<2600000x32xf32, #tpu.memory_space<hbm>>) dst(%dma_wait3A_1404 : memref<128x32xf32, #tpu.memory_space<vmem>>)
    %mul3A_1412 = arith.constant 3328 : i32
    %mul3A_1413 = arith.muli %add3A, %mul3A_1412 : i32
    %add3A_1414 = arith.constant 2688 : i32
    %add3A_1415 = arith.addi %mul3A_1413, %add3A_1414 : i32
    %dma_start3A_1416 = arith.constant 3 : i32
    %dma_start3A_1417 = arith.constant 3 : i32
    %dma_start3A_1418 = arith.constant 0 : i32
    %dma_start3A_1419 = arith.constant 0 : i32
    %dma_start3A_1420 = tpu.memref_slice %arg6[%dma_start3A_1416, %dma_start3A_1418, %dma_start3A_1419] : memref<6x128x32xf32, #tpu.memory_space<vmem>> -> memref<1x128x32xf32, #tpu.memory_space<vmem>>
    %dma_start3A_1421 = tpu.memref_squeeze %dma_start3A_1420 : memref<1x128x32xf32, #tpu.memory_space<vmem>> -> memref<128x32xf32, #tpu.memory_space<vmem>>
    %dma_start3A_1422 = arith.constant 0 : i32
    %dma_start3A_1423 = tpu.memref_slice %arg4[%add3A_1415, %dma_start3A_1422] : memref<106496x32xf32, #tpu.memory_space<hbm>> -> memref<128x32xf32, #tpu.memory_space<hbm>>
    %dma_start3A_1424 = tpu.memref_slice %arg8[%dma_start3A_1417] : memref<6x!tpu.dma_semaphore, #tpu.memory_space<semaphore_mem>> -> memref<1x!tpu.dma_semaphore, #tpu.memory_space<semaphore_mem>>
    %dma_start3A_1425 = tpu.memref_squeeze %dma_start3A_1424 : memref<1x!tpu.dma_semaphore, #tpu.memory_space<semaphore_mem>> -> memref<!tpu.dma_semaphore, #tpu.memory_space<semaphore_mem>>
    %dma_start3A_1426 = arith.constant 0 : i32
    %dma_start3A_1427 = tpu.memref_slice %arg4[%add3A_1415, %dma_start3A_1426] : memref<106496x32xf32, #tpu.memory_space<hbm>> -> memref<128x32xf32, #tpu.memory_space<hbm>>
    %dma_start3A_1428 = arith.constant 0 : i32
    %dma_start3A_1429 = arith.constant 0 : i32
    %dma_start3A_1430 = tpu.memref_slice %arg6[%dma_start3A_1416, %dma_start3A_1428, %dma_start3A_1429] : memref<6x128x32xf32, #tpu.memory_space<vmem>> -> memref<1x128x32xf32, #tpu.memory_space<vmem>>
    %dma_start3A_1431 = tpu.memref_squeeze %dma_start3A_1430 : memref<1x128x32xf32, #tpu.memory_space<vmem>> -> memref<128x32xf32, #tpu.memory_space<vmem>>
    tpu.enqueue_dma source(%dma_start3A_1431 : memref<128x32xf32, #tpu.memory_space<vmem>>) target(%dma_start3A_1427 : memref<128x32xf32, #tpu.memory_space<hbm>>) target_semaphore(%dma_start3A_1425 : memref<!tpu.dma_semaphore, #tpu.memory_space<semaphore_mem>>)
    %mul3A_1432 = arith.constant 3328 : i32
    %mul3A_1433 = arith.muli %add3A, %mul3A_1432 : i32
    %add3A_1434 = arith.constant 2432 : i32
    %add3A_1435 = arith.addi %mul3A_1433, %add3A_1434 : i32
    %dma_wait3A_1436 = arith.constant 1 : i32
    %dma_wait3A_1437 = arith.constant 1 : i32
    %dma_wait3A_1438 = arith.constant 0 : i32
    %dma_wait3A_1439 = arith.constant 0 : i32
    %dma_wait3A_1440 = tpu.memref_slice %arg6[%dma_wait3A_1436, %dma_wait3A_1438, %dma_wait3A_1439] : memref<6x128x32xf32, #tpu.memory_space<vmem>> -> memref<1x128x32xf32, #tpu.memory_space<vmem>>
    %dma_wait3A_1441 = tpu.memref_squeeze %dma_wait3A_1440 : memref<1x128x32xf32, #tpu.memory_space<vmem>> -> memref<128x32xf32, #tpu.memory_space<vmem>>
    %dma_wait3A_1442 = arith.constant 0 : i32
    %dma_wait3A_1443 = tpu.memref_slice %arg4[%add3A_1435, %dma_wait3A_1442] : memref<106496x32xf32, #tpu.memory_space<hbm>> -> memref<128x32xf32, #tpu.memory_space<hbm>>
    %dma_wait3A_1444 = tpu.memref_slice %arg8[%dma_wait3A_1437] : memref<6x!tpu.dma_semaphore, #tpu.memory_space<semaphore_mem>> -> memref<1x!tpu.dma_semaphore, #tpu.memory_space<semaphore_mem>>
    %dma_wait3A_1445 = tpu.memref_squeeze %dma_wait3A_1444 : memref<1x!tpu.dma_semaphore, #tpu.memory_space<semaphore_mem>> -> memref<!tpu.dma_semaphore, #tpu.memory_space<semaphore_mem>>
    %dma_wait3A_1446 = arith.constant 0 : i32
    %dma_wait3A_1447 = tpu.memref_slice %arg4[%add3A_1435, %dma_wait3A_1446] : memref<106496x32xf32, #tpu.memory_space<hbm>> -> memref<128x32xf32, #tpu.memory_space<hbm>>
    %dma_wait3A_1448 = arith.constant 0 : i32
    %dma_wait3A_1449 = arith.constant 0 : i32
    %dma_wait3A_1450 = tpu.memref_slice %arg6[%dma_wait3A_1436, %dma_wait3A_1448, %dma_wait3A_1449] : memref<6x128x32xf32, #tpu.memory_space<vmem>> -> memref<1x128x32xf32, #tpu.memory_space<vmem>>
    %dma_wait3A_1451 = tpu.memref_squeeze %dma_wait3A_1450 : memref<1x128x32xf32, #tpu.memory_space<vmem>> -> memref<128x32xf32, #tpu.memory_space<vmem>>
    tpu.wait_dma2 semaphore(%dma_wait3A_1445 : memref<!tpu.dma_semaphore, #tpu.memory_space<semaphore_mem>>) src(%dma_wait3A_1451 : memref<128x32xf32, #tpu.memory_space<vmem>>) dst(%dma_wait3A_1447 : memref<128x32xf32, #tpu.memory_space<hbm>>)
    %dma_start3A_1452 = arith.constant 1 : i32
    %dma_start3A_1453 = arith.constant 1 : i32
    %dma_start3A_1454 = arith.constant 0 : i32
    %dma_start3A_1455 = arith.constant 0 : i32
    %dma_start3A_1456 = tpu.memref_slice %arg6[%dma_start3A_1452, %dma_start3A_1454, %dma_start3A_1455] : memref<6x128x32xf32, #tpu.memory_space<vmem>> -> memref<1x128x32xf32, #tpu.memory_space<vmem>>
    %dma_start3A_1457 = tpu.memref_squeeze %dma_start3A_1456 : memref<1x128x32xf32, #tpu.memory_space<vmem>> -> memref<128x32xf32, #tpu.memory_space<vmem>>
    %dma_start3A_1458 = arith.constant 3200 : i32
    %dma_start3A_1459 = tpu.memref_slice %arg5[%dma_start3A_1458] : memref<3328xi32, #tpu.memory_space<vmem>> -> memref<128xi32, #tpu.memory_space<vmem>>
    %dma_start3A_1460 = arith.constant 0 : i32
    %dma_start3A_1461 = arith.constant 0 : i32
    %dma_start3A_1462 = tpu.memref_slice %arg3[%dma_start3A_1460, %dma_start3A_1461] : memref<2600000x32xf32, #tpu.memory_space<hbm>> -> memref<2600000x32xf32, #tpu.memory_space<hbm>>
    %dma_start3A_1463 = tpu.memref_slice %arg7[%dma_start3A_1453] : memref<6x!tpu.dma_semaphore, #tpu.memory_space<semaphore_mem>> -> memref<1x!tpu.dma_semaphore, #tpu.memory_space<semaphore_mem>>
    %dma_start3A_1464 = tpu.memref_squeeze %dma_start3A_1463 : memref<1x!tpu.dma_semaphore, #tpu.memory_space<semaphore_mem>> -> memref<!tpu.dma_semaphore, #tpu.memory_space<semaphore_mem>>
    tpu.enqueue_indirect_dma source(%dma_start3A_1462 : memref<2600000x32xf32, #tpu.memory_space<hbm>>) target(%dma_start3A_1457 : memref<128x32xf32, #tpu.memory_space<vmem>>) offsets(%dma_start3A_1459 : memref<128xi32, #tpu.memory_space<vmem>>) semaphore(%dma_start3A_1464 : memref<!tpu.dma_semaphore, #tpu.memory_space<semaphore_mem>>)
    %dma_wait3A_1465 = arith.constant 4 : i32
    %dma_wait3A_1466 = arith.constant 4 : i32
    %dma_wait3A_1467 = arith.constant 0 : i32
    %dma_wait3A_1468 = arith.constant 0 : i32
    %dma_wait3A_1469 = tpu.memref_slice %arg6[%dma_wait3A_1465, %dma_wait3A_1467, %dma_wait3A_1468] : memref<6x128x32xf32, #tpu.memory_space<vmem>> -> memref<1x128x32xf32, #tpu.memory_space<vmem>>
    %dma_wait3A_1470 = tpu.memref_squeeze %dma_wait3A_1469 : memref<1x128x32xf32, #tpu.memory_space<vmem>> -> memref<128x32xf32, #tpu.memory_space<vmem>>
    %dma_wait3A_1471 = arith.constant 2816 : i32
    %dma_wait3A_1472 = tpu.memref_slice %arg5[%dma_wait3A_1471] : memref<3328xi32, #tpu.memory_space<vmem>> -> memref<128xi32, #tpu.memory_space<vmem>>
    %dma_wait3A_1473 = arith.constant 0 : i32
    %dma_wait3A_1474 = arith.constant 0 : i32
    %dma_wait3A_1475 = tpu.memref_slice %arg3[%dma_wait3A_1473, %dma_wait3A_1474] : memref<2600000x32xf32, #tpu.memory_space<hbm>> -> memref<2600000x32xf32, #tpu.memory_space<hbm>>
    %dma_wait3A_1476 = tpu.memref_slice %arg7[%dma_wait3A_1466] : memref<6x!tpu.dma_semaphore, #tpu.memory_space<semaphore_mem>> -> memref<1x!tpu.dma_semaphore, #tpu.memory_space<semaphore_mem>>
    %dma_wait3A_1477 = tpu.memref_squeeze %dma_wait3A_1476 : memref<1x!tpu.dma_semaphore, #tpu.memory_space<semaphore_mem>> -> memref<!tpu.dma_semaphore, #tpu.memory_space<semaphore_mem>>
    tpu.wait_indirect_dma semaphore(%dma_wait3A_1477 : memref<!tpu.dma_semaphore, #tpu.memory_space<semaphore_mem>>) src(%dma_wait3A_1475 : memref<2600000x32xf32, #tpu.memory_space<hbm>>) dst(%dma_wait3A_1470 : memref<128x32xf32, #tpu.memory_space<vmem>>)
    %mul3A_1478 = arith.constant 3328 : i32
    %mul3A_1479 = arith.muli %add3A, %mul3A_1478 : i32
    %add3A_1480 = arith.constant 2816 : i32
    %add3A_1481 = arith.addi %mul3A_1479, %add3A_1480 : i32
    %dma_start3A_1482 = arith.constant 4 : i32
    %dma_start3A_1483 = arith.constant 4 : i32
    %dma_start3A_1484 = arith.constant 0 : i32
    %dma_start3A_1485 = arith.constant 0 : i32
    %dma_start3A_1486 = tpu.memref_slice %arg6[%dma_start3A_1482, %dma_start3A_1484, %dma_start3A_1485] : memref<6x128x32xf32, #tpu.memory_space<vmem>> -> memref<1x128x32xf32, #tpu.memory_space<vmem>>
    %dma_start3A_1487 = tpu.memref_squeeze %dma_start3A_1486 : memref<1x128x32xf32, #tpu.memory_space<vmem>> -> memref<128x32xf32, #tpu.memory_space<vmem>>
    %dma_start3A_1488 = arith.constant 0 : i32
    %dma_start3A_1489 = tpu.memref_slice %arg4[%add3A_1481, %dma_start3A_1488] : memref<106496x32xf32, #tpu.memory_space<hbm>> -> memref<128x32xf32, #tpu.memory_space<hbm>>
    %dma_start3A_1490 = tpu.memref_slice %arg8[%dma_start3A_1483] : memref<6x!tpu.dma_semaphore, #tpu.memory_space<semaphore_mem>> -> memref<1x!tpu.dma_semaphore, #tpu.memory_space<semaphore_mem>>
    %dma_start3A_1491 = tpu.memref_squeeze %dma_start3A_1490 : memref<1x!tpu.dma_semaphore, #tpu.memory_space<semaphore_mem>> -> memref<!tpu.dma_semaphore, #tpu.memory_space<semaphore_mem>>
    %dma_start3A_1492 = arith.constant 0 : i32
    %dma_start3A_1493 = tpu.memref_slice %arg4[%add3A_1481, %dma_start3A_1492] : memref<106496x32xf32, #tpu.memory_space<hbm>> -> memref<128x32xf32, #tpu.memory_space<hbm>>
    %dma_start3A_1494 = arith.constant 0 : i32
    %dma_start3A_1495 = arith.constant 0 : i32
    %dma_start3A_1496 = tpu.memref_slice %arg6[%dma_start3A_1482, %dma_start3A_1494, %dma_start3A_1495] : memref<6x128x32xf32, #tpu.memory_space<vmem>> -> memref<1x128x32xf32, #tpu.memory_space<vmem>>
    %dma_start3A_1497 = tpu.memref_squeeze %dma_start3A_1496 : memref<1x128x32xf32, #tpu.memory_space<vmem>> -> memref<128x32xf32, #tpu.memory_space<vmem>>
    tpu.enqueue_dma source(%dma_start3A_1497 : memref<128x32xf32, #tpu.memory_space<vmem>>) target(%dma_start3A_1493 : memref<128x32xf32, #tpu.memory_space<hbm>>) target_semaphore(%dma_start3A_1491 : memref<!tpu.dma_semaphore, #tpu.memory_space<semaphore_mem>>)
    %dma_wait3A_1498 = arith.constant 5 : i32
    %dma_wait3A_1499 = arith.constant 5 : i32
    %dma_wait3A_1500 = arith.constant 0 : i32
    %dma_wait3A_1501 = arith.constant 0 : i32
    %dma_wait3A_1502 = tpu.memref_slice %arg6[%dma_wait3A_1498, %dma_wait3A_1500, %dma_wait3A_1501] : memref<6x128x32xf32, #tpu.memory_space<vmem>> -> memref<1x128x32xf32, #tpu.memory_space<vmem>>
    %dma_wait3A_1503 = tpu.memref_squeeze %dma_wait3A_1502 : memref<1x128x32xf32, #tpu.memory_space<vmem>> -> memref<128x32xf32, #tpu.memory_space<vmem>>
    %dma_wait3A_1504 = arith.constant 2944 : i32
    %dma_wait3A_1505 = tpu.memref_slice %arg5[%dma_wait3A_1504] : memref<3328xi32, #tpu.memory_space<vmem>> -> memref<128xi32, #tpu.memory_space<vmem>>
    %dma_wait3A_1506 = arith.constant 0 : i32
    %dma_wait3A_1507 = arith.constant 0 : i32
    %dma_wait3A_1508 = tpu.memref_slice %arg3[%dma_wait3A_1506, %dma_wait3A_1507] : memref<2600000x32xf32, #tpu.memory_space<hbm>> -> memref<2600000x32xf32, #tpu.memory_space<hbm>>
    %dma_wait3A_1509 = tpu.memref_slice %arg7[%dma_wait3A_1499] : memref<6x!tpu.dma_semaphore, #tpu.memory_space<semaphore_mem>> -> memref<1x!tpu.dma_semaphore, #tpu.memory_space<semaphore_mem>>
    %dma_wait3A_1510 = tpu.memref_squeeze %dma_wait3A_1509 : memref<1x!tpu.dma_semaphore, #tpu.memory_space<semaphore_mem>> -> memref<!tpu.dma_semaphore, #tpu.memory_space<semaphore_mem>>
    tpu.wait_indirect_dma semaphore(%dma_wait3A_1510 : memref<!tpu.dma_semaphore, #tpu.memory_space<semaphore_mem>>) src(%dma_wait3A_1508 : memref<2600000x32xf32, #tpu.memory_space<hbm>>) dst(%dma_wait3A_1503 : memref<128x32xf32, #tpu.memory_space<vmem>>)
    %mul3A_1511 = arith.constant 3328 : i32
    %mul3A_1512 = arith.muli %add3A, %mul3A_1511 : i32
    %add3A_1513 = arith.constant 2944 : i32
    %add3A_1514 = arith.addi %mul3A_1512, %add3A_1513 : i32
    %dma_start3A_1515 = arith.constant 5 : i32
    %dma_start3A_1516 = arith.constant 5 : i32
    %dma_start3A_1517 = arith.constant 0 : i32
    %dma_start3A_1518 = arith.constant 0 : i32
    %dma_start3A_1519 = tpu.memref_slice %arg6[%dma_start3A_1515, %dma_start3A_1517, %dma_start3A_1518] : memref<6x128x32xf32, #tpu.memory_space<vmem>> -> memref<1x128x32xf32, #tpu.memory_space<vmem>>
    %dma_start3A_1520 = tpu.memref_squeeze %dma_start3A_1519 : memref<1x128x32xf32, #tpu.memory_space<vmem>> -> memref<128x32xf32, #tpu.memory_space<vmem>>
    %dma_start3A_1521 = arith.constant 0 : i32
    %dma_start3A_1522 = tpu.memref_slice %arg4[%add3A_1514, %dma_start3A_1521] : memref<106496x32xf32, #tpu.memory_space<hbm>> -> memref<128x32xf32, #tpu.memory_space<hbm>>
    %dma_start3A_1523 = tpu.memref_slice %arg8[%dma_start3A_1516] : memref<6x!tpu.dma_semaphore, #tpu.memory_space<semaphore_mem>> -> memref<1x!tpu.dma_semaphore, #tpu.memory_space<semaphore_mem>>
    %dma_start3A_1524 = tpu.memref_squeeze %dma_start3A_1523 : memref<1x!tpu.dma_semaphore, #tpu.memory_space<semaphore_mem>> -> memref<!tpu.dma_semaphore, #tpu.memory_space<semaphore_mem>>
    %dma_start3A_1525 = arith.constant 0 : i32
    %dma_start3A_1526 = tpu.memref_slice %arg4[%add3A_1514, %dma_start3A_1525] : memref<106496x32xf32, #tpu.memory_space<hbm>> -> memref<128x32xf32, #tpu.memory_space<hbm>>
    %dma_start3A_1527 = arith.constant 0 : i32
    %dma_start3A_1528 = arith.constant 0 : i32
    %dma_start3A_1529 = tpu.memref_slice %arg6[%dma_start3A_1515, %dma_start3A_1527, %dma_start3A_1528] : memref<6x128x32xf32, #tpu.memory_space<vmem>> -> memref<1x128x32xf32, #tpu.memory_space<vmem>>
    %dma_start3A_1530 = tpu.memref_squeeze %dma_start3A_1529 : memref<1x128x32xf32, #tpu.memory_space<vmem>> -> memref<128x32xf32, #tpu.memory_space<vmem>>
    tpu.enqueue_dma source(%dma_start3A_1530 : memref<128x32xf32, #tpu.memory_space<vmem>>) target(%dma_start3A_1526 : memref<128x32xf32, #tpu.memory_space<hbm>>) target_semaphore(%dma_start3A_1524 : memref<!tpu.dma_semaphore, #tpu.memory_space<semaphore_mem>>)
    %dma_wait3A_1531 = arith.constant 0 : i32
    %dma_wait3A_1532 = arith.constant 0 : i32
    %dma_wait3A_1533 = arith.constant 0 : i32
    %dma_wait3A_1534 = arith.constant 0 : i32
    %dma_wait3A_1535 = tpu.memref_slice %arg6[%dma_wait3A_1531, %dma_wait3A_1533, %dma_wait3A_1534] : memref<6x128x32xf32, #tpu.memory_space<vmem>> -> memref<1x128x32xf32, #tpu.memory_space<vmem>>
    %dma_wait3A_1536 = tpu.memref_squeeze %dma_wait3A_1535 : memref<1x128x32xf32, #tpu.memory_space<vmem>> -> memref<128x32xf32, #tpu.memory_space<vmem>>
    %dma_wait3A_1537 = arith.constant 3072 : i32
    %dma_wait3A_1538 = tpu.memref_slice %arg5[%dma_wait3A_1537] : memref<3328xi32, #tpu.memory_space<vmem>> -> memref<128xi32, #tpu.memory_space<vmem>>
    %dma_wait3A_1539 = arith.constant 0 : i32
    %dma_wait3A_1540 = arith.constant 0 : i32
    %dma_wait3A_1541 = tpu.memref_slice %arg3[%dma_wait3A_1539, %dma_wait3A_1540] : memref<2600000x32xf32, #tpu.memory_space<hbm>> -> memref<2600000x32xf32, #tpu.memory_space<hbm>>
    %dma_wait3A_1542 = tpu.memref_slice %arg7[%dma_wait3A_1532] : memref<6x!tpu.dma_semaphore, #tpu.memory_space<semaphore_mem>> -> memref<1x!tpu.dma_semaphore, #tpu.memory_space<semaphore_mem>>
    %dma_wait3A_1543 = tpu.memref_squeeze %dma_wait3A_1542 : memref<1x!tpu.dma_semaphore, #tpu.memory_space<semaphore_mem>> -> memref<!tpu.dma_semaphore, #tpu.memory_space<semaphore_mem>>
    tpu.wait_indirect_dma semaphore(%dma_wait3A_1543 : memref<!tpu.dma_semaphore, #tpu.memory_space<semaphore_mem>>) src(%dma_wait3A_1541 : memref<2600000x32xf32, #tpu.memory_space<hbm>>) dst(%dma_wait3A_1536 : memref<128x32xf32, #tpu.memory_space<vmem>>)
    %mul3A_1544 = arith.constant 3328 : i32
    %mul3A_1545 = arith.muli %add3A, %mul3A_1544 : i32
    %add3A_1546 = arith.constant 3072 : i32
    %add3A_1547 = arith.addi %mul3A_1545, %add3A_1546 : i32
    %dma_start3A_1548 = arith.constant 0 : i32
    %dma_start3A_1549 = arith.constant 0 : i32
    %dma_start3A_1550 = arith.constant 0 : i32
    %dma_start3A_1551 = arith.constant 0 : i32
    %dma_start3A_1552 = tpu.memref_slice %arg6[%dma_start3A_1548, %dma_start3A_1550, %dma_start3A_1551] : memref<6x128x32xf32, #tpu.memory_space<vmem>> -> memref<1x128x32xf32, #tpu.memory_space<vmem>>
    %dma_start3A_1553 = tpu.memref_squeeze %dma_start3A_1552 : memref<1x128x32xf32, #tpu.memory_space<vmem>> -> memref<128x32xf32, #tpu.memory_space<vmem>>
    %dma_start3A_1554 = arith.constant 0 : i32
    %dma_start3A_1555 = tpu.memref_slice %arg4[%add3A_1547, %dma_start3A_1554] : memref<106496x32xf32, #tpu.memory_space<hbm>> -> memref<128x32xf32, #tpu.memory_space<hbm>>
    %dma_start3A_1556 = tpu.memref_slice %arg8[%dma_start3A_1549] : memref<6x!tpu.dma_semaphore, #tpu.memory_space<semaphore_mem>> -> memref<1x!tpu.dma_semaphore, #tpu.memory_space<semaphore_mem>>
    %dma_start3A_1557 = tpu.memref_squeeze %dma_start3A_1556 : memref<1x!tpu.dma_semaphore, #tpu.memory_space<semaphore_mem>> -> memref<!tpu.dma_semaphore, #tpu.memory_space<semaphore_mem>>
    %dma_start3A_1558 = arith.constant 0 : i32
    %dma_start3A_1559 = tpu.memref_slice %arg4[%add3A_1547, %dma_start3A_1558] : memref<106496x32xf32, #tpu.memory_space<hbm>> -> memref<128x32xf32, #tpu.memory_space<hbm>>
    %dma_start3A_1560 = arith.constant 0 : i32
    %dma_start3A_1561 = arith.constant 0 : i32
    %dma_start3A_1562 = tpu.memref_slice %arg6[%dma_start3A_1548, %dma_start3A_1560, %dma_start3A_1561] : memref<6x128x32xf32, #tpu.memory_space<vmem>> -> memref<1x128x32xf32, #tpu.memory_space<vmem>>
    %dma_start3A_1563 = tpu.memref_squeeze %dma_start3A_1562 : memref<1x128x32xf32, #tpu.memory_space<vmem>> -> memref<128x32xf32, #tpu.memory_space<vmem>>
    tpu.enqueue_dma source(%dma_start3A_1563 : memref<128x32xf32, #tpu.memory_space<vmem>>) target(%dma_start3A_1559 : memref<128x32xf32, #tpu.memory_space<hbm>>) target_semaphore(%dma_start3A_1557 : memref<!tpu.dma_semaphore, #tpu.memory_space<semaphore_mem>>)
    %dma_wait3A_1564 = arith.constant 1 : i32
    %dma_wait3A_1565 = arith.constant 1 : i32
    %dma_wait3A_1566 = arith.constant 0 : i32
    %dma_wait3A_1567 = arith.constant 0 : i32
    %dma_wait3A_1568 = tpu.memref_slice %arg6[%dma_wait3A_1564, %dma_wait3A_1566, %dma_wait3A_1567] : memref<6x128x32xf32, #tpu.memory_space<vmem>> -> memref<1x128x32xf32, #tpu.memory_space<vmem>>
    %dma_wait3A_1569 = tpu.memref_squeeze %dma_wait3A_1568 : memref<1x128x32xf32, #tpu.memory_space<vmem>> -> memref<128x32xf32, #tpu.memory_space<vmem>>
    %dma_wait3A_1570 = arith.constant 3200 : i32
    %dma_wait3A_1571 = tpu.memref_slice %arg5[%dma_wait3A_1570] : memref<3328xi32, #tpu.memory_space<vmem>> -> memref<128xi32, #tpu.memory_space<vmem>>
    %dma_wait3A_1572 = arith.constant 0 : i32
    %dma_wait3A_1573 = arith.constant 0 : i32
    %dma_wait3A_1574 = tpu.memref_slice %arg3[%dma_wait3A_1572, %dma_wait3A_1573] : memref<2600000x32xf32, #tpu.memory_space<hbm>> -> memref<2600000x32xf32, #tpu.memory_space<hbm>>
    %dma_wait3A_1575 = tpu.memref_slice %arg7[%dma_wait3A_1565] : memref<6x!tpu.dma_semaphore, #tpu.memory_space<semaphore_mem>> -> memref<1x!tpu.dma_semaphore, #tpu.memory_space<semaphore_mem>>
    %dma_wait3A_1576 = tpu.memref_squeeze %dma_wait3A_1575 : memref<1x!tpu.dma_semaphore, #tpu.memory_space<semaphore_mem>> -> memref<!tpu.dma_semaphore, #tpu.memory_space<semaphore_mem>>
    tpu.wait_indirect_dma semaphore(%dma_wait3A_1576 : memref<!tpu.dma_semaphore, #tpu.memory_space<semaphore_mem>>) src(%dma_wait3A_1574 : memref<2600000x32xf32, #tpu.memory_space<hbm>>) dst(%dma_wait3A_1569 : memref<128x32xf32, #tpu.memory_space<vmem>>)
    %mul3A_1577 = arith.constant 3328 : i32
    %mul3A_1578 = arith.muli %add3A, %mul3A_1577 : i32
    %add3A_1579 = arith.constant 3200 : i32
    %add3A_1580 = arith.addi %mul3A_1578, %add3A_1579 : i32
    %dma_start3A_1581 = arith.constant 1 : i32
    %dma_start3A_1582 = arith.constant 1 : i32
    %dma_start3A_1583 = arith.constant 0 : i32
    %dma_start3A_1584 = arith.constant 0 : i32
    %dma_start3A_1585 = tpu.memref_slice %arg6[%dma_start3A_1581, %dma_start3A_1583, %dma_start3A_1584] : memref<6x128x32xf32, #tpu.memory_space<vmem>> -> memref<1x128x32xf32, #tpu.memory_space<vmem>>
    %dma_start3A_1586 = tpu.memref_squeeze %dma_start3A_1585 : memref<1x128x32xf32, #tpu.memory_space<vmem>> -> memref<128x32xf32, #tpu.memory_space<vmem>>
    %dma_start3A_1587 = arith.constant 0 : i32
    %dma_start3A_1588 = tpu.memref_slice %arg4[%add3A_1580, %dma_start3A_1587] : memref<106496x32xf32, #tpu.memory_space<hbm>> -> memref<128x32xf32, #tpu.memory_space<hbm>>
    %dma_start3A_1589 = tpu.memref_slice %arg8[%dma_start3A_1582] : memref<6x!tpu.dma_semaphore, #tpu.memory_space<semaphore_mem>> -> memref<1x!tpu.dma_semaphore, #tpu.memory_space<semaphore_mem>>
    %dma_start3A_1590 = tpu.memref_squeeze %dma_start3A_1589 : memref<1x!tpu.dma_semaphore, #tpu.memory_space<semaphore_mem>> -> memref<!tpu.dma_semaphore, #tpu.memory_space<semaphore_mem>>
    %dma_start3A_1591 = arith.constant 0 : i32
    %dma_start3A_1592 = tpu.memref_slice %arg4[%add3A_1580, %dma_start3A_1591] : memref<106496x32xf32, #tpu.memory_space<hbm>> -> memref<128x32xf32, #tpu.memory_space<hbm>>
    %dma_start3A_1593 = arith.constant 0 : i32
    %dma_start3A_1594 = arith.constant 0 : i32
    %dma_start3A_1595 = tpu.memref_slice %arg6[%dma_start3A_1581, %dma_start3A_1593, %dma_start3A_1594] : memref<6x128x32xf32, #tpu.memory_space<vmem>> -> memref<1x128x32xf32, #tpu.memory_space<vmem>>
    %dma_start3A_1596 = tpu.memref_squeeze %dma_start3A_1595 : memref<1x128x32xf32, #tpu.memory_space<vmem>> -> memref<128x32xf32, #tpu.memory_space<vmem>>
    tpu.enqueue_dma source(%dma_start3A_1596 : memref<128x32xf32, #tpu.memory_space<vmem>>) target(%dma_start3A_1592 : memref<128x32xf32, #tpu.memory_space<hbm>>) target_semaphore(%dma_start3A_1590 : memref<!tpu.dma_semaphore, #tpu.memory_space<semaphore_mem>>)
    %mul3A_1597 = arith.constant 3328 : i32
    %mul3A_1598 = arith.muli %add3A, %mul3A_1597 : i32
    %add3A_1599 = arith.constant 2560 : i32
    %add3A_1600 = arith.addi %mul3A_1598, %add3A_1599 : i32
    %dma_wait3A_1601 = arith.constant 2 : i32
    %dma_wait3A_1602 = arith.constant 2 : i32
    %dma_wait3A_1603 = arith.constant 0 : i32
    %dma_wait3A_1604 = arith.constant 0 : i32
    %dma_wait3A_1605 = tpu.memref_slice %arg6[%dma_wait3A_1601, %dma_wait3A_1603, %dma_wait3A_1604] : memref<6x128x32xf32, #tpu.memory_space<vmem>> -> memref<1x128x32xf32, #tpu.memory_space<vmem>>
    %dma_wait3A_1606 = tpu.memref_squeeze %dma_wait3A_1605 : memref<1x128x32xf32, #tpu.memory_space<vmem>> -> memref<128x32xf32, #tpu.memory_space<vmem>>
    %dma_wait3A_1607 = arith.constant 0 : i32
    %dma_wait3A_1608 = tpu.memref_slice %arg4[%add3A_1600, %dma_wait3A_1607] : memref<106496x32xf32, #tpu.memory_space<hbm>> -> memref<128x32xf32, #tpu.memory_space<hbm>>
    %dma_wait3A_1609 = tpu.memref_slice %arg8[%dma_wait3A_1602] : memref<6x!tpu.dma_semaphore, #tpu.memory_space<semaphore_mem>> -> memref<1x!tpu.dma_semaphore, #tpu.memory_space<semaphore_mem>>
    %dma_wait3A_1610 = tpu.memref_squeeze %dma_wait3A_1609 : memref<1x!tpu.dma_semaphore, #tpu.memory_space<semaphore_mem>> -> memref<!tpu.dma_semaphore, #tpu.memory_space<semaphore_mem>>
    %dma_wait3A_1611 = arith.constant 0 : i32
    %dma_wait3A_1612 = tpu.memref_slice %arg4[%add3A_1600, %dma_wait3A_1611] : memref<106496x32xf32, #tpu.memory_space<hbm>> -> memref<128x32xf32, #tpu.memory_space<hbm>>
    %dma_wait3A_1613 = arith.constant 0 : i32
    %dma_wait3A_1614 = arith.constant 0 : i32
    %dma_wait3A_1615 = tpu.memref_slice %arg6[%dma_wait3A_1601, %dma_wait3A_1613, %dma_wait3A_1614] : memref<6x128x32xf32, #tpu.memory_space<vmem>> -> memref<1x128x32xf32, #tpu.memory_space<vmem>>
    %dma_wait3A_1616 = tpu.memref_squeeze %dma_wait3A_1615 : memref<1x128x32xf32, #tpu.memory_space<vmem>> -> memref<128x32xf32, #tpu.memory_space<vmem>>
    tpu.wait_dma2 semaphore(%dma_wait3A_1610 : memref<!tpu.dma_semaphore, #tpu.memory_space<semaphore_mem>>) src(%dma_wait3A_1616 : memref<128x32xf32, #tpu.memory_space<vmem>>) dst(%dma_wait3A_1612 : memref<128x32xf32, #tpu.memory_space<hbm>>)
    %mul3A_1617 = arith.constant 3328 : i32
    %mul3A_1618 = arith.muli %add3A, %mul3A_1617 : i32
    %add3A_1619 = arith.constant 2688 : i32
    %add3A_1620 = arith.addi %mul3A_1618, %add3A_1619 : i32
    %dma_wait3A_1621 = arith.constant 3 : i32
    %dma_wait3A_1622 = arith.constant 3 : i32
    %dma_wait3A_1623 = arith.constant 0 : i32
    %dma_wait3A_1624 = arith.constant 0 : i32
    %dma_wait3A_1625 = tpu.memref_slice %arg6[%dma_wait3A_1621, %dma_wait3A_1623, %dma_wait3A_1624] : memref<6x128x32xf32, #tpu.memory_space<vmem>> -> memref<1x128x32xf32, #tpu.memory_space<vmem>>
    %dma_wait3A_1626 = tpu.memref_squeeze %dma_wait3A_1625 : memref<1x128x32xf32, #tpu.memory_space<vmem>> -> memref<128x32xf32, #tpu.memory_space<vmem>>
    %dma_wait3A_1627 = arith.constant 0 : i32
    %dma_wait3A_1628 = tpu.memref_slice %arg4[%add3A_1620, %dma_wait3A_1627] : memref<106496x32xf32, #tpu.memory_space<hbm>> -> memref<128x32xf32, #tpu.memory_space<hbm>>
    %dma_wait3A_1629 = tpu.memref_slice %arg8[%dma_wait3A_1622] : memref<6x!tpu.dma_semaphore, #tpu.memory_space<semaphore_mem>> -> memref<1x!tpu.dma_semaphore, #tpu.memory_space<semaphore_mem>>
    %dma_wait3A_1630 = tpu.memref_squeeze %dma_wait3A_1629 : memref<1x!tpu.dma_semaphore, #tpu.memory_space<semaphore_mem>> -> memref<!tpu.dma_semaphore, #tpu.memory_space<semaphore_mem>>
    %dma_wait3A_1631 = arith.constant 0 : i32
    %dma_wait3A_1632 = tpu.memref_slice %arg4[%add3A_1620, %dma_wait3A_1631] : memref<106496x32xf32, #tpu.memory_space<hbm>> -> memref<128x32xf32, #tpu.memory_space<hbm>>
    %dma_wait3A_1633 = arith.constant 0 : i32
    %dma_wait3A_1634 = arith.constant 0 : i32
    %dma_wait3A_1635 = tpu.memref_slice %arg6[%dma_wait3A_1621, %dma_wait3A_1633, %dma_wait3A_1634] : memref<6x128x32xf32, #tpu.memory_space<vmem>> -> memref<1x128x32xf32, #tpu.memory_space<vmem>>
    %dma_wait3A_1636 = tpu.memref_squeeze %dma_wait3A_1635 : memref<1x128x32xf32, #tpu.memory_space<vmem>> -> memref<128x32xf32, #tpu.memory_space<vmem>>
    tpu.wait_dma2 semaphore(%dma_wait3A_1630 : memref<!tpu.dma_semaphore, #tpu.memory_space<semaphore_mem>>) src(%dma_wait3A_1636 : memref<128x32xf32, #tpu.memory_space<vmem>>) dst(%dma_wait3A_1632 : memref<128x32xf32, #tpu.memory_space<hbm>>)
    %mul3A_1637 = arith.constant 3328 : i32
    %mul3A_1638 = arith.muli %add3A, %mul3A_1637 : i32
    %add3A_1639 = arith.constant 2816 : i32
    %add3A_1640 = arith.addi %mul3A_1638, %add3A_1639 : i32
    %dma_wait3A_1641 = arith.constant 4 : i32
    %dma_wait3A_1642 = arith.constant 4 : i32
    %dma_wait3A_1643 = arith.constant 0 : i32
    %dma_wait3A_1644 = arith.constant 0 : i32
    %dma_wait3A_1645 = tpu.memref_slice %arg6[%dma_wait3A_1641, %dma_wait3A_1643, %dma_wait3A_1644] : memref<6x128x32xf32, #tpu.memory_space<vmem>> -> memref<1x128x32xf32, #tpu.memory_space<vmem>>
    %dma_wait3A_1646 = tpu.memref_squeeze %dma_wait3A_1645 : memref<1x128x32xf32, #tpu.memory_space<vmem>> -> memref<128x32xf32, #tpu.memory_space<vmem>>
    %dma_wait3A_1647 = arith.constant 0 : i32
    %dma_wait3A_1648 = tpu.memref_slice %arg4[%add3A_1640, %dma_wait3A_1647] : memref<106496x32xf32, #tpu.memory_space<hbm>> -> memref<128x32xf32, #tpu.memory_space<hbm>>
    %dma_wait3A_1649 = tpu.memref_slice %arg8[%dma_wait3A_1642] : memref<6x!tpu.dma_semaphore, #tpu.memory_space<semaphore_mem>> -> memref<1x!tpu.dma_semaphore, #tpu.memory_space<semaphore_mem>>
    %dma_wait3A_1650 = tpu.memref_squeeze %dma_wait3A_1649 : memref<1x!tpu.dma_semaphore, #tpu.memory_space<semaphore_mem>> -> memref<!tpu.dma_semaphore, #tpu.memory_space<semaphore_mem>>
    %dma_wait3A_1651 = arith.constant 0 : i32
    %dma_wait3A_1652 = tpu.memref_slice %arg4[%add3A_1640, %dma_wait3A_1651] : memref<106496x32xf32, #tpu.memory_space<hbm>> -> memref<128x32xf32, #tpu.memory_space<hbm>>
    %dma_wait3A_1653 = arith.constant 0 : i32
    %dma_wait3A_1654 = arith.constant 0 : i32
    %dma_wait3A_1655 = tpu.memref_slice %arg6[%dma_wait3A_1641, %dma_wait3A_1653, %dma_wait3A_1654] : memref<6x128x32xf32, #tpu.memory_space<vmem>> -> memref<1x128x32xf32, #tpu.memory_space<vmem>>
    %dma_wait3A_1656 = tpu.memref_squeeze %dma_wait3A_1655 : memref<1x128x32xf32, #tpu.memory_space<vmem>> -> memref<128x32xf32, #tpu.memory_space<vmem>>
    tpu.wait_dma2 semaphore(%dma_wait3A_1650 : memref<!tpu.dma_semaphore, #tpu.memory_space<semaphore_mem>>) src(%dma_wait3A_1656 : memref<128x32xf32, #tpu.memory_space<vmem>>) dst(%dma_wait3A_1652 : memref<128x32xf32, #tpu.memory_space<hbm>>)
    %mul3A_1657 = arith.constant 3328 : i32
    %mul3A_1658 = arith.muli %add3A, %mul3A_1657 : i32
    %add3A_1659 = arith.constant 2944 : i32
    %add3A_1660 = arith.addi %mul3A_1658, %add3A_1659 : i32
    %dma_wait3A_1661 = arith.constant 5 : i32
    %dma_wait3A_1662 = arith.constant 5 : i32
    %dma_wait3A_1663 = arith.constant 0 : i32
    %dma_wait3A_1664 = arith.constant 0 : i32
    %dma_wait3A_1665 = tpu.memref_slice %arg6[%dma_wait3A_1661, %dma_wait3A_1663, %dma_wait3A_1664] : memref<6x128x32xf32, #tpu.memory_space<vmem>> -> memref<1x128x32xf32, #tpu.memory_space<vmem>>
    %dma_wait3A_1666 = tpu.memref_squeeze %dma_wait3A_1665 : memref<1x128x32xf32, #tpu.memory_space<vmem>> -> memref<128x32xf32, #tpu.memory_space<vmem>>
    %dma_wait3A_1667 = arith.constant 0 : i32
    %dma_wait3A_1668 = tpu.memref_slice %arg4[%add3A_1660, %dma_wait3A_1667] : memref<106496x32xf32, #tpu.memory_space<hbm>> -> memref<128x32xf32, #tpu.memory_space<hbm>>
    %dma_wait3A_1669 = tpu.memref_slice %arg8[%dma_wait3A_1662] : memref<6x!tpu.dma_semaphore, #tpu.memory_space<semaphore_mem>> -> memref<1x!tpu.dma_semaphore, #tpu.memory_space<semaphore_mem>>
    %dma_wait3A_1670 = tpu.memref_squeeze %dma_wait3A_1669 : memref<1x!tpu.dma_semaphore, #tpu.memory_space<semaphore_mem>> -> memref<!tpu.dma_semaphore, #tpu.memory_space<semaphore_mem>>
    %dma_wait3A_1671 = arith.constant 0 : i32
    %dma_wait3A_1672 = tpu.memref_slice %arg4[%add3A_1660, %dma_wait3A_1671] : memref<106496x32xf32, #tpu.memory_space<hbm>> -> memref<128x32xf32, #tpu.memory_space<hbm>>
    %dma_wait3A_1673 = arith.constant 0 : i32
    %dma_wait3A_1674 = arith.constant 0 : i32
    %dma_wait3A_1675 = tpu.memref_slice %arg6[%dma_wait3A_1661, %dma_wait3A_1673, %dma_wait3A_1674] : memref<6x128x32xf32, #tpu.memory_space<vmem>> -> memref<1x128x32xf32, #tpu.memory_space<vmem>>
    %dma_wait3A_1676 = tpu.memref_squeeze %dma_wait3A_1675 : memref<1x128x32xf32, #tpu.memory_space<vmem>> -> memref<128x32xf32, #tpu.memory_space<vmem>>
    tpu.wait_dma2 semaphore(%dma_wait3A_1670 : memref<!tpu.dma_semaphore, #tpu.memory_space<semaphore_mem>>) src(%dma_wait3A_1676 : memref<128x32xf32, #tpu.memory_space<vmem>>) dst(%dma_wait3A_1672 : memref<128x32xf32, #tpu.memory_space<hbm>>)
    %mul3A_1677 = arith.constant 3328 : i32
    %mul3A_1678 = arith.muli %add3A, %mul3A_1677 : i32
    %add3A_1679 = arith.constant 3072 : i32
    %add3A_1680 = arith.addi %mul3A_1678, %add3A_1679 : i32
    %dma_wait3A_1681 = arith.constant 0 : i32
    %dma_wait3A_1682 = arith.constant 0 : i32
    %dma_wait3A_1683 = arith.constant 0 : i32
    %dma_wait3A_1684 = arith.constant 0 : i32
    %dma_wait3A_1685 = tpu.memref_slice %arg6[%dma_wait3A_1681, %dma_wait3A_1683, %dma_wait3A_1684] : memref<6x128x32xf32, #tpu.memory_space<vmem>> -> memref<1x128x32xf32, #tpu.memory_space<vmem>>
    %dma_wait3A_1686 = tpu.memref_squeeze %dma_wait3A_1685 : memref<1x128x32xf32, #tpu.memory_space<vmem>> -> memref<128x32xf32, #tpu.memory_space<vmem>>
    %dma_wait3A_1687 = arith.constant 0 : i32
    %dma_wait3A_1688 = tpu.memref_slice %arg4[%add3A_1680, %dma_wait3A_1687] : memref<106496x32xf32, #tpu.memory_space<hbm>> -> memref<128x32xf32, #tpu.memory_space<hbm>>
    %dma_wait3A_1689 = tpu.memref_slice %arg8[%dma_wait3A_1682] : memref<6x!tpu.dma_semaphore, #tpu.memory_space<semaphore_mem>> -> memref<1x!tpu.dma_semaphore, #tpu.memory_space<semaphore_mem>>
    %dma_wait3A_1690 = tpu.memref_squeeze %dma_wait3A_1689 : memref<1x!tpu.dma_semaphore, #tpu.memory_space<semaphore_mem>> -> memref<!tpu.dma_semaphore, #tpu.memory_space<semaphore_mem>>
    %dma_wait3A_1691 = arith.constant 0 : i32
    %dma_wait3A_1692 = tpu.memref_slice %arg4[%add3A_1680, %dma_wait3A_1691] : memref<106496x32xf32, #tpu.memory_space<hbm>> -> memref<128x32xf32, #tpu.memory_space<hbm>>
    %dma_wait3A_1693 = arith.constant 0 : i32
    %dma_wait3A_1694 = arith.constant 0 : i32
    %dma_wait3A_1695 = tpu.memref_slice %arg6[%dma_wait3A_1681, %dma_wait3A_1693, %dma_wait3A_1694] : memref<6x128x32xf32, #tpu.memory_space<vmem>> -> memref<1x128x32xf32, #tpu.memory_space<vmem>>
    %dma_wait3A_1696 = tpu.memref_squeeze %dma_wait3A_1695 : memref<1x128x32xf32, #tpu.memory_space<vmem>> -> memref<128x32xf32, #tpu.memory_space<vmem>>
    tpu.wait_dma2 semaphore(%dma_wait3A_1690 : memref<!tpu.dma_semaphore, #tpu.memory_space<semaphore_mem>>) src(%dma_wait3A_1696 : memref<128x32xf32, #tpu.memory_space<vmem>>) dst(%dma_wait3A_1692 : memref<128x32xf32, #tpu.memory_space<hbm>>)
    %mul3A_1697 = arith.constant 3328 : i32
    %mul3A_1698 = arith.muli %add3A, %mul3A_1697 : i32
    %add3A_1699 = arith.constant 3200 : i32
    %add3A_1700 = arith.addi %mul3A_1698, %add3A_1699 : i32
    %dma_wait3A_1701 = arith.constant 1 : i32
    %dma_wait3A_1702 = arith.constant 1 : i32
    %dma_wait3A_1703 = arith.constant 0 : i32
    %dma_wait3A_1704 = arith.constant 0 : i32
    %dma_wait3A_1705 = tpu.memref_slice %arg6[%dma_wait3A_1701, %dma_wait3A_1703, %dma_wait3A_1704] : memref<6x128x32xf32, #tpu.memory_space<vmem>> -> memref<1x128x32xf32, #tpu.memory_space<vmem>>
    %dma_wait3A_1706 = tpu.memref_squeeze %dma_wait3A_1705 : memref<1x128x32xf32, #tpu.memory_space<vmem>> -> memref<128x32xf32, #tpu.memory_space<vmem>>
    %dma_wait3A_1707 = arith.constant 0 : i32
    %dma_wait3A_1708 = tpu.memref_slice %arg4[%add3A_1700, %dma_wait3A_1707] : memref<106496x32xf32, #tpu.memory_space<hbm>> -> memref<128x32xf32, #tpu.memory_space<hbm>>
    %dma_wait3A_1709 = tpu.memref_slice %arg8[%dma_wait3A_1702] : memref<6x!tpu.dma_semaphore, #tpu.memory_space<semaphore_mem>> -> memref<1x!tpu.dma_semaphore, #tpu.memory_space<semaphore_mem>>
    %dma_wait3A_1710 = tpu.memref_squeeze %dma_wait3A_1709 : memref<1x!tpu.dma_semaphore, #tpu.memory_space<semaphore_mem>> -> memref<!tpu.dma_semaphore, #tpu.memory_space<semaphore_mem>>
    %dma_wait3A_1711 = arith.constant 0 : i32
    %dma_wait3A_1712 = tpu.memref_slice %arg4[%add3A_1700, %dma_wait3A_1711] : memref<106496x32xf32, #tpu.memory_space<hbm>> -> memref<128x32xf32, #tpu.memory_space<hbm>>
    %dma_wait3A_1713 = arith.constant 0 : i32
    %dma_wait3A_1714 = arith.constant 0 : i32
    %dma_wait3A_1715 = tpu.memref_slice %arg6[%dma_wait3A_1701, %dma_wait3A_1713, %dma_wait3A_1714] : memref<6x128x32xf32, #tpu.memory_space<vmem>> -> memref<1x128x32xf32, #tpu.memory_space<vmem>>
    %dma_wait3A_1716 = tpu.memref_squeeze %dma_wait3A_1715 : memref<1x128x32xf32, #tpu.memory_space<vmem>> -> memref<128x32xf32, #tpu.memory_space<vmem>>
    tpu.wait_dma2 semaphore(%dma_wait3A_1710 : memref<!tpu.dma_semaphore, #tpu.memory_space<semaphore_mem>>) src(%dma_wait3A_1716 : memref<128x32xf32, #tpu.memory_space<vmem>>) dst(%dma_wait3A_1712 : memref<128x32xf32, #tpu.memory_space<hbm>>)
    return
  }
}

module attributes {stable_mosaic.version = 14 : i64} {
  func.func @_tc_body(%arg0: i32, %arg1: memref<512x832xf32, #tpu.memory_space<vmem>>, %arg2: memref<512x26xf32, #tpu.memory_space<vmem>>, %arg3: memref<832x256xf32, #tpu.memory_space<vmem>>, %arg4: memref<26x256xf32, #tpu.memory_space<vmem>>, %arg5: memref<32x128xf32, #tpu.memory_space<vmem>>, %arg6: memref<1x128xf32, #tpu.memory_space<vmem>>, %arg7: memref<1x128xf32, #tpu.memory_space<vmem>>, %arg8: memref<1x128xf32, #tpu.memory_space<vmem>>, %arg9: memref<512x8x128xf32, #tpu.memory_space<vmem>>) attributes {dimension_semantics = [#tpu.dimension_semantics<arbitrary>], iteration_bounds = array<i64: 8>, scalar_prefetch = 0 : i64, scratch_operands = 0 : i64, tpu.core_type = #tpu.core_type<tc>, window_params = [{transform_indices = @transform_0, window_bounds = array<i64: 512, 832>}, {transform_indices = @transform_1, window_bounds = array<i64: 512, 26>}, {pipeline_mode = #tpu.pipeline_mode<synchronous>, transform_indices = @transform_2, window_bounds = array<i64: 832, 256>}, {pipeline_mode = #tpu.pipeline_mode<synchronous>, transform_indices = @transform_3, window_bounds = array<i64: 26, 256>}, {pipeline_mode = #tpu.pipeline_mode<synchronous>, transform_indices = @transform_4, window_bounds = array<i64: 32, 128>}, {pipeline_mode = #tpu.pipeline_mode<synchronous>, transform_indices = @transform_5, window_bounds = array<i64: 1, 128>}, {pipeline_mode = #tpu.pipeline_mode<synchronous>, transform_indices = @transform_6, window_bounds = array<i64: 1, 128>}, {pipeline_mode = #tpu.pipeline_mode<synchronous>, transform_indices = @transform_7, window_bounds = array<i64: 1, 128>}, {transform_indices = @transform_8, window_bounds = array<i64: 512, 8, 128>}]} {
    %get3A = arith.constant 0 : index
    %get3A_0 = arith.constant 0 : index
    %get3A_1 = vector.load %arg1[%get3A, %get3A_0] : memref<512x832xf32, #tpu.memory_space<vmem>>, vector<512x832xf32>
    %get3A_2 = arith.constant 0 : index
    %get3A_3 = arith.constant 0 : index
    %get3A_4 = vector.load %arg3[%get3A_2, %get3A_3] : memref<832x256xf32, #tpu.memory_space<vmem>>, vector<832x256xf32>
    %dot_general3A = arith.constant dense<0.000000e+00> : vector<512x256xf32>
    %dot_general3A_5 = tpu.matmul %get3A_1, %get3A_4, %dot_general3A {dimension_numbers = #tpu.dot_dimension_numbers<[1], [0], [0], [1], [0, 0, 1, 1], [], []>, transpose_lhs_hint = false} : vector<512x832xf32>, vector<832x256xf32>, vector<512x256xf32> -> vector<512x256xf32>
    %get3A_6 = arith.constant 0 : index
    %get3A_7 = arith.constant 0 : index
    %get3A_8 = vector.load %arg2[%get3A_6, %get3A_7] : memref<512x26xf32, #tpu.memory_space<vmem>>, vector<512x26xf32>
    %get3A_9 = arith.constant 0 : index
    %get3A_10 = arith.constant 0 : index
    %get3A_11 = vector.load %arg4[%get3A_9, %get3A_10] : memref<26x256xf32, #tpu.memory_space<vmem>>, vector<26x256xf32>
    %dot_general3A_12 = arith.constant dense<0.000000e+00> : vector<512x256xf32>
    %dot_general3A_13 = tpu.matmul %get3A_8, %get3A_11, %dot_general3A_12 {dimension_numbers = #tpu.dot_dimension_numbers<[1], [0], [0], [1], [0, 0, 1, 1], [], []>, transpose_lhs_hint = false} : vector<512x26xf32>, vector<26x256xf32>, vector<512x256xf32> -> vector<512x256xf32>
    %add3A = arith.addf %dot_general3A_5, %dot_general3A_13 : vector<512x256xf32>
    %get3A_14 = arith.constant 0 : index
    %get3A_15 = arith.constant 0 : index
    %get3A_16 = vector.load %arg7[%get3A_14, %get3A_15] : memref<1x128xf32, #tpu.memory_space<vmem>>, vector<1x128xf32>
    %get3A_17 = arith.constant 0 : index
    %get3A_18 = arith.constant 0 : index
    %get3A_19 = vector.load %arg8[%get3A_17, %get3A_18] : memref<1x128xf32, #tpu.memory_space<vmem>>, vector<1x128xf32>
    %get3A_20 = arith.constant 0 : index
    %get3A_21 = arith.constant 0 : index
    %get3A_22 = vector.load %arg6[%get3A_20, %get3A_21] : memref<1x128xf32, #tpu.memory_space<vmem>>, vector<1x128xf32>
    %slice3A = vector.extract_strided_slice %add3A {offsets = [0, 0], sizes = [512, 32], strides = [1, 1]} : vector<512x256xf32> to vector<512x32xf32>
    %get3A_23 = arith.constant 0 : index
    %get3A_24 = arith.constant 0 : index
    %get3A_25 = vector.load %arg5[%get3A_23, %get3A_24] : memref<32x128xf32, #tpu.memory_space<vmem>>, vector<32x128xf32>
    %dot_general3A_26 = arith.constant dense<0.000000e+00> : vector<512x128xf32>
    %dot_general3A_27 = tpu.matmul %slice3A, %get3A_25, %dot_general3A_26 {dimension_numbers = #tpu.dot_dimension_numbers<[1], [0], [0], [1], [0, 0, 1, 1], [], []>, transpose_lhs_hint = false} : vector<512x32xf32>, vector<32x128xf32>, vector<512x128xf32> -> vector<512x128xf32>
    %add3A_28 = vector.broadcast %get3A_22 : vector<1x128xf32> to vector<512x128xf32>
    %add3A_29 = arith.addf %dot_general3A_27, %add3A_28 : vector<512x128xf32>
    %logistic3A = arith.negf %add3A_29 : vector<512x128xf32>
    %logistic3A_30 = math.exp %logistic3A : vector<512x128xf32>
    %logistic3A_31 = arith.constant 1.000000e+00 : f32
    %logistic3A_32 = vector.broadcast %logistic3A_31 : f32 to vector<512x128xf32>
    %logistic3A_33 = arith.addf %logistic3A_32, %logistic3A_30 : vector<512x128xf32>
    %logistic3A_34 = arith.divf %logistic3A_32, %logistic3A_33 : vector<512x128xf32>
    %mul3A = arith.mulf %add3A_29, %logistic3A_34 : vector<512x128xf32>
    %reduce_sum3A = arith.constant dense<0.000000e+00> : vector<512xf32>
    %reduce_sum3A_35 = vector.multi_reduction <add>, %mul3A, %reduce_sum3A [1] : vector<512x128xf32> to vector<512xf32>
    %broadcast_in_dim3A = vector.shape_cast %reduce_sum3A_35 : vector<512xf32> to vector<512x1xf32>
    %div3A = arith.constant 1.280000e+02 : f32
    %div3A_36 = vector.broadcast %div3A : f32 to vector<512x1xf32>
    %div3A_37 = arith.divf %broadcast_in_dim3A, %div3A_36 : vector<512x1xf32>
    %sub3A = vector.broadcast %div3A_37 : vector<512x1xf32> to vector<512x128xf32>
    %sub3A_38 = arith.subf %mul3A, %sub3A : vector<512x128xf32>
    %integer_pow3A = arith.mulf %sub3A_38, %sub3A_38 : vector<512x128xf32>
    %reduce_sum3A_39 = arith.constant dense<0.000000e+00> : vector<512xf32>
    %reduce_sum3A_40 = vector.multi_reduction <add>, %integer_pow3A, %reduce_sum3A_39 [1] : vector<512x128xf32> to vector<512xf32>
    %broadcast_in_dim3A_41 = vector.shape_cast %reduce_sum3A_40 : vector<512xf32> to vector<512x1xf32>
    %div3A_42 = arith.constant 1.280000e+02 : f32
    %div3A_43 = vector.broadcast %div3A_42 : f32 to vector<512x1xf32>
    %div3A_44 = arith.divf %broadcast_in_dim3A_41, %div3A_43 : vector<512x1xf32>
    %sub3A_45 = vector.broadcast %div3A_37 : vector<512x1xf32> to vector<512x128xf32>
    %sub3A_46 = arith.subf %mul3A, %sub3A_45 : vector<512x128xf32>
    %add3A_47 = arith.constant 9.99999974E-6 : f32
    %add3A_48 = vector.broadcast %add3A_47 : f32 to vector<512x1xf32>
    %add3A_49 = arith.addf %div3A_44, %add3A_48 : vector<512x1xf32>
    %rsqrt3A = math.rsqrt %add3A_49 : vector<512x1xf32>
    %mul3A_50 = vector.broadcast %rsqrt3A : vector<512x1xf32> to vector<512x128xf32>
    %mul3A_51 = arith.mulf %sub3A_46, %mul3A_50 : vector<512x128xf32>
    %mul3A_52 = vector.broadcast %get3A_16 : vector<1x128xf32> to vector<512x128xf32>
    %mul3A_53 = arith.mulf %mul3A_51, %mul3A_52 : vector<512x128xf32>
    %add3A_54 = vector.broadcast %get3A_19 : vector<1x128xf32> to vector<512x128xf32>
    %add3A_55 = arith.addf %mul3A_53, %add3A_54 : vector<512x128xf32>
    %swap3A = arith.constant 0 : index
    %swap3A_56 = arith.constant 0 : index
    %swap3A_57 = arith.constant 0 : index
    %swap3A_58 = vector.load %arg9[%swap3A, %swap3A_56, %swap3A_57] : memref<512x8x128xf32, #tpu.memory_space<vmem>>, vector<512x1x128xf32>
    %swap3A_59 = vector.shape_cast %swap3A_58 : vector<512x1x128xf32> to vector<512x128xf32>
    %swap3A_60 = vector.shape_cast %add3A_55 : vector<512x128xf32> to vector<512x1x128xf32>
    tpu.vector_store %arg9[%swap3A, %swap3A_56, %swap3A_57], %swap3A_60 {strides = array<i32>} : memref<512x8x128xf32, #tpu.memory_space<vmem>>, vector<512x1x128xf32>,
    %slice3A_61 = vector.extract_strided_slice %add3A {offsets = [0, 32], sizes = [512, 32], strides = [1, 1]} : vector<512x256xf32> to vector<512x32xf32>
    %get3A_62 = arith.constant 0 : index
    %get3A_63 = arith.constant 0 : index
    %get3A_64 = vector.load %arg5[%get3A_62, %get3A_63] : memref<32x128xf32, #tpu.memory_space<vmem>>, vector<32x128xf32>
    %dot_general3A_65 = arith.constant dense<0.000000e+00> : vector<512x128xf32>
    %dot_general3A_66 = tpu.matmul %slice3A_61, %get3A_64, %dot_general3A_65 {dimension_numbers = #tpu.dot_dimension_numbers<[1], [0], [0], [1], [0, 0, 1, 1], [], []>, transpose_lhs_hint = false} : vector<512x32xf32>, vector<32x128xf32>, vector<512x128xf32> -> vector<512x128xf32>
    %add3A_67 = vector.broadcast %get3A_22 : vector<1x128xf32> to vector<512x128xf32>
    %add3A_68 = arith.addf %dot_general3A_66, %add3A_67 : vector<512x128xf32>
    %logistic3A_69 = arith.negf %add3A_68 : vector<512x128xf32>
    %logistic3A_70 = math.exp %logistic3A_69 : vector<512x128xf32>
    %logistic3A_71 = arith.constant 1.000000e+00 : f32
    %logistic3A_72 = vector.broadcast %logistic3A_71 : f32 to vector<512x128xf32>
    %logistic3A_73 = arith.addf %logistic3A_72, %logistic3A_70 : vector<512x128xf32>
    %logistic3A_74 = arith.divf %logistic3A_72, %logistic3A_73 : vector<512x128xf32>
    %mul3A_75 = arith.mulf %add3A_68, %logistic3A_74 : vector<512x128xf32>
    %reduce_sum3A_76 = arith.constant dense<0.000000e+00> : vector<512xf32>
    %reduce_sum3A_77 = vector.multi_reduction <add>, %mul3A_75, %reduce_sum3A_76 [1] : vector<512x128xf32> to vector<512xf32>
    %broadcast_in_dim3A_78 = vector.shape_cast %reduce_sum3A_77 : vector<512xf32> to vector<512x1xf32>
    %div3A_79 = arith.constant 1.280000e+02 : f32
    %div3A_80 = vector.broadcast %div3A_79 : f32 to vector<512x1xf32>
    %div3A_81 = arith.divf %broadcast_in_dim3A_78, %div3A_80 : vector<512x1xf32>
    %sub3A_82 = vector.broadcast %div3A_81 : vector<512x1xf32> to vector<512x128xf32>
    %sub3A_83 = arith.subf %mul3A_75, %sub3A_82 : vector<512x128xf32>
    %integer_pow3A_84 = arith.mulf %sub3A_83, %sub3A_83 : vector<512x128xf32>
    %reduce_sum3A_85 = arith.constant dense<0.000000e+00> : vector<512xf32>
    %reduce_sum3A_86 = vector.multi_reduction <add>, %integer_pow3A_84, %reduce_sum3A_85 [1] : vector<512x128xf32> to vector<512xf32>
    %broadcast_in_dim3A_87 = vector.shape_cast %reduce_sum3A_86 : vector<512xf32> to vector<512x1xf32>
    %div3A_88 = arith.constant 1.280000e+02 : f32
    %div3A_89 = vector.broadcast %div3A_88 : f32 to vector<512x1xf32>
    %div3A_90 = arith.divf %broadcast_in_dim3A_87, %div3A_89 : vector<512x1xf32>
    %sub3A_91 = vector.broadcast %div3A_81 : vector<512x1xf32> to vector<512x128xf32>
    %sub3A_92 = arith.subf %mul3A_75, %sub3A_91 : vector<512x128xf32>
    %add3A_93 = arith.constant 9.99999974E-6 : f32
    %add3A_94 = vector.broadcast %add3A_93 : f32 to vector<512x1xf32>
    %add3A_95 = arith.addf %div3A_90, %add3A_94 : vector<512x1xf32>
    %rsqrt3A_96 = math.rsqrt %add3A_95 : vector<512x1xf32>
    %mul3A_97 = vector.broadcast %rsqrt3A_96 : vector<512x1xf32> to vector<512x128xf32>
    %mul3A_98 = arith.mulf %sub3A_92, %mul3A_97 : vector<512x128xf32>
    %mul3A_99 = vector.broadcast %get3A_16 : vector<1x128xf32> to vector<512x128xf32>
    %mul3A_100 = arith.mulf %mul3A_98, %mul3A_99 : vector<512x128xf32>
    %add3A_101 = vector.broadcast %get3A_19 : vector<1x128xf32> to vector<512x128xf32>
    %add3A_102 = arith.addf %mul3A_100, %add3A_101 : vector<512x128xf32>
    %swap3A_103 = arith.constant 0 : index
    %swap3A_104 = arith.constant 1 : index
    %swap3A_105 = arith.constant 0 : index
    %swap3A_106 = vector.load %arg9[%swap3A_103, %swap3A_104, %swap3A_105] : memref<512x8x128xf32, #tpu.memory_space<vmem>>, vector<512x1x128xf32>
    %swap3A_107 = vector.shape_cast %swap3A_106 : vector<512x1x128xf32> to vector<512x128xf32>
    %swap3A_108 = vector.shape_cast %add3A_102 : vector<512x128xf32> to vector<512x1x128xf32>
    tpu.vector_store %arg9[%swap3A_103, %swap3A_104, %swap3A_105], %swap3A_108 {strides = array<i32>} : memref<512x8x128xf32, #tpu.memory_space<vmem>>, vector<512x1x128xf32>,
    %slice3A_109 = vector.extract_strided_slice %add3A {offsets = [0, 64], sizes = [512, 32], strides = [1, 1]} : vector<512x256xf32> to vector<512x32xf32>
    %get3A_110 = arith.constant 0 : index
    %get3A_111 = arith.constant 0 : index
    %get3A_112 = vector.load %arg5[%get3A_110, %get3A_111] : memref<32x128xf32, #tpu.memory_space<vmem>>, vector<32x128xf32>
    %dot_general3A_113 = arith.constant dense<0.000000e+00> : vector<512x128xf32>
    %dot_general3A_114 = tpu.matmul %slice3A_109, %get3A_112, %dot_general3A_113 {dimension_numbers = #tpu.dot_dimension_numbers<[1], [0], [0], [1], [0, 0, 1, 1], [], []>, transpose_lhs_hint = false} : vector<512x32xf32>, vector<32x128xf32>, vector<512x128xf32> -> vector<512x128xf32>
    %add3A_115 = vector.broadcast %get3A_22 : vector<1x128xf32> to vector<512x128xf32>
    %add3A_116 = arith.addf %dot_general3A_114, %add3A_115 : vector<512x128xf32>
    %logistic3A_117 = arith.negf %add3A_116 : vector<512x128xf32>
    %logistic3A_118 = math.exp %logistic3A_117 : vector<512x128xf32>
    %logistic3A_119 = arith.constant 1.000000e+00 : f32
    %logistic3A_120 = vector.broadcast %logistic3A_119 : f32 to vector<512x128xf32>
    %logistic3A_121 = arith.addf %logistic3A_120, %logistic3A_118 : vector<512x128xf32>
    %logistic3A_122 = arith.divf %logistic3A_120, %logistic3A_121 : vector<512x128xf32>
    %mul3A_123 = arith.mulf %add3A_116, %logistic3A_122 : vector<512x128xf32>
    %reduce_sum3A_124 = arith.constant dense<0.000000e+00> : vector<512xf32>
    %reduce_sum3A_125 = vector.multi_reduction <add>, %mul3A_123, %reduce_sum3A_124 [1] : vector<512x128xf32> to vector<512xf32>
    %broadcast_in_dim3A_126 = vector.shape_cast %reduce_sum3A_125 : vector<512xf32> to vector<512x1xf32>
    %div3A_127 = arith.constant 1.280000e+02 : f32
    %div3A_128 = vector.broadcast %div3A_127 : f32 to vector<512x1xf32>
    %div3A_129 = arith.divf %broadcast_in_dim3A_126, %div3A_128 : vector<512x1xf32>
    %sub3A_130 = vector.broadcast %div3A_129 : vector<512x1xf32> to vector<512x128xf32>
    %sub3A_131 = arith.subf %mul3A_123, %sub3A_130 : vector<512x128xf32>
    %integer_pow3A_132 = arith.mulf %sub3A_131, %sub3A_131 : vector<512x128xf32>
    %reduce_sum3A_133 = arith.constant dense<0.000000e+00> : vector<512xf32>
    %reduce_sum3A_134 = vector.multi_reduction <add>, %integer_pow3A_132, %reduce_sum3A_133 [1] : vector<512x128xf32> to vector<512xf32>
    %broadcast_in_dim3A_135 = vector.shape_cast %reduce_sum3A_134 : vector<512xf32> to vector<512x1xf32>
    %div3A_136 = arith.constant 1.280000e+02 : f32
    %div3A_137 = vector.broadcast %div3A_136 : f32 to vector<512x1xf32>
    %div3A_138 = arith.divf %broadcast_in_dim3A_135, %div3A_137 : vector<512x1xf32>
    %sub3A_139 = vector.broadcast %div3A_129 : vector<512x1xf32> to vector<512x128xf32>
    %sub3A_140 = arith.subf %mul3A_123, %sub3A_139 : vector<512x128xf32>
    %add3A_141 = arith.constant 9.99999974E-6 : f32
    %add3A_142 = vector.broadcast %add3A_141 : f32 to vector<512x1xf32>
    %add3A_143 = arith.addf %div3A_138, %add3A_142 : vector<512x1xf32>
    %rsqrt3A_144 = math.rsqrt %add3A_143 : vector<512x1xf32>
    %mul3A_145 = vector.broadcast %rsqrt3A_144 : vector<512x1xf32> to vector<512x128xf32>
    %mul3A_146 = arith.mulf %sub3A_140, %mul3A_145 : vector<512x128xf32>
    %mul3A_147 = vector.broadcast %get3A_16 : vector<1x128xf32> to vector<512x128xf32>
    %mul3A_148 = arith.mulf %mul3A_146, %mul3A_147 : vector<512x128xf32>
    %add3A_149 = vector.broadcast %get3A_19 : vector<1x128xf32> to vector<512x128xf32>
    %add3A_150 = arith.addf %mul3A_148, %add3A_149 : vector<512x128xf32>
    %swap3A_151 = arith.constant 0 : index
    %swap3A_152 = arith.constant 2 : index
    %swap3A_153 = arith.constant 0 : index
    %swap3A_154 = vector.load %arg9[%swap3A_151, %swap3A_152, %swap3A_153] : memref<512x8x128xf32, #tpu.memory_space<vmem>>, vector<512x1x128xf32>
    %swap3A_155 = vector.shape_cast %swap3A_154 : vector<512x1x128xf32> to vector<512x128xf32>
    %swap3A_156 = vector.shape_cast %add3A_150 : vector<512x128xf32> to vector<512x1x128xf32>
    tpu.vector_store %arg9[%swap3A_151, %swap3A_152, %swap3A_153], %swap3A_156 {strides = array<i32>} : memref<512x8x128xf32, #tpu.memory_space<vmem>>, vector<512x1x128xf32>,
    %slice3A_157 = vector.extract_strided_slice %add3A {offsets = [0, 96], sizes = [512, 32], strides = [1, 1]} : vector<512x256xf32> to vector<512x32xf32>
    %get3A_158 = arith.constant 0 : index
    %get3A_159 = arith.constant 0 : index
    %get3A_160 = vector.load %arg5[%get3A_158, %get3A_159] : memref<32x128xf32, #tpu.memory_space<vmem>>, vector<32x128xf32>
    %dot_general3A_161 = arith.constant dense<0.000000e+00> : vector<512x128xf32>
    %dot_general3A_162 = tpu.matmul %slice3A_157, %get3A_160, %dot_general3A_161 {dimension_numbers = #tpu.dot_dimension_numbers<[1], [0], [0], [1], [0, 0, 1, 1], [], []>, transpose_lhs_hint = false} : vector<512x32xf32>, vector<32x128xf32>, vector<512x128xf32> -> vector<512x128xf32>
    %add3A_163 = vector.broadcast %get3A_22 : vector<1x128xf32> to vector<512x128xf32>
    %add3A_164 = arith.addf %dot_general3A_162, %add3A_163 : vector<512x128xf32>
    %logistic3A_165 = arith.negf %add3A_164 : vector<512x128xf32>
    %logistic3A_166 = math.exp %logistic3A_165 : vector<512x128xf32>
    %logistic3A_167 = arith.constant 1.000000e+00 : f32
    %logistic3A_168 = vector.broadcast %logistic3A_167 : f32 to vector<512x128xf32>
    %logistic3A_169 = arith.addf %logistic3A_168, %logistic3A_166 : vector<512x128xf32>
    %logistic3A_170 = arith.divf %logistic3A_168, %logistic3A_169 : vector<512x128xf32>
    %mul3A_171 = arith.mulf %add3A_164, %logistic3A_170 : vector<512x128xf32>
    %reduce_sum3A_172 = arith.constant dense<0.000000e+00> : vector<512xf32>
    %reduce_sum3A_173 = vector.multi_reduction <add>, %mul3A_171, %reduce_sum3A_172 [1] : vector<512x128xf32> to vector<512xf32>
    %broadcast_in_dim3A_174 = vector.shape_cast %reduce_sum3A_173 : vector<512xf32> to vector<512x1xf32>
    %div3A_175 = arith.constant 1.280000e+02 : f32
    %div3A_176 = vector.broadcast %div3A_175 : f32 to vector<512x1xf32>
    %div3A_177 = arith.divf %broadcast_in_dim3A_174, %div3A_176 : vector<512x1xf32>
    %sub3A_178 = vector.broadcast %div3A_177 : vector<512x1xf32> to vector<512x128xf32>
    %sub3A_179 = arith.subf %mul3A_171, %sub3A_178 : vector<512x128xf32>
    %integer_pow3A_180 = arith.mulf %sub3A_179, %sub3A_179 : vector<512x128xf32>
    %reduce_sum3A_181 = arith.constant dense<0.000000e+00> : vector<512xf32>
    %reduce_sum3A_182 = vector.multi_reduction <add>, %integer_pow3A_180, %reduce_sum3A_181 [1] : vector<512x128xf32> to vector<512xf32>
    %broadcast_in_dim3A_183 = vector.shape_cast %reduce_sum3A_182 : vector<512xf32> to vector<512x1xf32>
    %div3A_184 = arith.constant 1.280000e+02 : f32
    %div3A_185 = vector.broadcast %div3A_184 : f32 to vector<512x1xf32>
    %div3A_186 = arith.divf %broadcast_in_dim3A_183, %div3A_185 : vector<512x1xf32>
    %sub3A_187 = vector.broadcast %div3A_177 : vector<512x1xf32> to vector<512x128xf32>
    %sub3A_188 = arith.subf %mul3A_171, %sub3A_187 : vector<512x128xf32>
    %add3A_189 = arith.constant 9.99999974E-6 : f32
    %add3A_190 = vector.broadcast %add3A_189 : f32 to vector<512x1xf32>
    %add3A_191 = arith.addf %div3A_186, %add3A_190 : vector<512x1xf32>
    %rsqrt3A_192 = math.rsqrt %add3A_191 : vector<512x1xf32>
    %mul3A_193 = vector.broadcast %rsqrt3A_192 : vector<512x1xf32> to vector<512x128xf32>
    %mul3A_194 = arith.mulf %sub3A_188, %mul3A_193 : vector<512x128xf32>
    %mul3A_195 = vector.broadcast %get3A_16 : vector<1x128xf32> to vector<512x128xf32>
    %mul3A_196 = arith.mulf %mul3A_194, %mul3A_195 : vector<512x128xf32>
    %add3A_197 = vector.broadcast %get3A_19 : vector<1x128xf32> to vector<512x128xf32>
    %add3A_198 = arith.addf %mul3A_196, %add3A_197 : vector<512x128xf32>
    %swap3A_199 = arith.constant 0 : index
    %swap3A_200 = arith.constant 3 : index
    %swap3A_201 = arith.constant 0 : index
    %swap3A_202 = vector.load %arg9[%swap3A_199, %swap3A_200, %swap3A_201] : memref<512x8x128xf32, #tpu.memory_space<vmem>>, vector<512x1x128xf32>
    %swap3A_203 = vector.shape_cast %swap3A_202 : vector<512x1x128xf32> to vector<512x128xf32>
    %swap3A_204 = vector.shape_cast %add3A_198 : vector<512x128xf32> to vector<512x1x128xf32>
    tpu.vector_store %arg9[%swap3A_199, %swap3A_200, %swap3A_201], %swap3A_204 {strides = array<i32>} : memref<512x8x128xf32, #tpu.memory_space<vmem>>, vector<512x1x128xf32>,
    %slice3A_205 = vector.extract_strided_slice %add3A {offsets = [0, 128], sizes = [512, 32], strides = [1, 1]} : vector<512x256xf32> to vector<512x32xf32>
    %get3A_206 = arith.constant 0 : index
    %get3A_207 = arith.constant 0 : index
    %get3A_208 = vector.load %arg5[%get3A_206, %get3A_207] : memref<32x128xf32, #tpu.memory_space<vmem>>, vector<32x128xf32>
    %dot_general3A_209 = arith.constant dense<0.000000e+00> : vector<512x128xf32>
    %dot_general3A_210 = tpu.matmul %slice3A_205, %get3A_208, %dot_general3A_209 {dimension_numbers = #tpu.dot_dimension_numbers<[1], [0], [0], [1], [0, 0, 1, 1], [], []>, transpose_lhs_hint = false} : vector<512x32xf32>, vector<32x128xf32>, vector<512x128xf32> -> vector<512x128xf32>
    %add3A_211 = vector.broadcast %get3A_22 : vector<1x128xf32> to vector<512x128xf32>
    %add3A_212 = arith.addf %dot_general3A_210, %add3A_211 : vector<512x128xf32>
    %logistic3A_213 = arith.negf %add3A_212 : vector<512x128xf32>
    %logistic3A_214 = math.exp %logistic3A_213 : vector<512x128xf32>
    %logistic3A_215 = arith.constant 1.000000e+00 : f32
    %logistic3A_216 = vector.broadcast %logistic3A_215 : f32 to vector<512x128xf32>
    %logistic3A_217 = arith.addf %logistic3A_216, %logistic3A_214 : vector<512x128xf32>
    %logistic3A_218 = arith.divf %logistic3A_216, %logistic3A_217 : vector<512x128xf32>
    %mul3A_219 = arith.mulf %add3A_212, %logistic3A_218 : vector<512x128xf32>
    %reduce_sum3A_220 = arith.constant dense<0.000000e+00> : vector<512xf32>
    %reduce_sum3A_221 = vector.multi_reduction <add>, %mul3A_219, %reduce_sum3A_220 [1] : vector<512x128xf32> to vector<512xf32>
    %broadcast_in_dim3A_222 = vector.shape_cast %reduce_sum3A_221 : vector<512xf32> to vector<512x1xf32>
    %div3A_223 = arith.constant 1.280000e+02 : f32
    %div3A_224 = vector.broadcast %div3A_223 : f32 to vector<512x1xf32>
    %div3A_225 = arith.divf %broadcast_in_dim3A_222, %div3A_224 : vector<512x1xf32>
    %sub3A_226 = vector.broadcast %div3A_225 : vector<512x1xf32> to vector<512x128xf32>
    %sub3A_227 = arith.subf %mul3A_219, %sub3A_226 : vector<512x128xf32>
    %integer_pow3A_228 = arith.mulf %sub3A_227, %sub3A_227 : vector<512x128xf32>
    %reduce_sum3A_229 = arith.constant dense<0.000000e+00> : vector<512xf32>
    %reduce_sum3A_230 = vector.multi_reduction <add>, %integer_pow3A_228, %reduce_sum3A_229 [1] : vector<512x128xf32> to vector<512xf32>
    %broadcast_in_dim3A_231 = vector.shape_cast %reduce_sum3A_230 : vector<512xf32> to vector<512x1xf32>
    %div3A_232 = arith.constant 1.280000e+02 : f32
    %div3A_233 = vector.broadcast %div3A_232 : f32 to vector<512x1xf32>
    %div3A_234 = arith.divf %broadcast_in_dim3A_231, %div3A_233 : vector<512x1xf32>
    %sub3A_235 = vector.broadcast %div3A_225 : vector<512x1xf32> to vector<512x128xf32>
    %sub3A_236 = arith.subf %mul3A_219, %sub3A_235 : vector<512x128xf32>
    %add3A_237 = arith.constant 9.99999974E-6 : f32
    %add3A_238 = vector.broadcast %add3A_237 : f32 to vector<512x1xf32>
    %add3A_239 = arith.addf %div3A_234, %add3A_238 : vector<512x1xf32>
    %rsqrt3A_240 = math.rsqrt %add3A_239 : vector<512x1xf32>
    %mul3A_241 = vector.broadcast %rsqrt3A_240 : vector<512x1xf32> to vector<512x128xf32>
    %mul3A_242 = arith.mulf %sub3A_236, %mul3A_241 : vector<512x128xf32>
    %mul3A_243 = vector.broadcast %get3A_16 : vector<1x128xf32> to vector<512x128xf32>
    %mul3A_244 = arith.mulf %mul3A_242, %mul3A_243 : vector<512x128xf32>
    %add3A_245 = vector.broadcast %get3A_19 : vector<1x128xf32> to vector<512x128xf32>
    %add3A_246 = arith.addf %mul3A_244, %add3A_245 : vector<512x128xf32>
    %swap3A_247 = arith.constant 0 : index
    %swap3A_248 = arith.constant 4 : index
    %swap3A_249 = arith.constant 0 : index
    %swap3A_250 = vector.load %arg9[%swap3A_247, %swap3A_248, %swap3A_249] : memref<512x8x128xf32, #tpu.memory_space<vmem>>, vector<512x1x128xf32>
    %swap3A_251 = vector.shape_cast %swap3A_250 : vector<512x1x128xf32> to vector<512x128xf32>
    %swap3A_252 = vector.shape_cast %add3A_246 : vector<512x128xf32> to vector<512x1x128xf32>
    tpu.vector_store %arg9[%swap3A_247, %swap3A_248, %swap3A_249], %swap3A_252 {strides = array<i32>} : memref<512x8x128xf32, #tpu.memory_space<vmem>>, vector<512x1x128xf32>,
    %slice3A_253 = vector.extract_strided_slice %add3A {offsets = [0, 160], sizes = [512, 32], strides = [1, 1]} : vector<512x256xf32> to vector<512x32xf32>
    %get3A_254 = arith.constant 0 : index
    %get3A_255 = arith.constant 0 : index
    %get3A_256 = vector.load %arg5[%get3A_254, %get3A_255] : memref<32x128xf32, #tpu.memory_space<vmem>>, vector<32x128xf32>
    %dot_general3A_257 = arith.constant dense<0.000000e+00> : vector<512x128xf32>
    %dot_general3A_258 = tpu.matmul %slice3A_253, %get3A_256, %dot_general3A_257 {dimension_numbers = #tpu.dot_dimension_numbers<[1], [0], [0], [1], [0, 0, 1, 1], [], []>, transpose_lhs_hint = false} : vector<512x32xf32>, vector<32x128xf32>, vector<512x128xf32> -> vector<512x128xf32>
    %add3A_259 = vector.broadcast %get3A_22 : vector<1x128xf32> to vector<512x128xf32>
    %add3A_260 = arith.addf %dot_general3A_258, %add3A_259 : vector<512x128xf32>
    %logistic3A_261 = arith.negf %add3A_260 : vector<512x128xf32>
    %logistic3A_262 = math.exp %logistic3A_261 : vector<512x128xf32>
    %logistic3A_263 = arith.constant 1.000000e+00 : f32
    %logistic3A_264 = vector.broadcast %logistic3A_263 : f32 to vector<512x128xf32>
    %logistic3A_265 = arith.addf %logistic3A_264, %logistic3A_262 : vector<512x128xf32>
    %logistic3A_266 = arith.divf %logistic3A_264, %logistic3A_265 : vector<512x128xf32>
    %mul3A_267 = arith.mulf %add3A_260, %logistic3A_266 : vector<512x128xf32>
    %reduce_sum3A_268 = arith.constant dense<0.000000e+00> : vector<512xf32>
    %reduce_sum3A_269 = vector.multi_reduction <add>, %mul3A_267, %reduce_sum3A_268 [1] : vector<512x128xf32> to vector<512xf32>
    %broadcast_in_dim3A_270 = vector.shape_cast %reduce_sum3A_269 : vector<512xf32> to vector<512x1xf32>
    %div3A_271 = arith.constant 1.280000e+02 : f32
    %div3A_272 = vector.broadcast %div3A_271 : f32 to vector<512x1xf32>
    %div3A_273 = arith.divf %broadcast_in_dim3A_270, %div3A_272 : vector<512x1xf32>
    %sub3A_274 = vector.broadcast %div3A_273 : vector<512x1xf32> to vector<512x128xf32>
    %sub3A_275 = arith.subf %mul3A_267, %sub3A_274 : vector<512x128xf32>
    %integer_pow3A_276 = arith.mulf %sub3A_275, %sub3A_275 : vector<512x128xf32>
    %reduce_sum3A_277 = arith.constant dense<0.000000e+00> : vector<512xf32>
    %reduce_sum3A_278 = vector.multi_reduction <add>, %integer_pow3A_276, %reduce_sum3A_277 [1] : vector<512x128xf32> to vector<512xf32>
    %broadcast_in_dim3A_279 = vector.shape_cast %reduce_sum3A_278 : vector<512xf32> to vector<512x1xf32>
    %div3A_280 = arith.constant 1.280000e+02 : f32
    %div3A_281 = vector.broadcast %div3A_280 : f32 to vector<512x1xf32>
    %div3A_282 = arith.divf %broadcast_in_dim3A_279, %div3A_281 : vector<512x1xf32>
    %sub3A_283 = vector.broadcast %div3A_273 : vector<512x1xf32> to vector<512x128xf32>
    %sub3A_284 = arith.subf %mul3A_267, %sub3A_283 : vector<512x128xf32>
    %add3A_285 = arith.constant 9.99999974E-6 : f32
    %add3A_286 = vector.broadcast %add3A_285 : f32 to vector<512x1xf32>
    %add3A_287 = arith.addf %div3A_282, %add3A_286 : vector<512x1xf32>
    %rsqrt3A_288 = math.rsqrt %add3A_287 : vector<512x1xf32>
    %mul3A_289 = vector.broadcast %rsqrt3A_288 : vector<512x1xf32> to vector<512x128xf32>
    %mul3A_290 = arith.mulf %sub3A_284, %mul3A_289 : vector<512x128xf32>
    %mul3A_291 = vector.broadcast %get3A_16 : vector<1x128xf32> to vector<512x128xf32>
    %mul3A_292 = arith.mulf %mul3A_290, %mul3A_291 : vector<512x128xf32>
    %add3A_293 = vector.broadcast %get3A_19 : vector<1x128xf32> to vector<512x128xf32>
    %add3A_294 = arith.addf %mul3A_292, %add3A_293 : vector<512x128xf32>
    %swap3A_295 = arith.constant 0 : index
    %swap3A_296 = arith.constant 5 : index
    %swap3A_297 = arith.constant 0 : index
    %swap3A_298 = vector.load %arg9[%swap3A_295, %swap3A_296, %swap3A_297] : memref<512x8x128xf32, #tpu.memory_space<vmem>>, vector<512x1x128xf32>
    %swap3A_299 = vector.shape_cast %swap3A_298 : vector<512x1x128xf32> to vector<512x128xf32>
    %swap3A_300 = vector.shape_cast %add3A_294 : vector<512x128xf32> to vector<512x1x128xf32>
    tpu.vector_store %arg9[%swap3A_295, %swap3A_296, %swap3A_297], %swap3A_300 {strides = array<i32>} : memref<512x8x128xf32, #tpu.memory_space<vmem>>, vector<512x1x128xf32>,
    %slice3A_301 = vector.extract_strided_slice %add3A {offsets = [0, 192], sizes = [512, 32], strides = [1, 1]} : vector<512x256xf32> to vector<512x32xf32>
    %get3A_302 = arith.constant 0 : index
    %get3A_303 = arith.constant 0 : index
    %get3A_304 = vector.load %arg5[%get3A_302, %get3A_303] : memref<32x128xf32, #tpu.memory_space<vmem>>, vector<32x128xf32>
    %dot_general3A_305 = arith.constant dense<0.000000e+00> : vector<512x128xf32>
    %dot_general3A_306 = tpu.matmul %slice3A_301, %get3A_304, %dot_general3A_305 {dimension_numbers = #tpu.dot_dimension_numbers<[1], [0], [0], [1], [0, 0, 1, 1], [], []>, transpose_lhs_hint = false} : vector<512x32xf32>, vector<32x128xf32>, vector<512x128xf32> -> vector<512x128xf32>
    %add3A_307 = vector.broadcast %get3A_22 : vector<1x128xf32> to vector<512x128xf32>
    %add3A_308 = arith.addf %dot_general3A_306, %add3A_307 : vector<512x128xf32>
    %logistic3A_309 = arith.negf %add3A_308 : vector<512x128xf32>
    %logistic3A_310 = math.exp %logistic3A_309 : vector<512x128xf32>
    %logistic3A_311 = arith.constant 1.000000e+00 : f32
    %logistic3A_312 = vector.broadcast %logistic3A_311 : f32 to vector<512x128xf32>
    %logistic3A_313 = arith.addf %logistic3A_312, %logistic3A_310 : vector<512x128xf32>
    %logistic3A_314 = arith.divf %logistic3A_312, %logistic3A_313 : vector<512x128xf32>
    %mul3A_315 = arith.mulf %add3A_308, %logistic3A_314 : vector<512x128xf32>
    %reduce_sum3A_316 = arith.constant dense<0.000000e+00> : vector<512xf32>
    %reduce_sum3A_317 = vector.multi_reduction <add>, %mul3A_315, %reduce_sum3A_316 [1] : vector<512x128xf32> to vector<512xf32>
    %broadcast_in_dim3A_318 = vector.shape_cast %reduce_sum3A_317 : vector<512xf32> to vector<512x1xf32>
    %div3A_319 = arith.constant 1.280000e+02 : f32
    %div3A_320 = vector.broadcast %div3A_319 : f32 to vector<512x1xf32>
    %div3A_321 = arith.divf %broadcast_in_dim3A_318, %div3A_320 : vector<512x1xf32>
    %sub3A_322 = vector.broadcast %div3A_321 : vector<512x1xf32> to vector<512x128xf32>
    %sub3A_323 = arith.subf %mul3A_315, %sub3A_322 : vector<512x128xf32>
    %integer_pow3A_324 = arith.mulf %sub3A_323, %sub3A_323 : vector<512x128xf32>
    %reduce_sum3A_325 = arith.constant dense<0.000000e+00> : vector<512xf32>
    %reduce_sum3A_326 = vector.multi_reduction <add>, %integer_pow3A_324, %reduce_sum3A_325 [1] : vector<512x128xf32> to vector<512xf32>
    %broadcast_in_dim3A_327 = vector.shape_cast %reduce_sum3A_326 : vector<512xf32> to vector<512x1xf32>
    %div3A_328 = arith.constant 1.280000e+02 : f32
    %div3A_329 = vector.broadcast %div3A_328 : f32 to vector<512x1xf32>
    %div3A_330 = arith.divf %broadcast_in_dim3A_327, %div3A_329 : vector<512x1xf32>
    %sub3A_331 = vector.broadcast %div3A_321 : vector<512x1xf32> to vector<512x128xf32>
    %sub3A_332 = arith.subf %mul3A_315, %sub3A_331 : vector<512x128xf32>
    %add3A_333 = arith.constant 9.99999974E-6 : f32
    %add3A_334 = vector.broadcast %add3A_333 : f32 to vector<512x1xf32>
    %add3A_335 = arith.addf %div3A_330, %add3A_334 : vector<512x1xf32>
    %rsqrt3A_336 = math.rsqrt %add3A_335 : vector<512x1xf32>
    %mul3A_337 = vector.broadcast %rsqrt3A_336 : vector<512x1xf32> to vector<512x128xf32>
    %mul3A_338 = arith.mulf %sub3A_332, %mul3A_337 : vector<512x128xf32>
    %mul3A_339 = vector.broadcast %get3A_16 : vector<1x128xf32> to vector<512x128xf32>
    %mul3A_340 = arith.mulf %mul3A_338, %mul3A_339 : vector<512x128xf32>
    %add3A_341 = vector.broadcast %get3A_19 : vector<1x128xf32> to vector<512x128xf32>
    %add3A_342 = arith.addf %mul3A_340, %add3A_341 : vector<512x128xf32>
    %swap3A_343 = arith.constant 0 : index
    %swap3A_344 = arith.constant 6 : index
    %swap3A_345 = arith.constant 0 : index
    %swap3A_346 = vector.load %arg9[%swap3A_343, %swap3A_344, %swap3A_345] : memref<512x8x128xf32, #tpu.memory_space<vmem>>, vector<512x1x128xf32>
    %swap3A_347 = vector.shape_cast %swap3A_346 : vector<512x1x128xf32> to vector<512x128xf32>
    %swap3A_348 = vector.shape_cast %add3A_342 : vector<512x128xf32> to vector<512x1x128xf32>
    tpu.vector_store %arg9[%swap3A_343, %swap3A_344, %swap3A_345], %swap3A_348 {strides = array<i32>} : memref<512x8x128xf32, #tpu.memory_space<vmem>>, vector<512x1x128xf32>,
    %slice3A_349 = vector.extract_strided_slice %add3A {offsets = [0, 224], sizes = [512, 32], strides = [1, 1]} : vector<512x256xf32> to vector<512x32xf32>
    %get3A_350 = arith.constant 0 : index
    %get3A_351 = arith.constant 0 : index
    %get3A_352 = vector.load %arg5[%get3A_350, %get3A_351] : memref<32x128xf32, #tpu.memory_space<vmem>>, vector<32x128xf32>
    %dot_general3A_353 = arith.constant dense<0.000000e+00> : vector<512x128xf32>
    %dot_general3A_354 = tpu.matmul %slice3A_349, %get3A_352, %dot_general3A_353 {dimension_numbers = #tpu.dot_dimension_numbers<[1], [0], [0], [1], [0, 0, 1, 1], [], []>, transpose_lhs_hint = false} : vector<512x32xf32>, vector<32x128xf32>, vector<512x128xf32> -> vector<512x128xf32>
    %add3A_355 = vector.broadcast %get3A_22 : vector<1x128xf32> to vector<512x128xf32>
    %add3A_356 = arith.addf %dot_general3A_354, %add3A_355 : vector<512x128xf32>
    %logistic3A_357 = arith.negf %add3A_356 : vector<512x128xf32>
    %logistic3A_358 = math.exp %logistic3A_357 : vector<512x128xf32>
    %logistic3A_359 = arith.constant 1.000000e+00 : f32
    %logistic3A_360 = vector.broadcast %logistic3A_359 : f32 to vector<512x128xf32>
    %logistic3A_361 = arith.addf %logistic3A_360, %logistic3A_358 : vector<512x128xf32>
    %logistic3A_362 = arith.divf %logistic3A_360, %logistic3A_361 : vector<512x128xf32>
    %mul3A_363 = arith.mulf %add3A_356, %logistic3A_362 : vector<512x128xf32>
    %reduce_sum3A_364 = arith.constant dense<0.000000e+00> : vector<512xf32>
    %reduce_sum3A_365 = vector.multi_reduction <add>, %mul3A_363, %reduce_sum3A_364 [1] : vector<512x128xf32> to vector<512xf32>
    %broadcast_in_dim3A_366 = vector.shape_cast %reduce_sum3A_365 : vector<512xf32> to vector<512x1xf32>
    %div3A_367 = arith.constant 1.280000e+02 : f32
    %div3A_368 = vector.broadcast %div3A_367 : f32 to vector<512x1xf32>
    %div3A_369 = arith.divf %broadcast_in_dim3A_366, %div3A_368 : vector<512x1xf32>
    %sub3A_370 = vector.broadcast %div3A_369 : vector<512x1xf32> to vector<512x128xf32>
    %sub3A_371 = arith.subf %mul3A_363, %sub3A_370 : vector<512x128xf32>
    %integer_pow3A_372 = arith.mulf %sub3A_371, %sub3A_371 : vector<512x128xf32>
    %reduce_sum3A_373 = arith.constant dense<0.000000e+00> : vector<512xf32>
    %reduce_sum3A_374 = vector.multi_reduction <add>, %integer_pow3A_372, %reduce_sum3A_373 [1] : vector<512x128xf32> to vector<512xf32>
    %broadcast_in_dim3A_375 = vector.shape_cast %reduce_sum3A_374 : vector<512xf32> to vector<512x1xf32>
    %div3A_376 = arith.constant 1.280000e+02 : f32
    %div3A_377 = vector.broadcast %div3A_376 : f32 to vector<512x1xf32>
    %div3A_378 = arith.divf %broadcast_in_dim3A_375, %div3A_377 : vector<512x1xf32>
    %sub3A_379 = vector.broadcast %div3A_369 : vector<512x1xf32> to vector<512x128xf32>
    %sub3A_380 = arith.subf %mul3A_363, %sub3A_379 : vector<512x128xf32>
    %add3A_381 = arith.constant 9.99999974E-6 : f32
    %add3A_382 = vector.broadcast %add3A_381 : f32 to vector<512x1xf32>
    %add3A_383 = arith.addf %div3A_378, %add3A_382 : vector<512x1xf32>
    %rsqrt3A_384 = math.rsqrt %add3A_383 : vector<512x1xf32>
    %mul3A_385 = vector.broadcast %rsqrt3A_384 : vector<512x1xf32> to vector<512x128xf32>
    %mul3A_386 = arith.mulf %sub3A_380, %mul3A_385 : vector<512x128xf32>
    %mul3A_387 = vector.broadcast %get3A_16 : vector<1x128xf32> to vector<512x128xf32>
    %mul3A_388 = arith.mulf %mul3A_386, %mul3A_387 : vector<512x128xf32>
    %add3A_389 = vector.broadcast %get3A_19 : vector<1x128xf32> to vector<512x128xf32>
    %add3A_390 = arith.addf %mul3A_388, %add3A_389 : vector<512x128xf32>
    %swap3A_391 = arith.constant 0 : index
    %swap3A_392 = arith.constant 7 : index
    %swap3A_393 = arith.constant 0 : index
    %swap3A_394 = vector.load %arg9[%swap3A_391, %swap3A_392, %swap3A_393] : memref<512x8x128xf32, #tpu.memory_space<vmem>>, vector<512x1x128xf32>
    %swap3A_395 = vector.shape_cast %swap3A_394 : vector<512x1x128xf32> to vector<512x128xf32>
    %swap3A_396 = vector.shape_cast %add3A_390 : vector<512x128xf32> to vector<512x1x128xf32>
    tpu.vector_store %arg9[%swap3A_391, %swap3A_392, %swap3A_393], %swap3A_396 {strides = array<i32>} : memref<512x8x128xf32, #tpu.memory_space<vmem>>, vector<512x1x128xf32>,
    return
  }
  func.func @transform_0(%arg0: i32) -> (i32, i32) {
    %c0_i32 = arith.constant 0 : i32
    %c0_i32_0 = arith.constant 0 : i32
    return %arg0, %c0_i32 : i32, i32
  }
  func.func @transform_1(%arg0: i32) -> (i32, i32) {
    %c0_i32 = arith.constant 0 : i32
    %c0_i32_0 = arith.constant 0 : i32
    return %arg0, %c0_i32 : i32, i32
  }
  func.func @transform_2(%arg0: i32) -> (i32, i32) {
    %c0_i32 = arith.constant 0 : i32
    %c0_i32_0 = arith.constant 0 : i32
    %c0_i32_1 = arith.constant 0 : i32
    return %c0_i32, %c0_i32_0 : i32, i32
  }
  func.func @transform_3(%arg0: i32) -> (i32, i32) {
    %c0_i32 = arith.constant 0 : i32
    %c0_i32_0 = arith.constant 0 : i32
    %c0_i32_1 = arith.constant 0 : i32
    return %c0_i32, %c0_i32_0 : i32, i32
  }
  func.func @transform_4(%arg0: i32) -> (i32, i32) {
    %c0_i32 = arith.constant 0 : i32
    %c0_i32_0 = arith.constant 0 : i32
    %c0_i32_1 = arith.constant 0 : i32
    return %c0_i32, %c0_i32_0 : i32, i32
  }
  func.func @transform_5(%arg0: i32) -> (i32, i32) {
    %c0_i32 = arith.constant 0 : i32
    %c0_i32_0 = arith.constant 0 : i32
    %c0_i32_1 = arith.constant 0 : i32
    return %c0_i32, %c0_i32_0 : i32, i32
  }
  func.func @transform_6(%arg0: i32) -> (i32, i32) {
    %c0_i32 = arith.constant 0 : i32
    %c0_i32_0 = arith.constant 0 : i32
    %c0_i32_1 = arith.constant 0 : i32
    return %c0_i32, %c0_i32_0 : i32, i32
  }
  func.func @transform_7(%arg0: i32) -> (i32, i32) {
    %c0_i32 = arith.constant 0 : i32
    %c0_i32_0 = arith.constant 0 : i32
    %c0_i32_1 = arith.constant 0 : i32
    return %c0_i32, %c0_i32_0 : i32, i32
  }
  func.func @transform_8(%arg0: i32) -> (i32, i32, i32) {
    %c0_i32 = arith.constant 0 : i32
    %c0_i32_0 = arith.constant 0 : i32
    %c0_i32_1 = arith.constant 0 : i32
    return %arg0, %c0_i32, %c0_i32_0 : i32, i32, i32
  }
}

</mosaic_0001>

<sc_bundles>
// kernel: kernel.4.cloned.1.call-start
scs
__scs_entry_jumppad:
0x0: {  	(pc) =	sbr.rel $0x88, $3  }
0x1: {  	(tag) =	ssettag $0x0;
	lr =	simm.s32 $0x1  }
0x2: {  	[smem:$0x3F99] =	sst lr;
	_ =	strace $0xD0000000  }
0x3: {  	_ = 	snop  }
0x4: {  	_ = 	snop  }
0x5: {  	_ = 	snop  }
0x6: {  	_ = 	snop  }
0x7: {  	_ = 	snop  }
__scs_overlays_trampoline_lowered:
0x8: {  	[smem:$0x3FA8] =	sst s0  }
0x9: {  	[smem:$0x3FA9] =	sst s1  }
0xa: {  	[smem:$0x3FAA] =	sst s2  }
0xb: {  	[smem:$0x3FAB] =	sst s3  }
0xc: {  	[smem:$0x3FAC] =	sst s4  }
0xd: {  	[smem:$0x3FAD] =	sst s5  }
0xe: {  	[smem:$0x3FAE] =	sst s6  }
0xf: {  	[smem:$0x3FAF] =	sst s7  }
0x10: {  	[smem:$0x3FB0] =	sst s8  }
0x11: {  	[smem:$0x3FB1] =	sst s9;
	s0 =	simm.s32 @!p0 $0x0  }
0x12: {  	s1 =	sld [smem:$0x3F97];
	s0 =	simm.s32 @p0 $0x1  }
0x13: {  	[smem:$0x3FB2] =	sst s0;
	s0 =	simm.s32 @!p1 $0x0  }
0x14: {  	s2 =	sld [smem:$0x3F96];
	s0 =	simm.s32 @p1 $0x1  }
0x15: {  	[smem:$0x3FB3] =	sst s0;
	s0 =	simm.s32 @!p2 $0x0  }
0x16: {  	s3 =	sld [smem:$0x3FDB];
	s0 =	simm.s32 @p2 $0x1  }
0x17: {  	s4 =	simm.s32 $0x1BF5;
	[smem:$0x3FB5] =	sst s0  }
0x18: {  	s0 =	sld [smem:$0x3F98];
	_ =	swait.ge [sflag:s4], $0x0  }
0x19: {  	s7 =	sld [smem:$0x3F99]  }
0x1a: {  	s8 =	sadd.s32 $0xFFFFE003, lr  }
0x1b: {  	s9 =	sadd.s32 $0xFFFFFEF7, lr;
	s5 =	simm.s32 $0xFFFFFFFF;
	p2 =	slt.u32 s8, $0xFFFFF086  }
0x1c: {  	p1 =	slt.u32 s9, $0xF7A;
	s5 =	simm.s32 @!p2 $0x0  }
0x1d: {  	s5 =	simm.s32 @p1 $0x1;
	p0 =	seq.s32 s7, s2  }
0x1e: {  	s7 =	smul.u32 @!p0 $0xF7A, s2;
	p2 =	seq.s32 @!p0 s5, $0x0  }
0x1f: {  	s9 =	smul.u32 $0xF7A, s1;
	s8 =	simm.s32 @!p0 $0x1BF5;
	p2 =	por !p2, p0  }
0x20: {  	[sflag:s8] =	ssyncset.s32 @!p0 $0xFFFFF086;
	s6 =	sadd.s32 @!p0 s3, s7;
	s7 =	simm.s32 @!p0 $0x108  }
0x21: {  	s3 =	sadd.s32 s3, s9;
	s6 =	sadd.s32 @!p0 $0x88, s6;
	s7 =	simm.s32 @p2 $0x1082  }
0x22: {  	[simem:s7], [sflag:s8] =	dma.local @!p0 [hbm:s6], $0xF7A  }
0x23: {  	s9 =	sor.u32 $0xD0000000, s2;
	s6 =	simm.s32 $0x108;
	_ =	swait.ge @!p0 [sflag:s8], $0x0  }
0x24: {  	s3 =	sadd.s32 $0x88, s3;
	s6 =	simm.s32 @!p1 $0x1082;
	[sflag:s4] =	ssyncset.s32 $0xFFFFF086  }
0x25: {  	[simem:s6], [sflag:s4] =	dma.local [hbm:s3], $0xF7A  }
0x26: {  	[smem:$0x3F99] =	sst s1;
	(tag) =	ssettag s2;
	_ =	strace s9  }
0x27: {  	s1 =	sld [smem:$0x3FA9]  }
0x28: {  	s2 =	sld [smem:$0x3FAA]  }
0x29: {  	s4 =	sld [smem:$0x3FAC]  }
0x2a: {  	p0 =	seq.s32 s5, $0x0;
	s5 =	sld [smem:$0x3FAD]  }
0x2b: {  	s6 =	sld [smem:$0x3FAE]  }
0x2c: {  	s7 =	sld [smem:$0x3FAF]  }
0x2d: {  	s3 =	simm.s32 $0x108;
	s8 =	sld [smem:$0x3FB0]  }
0x2e: {  	s3 =	simm.s32 @!p0 $0x1082;
	s9 =	sld [smem:$0x3FB1]  }
0x2f: {  	lr =	sadd.s32 s0, s3;
	s0 =	sld [smem:$0x3FA8]  }
0x30: {  	s3 =	sld [smem:$0x3FAB]  }
0x31: {  	[smem:$0x3FB4] =	sst s10  }
0x32: {  	s10 =	sld [smem:$0x3FB2];
	_ =	sdelay $0x3  }
0x33: {  	p0 =	seq.s32 s10, $0x1;
	s10 =	sld [smem:$0x3FB4];
	_ =	sdelay $0x3  }
0x34: {  	[smem:$0x3FB4] =	sst s10  }
0x35: {  	s10 =	sld [smem:$0x3FB3];
	_ =	sdelay $0x3  }
0x36: {  	p1 =	seq.s32 s10, $0x1;
	s10 =	sld [smem:$0x3FB4];
	_ =	sdelay $0x3  }
0x37: {  	[smem:$0x3FB4] =	sst s10  }
0x38: {  	s10 =	sld [smem:$0x3FB5]  }
0x39: {  	_ = 	snop;
	(pc) =	sbr.ind lr, $3  }
0x3a: {  	_ = 	snop  }
0x3b: {  	_ = 	snop  }
0x3c: {  	p2 =	seq.s32 s10, $0x1;
	s10 =	sld [smem:$0x3FB4]  }
0x3d: {  	_ =	shalt  }
0x3e: {  	_ =	shalt  }
0x3f: {  	_ =	shalt  }
0x40: {  	_ =	shalt  }
0x41: {  	_ =	shalt  }
0x42: {  	_ =	shalt  }
0x43: {  	_ =	shalt  }
0x44: {  	_ =	shalt  }
0x45: {  	_ =	shalt  }
0x46: {  	_ =	shalt  }
0x47: {  	_ =	shalt  }
0x48: {  	_ =	shalt  }
0x49: {  	_ =	shalt  }
0x4a: {  	_ =	shalt  }
0x4b: {  	_ =	shalt  }
0x4c: {  	_ =	shalt  }
0x4d: {  	_ =	shalt  }
0x4e: {  	_ =	shalt  }
0x4f: {  	_ =	shalt  }
0x50: {  	_ =	shalt  }
0x51: {  	_ =	shalt  }
0x52: {  	_ =	shalt  }
0x53: {  	_ =	shalt  }
0x54: {  	_ =	shalt  }
0x55: {  	_ =	shalt  }
0x56: {  	_ =	shalt  }
0x57: {  	_ =	shalt  }
0x58: {  	_ =	shalt  }
0x59: {  	_ =	shalt  }
0x5a: {  	_ =	shalt  }
0x5b: {  	_ =	shalt  }
0x5c: {  	_ =	shalt  }
0x5d: {  	_ =	shalt  }
0x5e: {  	_ =	shalt  }
0x5f: {  	_ =	shalt  }
0x60: {  	_ =	shalt  }
0x61: {  	_ =	shalt  }
0x62: {  	_ =	shalt  }
0x63: {  	_ =	shalt  }
0x64: {  	_ =	shalt  }
0x65: {  	_ =	shalt  }
0x66: {  	_ =	shalt  }
0x67: {  	_ =	shalt  }
0x68: {  	_ =	shalt  }
0x69: {  	_ =	shalt  }
0x6a: {  	_ =	shalt  }
0x6b: {  	_ =	shalt  }
0x6c: {  	_ =	shalt  }
0x6d: {  	_ =	shalt  }
0x6e: {  	_ =	shalt  }
0x6f: {  	_ =	shalt  }
0x70: {  	_ =	shalt  }
0x71: {  	_ =	shalt  }
0x72: {  	_ =	shalt  }
0x73: {  	_ =	shalt  }
0x74: {  	_ =	shalt  }
0x75: {  	_ =	shalt  }
0x76: {  	_ =	shalt  }
0x77: {  	_ =	shalt  }
0x78: {  	_ =	shalt  }
0x79: {  	_ =	shalt  }
0x7a: {  	_ =	shalt  }
0x7b: {  	_ =	shalt  }
0x7c: {  	_ =	shalt  }
0x7d: {  	_ =	shalt  }
0x7e: {  	_ =	shalt  }
0x7f: {  	_ =	shalt  }
0x80: {  	_ =	shalt  }
0x81: {  	_ =	shalt  }
0x82: {  	_ =	shalt  }
0x83: {  	_ =	shalt  }
0x84: {  	_ =	shalt  }
0x85: {  	_ =	shalt  }
0x86: {  	_ =	shalt  }
0x87: {  	_ =	shalt  }
.Lfunc_end0:
.L_simem_size_0:
called_computation_lowered:
.L_overlay_start_0:
0x88: {  	s2 =	sld [smem:$0x3FD9]  }
0x89: {  	s3 =	sld [smem:$0x3FFE];
	_ =	sdelay $0x1  }
0x8a: {  	s1 =	srdreg.scid  }
0x8b: {  	s0 =	sand.u32 $0x1, s1  }
0x8c: {  	s17 =	sshll.u32 s0, $0xA;
	s2 =	sadd.s32 s3, s2  }
0x8d: {  	s2 =	sadd.s32 s2, s17  }
0x8e: {  	[smem:$0x3FC0] =	sst s2  }
0x8f: {  	_ = 	snop  }
0x90: {  	s2 =	sld [smem:$0x3FD0];
	(tm) =	ssettm $0x1  }
0x91: {  	s18 =	sld [smem:$0x3FFB];
	_ =	sdelay $0x3  }
0x92: {  	_ =	strace s18  }
0x93: {  	s3 =	sld [smem:$0x3FFC];
	_ =	sdelay $0x3  }
0x94: {  	_ =	strace s3  }
0x95: {  	s3 =	sld [smem:$0x3FFD];
	_ =	sdelay $0x3  }
0x96: {  	_ =	strace s3  }
0x97: {  	_ =	strace $0x8FFFFFFF  }
0x98: {  	s19 =	sld [smem:$0x3FDB];
	_ =	sdelay $0x1  }
0x99: {  	s4 =	simm.s32 $_scs_section_size  }
0x9a: {  	s5 =	simm.s32 $_size__tile_overlayer_lowered;
	s6 =	simm.s32 $_tile_overlayer_lowered  }
0x9b: {  	s22 =	simm.s32 $0x1BFF;
	s21 =	sshll.u32 s6, $0x1;
	s3 =	sadd.s32 s4, s19  }
0x9c: {  	s7 =	simm.s32 $0x0;
	s20 =	sshll.u32 s5, $0x1;
	s5 =	sadd.s32 s21, s3  }
0x9d: {  	[timem:s7], [sflag:s22] =	dma.local [hbm:s5], s20  }
0x9e: {  	_ =	swait.ge [sflag:s22], s20  }
0x9f: {  	s4 =	ssub.s32 $0x0, s20;
	[sflag:s22] =	ssyncset.done $0x0  }
0xa0: {  	[sflag:s22] =	ssyncadd.s32 s4;
	_ =	sdelay $0x1  }
0xa1: {  	s23 =	simm.s32 $0x1B8B  }
0xa2: {  	_ =	swait.ge [sflag:s23], $0x1  }
0xa3: {  	[sflag:s23] =	ssyncset.done $0x0  }
0xa4: {  	s25 =	simm.s32 $0x1B8E;
	s24 =	sld [smem:$0x3FFE];
	[sflag:s23] =	ssyncadd.s32 $0xFFFFFFFF  }
0xa5: {  	s26 =	simm.s32 $execute0_lowered;
	[smem:$0x3FD2] =	sst s25  }
0xa6: {  	s5 =	sshll.u32 s26, $0x1;
	_ =	strace $0x80000046;
	[dreg:$0x1] =	wrdreg $0xFFFFFFFF  }
0xa7: {  	s28 =	simm.s32 $_size_execute0_lowered;
	s3 =	sadd.s32 s3, s5;
	[dreg:$0x0] =	wrdreg $0x0  }
0xa8: {  	s5 =	sshll.u32 s28, $0x1;
	[dreg:$0x2] =	wrdreg s3  }
0xa9: {  	[dreg:$0x3] =	wrdreg s5  }
0xaa: {  	[dreg:$0x4] =	wrdreg $0xC0  }
0xab: {  	_ =	task [dreg:s7], $0x5FFFF  }
0xac: {  	[dreg:$0x1] =	wrdreg $0xFFFFFFFF  }
0xad: {  	[dreg:$0x0] =	wrdreg $0x60  }
0xae: {  	[dreg:$0x2] =	wrdreg s24  }
0xaf: {  	[dreg:$0x3] =	wrdreg s2  }
0xb0: {  	[dreg:$0x4] =	wrdreg $0x9  }
0xb1: {  	_ =	task.clear_ibuf [dreg:s7], $0x5FFFF;
	_ =	strace $0x90000046  }
0xb2: {  	s29 =	simm.s32 $0x9;
	_ =	strace $0x80000048  }
0xb3: {  	_ =	swait.ge [sflag:s29], $0x1  }
0xb4: {  	[sflag:s29] =	ssyncadd.s32 $0xFFFFFFFF  }
0xb5: {  	_ =	strace $0x90000048  }
0xb6: {  	_ =	sfence  }
0xb7: {  	s30 =	sld [smem:$0x0];
	_ =	sdelay $0x2  }
0xb8: {  	s31 =	sshll.u32 s1, $0xD;
	s1 =	sshrl.u32 s1, $0x2  }
0xb9: {  	s3 =	sand.u32 $0x4000, s31;
	s1 =	sadd.s32 s1, s30  }
0xba: {  	s0 =	sor.u32 s3, s0;
	s1 =	sshll.u32 s1, $0x11  }
0xbb: {  	s0 =	sor.u32 s1, s0  }
0xbc: {  	s0 =	sadd.s32 $0x8F2B, s0  }
0xbd: {  	[sflag:s0] =	ssyncadd.remote.s32 $0x1  }
0xbe: {  	_ =	sfence.sel $0xFFFF  }
0xbf: {  	[dreg:$0x0] =	wrdreg $0xFFFFFFFF;
	(pc) =	sbr.abs _section_cstart, $3  }
0xc0: {  	[dreg:$0x1] =	wrdreg $0xFFFFFFFF  }
0xc1: {  	_ =	task.clear_ibuf [dreg:s7], $0x2FFFF;
	_ =	strace $0x9FFFFFFF  }
0xc2: {  	(tm) =	ssettm $0x7FFFFFFF  }
0xc3: {  	_ =	shalt  }
tec
execute0_lowered:
.L_overlay_start_1:
0x0: {  	(tag) =	ssettag $0x1  }
0x1: {  	s0 =	srdreg.scid;
	s23 =	stileid.u32  }
0x2: {  	s0 =	sand.u32 $0x1, s0;
	s2 =	sshll.u32 s23, $0x1  }
0x3: {  	s3 =	sor.u32 s0, s2  }
0x4: {  	s5 =	smul.u32 $0x1A0, s3  }
0x5: {  	s1 =	rddreg [dreg:$0x0];
	s2 =	simm.s32 $0x0;
	s6 =	smul.u32 $0x3400, s3  }
0x6: {  	[smem:$0x7FF] =	sst s2;
	s3 =	smul.u32 $0x1A000, s3  }
0x7: {  	s4 =	rddreg [dreg:$0x1];
	_ =	strace $0x80000047;
	s5 =	sadd.s32 s5, s1  }
0x8: {  	s30 =	sadd.s32 s4, s6;
	s3 =	sshrl.u32 s3, $0x3;
	s5 =	sadd.s32 $0x1800, s5  }
0x9: {  	s13 =	sadd.s32 $0x200, s30;
	s3 =	sadd.s32 s4, s3;
	[dreg:$0x3] =	wrdreg s5  }
0xa: {  	[dreg:$0x4] =	wrdreg s13;
	s4 =	sadd.s32 $0x400, s3  }
0xb: {  	s14 =	sadd.s32 $0x600, s3;
	[dreg:$0x5] =	wrdreg s4  }
0xc: {  	s15 =	sadd.s32 $0x800, s3;
	[dreg:$0x6] =	wrdreg s14  }
0xd: {  	s16 =	sadd.s32 $0xA00, s3;
	[dreg:$0x7] =	wrdreg s15  }
0xe: {  	s17 =	sadd.s32 $0xC00, s3;
	[dreg:$0x8] =	wrdreg s16  }
0xf: {  	s18 =	sadd.s32 $0xE00, s3;
	[dreg:$0x9] =	wrdreg s17  }
0x10: {  	s19 =	sadd.s32 $0x1000, s3;
	[dreg:$0xa] =	wrdreg s18  }
0x11: {  	s20 =	sadd.s32 $0x1200, s3;
	[dreg:$0xb] =	wrdreg s19  }
0x12: {  	s21 =	sadd.s32 $0x1400, s3;
	[dreg:$0xc] =	wrdreg s20  }
0x13: {  	s22 =	sadd.s32 $0x1600, s3;
	[dreg:$0xd] =	wrdreg s21  }
0x14: {  	s24 =	sadd.s32 $0x1800, s3;
	[dreg:$0xe] =	wrdreg s22  }
0x15: {  	s25 =	sadd.s32 $0x1A00, s3;
	[dreg:$0xf] =	wrdreg s24  }
0x16: {  	s26 =	sadd.s32 $0x1C00, s3;
	[dreg:$0x10] =	wrdreg s25  }
0x17: {  	s5 =	sadd.s32 $0x1E00, s3;
	[dreg:$0x11] =	wrdreg s26  }
0x18: {  	s6 =	sadd.s32 $0x2000, s3;
	[dreg:$0x12] =	wrdreg s5  }
0x19: {  	s7 =	sadd.s32 $0x2200, s3;
	[dreg:$0x13] =	wrdreg s6  }
0x1a: {  	s8 =	sadd.s32 $0x2400, s3;
	[dreg:$0x14] =	wrdreg s7  }
0x1b: {  	s9 =	sadd.s32 $0x2600, s3;
	[dreg:$0x15] =	wrdreg s8  }
0x1c: {  	s31 =	simm.s32 $0xD;
	s10 =	sadd.s32 $0x2800, s3;
	[dreg:$0x16] =	wrdreg s9  }
0x1d: {  	p0 =	por $0x0, $0x0;
	s11 =	sadd.s32 $0x2A00, s3;
	[dreg:$0x17] =	wrdreg s10  }
0x1e: {  	s29 =	simm.s32 $0xA80;
	s12 =	sadd.s32 $0x2C00, s3;
	[dreg:$0x18] =	wrdreg s11  }
0x1f: {  	s0 =	ssub.s32 $0x2, s0;
	s13 =	sadd.s32 $0x2E00, s3;
	[dreg:$0x19] =	wrdreg s12  }
0x20: {  	s28 =	simm.s32 $0xB00;
	s14 =	sshrl.u32 s0, $0x1;
	[dreg:$0x1a] =	wrdreg s13  }
0x21: {  	s15 =	sadd.s32 $0x3000, s3;
	s3 =	sadd.s32 $0x3200, s3;
	s6 =	sadd.s32 $0x27ADC00, s1  }
0x22: {  	s8 =	simm.s32 $0x80;
	s16 =	simm.s32 $0x100;
	[dreg:$0x1b] =	wrdreg s15  }
0x23: {  	s4 =	simm.s32 $0xD00;
	s17 =	simm.s32 $0x180;
	[dreg:$0x1c] =	wrdreg s3  }
0x24: {  	s18 =	simm.s32 $0x200;
	s19 =	simm.s32 $0x280;
	[dreg:$0x1d] =	wrdreg s16  }
0x25: {  	s13 =	simm.s32 $0x3D00;
	s20 =	simm.s32 $0x300;
	[dreg:$0x1e] =	wrdreg s17  }
0x26: {  	s9 =	simm.s32 $0x1;
	s21 =	simm.s32 $0x380;
	[dreg:$0x1f] =	wrdreg s18  }
0x27: {  	s11 =	simm.s32 $0x4D00;
	s22 =	simm.s32 $0x400;
	[smem:$0x7EF] =	sst s19  }
0x28: {  	s10 =	simm.s32 $0x2;
	s24 =	simm.s32 $0x480;
	[smem:$0x7F0] =	sst s20  }
0x29: {  	s12 =	simm.s32 $0x5D00;
	s25 =	simm.s32 $0x500;
	[smem:$0x7F1] =	sst s21  }
0x2a: {  	s26 =	simm.s32 $0x580;
	s5 =	simm.s32 $0x7;
	[smem:$0x7F2] =	sst s22  }
0x2b: {  	s7 =	simm.s32 $0x600;
	s0 =	ssub.s32 s0, s14;
	[smem:$0x7F3] =	sst s24  }
0x2c: {  	s3 =	simm.s32 $0x1D00;
	s15 =	simm.s32 $0x2D00;
	[smem:$0x7F4] =	sst s25  }
0x2d: {  	s22 =	simm.s32 $0x3;
	[smem:$0x7F5] =	sst s26;
	s21 =	simm.s32 $0x4  }
0x2e: {  	[smem:$0x7F6] =	sst s7;
	s14 =	simm.s32 $0x680;
	s7 =	simm.s32 $0x8  }
0x2f: {  	s16 =	simm.s32 $0x700;
	s19 =	simm.s32 $0x5;
	[smem:$0x7F7] =	sst s14  }
0x30: {  	s17 =	simm.s32 $0x780;
	s18 =	simm.s32 $0x800;
	[smem:$0x7F8] =	sst s16  }
0x31: {  	s20 =	simm.s32 $0x6;
	s0 =	smax.u32 s0, $0x1;
	[smem:$0x7F9] =	sst s17  }
0x32: {  	s24 =	simm.s32 $0x880;
	[smem:$0x7FA] =	sst s18;
	p1 =	sne.s32 s0, $0x1  }
.Ltmp0:
0x33: {  	s25 =	simm.s32 $0x900;
	[smem:$0x7FB] =	sst s24;
	(pc) =	sbr.rel @!p1 .LBB2_1-.Ltmp0, $4  }
0x34: {  	s26 =	simm.s32 $0x980;
	s14 =	simm.s32 $0x9;
	[smem:$0x7FC] =	sst s25  }
0x35: {  	s16 =	simm.s32 $0xA;
	s17 =	simm.s32 $0xB;
	[smem:$0x7FD] =	sst s26  }
0x36: {  	s18 =	simm.s32 $0xC;
	s26 =	simm.s32 $0xB80;
	s25 =	simm.s32 $0xC00  }
0x37: {  	s24 =	simm.s32 $0xC80;
	s1 =	sadd.s32 $0xFFFFFFFF, s0;
	s0 =	rddreg [dreg:$0x3]  }
0x38: {  	[tilespmem:s2], [sflag:$0xD] =	stream.linear.gather [hbm4b:s0+s2], $0xD00, $0x38;
	[tilespmem:$0x6D00] =	vst v63  }
0x39: {  	_ =	swait.ge [sflag:s31], $0xD00  }
0x3a: {  	[sflag:s31] =	ssyncset.done $0x0  }
0x3b: {  	[sflag:s31] =	ssyncadd.s32 $0xFFFFF300  }
0x3c: {  	[tilespmem:s4], [sflag:$0x1] =	stream.indirect.gather [hbm4b:s6+s8], $0x20, s2, s8, $0xb8;
	[tilespmem:$0x6D00] =	vst v63  }
0x3d: {  	_ = 	snop  }
0x3e: {  	[tilespmem:s3], [sflag:$0x2] =	stream.indirect.gather [hbm4b:s6+s8], $0x20, s8, s8, $0xb8;
	[tilespmem:$0x6D00] =	vst v63  }
0x3f: {  	s0 =	rddreg [dreg:$0x1d]  }
0x40: {  	[tilespmem:s15], [sflag:$0x3] =	stream.indirect.gather [hbm4b:s6+s8], $0x20, s0, s8, $0xb8;
	[tilespmem:$0x6D00] =	vst v63  }
0x41: {  	s23 =	smov.u32 s1;
	s1 =	rddreg [dreg:$0x1e]  }
0x42: {  	[tilespmem:s13], [sflag:$0x4] =	stream.indirect.gather [hbm4b:s6+s8], $0x20, s1, s8, $0xb8;
	[tilespmem:$0x6D00] =	vst v63  }
0x43: {  	_ =	swait.ge [sflag:s9], $0x1000  }
0x44: {  	[sflag:s9] =	ssyncset.done $0x0  }
0x45: {  	[sflag:s9] =	ssyncadd.s32 $0xFFFFF000  }
0x46: {  	[hbm4b:s30+s2] =	stream.linear.scatter [tilespmem:s4], [sflag:$0x7], $0x1000, $0x38;
	[tilespmem:$0x6D00] =	vst v63  }
0x47: {  	s1 =	rddreg [dreg:$0x1f]  }
0x48: {  	[tilespmem:s11], [sflag:$0x5] =	stream.indirect.gather [hbm4b:s6+s8], $0x20, s1, s8, $0xb8;
	[tilespmem:$0x6D00] =	vst v63  }
0x49: {  	_ =	swait.ge [sflag:s10], $0x1000  }
0x4a: {  	s0 =	rddreg [dreg:$0x4];
	[sflag:s10] =	ssyncset.done $0x0  }
0x4b: {  	s1 =	sld [smem:$0x7EF];
	[sflag:s10] =	ssyncadd.s32 $0xFFFFF000  }
0x4c: {  	[hbm4b:s0+s2] =	stream.linear.scatter [tilespmem:s3], [sflag:$0x8], $0x1000, $0x38;
	[tilespmem:$0x6D00] =	vst v63  }
0x4d: {  	_ = 	snop  }
0x4e: {  	[tilespmem:s12], [sflag:$0x6] =	stream.indirect.gather [hbm4b:s6+s8], $0x20, s1, s8, $0xb8;
	[tilespmem:$0x6D00] =	vst v63  }
0x4f: {  	_ =	swait.ge [sflag:s22], $0x1000  }
0x50: {  	[sflag:s22] =	ssyncset.done $0x0  }
0x51: {  	s1 =	rddreg [dreg:$0x5];
	[sflag:s22] =	ssyncadd.s32 $0xFFFFF000  }
0x52: {  	[hbm4b:s1+s2] =	stream.linear.scatter [tilespmem:s15], [sflag:$0x9], $0x1000, $0x38;
	[tilespmem:$0x6D00] =	vst v63  }
0x53: {  	_ =	swait.ge [sflag:s5], $0x1000  }
0x54: {  	s1 =	sld [smem:$0x7F0]  }
0x55: {  	[sflag:s5] =	ssyncset.done $0x0  }
0x56: {  	[sflag:s5] =	ssyncadd.s32 $0xFFFFF000  }
0x57: {  	[tilespmem:s4], [sflag:$0x1] =	stream.indirect.gather [hbm4b:s6+s8], $0x20, s1, s8, $0xb8;
	[tilespmem:$0x6D00] =	vst v63  }
0x58: {  	_ =	swait.ge [sflag:s21], $0x1000  }
0x59: {  	[sflag:s21] =	ssyncset.done $0x0  }
0x5a: {  	s1 =	rddreg [dreg:$0x6];
	[sflag:s21] =	ssyncadd.s32 $0xFFFFF000  }
0x5b: {  	[hbm4b:s1+s2] =	stream.linear.scatter [tilespmem:s13], [sflag:$0xA], $0x1000, $0x38;
	[tilespmem:$0x6D00] =	vst v63  }
0x5c: {  	_ =	swait.ge [sflag:s7], $0x1000  }
0x5d: {  	s1 =	sld [smem:$0x7F1]  }
0x5e: {  	[sflag:s7] =	ssyncset.done $0x0  }
0x5f: {  	[sflag:s7] =	ssyncadd.s32 $0xFFFFF000  }
0x60: {  	[tilespmem:s3], [sflag:$0x2] =	stream.indirect.gather [hbm4b:s6+s8], $0x20, s1, s8, $0xb8;
	[tilespmem:$0x6D00] =	vst v63  }
0x61: {  	_ =	swait.ge [sflag:s19], $0x1000  }
0x62: {  	[sflag:s19] =	ssyncset.done $0x0  }
0x63: {  	s1 =	rddreg [dreg:$0x7];
	[sflag:s19] =	ssyncadd.s32 $0xFFFFF000  }
0x64: {  	[hbm4b:s1+s2] =	stream.linear.scatter [tilespmem:s11], [sflag:$0xB], $0x1000, $0x38;
	[tilespmem:$0x6D00] =	vst v63  }
0x65: {  	_ =	swait.ge [sflag:s14], $0x1000  }
0x66: {  	s1 =	sld [smem:$0x7F2]  }
0x67: {  	[sflag:s14] =	ssyncset.done $0x0  }
0x68: {  	[sflag:s14] =	ssyncadd.s32 $0xFFFFF000  }
0x69: {  	[tilespmem:s15], [sflag:$0x3] =	stream.indirect.gather [hbm4b:s6+s8], $0x20, s1, s8, $0xb8;
	[tilespmem:$0x6D00] =	vst v63  }
0x6a: {  	_ =	swait.ge [sflag:s20], $0x1000  }
0x6b: {  	[sflag:s20] =	ssyncset.done $0x0  }
0x6c: {  	s1 =	rddreg [dreg:$0x8];
	[sflag:s20] =	ssyncadd.s32 $0xFFFFF000  }
0x6d: {  	[hbm4b:s1+s2] =	stream.linear.scatter [tilespmem:s12], [sflag:$0xC], $0x1000, $0x38;
	[tilespmem:$0x6D00] =	vst v63  }
0x6e: {  	_ =	swait.ge [sflag:s16], $0x1000  }
0x6f: {  	s1 =	sld [smem:$0x7F3]  }
0x70: {  	[sflag:s16] =	ssyncset.done $0x0  }
0x71: {  	[sflag:s16] =	ssyncadd.s32 $0xFFFFF000  }
0x72: {  	[tilespmem:s13], [sflag:$0x4] =	stream.indirect.gather [hbm4b:s6+s8], $0x20, s1, s8, $0xb8;
	[tilespmem:$0x6D00] =	vst v63  }
0x73: {  	_ =	swait.ge [sflag:s9], $0x1000  }
0x74: {  	[sflag:s9] =	ssyncset.done $0x0  }
0x75: {  	s1 =	rddreg [dreg:$0x9];
	[sflag:s9] =	ssyncadd.s32 $0xFFFFF000  }
0x76: {  	[hbm4b:s1+s2] =	stream.linear.scatter [tilespmem:s4], [sflag:$0x7], $0x1000, $0x38;
	[tilespmem:$0x6D00] =	vst v63  }
0x77: {  	_ =	swait.ge [sflag:s17], $0x1000  }
0x78: {  	s1 =	sld [smem:$0x7F4]  }
0x79: {  	[sflag:s17] =	ssyncset.done $0x0  }
0x7a: {  	[sflag:s17] =	ssyncadd.s32 $0xFFFFF000  }
0x7b: {  	[tilespmem:s11], [sflag:$0x5] =	stream.indirect.gather [hbm4b:s6+s8], $0x20, s1, s8, $0xb8;
	[tilespmem:$0x6D00] =	vst v63  }
0x7c: {  	_ =	swait.ge [sflag:s10], $0x1000  }
0x7d: {  	[sflag:s10] =	ssyncset.done $0x0  }
0x7e: {  	s1 =	rddreg [dreg:$0xa];
	[sflag:s10] =	ssyncadd.s32 $0xFFFFF000  }
0x7f: {  	[hbm4b:s1+s2] =	stream.linear.scatter [tilespmem:s3], [sflag:$0x8], $0x1000, $0x38;
	[tilespmem:$0x6D00] =	vst v63  }
0x80: {  	_ =	swait.ge [sflag:s18], $0x1000  }
0x81: {  	s1 =	sld [smem:$0x7F5]  }
0x82: {  	[sflag:s18] =	ssyncset.done $0x0  }
0x83: {  	[sflag:s18] =	ssyncadd.s32 $0xFFFFF000  }
0x84: {  	[tilespmem:s12], [sflag:$0x6] =	stream.indirect.gather [hbm4b:s6+s8], $0x20, s1, s8, $0xb8;
	[tilespmem:$0x6D00] =	vst v63  }
0x85: {  	_ =	swait.ge [sflag:s22], $0x1000  }
0x86: {  	[sflag:s22] =	ssyncset.done $0x0  }
0x87: {  	s1 =	rddreg [dreg:$0xb];
	[sflag:s22] =	ssyncadd.s32 $0xFFFFF000  }
0x88: {  	[hbm4b:s1+s2] =	stream.linear.scatter [tilespmem:s15], [sflag:$0x9], $0x1000, $0x38;
	[tilespmem:$0x6D00] =	vst v63  }
0x89: {  	_ =	swait.ge [sflag:s5], $0x1000  }
0x8a: {  	s1 =	sld [smem:$0x7F6]  }
0x8b: {  	[sflag:s5] =	ssyncset.done $0x0  }
0x8c: {  	[sflag:s5] =	ssyncadd.s32 $0xFFFFF000  }
0x8d: {  	[tilespmem:s4], [sflag:$0x1] =	stream.indirect.gather [hbm4b:s6+s8], $0x20, s1, s8, $0xb8;
	[tilespmem:$0x6D00] =	vst v63  }
0x8e: {  	_ =	swait.ge [sflag:s21], $0x1000  }
0x8f: {  	[sflag:s21] =	ssyncset.done $0x0  }
0x90: {  	s1 =	rddreg [dreg:$0xc];
	[sflag:s21] =	ssyncadd.s32 $0xFFFFF000  }
0x91: {  	[hbm4b:s1+s2] =	stream.linear.scatter [tilespmem:s13], [sflag:$0xA], $0x1000, $0x38;
	[tilespmem:$0x6D00] =	vst v63  }
0x92: {  	_ =	swait.ge [sflag:s7], $0x1000  }
0x93: {  	s1 =	sld [smem:$0x7F7]  }
0x94: {  	[sflag:s7] =	ssyncset.done $0x0  }
0x95: {  	[sflag:s7] =	ssyncadd.s32 $0xFFFFF000  }
0x96: {  	[tilespmem:s3], [sflag:$0x2] =	stream.indirect.gather [hbm4b:s6+s8], $0x20, s1, s8, $0xb8;
	[tilespmem:$0x6D00] =	vst v63  }
0x97: {  	_ =	swait.ge [sflag:s19], $0x1000  }
0x98: {  	[sflag:s19] =	ssyncset.done $0x0  }
0x99: {  	s1 =	rddreg [dreg:$0xd];
	[sflag:s19] =	ssyncadd.s32 $0xFFFFF000  }
0x9a: {  	[hbm4b:s1+s2] =	stream.linear.scatter [tilespmem:s11], [sflag:$0xB], $0x1000, $0x38;
	[tilespmem:$0x6D00] =	vst v63  }
0x9b: {  	_ =	swait.ge [sflag:s14], $0x1000  }
0x9c: {  	s1 =	sld [smem:$0x7F8]  }
0x9d: {  	[sflag:s14] =	ssyncset.done $0x0  }
0x9e: {  	[sflag:s14] =	ssyncadd.s32 $0xFFFFF000  }
0x9f: {  	[tilespmem:s15], [sflag:$0x3] =	stream.indirect.gather [hbm4b:s6+s8], $0x20, s1, s8, $0xb8;
	[tilespmem:$0x6D00] =	vst v63  }
0xa0: {  	_ =	swait.ge [sflag:s20], $0x1000  }
0xa1: {  	[sflag:s20] =	ssyncset.done $0x0  }
0xa2: {  	s1 =	rddreg [dreg:$0xe];
	[sflag:s20] =	ssyncadd.s32 $0xFFFFF000  }
0xa3: {  	[hbm4b:s1+s2] =	stream.linear.scatter [tilespmem:s12], [sflag:$0xC], $0x1000, $0x38;
	[tilespmem:$0x6D00] =	vst v63  }
0xa4: {  	_ =	swait.ge [sflag:s16], $0x1000  }
0xa5: {  	s1 =	sld [smem:$0x7F9]  }
0xa6: {  	[sflag:s16] =	ssyncset.done $0x0  }
0xa7: {  	[sflag:s16] =	ssyncadd.s32 $0xFFFFF000  }
0xa8: {  	[tilespmem:s13], [sflag:$0x4] =	stream.indirect.gather [hbm4b:s6+s8], $0x20, s1, s8, $0xb8;
	[tilespmem:$0x6D00] =	vst v63  }
0xa9: {  	_ =	swait.ge [sflag:s9], $0x1000  }
0xaa: {  	[sflag:s9] =	ssyncset.done $0x0  }
0xab: {  	s1 =	rddreg [dreg:$0xf];
	[sflag:s9] =	ssyncadd.s32 $0xFFFFF000  }
0xac: {  	[hbm4b:s1+s2] =	stream.linear.scatter [tilespmem:s4], [sflag:$0x7], $0x1000, $0x38;
	[tilespmem:$0x6D00] =	vst v63  }
0xad: {  	_ =	swait.ge [sflag:s17], $0x1000  }
0xae: {  	s1 =	sld [smem:$0x7FA]  }
0xaf: {  	[sflag:s17] =	ssyncset.done $0x0  }
0xb0: {  	[sflag:s17] =	ssyncadd.s32 $0xFFFFF000  }
0xb1: {  	[tilespmem:s11], [sflag:$0x5] =	stream.indirect.gather [hbm4b:s6+s8], $0x20, s1, s8, $0xb8;
	[tilespmem:$0x6D00] =	vst v63  }
0xb2: {  	_ =	swait.ge [sflag:s10], $0x1000  }
0xb3: {  	[sflag:s10] =	ssyncset.done $0x0  }
0xb4: {  	s1 =	rddreg [dreg:$0x10];
	[sflag:s10] =	ssyncadd.s32 $0xFFFFF000  }
0xb5: {  	[hbm4b:s1+s2] =	stream.linear.scatter [tilespmem:s3], [sflag:$0x8], $0x1000, $0x38;
	[tilespmem:$0x6D00] =	vst v63  }
0xb6: {  	_ =	swait.ge [sflag:s18], $0x1000  }
0xb7: {  	s1 =	sld [smem:$0x7FB]  }
0xb8: {  	[sflag:s18] =	ssyncset.done $0x0  }
0xb9: {  	[sflag:s18] =	ssyncadd.s32 $0xFFFFF000  }
0xba: {  	[tilespmem:s12], [sflag:$0x6] =	stream.indirect.gather [hbm4b:s6+s8], $0x20, s1, s8, $0xb8;
	[tilespmem:$0x6D00] =	vst v63  }
0xbb: {  	_ =	swait.ge [sflag:s22], $0x1000  }
0xbc: {  	[sflag:s22] =	ssyncset.done $0x0  }
0xbd: {  	s1 =	rddreg [dreg:$0x11];
	[sflag:s22] =	ssyncadd.s32 $0xFFFFF000  }
0xbe: {  	[hbm4b:s1+s2] =	stream.linear.scatter [tilespmem:s15], [sflag:$0x9], $0x1000, $0x38;
	[tilespmem:$0x6D00] =	vst v63  }
0xbf: {  	_ =	swait.ge [sflag:s5], $0x1000  }
0xc0: {  	s1 =	sld [smem:$0x7FC]  }
0xc1: {  	[sflag:s5] =	ssyncset.done $0x0  }
0xc2: {  	[sflag:s5] =	ssyncadd.s32 $0xFFFFF000  }
0xc3: {  	[tilespmem:s4], [sflag:$0x1] =	stream.indirect.gather [hbm4b:s6+s8], $0x20, s1, s8, $0xb8;
	[tilespmem:$0x6D00] =	vst v63  }
0xc4: {  	_ =	swait.ge [sflag:s21], $0x1000  }
0xc5: {  	[sflag:s21] =	ssyncset.done $0x0  }
0xc6: {  	s1 =	rddreg [dreg:$0x12];
	[sflag:s21] =	ssyncadd.s32 $0xFFFFF000  }
0xc7: {  	[hbm4b:s1+s2] =	stream.linear.scatter [tilespmem:s13], [sflag:$0xA], $0x1000, $0x38;
	[tilespmem:$0x6D00] =	vst v63  }
0xc8: {  	_ =	swait.ge [sflag:s7], $0x1000  }
0xc9: {  	s1 =	sld [smem:$0x7FD]  }
0xca: {  	[sflag:s7] =	ssyncset.done $0x0  }
0xcb: {  	[sflag:s7] =	ssyncadd.s32 $0xFFFFF000  }
0xcc: {  	[tilespmem:s3], [sflag:$0x2] =	stream.indirect.gather [hbm4b:s6+s8], $0x20, s1, s8, $0xb8;
	[tilespmem:$0x6D00] =	vst v63  }
0xcd: {  	_ =	swait.ge [sflag:s19], $0x1000  }
0xce: {  	[sflag:s19] =	ssyncset.done $0x0  }
0xcf: {  	s1 =	rddreg [dreg:$0x13];
	[sflag:s19] =	ssyncadd.s32 $0xFFFFF000  }
0xd0: {  	[hbm4b:s1+s2] =	stream.linear.scatter [tilespmem:s11], [sflag:$0xB], $0x1000, $0x38;
	[tilespmem:$0x6D00] =	vst v63  }
0xd1: {  	_ =	swait.ge [sflag:s14], $0x1000  }
0xd2: {  	[sflag:s14] =	ssyncset.done $0x0  }
0xd3: {  	s1 =	simm.s32 $0xA00;
	[sflag:s14] =	ssyncadd.s32 $0xFFFFF000  }
0xd4: {  	[tilespmem:s15], [sflag:$0x3] =	stream.indirect.gather [hbm4b:s6+s8], $0x20, s1, s8, $0xb8;
	[tilespmem:$0x6D00] =	vst v63  }
0xd5: {  	_ =	swait.ge [sflag:s20], $0x1000  }
0xd6: {  	[sflag:s20] =	ssyncset.done $0x0  }
0xd7: {  	s1 =	rddreg [dreg:$0x14];
	[sflag:s20] =	ssyncadd.s32 $0xFFFFF000  }
0xd8: {  	[hbm4b:s1+s2] =	stream.linear.scatter [tilespmem:s12], [sflag:$0xC], $0x1000, $0x38;
	[tilespmem:$0x6D00] =	vst v63  }
0xd9: {  	_ =	swait.ge [sflag:s16], $0x1000  }
0xda: {  	[sflag:s16] =	ssyncset.done $0x0  }
0xdb: {  	[sflag:s16] =	ssyncadd.s32 $0xFFFFF000  }
0xdc: {  	[tilespmem:s13], [sflag:$0x4] =	stream.indirect.gather [hbm4b:s6+s8], $0x20, s29, s8, $0xb8;
	[tilespmem:$0x6D00] =	vst v63  }
0xdd: {  	_ =	swait.ge [sflag:s9], $0x1000  }
0xde: {  	[sflag:s9] =	ssyncset.done $0x0  }
0xdf: {  	s1 =	rddreg [dreg:$0x15];
	[sflag:s9] =	ssyncadd.s32 $0xFFFFF000  }
0xe0: {  	[hbm4b:s1+s2] =	stream.linear.scatter [tilespmem:s4], [sflag:$0x7], $0x1000, $0x38;
	[tilespmem:$0x6D00] =	vst v63  }
0xe1: {  	_ =	swait.ge [sflag:s17], $0x1000  }
0xe2: {  	[sflag:s17] =	ssyncset.done $0x0  }
0xe3: {  	[sflag:s17] =	ssyncadd.s32 $0xFFFFF000  }
0xe4: {  	[tilespmem:s11], [sflag:$0x5] =	stream.indirect.gather [hbm4b:s6+s8], $0x20, s28, s8, $0xb8;
	[tilespmem:$0x6D00] =	vst v63  }
0xe5: {  	_ =	swait.ge [sflag:s10], $0x1000  }
0xe6: {  	[sflag:s10] =	ssyncset.done $0x0  }
0xe7: {  	s1 =	rddreg [dreg:$0x16];
	[sflag:s10] =	ssyncadd.s32 $0xFFFFF000  }
0xe8: {  	[hbm4b:s1+s2] =	stream.linear.scatter [tilespmem:s3], [sflag:$0x8], $0x1000, $0x38;
	[tilespmem:$0x6D00] =	vst v63  }
0xe9: {  	_ =	swait.ge [sflag:s18], $0x1000  }
0xea: {  	[sflag:s18] =	ssyncset.done $0x0  }
0xeb: {  	[sflag:s18] =	ssyncadd.s32 $0xFFFFF000  }
0xec: {  	[tilespmem:s12], [sflag:$0x6] =	stream.indirect.gather [hbm4b:s6+s8], $0x20, s26, s8, $0xb8;
	[tilespmem:$0x6D00] =	vst v63  }
0xed: {  	_ =	swait.ge [sflag:s22], $0x1000  }
0xee: {  	[sflag:s22] =	ssyncset.done $0x0  }
0xef: {  	s1 =	rddreg [dreg:$0x17];
	[sflag:s22] =	ssyncadd.s32 $0xFFFFF000  }
0xf0: {  	[hbm4b:s1+s2] =	stream.linear.scatter [tilespmem:s15], [sflag:$0x9], $0x1000, $0x38;
	[tilespmem:$0x6D00] =	vst v63  }
0xf1: {  	_ =	swait.ge [sflag:s5], $0x1000  }
0xf2: {  	[sflag:s5] =	ssyncset.done $0x0  }
0xf3: {  	[sflag:s5] =	ssyncadd.s32 $0xFFFFF000  }
0xf4: {  	[tilespmem:s4], [sflag:$0x1] =	stream.indirect.gather [hbm4b:s6+s8], $0x20, s25, s8, $0xb8;
	[tilespmem:$0x6D00] =	vst v63  }
0xf5: {  	_ =	swait.ge [sflag:s21], $0x1000  }
0xf6: {  	[sflag:s21] =	ssyncset.done $0x0  }
0xf7: {  	s1 =	rddreg [dreg:$0x18];
	[sflag:s21] =	ssyncadd.s32 $0xFFFFF000  }
0xf8: {  	[hbm4b:s1+s2] =	stream.linear.scatter [tilespmem:s13], [sflag:$0xA], $0x1000, $0x38;
	[tilespmem:$0x6D00] =	vst v63  }
0xf9: {  	_ =	swait.ge [sflag:s7], $0x1000  }
0xfa: {  	[sflag:s7] =	ssyncset.done $0x0  }
0xfb: {  	[sflag:s7] =	ssyncadd.s32 $0xFFFFF000  }
0xfc: {  	[tilespmem:s3], [sflag:$0x2] =	stream.indirect.gather [hbm4b:s6+s8], $0x20, s24, s8, $0xb8;
	[tilespmem:$0x6D00] =	vst v63  }
0xfd: {  	_ =	swait.ge [sflag:s19], $0x1000  }
0xfe: {  	[sflag:s19] =	ssyncset.done $0x0  }
0xff: {  	s1 =	rddreg [dreg:$0x19];
	[sflag:s19] =	ssyncadd.s32 $0xFFFFF000  }
0x100: {  	[hbm4b:s1+s2] =	stream.linear.scatter [tilespmem:s11], [sflag:$0xB], $0x1000, $0x38;
	[tilespmem:$0x6D00] =	vst v63  }
0x101: {  	_ =	swait.ge [sflag:s20], $0x1000  }
0x102: {  	[sflag:s20] =	ssyncset.done $0x0  }
0x103: {  	s1 =	rddreg [dreg:$0x1a];
	[sflag:s20] =	ssyncadd.s32 $0xFFFFF000  }
0x104: {  	[hbm4b:s1+s2] =	stream.linear.scatter [tilespmem:s12], [sflag:$0xC], $0x1000, $0x38;
	[tilespmem:$0x6D00] =	vst v63  }
0x105: {  	_ =	swait.ge [sflag:s9], $0x1000  }
0x106: {  	[sflag:s9] =	ssyncset.done $0x0  }
0x107: {  	s1 =	rddreg [dreg:$0x1b];
	[sflag:s9] =	ssyncadd.s32 $0xFFFFF000  }
0x108: {  	[hbm4b:s1+s2] =	stream.linear.scatter [tilespmem:s4], [sflag:$0x7], $0x1000, $0x38;
	[tilespmem:$0x6D00] =	vst v63  }
0x109: {  	_ =	swait.ge [sflag:s10], $0x1000  }
0x10a: {  	[sflag:s10] =	ssyncset.done $0x0  }
0x10b: {  	s1 =	rddreg [dreg:$0x1c];
	[sflag:s10] =	ssyncadd.s32 $0xFFFFF000  }
0x10c: {  	[hbm4b:s1+s2] =	stream.linear.scatter [tilespmem:s3], [sflag:$0x8], $0x1000, $0x38;
	[tilespmem:$0x6D00] =	vst v63  }
0x10d: {  	_ =	swait.ge [sflag:s14], $0x1000  }
0x10e: {  	[sflag:s14] =	ssyncset.done $0x0  }
0x10f: {  	[sflag:s14] =	ssyncadd.s32 $0xFFFFF000  }
0x110: {  	_ =	swait.ge [sflag:s16], $0x1000  }
0x111: {  	[sflag:s16] =	ssyncset.done $0x0  }
0x112: {  	[sflag:s16] =	ssyncadd.s32 $0xFFFFF000  }
0x113: {  	_ =	swait.ge [sflag:s17], $0x1000  }
0x114: {  	[sflag:s17] =	ssyncset.done $0x0  }
0x115: {  	[sflag:s17] =	ssyncadd.s32 $0xFFFFF000  }
0x116: {  	_ =	swait.ge [sflag:s18], $0x1000  }
0x117: {  	[sflag:s18] =	ssyncset.done $0x0  }
0x118: {  	p1 =	sne.s32 s23, $0x1;
	[sflag:s18] =	ssyncadd.s32 $0xFFFFF000  }
.Ltmp1:
0x119: {  	_ =	swait.ge [sflag:s5], $0x1000;
	(pc) =	sbr.rel @!p1 .LBB2_3-.Ltmp1, $4  }
0x11a: {  	[sflag:s5] =	ssyncset.done $0x0  }
0x11b: {  	[sflag:s5] =	ssyncadd.s32 $0xFFFFF000  }
0x11c: {  	p0 =	por $0x1, $0x1;
	_ =	swait.ge [sflag:s7], $0x1000  }
0x11d: {  	s1 =	sadd.s32 $0xFFFFFFFF, s23;
	s0 =	rddreg [dreg:$0x3];
	[sflag:s7] =	ssyncset.done $0x0  }
.LBB2_4:
0x11e: {  	[sflag:s7] =	ssyncadd.s32 $0xFFFFF000  }
0x11f: {  	[tilespmem:s2], [sflag:$0xD] =	stream.linear.gather [hbm4b:s0+s2], $0xD00, $0x38;
	[tilespmem:$0x6D00] =	vst v63  }
0x120: {  	_ =	swait.ge [sflag:s31], $0xD00  }
0x121: {  	[sflag:s31] =	ssyncset.done $0x0  }
0x122: {  	[sflag:s31] =	ssyncadd.s32 $0xFFFFF300  }
0x123: {  	[tilespmem:s4], [sflag:$0x1] =	stream.indirect.gather [hbm4b:s6+s8], $0x20, s2, s8, $0xb8;
	[tilespmem:$0x6D00] =	vst v63  }
0x124: {  	_ = 	snop  }
0x125: {  	[tilespmem:s3], [sflag:$0x2] =	stream.indirect.gather [hbm4b:s6+s8], $0x20, s8, s8, $0xb8;
	[tilespmem:$0x6D00] =	vst v63  }
0x126: {  	s0 =	rddreg [dreg:$0x1d]  }
0x127: {  	[tilespmem:s15], [sflag:$0x3] =	stream.indirect.gather [hbm4b:s6+s8], $0x20, s0, s8, $0xb8;
	[tilespmem:$0x6D00] =	vst v63  }
0x128: {  	s23 =	rddreg [dreg:$0x1e]  }
0x129: {  	[tilespmem:s13], [sflag:$0x4] =	stream.indirect.gather [hbm4b:s6+s8], $0x20, s23, s8, $0xb8;
	[tilespmem:$0x6D00] =	vst v63  }
0x12a: {  	_ =	swait.ge [sflag:s9], $0x1000  }
0x12b: {  	[sflag:s9] =	ssyncset.done $0x0  }
0x12c: {  	[sflag:s9] =	ssyncadd.s32 $0xFFFFF000  }
0x12d: {  	[hbm4b:s30+s2] =	stream.linear.scatter [tilespmem:s4], [sflag:$0x7], $0x1000, $0x38;
	[tilespmem:$0x6D00] =	vst v63  }
0x12e: {  	s23 =	rddreg [dreg:$0x1f]  }
0x12f: {  	[tilespmem:s11], [sflag:$0x5] =	stream.indirect.gather [hbm4b:s6+s8], $0x20, s23, s8, $0xb8;
	[tilespmem:$0x6D00] =	vst v63  }
0x130: {  	_ =	swait.ge [sflag:s10], $0x1000  }
0x131: {  	s0 =	rddreg [dreg:$0x4];
	[sflag:s10] =	ssyncset.done $0x0  }
0x132: {  	s23 =	sld [smem:$0x7EF];
	[sflag:s10] =	ssyncadd.s32 $0xFFFFF000  }
0x133: {  	[hbm4b:s0+s2] =	stream.linear.scatter [tilespmem:s3], [sflag:$0x8], $0x1000, $0x38;
	[tilespmem:$0x6D00] =	vst v63  }
0x134: {  	_ = 	snop  }
0x135: {  	[tilespmem:s12], [sflag:$0x6] =	stream.indirect.gather [hbm4b:s6+s8], $0x20, s23, s8, $0xb8;
	[tilespmem:$0x6D00] =	vst v63  }
0x136: {  	_ =	swait.ge [sflag:s22], $0x1000  }
0x137: {  	[sflag:s22] =	ssyncset.done $0x0  }
0x138: {  	s23 =	rddreg [dreg:$0x5];
	[sflag:s22] =	ssyncadd.s32 $0xFFFFF000  }
0x139: {  	[hbm4b:s23+s2] =	stream.linear.scatter [tilespmem:s15], [sflag:$0x9], $0x1000, $0x38;
	[tilespmem:$0x6D00] =	vst v63  }
0x13a: {  	_ =	swait.ge [sflag:s5], $0x1000  }
0x13b: {  	s23 =	sld [smem:$0x7F0]  }
0x13c: {  	[sflag:s5] =	ssyncset.done $0x0  }
0x13d: {  	[sflag:s5] =	ssyncadd.s32 $0xFFFFF000  }
0x13e: {  	[tilespmem:s4], [sflag:$0x1] =	stream.indirect.gather [hbm4b:s6+s8], $0x20, s23, s8, $0xb8;
	[tilespmem:$0x6D00] =	vst v63  }
0x13f: {  	_ =	swait.ge [sflag:s21], $0x1000  }
0x140: {  	[sflag:s21] =	ssyncset.done $0x0  }
0x141: {  	s23 =	rddreg [dreg:$0x6];
	[sflag:s21] =	ssyncadd.s32 $0xFFFFF000  }
0x142: {  	[hbm4b:s23+s2] =	stream.linear.scatter [tilespmem:s13], [sflag:$0xA], $0x1000, $0x38;
	[tilespmem:$0x6D00] =	vst v63  }
0x143: {  	_ =	swait.ge [sflag:s7], $0x1000  }
0x144: {  	s23 =	sld [smem:$0x7F1]  }
0x145: {  	[sflag:s7] =	ssyncset.done $0x0  }
0x146: {  	[sflag:s7] =	ssyncadd.s32 $0xFFFFF000  }
0x147: {  	[tilespmem:s3], [sflag:$0x2] =	stream.indirect.gather [hbm4b:s6+s8], $0x20, s23, s8, $0xb8;
	[tilespmem:$0x6D00] =	vst v63  }
0x148: {  	_ =	swait.ge [sflag:s19], $0x1000  }
0x149: {  	[sflag:s19] =	ssyncset.done $0x0  }
0x14a: {  	s23 =	rddreg [dreg:$0x7];
	[sflag:s19] =	ssyncadd.s32 $0xFFFFF000  }
0x14b: {  	[hbm4b:s23+s2] =	stream.linear.scatter [tilespmem:s11], [sflag:$0xB], $0x1000, $0x38;
	[tilespmem:$0x6D00] =	vst v63  }
0x14c: {  	_ =	swait.ge [sflag:s14], $0x1000  }
0x14d: {  	s23 =	sld [smem:$0x7F2]  }
0x14e: {  	[sflag:s14] =	ssyncset.done $0x0  }
0x14f: {  	[sflag:s14] =	ssyncadd.s32 $0xFFFFF000  }
0x150: {  	[tilespmem:s15], [sflag:$0x3] =	stream.indirect.gather [hbm4b:s6+s8], $0x20, s23, s8, $0xb8;
	[tilespmem:$0x6D00] =	vst v63  }
0x151: {  	_ =	swait.ge [sflag:s20], $0x1000  }
0x152: {  	[sflag:s20] =	ssyncset.done $0x0  }
0x153: {  	s23 =	rddreg [dreg:$0x8];
	[sflag:s20] =	ssyncadd.s32 $0xFFFFF000  }
0x154: {  	[hbm4b:s23+s2] =	stream.linear.scatter [tilespmem:s12], [sflag:$0xC], $0x1000, $0x38;
	[tilespmem:$0x6D00] =	vst v63  }
0x155: {  	_ =	swait.ge [sflag:s16], $0x1000  }
0x156: {  	s23 =	sld [smem:$0x7F3]  }
0x157: {  	[sflag:s16] =	ssyncset.done $0x0  }
0x158: {  	[sflag:s16] =	ssyncadd.s32 $0xFFFFF000  }
0x159: {  	[tilespmem:s13], [sflag:$0x4] =	stream.indirect.gather [hbm4b:s6+s8], $0x20, s23, s8, $0xb8;
	[tilespmem:$0x6D00] =	vst v63  }
0x15a: {  	_ =	swait.ge [sflag:s9], $0x1000  }
0x15b: {  	[sflag:s9] =	ssyncset.done $0x0  }
0x15c: {  	s23 =	rddreg [dreg:$0x9];
	[sflag:s9] =	ssyncadd.s32 $0xFFFFF000  }
0x15d: {  	[hbm4b:s23+s2] =	stream.linear.scatter [tilespmem:s4], [sflag:$0x7], $0x1000, $0x38;
	[tilespmem:$0x6D00] =	vst v63  }
0x15e: {  	_ =	swait.ge [sflag:s17], $0x1000  }
0x15f: {  	s23 =	sld [smem:$0x7F4]  }
0x160: {  	[sflag:s17] =	ssyncset.done $0x0  }
0x161: {  	[sflag:s17] =	ssyncadd.s32 $0xFFFFF000  }
0x162: {  	[tilespmem:s11], [sflag:$0x5] =	stream.indirect.gather [hbm4b:s6+s8], $0x20, s23, s8, $0xb8;
	[tilespmem:$0x6D00] =	vst v63  }
0x163: {  	_ =	swait.ge [sflag:s10], $0x1000  }
0x164: {  	[sflag:s10] =	ssyncset.done $0x0  }
0x165: {  	s23 =	rddreg [dreg:$0xa];
	[sflag:s10] =	ssyncadd.s32 $0xFFFFF000  }
0x166: {  	[hbm4b:s23+s2] =	stream.linear.scatter [tilespmem:s3], [sflag:$0x8], $0x1000, $0x38;
	[tilespmem:$0x6D00] =	vst v63  }
0x167: {  	_ =	swait.ge [sflag:s18], $0x1000  }
0x168: {  	s23 =	sld [smem:$0x7F5]  }
0x169: {  	[sflag:s18] =	ssyncset.done $0x0  }
0x16a: {  	[sflag:s18] =	ssyncadd.s32 $0xFFFFF000  }
0x16b: {  	[tilespmem:s12], [sflag:$0x6] =	stream.indirect.gather [hbm4b:s6+s8], $0x20, s23, s8, $0xb8;
	[tilespmem:$0x6D00] =	vst v63  }
0x16c: {  	_ =	swait.ge [sflag:s22], $0x1000  }
0x16d: {  	[sflag:s22] =	ssyncset.done $0x0  }
0x16e: {  	s23 =	rddreg [dreg:$0xb];
	[sflag:s22] =	ssyncadd.s32 $0xFFFFF000  }
0x16f: {  	[hbm4b:s23+s2] =	stream.linear.scatter [tilespmem:s15], [sflag:$0x9], $0x1000, $0x38;
	[tilespmem:$0x6D00] =	vst v63  }
0x170: {  	_ =	swait.ge [sflag:s5], $0x1000  }
0x171: {  	s23 =	sld [smem:$0x7F6]  }
0x172: {  	[sflag:s5] =	ssyncset.done $0x0  }
0x173: {  	[sflag:s5] =	ssyncadd.s32 $0xFFFFF000  }
0x174: {  	[tilespmem:s4], [sflag:$0x1] =	stream.indirect.gather [hbm4b:s6+s8], $0x20, s23, s8, $0xb8;
	[tilespmem:$0x6D00] =	vst v63  }
0x175: {  	_ =	swait.ge [sflag:s21], $0x1000  }
0x176: {  	[sflag:s21] =	ssyncset.done $0x0  }
0x177: {  	s23 =	rddreg [dreg:$0xc];
	[sflag:s21] =	ssyncadd.s32 $0xFFFFF000  }
0x178: {  	[hbm4b:s23+s2] =	stream.linear.scatter [tilespmem:s13], [sflag:$0xA], $0x1000, $0x38;
	[tilespmem:$0x6D00] =	vst v63  }
0x179: {  	_ =	swait.ge [sflag:s7], $0x1000  }
0x17a: {  	s23 =	sld [smem:$0x7F7]  }
0x17b: {  	[sflag:s7] =	ssyncset.done $0x0  }
0x17c: {  	[sflag:s7] =	ssyncadd.s32 $0xFFFFF000  }
0x17d: {  	[tilespmem:s3], [sflag:$0x2] =	stream.indirect.gather [hbm4b:s6+s8], $0x20, s23, s8, $0xb8;
	[tilespmem:$0x6D00] =	vst v63  }
0x17e: {  	_ =	swait.ge [sflag:s19], $0x1000  }
0x17f: {  	[sflag:s19] =	ssyncset.done $0x0  }
0x180: {  	s23 =	rddreg [dreg:$0xd];
	[sflag:s19] =	ssyncadd.s32 $0xFFFFF000  }
0x181: {  	[hbm4b:s23+s2] =	stream.linear.scatter [tilespmem:s11], [sflag:$0xB], $0x1000, $0x38;
	[tilespmem:$0x6D00] =	vst v63  }
0x182: {  	_ =	swait.ge [sflag:s14], $0x1000  }
0x183: {  	s23 =	sld [smem:$0x7F8]  }
0x184: {  	[sflag:s14] =	ssyncset.done $0x0  }
0x185: {  	[sflag:s14] =	ssyncadd.s32 $0xFFFFF000  }
0x186: {  	[tilespmem:s15], [sflag:$0x3] =	stream.indirect.gather [hbm4b:s6+s8], $0x20, s23, s8, $0xb8;
	[tilespmem:$0x6D00] =	vst v63  }
0x187: {  	_ =	swait.ge [sflag:s20], $0x1000  }
0x188: {  	[sflag:s20] =	ssyncset.done $0x0  }
0x189: {  	s23 =	rddreg [dreg:$0xe];
	[sflag:s20] =	ssyncadd.s32 $0xFFFFF000  }
0x18a: {  	[hbm4b:s23+s2] =	stream.linear.scatter [tilespmem:s12], [sflag:$0xC], $0x1000, $0x38;
	[tilespmem:$0x6D00] =	vst v63  }
0x18b: {  	_ =	swait.ge [sflag:s16], $0x1000  }
0x18c: {  	s23 =	sld [smem:$0x7F9]  }
0x18d: {  	[sflag:s16] =	ssyncset.done $0x0  }
0x18e: {  	[sflag:s16] =	ssyncadd.s32 $0xFFFFF000  }
0x18f: {  	[tilespmem:s13], [sflag:$0x4] =	stream.indirect.gather [hbm4b:s6+s8], $0x20, s23, s8, $0xb8;
	[tilespmem:$0x6D00] =	vst v63  }
0x190: {  	_ =	swait.ge [sflag:s9], $0x1000  }
0x191: {  	[sflag:s9] =	ssyncset.done $0x0  }
0x192: {  	s23 =	rddreg [dreg:$0xf];
	[sflag:s9] =	ssyncadd.s32 $0xFFFFF000  }
0x193: {  	[hbm4b:s23+s2] =	stream.linear.scatter [tilespmem:s4], [sflag:$0x7], $0x1000, $0x38;
	[tilespmem:$0x6D00] =	vst v63  }
0x194: {  	_ =	swait.ge [sflag:s17], $0x1000  }
0x195: {  	s23 =	sld [smem:$0x7FA]  }
0x196: {  	[sflag:s17] =	ssyncset.done $0x0  }
0x197: {  	[sflag:s17] =	ssyncadd.s32 $0xFFFFF000  }
0x198: {  	[tilespmem:s11], [sflag:$0x5] =	stream.indirect.gather [hbm4b:s6+s8], $0x20, s23, s8, $0xb8;
	[tilespmem:$0x6D00] =	vst v63  }
0x199: {  	_ =	swait.ge [sflag:s10], $0x1000  }
0x19a: {  	[sflag:s10] =	ssyncset.done $0x0  }
0x19b: {  	s23 =	rddreg [dreg:$0x10];
	[sflag:s10] =	ssyncadd.s32 $0xFFFFF000  }
0x19c: {  	[hbm4b:s23+s2] =	stream.linear.scatter [tilespmem:s3], [sflag:$0x8], $0x1000, $0x38;
	[tilespmem:$0x6D00] =	vst v63  }
0x19d: {  	_ =	swait.ge [sflag:s18], $0x1000  }
0x19e: {  	s23 =	sld [smem:$0x7FB]  }
0x19f: {  	[sflag:s18] =	ssyncset.done $0x0  }
0x1a0: {  	[sflag:s18] =	ssyncadd.s32 $0xFFFFF000  }
0x1a1: {  	[tilespmem:s12], [sflag:$0x6] =	stream.indirect.gather [hbm4b:s6+s8], $0x20, s23, s8, $0xb8;
	[tilespmem:$0x6D00] =	vst v63  }
0x1a2: {  	_ =	swait.ge [sflag:s22], $0x1000  }
0x1a3: {  	[sflag:s22] =	ssyncset.done $0x0  }
0x1a4: {  	s23 =	rddreg [dreg:$0x11];
	[sflag:s22] =	ssyncadd.s32 $0xFFFFF000  }
0x1a5: {  	[hbm4b:s23+s2] =	stream.linear.scatter [tilespmem:s15], [sflag:$0x9], $0x1000, $0x38;
	[tilespmem:$0x6D00] =	vst v63  }
0x1a6: {  	_ =	swait.ge [sflag:s5], $0x1000  }
0x1a7: {  	s23 =	sld [smem:$0x7FC]  }
0x1a8: {  	[sflag:s5] =	ssyncset.done $0x0  }
0x1a9: {  	[sflag:s5] =	ssyncadd.s32 $0xFFFFF000  }
0x1aa: {  	[tilespmem:s4], [sflag:$0x1] =	stream.indirect.gather [hbm4b:s6+s8], $0x20, s23, s8, $0xb8;
	[tilespmem:$0x6D00] =	vst v63  }
0x1ab: {  	_ =	swait.ge [sflag:s21], $0x1000  }
0x1ac: {  	[sflag:s21] =	ssyncset.done $0x0  }
0x1ad: {  	s23 =	rddreg [dreg:$0x12];
	[sflag:s21] =	ssyncadd.s32 $0xFFFFF000  }
0x1ae: {  	[hbm4b:s23+s2] =	stream.linear.scatter [tilespmem:s13], [sflag:$0xA], $0x1000, $0x38;
	[tilespmem:$0x6D00] =	vst v63  }
0x1af: {  	_ =	swait.ge [sflag:s7], $0x1000  }
0x1b0: {  	s23 =	sld [smem:$0x7FD]  }
0x1b1: {  	[sflag:s7] =	ssyncset.done $0x0  }
0x1b2: {  	[sflag:s7] =	ssyncadd.s32 $0xFFFFF000  }
0x1b3: {  	[tilespmem:s3], [sflag:$0x2] =	stream.indirect.gather [hbm4b:s6+s8], $0x20, s23, s8, $0xb8;
	[tilespmem:$0x6D00] =	vst v63  }
0x1b4: {  	_ =	swait.ge [sflag:s19], $0x1000  }
0x1b5: {  	[sflag:s19] =	ssyncset.done $0x0  }
0x1b6: {  	s23 =	rddreg [dreg:$0x13];
	[sflag:s19] =	ssyncadd.s32 $0xFFFFF000  }
0x1b7: {  	[hbm4b:s23+s2] =	stream.linear.scatter [tilespmem:s11], [sflag:$0xB], $0x1000, $0x38;
	[tilespmem:$0x6D00] =	vst v63  }
0x1b8: {  	_ =	swait.ge [sflag:s14], $0x1000  }
0x1b9: {  	[sflag:s14] =	ssyncset.done $0x0  }
0x1ba: {  	s23 =	simm.s32 $0xA00;
	[sflag:s14] =	ssyncadd.s32 $0xFFFFF000  }
0x1bb: {  	[tilespmem:s15], [sflag:$0x3] =	stream.indirect.gather [hbm4b:s6+s8], $0x20, s23, s8, $0xb8;
	[tilespmem:$0x6D00] =	vst v63  }
0x1bc: {  	_ =	swait.ge [sflag:s20], $0x1000  }
0x1bd: {  	[sflag:s20] =	ssyncset.done $0x0  }
0x1be: {  	s23 =	rddreg [dreg:$0x14];
	[sflag:s20] =	ssyncadd.s32 $0xFFFFF000  }
0x1bf: {  	[hbm4b:s23+s2] =	stream.linear.scatter [tilespmem:s12], [sflag:$0xC], $0x1000, $0x38;
	[tilespmem:$0x6D00] =	vst v63  }
0x1c0: {  	_ =	swait.ge [sflag:s16], $0x1000  }
0x1c1: {  	[sflag:s16] =	ssyncset.done $0x0  }
0x1c2: {  	[sflag:s16] =	ssyncadd.s32 $0xFFFFF000  }
0x1c3: {  	[tilespmem:s13], [sflag:$0x4] =	stream.indirect.gather [hbm4b:s6+s8], $0x20, s29, s8, $0xb8;
	[tilespmem:$0x6D00] =	vst v63  }
0x1c4: {  	_ =	swait.ge [sflag:s9], $0x1000  }
0x1c5: {  	[sflag:s9] =	ssyncset.done $0x0  }
0x1c6: {  	s23 =	rddreg [dreg:$0x15];
	[sflag:s9] =	ssyncadd.s32 $0xFFFFF000  }
0x1c7: {  	[hbm4b:s23+s2] =	stream.linear.scatter [tilespmem:s4], [sflag:$0x7], $0x1000, $0x38;
	[tilespmem:$0x6D00] =	vst v63  }
0x1c8: {  	_ =	swait.ge [sflag:s17], $0x1000  }
0x1c9: {  	[sflag:s17] =	ssyncset.done $0x0  }
0x1ca: {  	[sflag:s17] =	ssyncadd.s32 $0xFFFFF000  }
0x1cb: {  	[tilespmem:s11], [sflag:$0x5] =	stream.indirect.gather [hbm4b:s6+s8], $0x20, s28, s8, $0xb8;
	[tilespmem:$0x6D00] =	vst v63  }
0x1cc: {  	_ =	swait.ge [sflag:s10], $0x1000  }
0x1cd: {  	[sflag:s10] =	ssyncset.done $0x0  }
0x1ce: {  	s23 =	rddreg [dreg:$0x16];
	[sflag:s10] =	ssyncadd.s32 $0xFFFFF000  }
0x1cf: {  	[hbm4b:s23+s2] =	stream.linear.scatter [tilespmem:s3], [sflag:$0x8], $0x1000, $0x38;
	[tilespmem:$0x6D00] =	vst v63  }
0x1d0: {  	_ =	swait.ge [sflag:s18], $0x1000  }
0x1d1: {  	[sflag:s18] =	ssyncset.done $0x0  }
0x1d2: {  	[sflag:s18] =	ssyncadd.s32 $0xFFFFF000  }
0x1d3: {  	[tilespmem:s12], [sflag:$0x6] =	stream.indirect.gather [hbm4b:s6+s8], $0x20, s26, s8, $0xb8;
	[tilespmem:$0x6D00] =	vst v63  }
0x1d4: {  	_ =	swait.ge [sflag:s22], $0x1000  }
0x1d5: {  	[sflag:s22] =	ssyncset.done $0x0  }
0x1d6: {  	s23 =	rddreg [dreg:$0x17];
	[sflag:s22] =	ssyncadd.s32 $0xFFFFF000  }
0x1d7: {  	[hbm4b:s23+s2] =	stream.linear.scatter [tilespmem:s15], [sflag:$0x9], $0x1000, $0x38;
	[tilespmem:$0x6D00] =	vst v63  }
0x1d8: {  	_ =	swait.ge [sflag:s5], $0x1000  }
0x1d9: {  	[sflag:s5] =	ssyncset.done $0x0  }
0x1da: {  	[sflag:s5] =	ssyncadd.s32 $0xFFFFF000  }
0x1db: {  	[tilespmem:s4], [sflag:$0x1] =	stream.indirect.gather [hbm4b:s6+s8], $0x20, s25, s8, $0xb8;
	[tilespmem:$0x6D00] =	vst v63  }
0x1dc: {  	_ =	swait.ge [sflag:s21], $0x1000  }
0x1dd: {  	[sflag:s21] =	ssyncset.done $0x0  }
0x1de: {  	s23 =	rddreg [dreg:$0x18];
	[sflag:s21] =	ssyncadd.s32 $0xFFFFF000  }
0x1df: {  	[hbm4b:s23+s2] =	stream.linear.scatter [tilespmem:s13], [sflag:$0xA], $0x1000, $0x38;
	[tilespmem:$0x6D00] =	vst v63  }
0x1e0: {  	_ =	swait.ge [sflag:s7], $0x1000  }
0x1e1: {  	[sflag:s7] =	ssyncset.done $0x0  }
0x1e2: {  	[sflag:s7] =	ssyncadd.s32 $0xFFFFF000  }
0x1e3: {  	[tilespmem:s3], [sflag:$0x2] =	stream.indirect.gather [hbm4b:s6+s8], $0x20, s24, s8, $0xb8;
	[tilespmem:$0x6D00] =	vst v63  }
0x1e4: {  	_ =	swait.ge [sflag:s19], $0x1000  }
0x1e5: {  	[sflag:s19] =	ssyncset.done $0x0  }
0x1e6: {  	s23 =	rddreg [dreg:$0x19];
	[sflag:s19] =	ssyncadd.s32 $0xFFFFF000  }
0x1e7: {  	[hbm4b:s23+s2] =	stream.linear.scatter [tilespmem:s11], [sflag:$0xB], $0x1000, $0x38;
	[tilespmem:$0x6D00] =	vst v63  }
0x1e8: {  	_ =	swait.ge [sflag:s20], $0x1000  }
0x1e9: {  	[sflag:s20] =	ssyncset.done $0x0  }
0x1ea: {  	s23 =	rddreg [dreg:$0x1a];
	[sflag:s20] =	ssyncadd.s32 $0xFFFFF000  }
0x1eb: {  	[hbm4b:s23+s2] =	stream.linear.scatter [tilespmem:s12], [sflag:$0xC], $0x1000, $0x38;
	[tilespmem:$0x6D00] =	vst v63  }
0x1ec: {  	_ =	swait.ge [sflag:s9], $0x1000  }
0x1ed: {  	[sflag:s9] =	ssyncset.done $0x0  }
0x1ee: {  	s23 =	rddreg [dreg:$0x1b];
	[sflag:s9] =	ssyncadd.s32 $0xFFFFF000  }
0x1ef: {  	[hbm4b:s23+s2] =	stream.linear.scatter [tilespmem:s4], [sflag:$0x7], $0x1000, $0x38;
	[tilespmem:$0x6D00] =	vst v63  }
0x1f0: {  	_ =	swait.ge [sflag:s10], $0x1000  }
0x1f1: {  	[sflag:s10] =	ssyncset.done $0x0  }
0x1f2: {  	s23 =	rddreg [dreg:$0x1c];
	[sflag:s10] =	ssyncadd.s32 $0xFFFFF000  }
0x1f3: {  	[hbm4b:s23+s2] =	stream.linear.scatter [tilespmem:s3], [sflag:$0x8], $0x1000, $0x38;
	[tilespmem:$0x6D00] =	vst v63  }
0x1f4: {  	_ =	swait.ge [sflag:s14], $0x1000  }
0x1f5: {  	[sflag:s14] =	ssyncset.done $0x0  }
0x1f6: {  	[sflag:s14] =	ssyncadd.s32 $0xFFFFF000  }
0x1f7: {  	_ =	swait.ge [sflag:s16], $0x1000  }
0x1f8: {  	[sflag:s16] =	ssyncset.done $0x0  }
0x1f9: {  	[sflag:s16] =	ssyncadd.s32 $0xFFFFF000  }
0x1fa: {  	_ =	swait.ge [sflag:s17], $0x1000  }
0x1fb: {  	[sflag:s17] =	ssyncset.done $0x0  }
0x1fc: {  	[sflag:s17] =	ssyncadd.s32 $0xFFFFF000  }
0x1fd: {  	_ =	swait.ge [sflag:s18], $0x1000  }
0x1fe: {  	[sflag:s18] =	ssyncset.done $0x0  }
0x1ff: {  	p1 =	sne.s32 s1, $0x1;
	[sflag:s18] =	ssyncadd.s32 $0xFFFFF000  }
.Ltmp2:
0x200: {  	_ =	swait.ge [sflag:s5], $0x1000;
	(pc) =	sbr.rel @p1 .LBB2_4-.Ltmp2, $4  }
0x201: {  	[sflag:s5] =	ssyncset.done $0x0  }
0x202: {  	[sflag:s5] =	ssyncadd.s32 $0xFFFFF000  }
0x203: {  	_ =	swait.ge [sflag:s7], $0x1000  }
0x204: {  	s1 =	sadd.s32 $0xFFFFFFFF, s1;
	s0 =	rddreg [dreg:$0x3];
	[sflag:s7] =	ssyncset.done $0x0  }
0x205: {  	s24 =	simm.s32 $0xA00;
	s29 =	simm.s32 $0xA80;
	s28 =	simm.s32 $0xB00  }
0x206: {  	s26 =	simm.s32 $0xB80;
	s25 =	simm.s32 $0xC00;
	s23 =	stileid.u32  }
.LBB2_6:
0x207: {  	[sflag:s7] =	ssyncadd.s32 @p0 $0xFFFFF000  }
0x208: {  	[tilespmem:s2], [sflag:$0xD] =	stream.linear.gather [hbm4b:s0+s2], $0xD00, $0x38;
	[tilespmem:$0x6D00] =	vst v63  }
0x209: {  	_ =	swait.ge [sflag:s31], $0xD00  }
0x20a: {  	[sflag:s31] =	ssyncset.done $0x0  }
0x20b: {  	[sflag:s31] =	ssyncadd.s32 $0xFFFFF300  }
0x20c: {  	[tilespmem:s4], [sflag:$0x1] =	stream.indirect.gather [hbm4b:s6+s8], $0x20, s2, s8, $0xb8;
	[tilespmem:$0x6D00] =	vst v63  }
0x20d: {  	_ = 	snop  }
0x20e: {  	[tilespmem:s3], [sflag:$0x2] =	stream.indirect.gather [hbm4b:s6+s8], $0x20, s8, s8, $0xb8;
	[tilespmem:$0x6D00] =	vst v63  }
0x20f: {  	s31 =	rddreg [dreg:$0x1d]  }
0x210: {  	[tilespmem:s15], [sflag:$0x3] =	stream.indirect.gather [hbm4b:s6+s8], $0x20, s31, s8, $0xb8;
	[tilespmem:$0x6D00] =	vst v63  }
0x211: {  	s1 =	rddreg [dreg:$0x1e]  }
0x212: {  	[tilespmem:s13], [sflag:$0x4] =	stream.indirect.gather [hbm4b:s6+s8], $0x20, s1, s8, $0xb8;
	[tilespmem:$0x6D00] =	vst v63  }
0x213: {  	_ =	swait.ge [sflag:s9], $0x1000  }
0x214: {  	[sflag:s9] =	ssyncset.done $0x0  }
0x215: {  	[sflag:s9] =	ssyncadd.s32 $0xFFFFF000  }
0x216: {  	[hbm4b:s30+s2] =	stream.linear.scatter [tilespmem:s4], [sflag:$0x7], $0x1000, $0x38;
	[tilespmem:$0x6D00] =	vst v63  }
0x217: {  	s31 =	rddreg [dreg:$0x1f]  }
0x218: {  	[tilespmem:s11], [sflag:$0x5] =	stream.indirect.gather [hbm4b:s6+s8], $0x20, s31, s8, $0xb8;
	[tilespmem:$0x6D00] =	vst v63  }
0x219: {  	_ =	swait.ge [sflag:s10], $0x1000  }
0x21a: {  	s1 =	rddreg [dreg:$0x4];
	[sflag:s10] =	ssyncset.done $0x0  }
0x21b: {  	s30 =	sld [smem:$0x7EF];
	[sflag:s10] =	ssyncadd.s32 $0xFFFFF000  }
0x21c: {  	[hbm4b:s1+s2] =	stream.linear.scatter [tilespmem:s3], [sflag:$0x8], $0x1000, $0x38;
	[tilespmem:$0x6D00] =	vst v63  }
0x21d: {  	_ = 	snop  }
0x21e: {  	[tilespmem:s12], [sflag:$0x6] =	stream.indirect.gather [hbm4b:s6+s8], $0x20, s30, s8, $0xb8;
	[tilespmem:$0x6D00] =	vst v63  }
0x21f: {  	_ =	swait.ge [sflag:s22], $0x1000  }
0x220: {  	[sflag:s22] =	ssyncset.done $0x0  }
0x221: {  	s31 =	rddreg [dreg:$0x5];
	[sflag:s22] =	ssyncadd.s32 $0xFFFFF000  }
0x222: {  	[hbm4b:s31+s2] =	stream.linear.scatter [tilespmem:s15], [sflag:$0x9], $0x1000, $0x38;
	[tilespmem:$0x6D00] =	vst v63  }
0x223: {  	_ =	swait.ge [sflag:s5], $0x1000  }
0x224: {  	s1 =	sld [smem:$0x7F0]  }
0x225: {  	[sflag:s5] =	ssyncset.done $0x0  }
0x226: {  	[sflag:s5] =	ssyncadd.s32 $0xFFFFF000  }
0x227: {  	[tilespmem:s4], [sflag:$0x1] =	stream.indirect.gather [hbm4b:s6+s8], $0x20, s1, s8, $0xb8;
	[tilespmem:$0x6D00] =	vst v63  }
0x228: {  	_ =	swait.ge [sflag:s21], $0x1000  }
0x229: {  	[sflag:s21] =	ssyncset.done $0x0  }
0x22a: {  	s30 =	rddreg [dreg:$0x6];
	[sflag:s21] =	ssyncadd.s32 $0xFFFFF000  }
0x22b: {  	[hbm4b:s30+s2] =	stream.linear.scatter [tilespmem:s13], [sflag:$0xA], $0x1000, $0x38;
	[tilespmem:$0x6D00] =	vst v63  }
0x22c: {  	_ =	swait.ge [sflag:s7], $0x1000  }
0x22d: {  	s31 =	sld [smem:$0x7F1]  }
0x22e: {  	[sflag:s7] =	ssyncset.done $0x0  }
0x22f: {  	[sflag:s7] =	ssyncadd.s32 $0xFFFFF000  }
0x230: {  	[tilespmem:s3], [sflag:$0x2] =	stream.indirect.gather [hbm4b:s6+s8], $0x20, s31, s8, $0xb8;
	[tilespmem:$0x6D00] =	vst v63  }
0x231: {  	_ =	swait.ge [sflag:s19], $0x1000  }
0x232: {  	[sflag:s19] =	ssyncset.done $0x0  }
0x233: {  	s1 =	rddreg [dreg:$0x7];
	[sflag:s19] =	ssyncadd.s32 $0xFFFFF000  }
0x234: {  	[hbm4b:s1+s2] =	stream.linear.scatter [tilespmem:s11], [sflag:$0xB], $0x1000, $0x38;
	[tilespmem:$0x6D00] =	vst v63  }
0x235: {  	_ =	swait.ge [sflag:s14], $0x1000  }
0x236: {  	s30 =	sld [smem:$0x7F2]  }
0x237: {  	[sflag:s14] =	ssyncset.done $0x0  }
0x238: {  	[sflag:s14] =	ssyncadd.s32 $0xFFFFF000  }
0x239: {  	[tilespmem:s15], [sflag:$0x3] =	stream.indirect.gather [hbm4b:s6+s8], $0x20, s30, s8, $0xb8;
	[tilespmem:$0x6D00] =	vst v63  }
0x23a: {  	_ =	swait.ge [sflag:s20], $0x1000  }
0x23b: {  	[sflag:s20] =	ssyncset.done $0x0  }
0x23c: {  	s31 =	rddreg [dreg:$0x8];
	[sflag:s20] =	ssyncadd.s32 $0xFFFFF000  }
0x23d: {  	[hbm4b:s31+s2] =	stream.linear.scatter [tilespmem:s12], [sflag:$0xC], $0x1000, $0x38;
	[tilespmem:$0x6D00] =	vst v63  }
0x23e: {  	_ =	swait.ge [sflag:s16], $0x1000  }
0x23f: {  	s1 =	sld [smem:$0x7F3]  }
0x240: {  	[sflag:s16] =	ssyncset.done $0x0  }
0x241: {  	[sflag:s16] =	ssyncadd.s32 $0xFFFFF000  }
0x242: {  	[tilespmem:s13], [sflag:$0x4] =	stream.indirect.gather [hbm4b:s6+s8], $0x20, s1, s8, $0xb8;
	[tilespmem:$0x6D00] =	vst v63  }
0x243: {  	_ =	swait.ge [sflag:s9], $0x1000  }
0x244: {  	[sflag:s9] =	ssyncset.done $0x0  }
0x245: {  	s30 =	rddreg [dreg:$0x9];
	[sflag:s9] =	ssyncadd.s32 $0xFFFFF000  }
0x246: {  	[hbm4b:s30+s2] =	stream.linear.scatter [tilespmem:s4], [sflag:$0x7], $0x1000, $0x38;
	[tilespmem:$0x6D00] =	vst v63  }
0x247: {  	_ =	swait.ge [sflag:s17], $0x1000  }
0x248: {  	s31 =	sld [smem:$0x7F4]  }
0x249: {  	[sflag:s17] =	ssyncset.done $0x0  }
0x24a: {  	[sflag:s17] =	ssyncadd.s32 $0xFFFFF000  }
0x24b: {  	[tilespmem:s11], [sflag:$0x5] =	stream.indirect.gather [hbm4b:s6+s8], $0x20, s31, s8, $0xb8;
	[tilespmem:$0x6D00] =	vst v63  }
0x24c: {  	_ =	swait.ge [sflag:s10], $0x1000  }
0x24d: {  	[sflag:s10] =	ssyncset.done $0x0  }
0x24e: {  	s1 =	rddreg [dreg:$0xa];
	[sflag:s10] =	ssyncadd.s32 $0xFFFFF000  }
0x24f: {  	[hbm4b:s1+s2] =	stream.linear.scatter [tilespmem:s3], [sflag:$0x8], $0x1000, $0x38;
	[tilespmem:$0x6D00] =	vst v63  }
0x250: {  	_ =	swait.ge [sflag:s18], $0x1000  }
0x251: {  	s30 =	sld [smem:$0x7F5]  }
0x252: {  	[sflag:s18] =	ssyncset.done $0x0  }
0x253: {  	[sflag:s18] =	ssyncadd.s32 $0xFFFFF000  }
0x254: {  	[tilespmem:s12], [sflag:$0x6] =	stream.indirect.gather [hbm4b:s6+s8], $0x20, s30, s8, $0xb8;
	[tilespmem:$0x6D00] =	vst v63  }
0x255: {  	_ =	swait.ge [sflag:s22], $0x1000  }
0x256: {  	[sflag:s22] =	ssyncset.done $0x0  }
0x257: {  	s31 =	rddreg [dreg:$0xb];
	[sflag:s22] =	ssyncadd.s32 $0xFFFFF000  }
0x258: {  	[hbm4b:s31+s2] =	stream.linear.scatter [tilespmem:s15], [sflag:$0x9], $0x1000, $0x38;
	[tilespmem:$0x6D00] =	vst v63  }
0x259: {  	_ =	swait.ge [sflag:s5], $0x1000  }
0x25a: {  	s1 =	sld [smem:$0x7F6]  }
0x25b: {  	[sflag:s5] =	ssyncset.done $0x0  }
0x25c: {  	[sflag:s5] =	ssyncadd.s32 $0xFFFFF000  }
0x25d: {  	[tilespmem:s4], [sflag:$0x1] =	stream.indirect.gather [hbm4b:s6+s8], $0x20, s1, s8, $0xb8;
	[tilespmem:$0x6D00] =	vst v63  }
0x25e: {  	_ =	swait.ge [sflag:s21], $0x1000  }
0x25f: {  	[sflag:s21] =	ssyncset.done $0x0  }
0x260: {  	s30 =	rddreg [dreg:$0xc];
	[sflag:s21] =	ssyncadd.s32 $0xFFFFF000  }
0x261: {  	[hbm4b:s30+s2] =	stream.linear.scatter [tilespmem:s13], [sflag:$0xA], $0x1000, $0x38;
	[tilespmem:$0x6D00] =	vst v63  }
0x262: {  	_ =	swait.ge [sflag:s7], $0x1000  }
0x263: {  	s31 =	sld [smem:$0x7F7]  }
0x264: {  	[sflag:s7] =	ssyncset.done $0x0  }
0x265: {  	[sflag:s7] =	ssyncadd.s32 $0xFFFFF000  }
0x266: {  	[tilespmem:s3], [sflag:$0x2] =	stream.indirect.gather [hbm4b:s6+s8], $0x20, s31, s8, $0xb8;
	[tilespmem:$0x6D00] =	vst v63  }
0x267: {  	_ =	swait.ge [sflag:s19], $0x1000  }
0x268: {  	[sflag:s19] =	ssyncset.done $0x0  }
0x269: {  	s1 =	rddreg [dreg:$0xd];
	[sflag:s19] =	ssyncadd.s32 $0xFFFFF000  }
0x26a: {  	[hbm4b:s1+s2] =	stream.linear.scatter [tilespmem:s11], [sflag:$0xB], $0x1000, $0x38;
	[tilespmem:$0x6D00] =	vst v63  }
0x26b: {  	_ =	swait.ge [sflag:s14], $0x1000  }
0x26c: {  	s30 =	sld [smem:$0x7F8]  }
0x26d: {  	[sflag:s14] =	ssyncset.done $0x0  }
0x26e: {  	[sflag:s14] =	ssyncadd.s32 $0xFFFFF000  }
0x26f: {  	[tilespmem:s15], [sflag:$0x3] =	stream.indirect.gather [hbm4b:s6+s8], $0x20, s30, s8, $0xb8;
	[tilespmem:$0x6D00] =	vst v63  }
0x270: {  	_ =	swait.ge [sflag:s20], $0x1000  }
0x271: {  	[sflag:s20] =	ssyncset.done $0x0  }
0x272: {  	s31 =	rddreg [dreg:$0xe];
	[sflag:s20] =	ssyncadd.s32 $0xFFFFF000  }
0x273: {  	[hbm4b:s31+s2] =	stream.linear.scatter [tilespmem:s12], [sflag:$0xC], $0x1000, $0x38;
	[tilespmem:$0x6D00] =	vst v63  }
0x274: {  	_ =	swait.ge [sflag:s16], $0x1000  }
0x275: {  	s1 =	sld [smem:$0x7F9]  }
0x276: {  	[sflag:s16] =	ssyncset.done $0x0  }
0x277: {  	[sflag:s16] =	ssyncadd.s32 $0xFFFFF000  }
0x278: {  	[tilespmem:s13], [sflag:$0x4] =	stream.indirect.gather [hbm4b:s6+s8], $0x20, s1, s8, $0xb8;
	[tilespmem:$0x6D00] =	vst v63  }
0x279: {  	_ =	swait.ge [sflag:s9], $0x1000  }
0x27a: {  	[sflag:s9] =	ssyncset.done $0x0  }
0x27b: {  	s30 =	rddreg [dreg:$0xf];
	[sflag:s9] =	ssyncadd.s32 $0xFFFFF000  }
0x27c: {  	[hbm4b:s30+s2] =	stream.linear.scatter [tilespmem:s4], [sflag:$0x7], $0x1000, $0x38;
	[tilespmem:$0x6D00] =	vst v63  }
0x27d: {  	_ =	swait.ge [sflag:s17], $0x1000  }
0x27e: {  	s31 =	sld [smem:$0x7FA]  }
0x27f: {  	[sflag:s17] =	ssyncset.done $0x0  }
0x280: {  	[sflag:s17] =	ssyncadd.s32 $0xFFFFF000  }
0x281: {  	[tilespmem:s11], [sflag:$0x5] =	stream.indirect.gather [hbm4b:s6+s8], $0x20, s31, s8, $0xb8;
	[tilespmem:$0x6D00] =	vst v63  }
0x282: {  	_ =	swait.ge [sflag:s10], $0x1000  }
0x283: {  	[sflag:s10] =	ssyncset.done $0x0  }
0x284: {  	s1 =	rddreg [dreg:$0x10];
	[sflag:s10] =	ssyncadd.s32 $0xFFFFF000  }
0x285: {  	[hbm4b:s1+s2] =	stream.linear.scatter [tilespmem:s3], [sflag:$0x8], $0x1000, $0x38;
	[tilespmem:$0x6D00] =	vst v63  }
0x286: {  	_ =	swait.ge [sflag:s18], $0x1000  }
0x287: {  	s30 =	sld [smem:$0x7FB]  }
0x288: {  	[sflag:s18] =	ssyncset.done $0x0  }
0x289: {  	[sflag:s18] =	ssyncadd.s32 $0xFFFFF000  }
0x28a: {  	[tilespmem:s12], [sflag:$0x6] =	stream.indirect.gather [hbm4b:s6+s8], $0x20, s30, s8, $0xb8;
	[tilespmem:$0x6D00] =	vst v63  }
0x28b: {  	_ =	swait.ge [sflag:s22], $0x1000  }
0x28c: {  	[sflag:s22] =	ssyncset.done $0x0  }
0x28d: {  	s31 =	rddreg [dreg:$0x11];
	[sflag:s22] =	ssyncadd.s32 $0xFFFFF000  }
0x28e: {  	[hbm4b:s31+s2] =	stream.linear.scatter [tilespmem:s15], [sflag:$0x9], $0x1000, $0x38;
	[tilespmem:$0x6D00] =	vst v63  }
0x28f: {  	_ =	swait.ge [sflag:s5], $0x1000  }
0x290: {  	s1 =	sld [smem:$0x7FC]  }
0x291: {  	[sflag:s5] =	ssyncset.done $0x0  }
0x292: {  	[sflag:s5] =	ssyncadd.s32 $0xFFFFF000  }
0x293: {  	[tilespmem:s4], [sflag:$0x1] =	stream.indirect.gather [hbm4b:s6+s8], $0x20, s1, s8, $0xb8;
	[tilespmem:$0x6D00] =	vst v63  }
0x294: {  	_ =	swait.ge [sflag:s21], $0x1000  }
0x295: {  	[sflag:s21] =	ssyncset.done $0x0  }
0x296: {  	s30 =	rddreg [dreg:$0x12];
	[sflag:s21] =	ssyncadd.s32 $0xFFFFF000  }
0x297: {  	[hbm4b:s30+s2] =	stream.linear.scatter [tilespmem:s13], [sflag:$0xA], $0x1000, $0x38;
	[tilespmem:$0x6D00] =	vst v63  }
0x298: {  	_ =	swait.ge [sflag:s7], $0x1000  }
0x299: {  	s31 =	sld [smem:$0x7FD]  }
0x29a: {  	[sflag:s7] =	ssyncset.done $0x0  }
0x29b: {  	[sflag:s7] =	ssyncadd.s32 $0xFFFFF000  }
0x29c: {  	[tilespmem:s3], [sflag:$0x2] =	stream.indirect.gather [hbm4b:s6+s8], $0x20, s31, s8, $0xb8;
	[tilespmem:$0x6D00] =	vst v63  }
0x29d: {  	_ =	swait.ge [sflag:s19], $0x1000  }
0x29e: {  	[sflag:s19] =	ssyncset.done $0x0  }
0x29f: {  	s1 =	rddreg [dreg:$0x13];
	[sflag:s19] =	ssyncadd.s32 $0xFFFFF000  }
0x2a0: {  	[hbm4b:s1+s2] =	stream.linear.scatter [tilespmem:s11], [sflag:$0xB], $0x1000, $0x38;
	[tilespmem:$0x6D00] =	vst v63  }
0x2a1: {  	_ =	swait.ge [sflag:s14], $0x1000  }
0x2a2: {  	[sflag:s14] =	ssyncset.done $0x0  }
0x2a3: {  	[sflag:s14] =	ssyncadd.s32 $0xFFFFF000  }
0x2a4: {  	[tilespmem:s15], [sflag:$0x3] =	stream.indirect.gather [hbm4b:s6+s8], $0x20, s24, s8, $0xb8;
	[tilespmem:$0x6D00] =	vst v63  }
0x2a5: {  	_ =	swait.ge [sflag:s20], $0x1000  }
0x2a6: {  	[sflag:s20] =	ssyncset.done $0x0  }
0x2a7: {  	s30 =	rddreg [dreg:$0x14];
	[sflag:s20] =	ssyncadd.s32 $0xFFFFF000  }
0x2a8: {  	[hbm4b:s30+s2] =	stream.linear.scatter [tilespmem:s12], [sflag:$0xC], $0x1000, $0x38;
	[tilespmem:$0x6D00] =	vst v63  }
0x2a9: {  	_ =	swait.ge [sflag:s16], $0x1000  }
0x2aa: {  	[sflag:s16] =	ssyncset.done $0x0  }
0x2ab: {  	[sflag:s16] =	ssyncadd.s32 $0xFFFFF000  }
0x2ac: {  	[tilespmem:s13], [sflag:$0x4] =	stream.indirect.gather [hbm4b:s6+s8], $0x20, s29, s8, $0xb8;
	[tilespmem:$0x6D00] =	vst v63  }
0x2ad: {  	_ =	swait.ge [sflag:s9], $0x1000  }
0x2ae: {  	[sflag:s9] =	ssyncset.done $0x0  }
0x2af: {  	s31 =	rddreg [dreg:$0x15];
	[sflag:s9] =	ssyncadd.s32 $0xFFFFF000  }
0x2b0: {  	[hbm4b:s31+s2] =	stream.linear.scatter [tilespmem:s4], [sflag:$0x7], $0x1000, $0x38;
	[tilespmem:$0x6D00] =	vst v63  }
0x2b1: {  	_ =	swait.ge [sflag:s17], $0x1000  }
0x2b2: {  	[sflag:s17] =	ssyncset.done $0x0  }
0x2b3: {  	[sflag:s17] =	ssyncadd.s32 $0xFFFFF000  }
0x2b4: {  	[tilespmem:s11], [sflag:$0x5] =	stream.indirect.gather [hbm4b:s6+s8], $0x20, s28, s8, $0xb8;
	[tilespmem:$0x6D00] =	vst v63  }
0x2b5: {  	_ =	swait.ge [sflag:s10], $0x1000  }
0x2b6: {  	[sflag:s10] =	ssyncset.done $0x0  }
0x2b7: {  	s1 =	rddreg [dreg:$0x16];
	[sflag:s10] =	ssyncadd.s32 $0xFFFFF000  }
0x2b8: {  	[hbm4b:s1+s2] =	stream.linear.scatter [tilespmem:s3], [sflag:$0x8], $0x1000, $0x38;
	[tilespmem:$0x6D00] =	vst v63  }
0x2b9: {  	_ =	swait.ge [sflag:s18], $0x1000  }
0x2ba: {  	[sflag:s18] =	ssyncset.done $0x0  }
0x2bb: {  	[sflag:s18] =	ssyncadd.s32 $0xFFFFF000  }
0x2bc: {  	[tilespmem:s12], [sflag:$0x6] =	stream.indirect.gather [hbm4b:s6+s8], $0x20, s26, s8, $0xb8;
	[tilespmem:$0x6D00] =	vst v63  }
0x2bd: {  	_ =	swait.ge [sflag:s22], $0x1000  }
0x2be: {  	[sflag:s22] =	ssyncset.done $0x0  }
0x2bf: {  	s24 =	rddreg [dreg:$0x17];
	[sflag:s22] =	ssyncadd.s32 $0xFFFFF000  }
0x2c0: {  	[hbm4b:s24+s2] =	stream.linear.scatter [tilespmem:s15], [sflag:$0x9], $0x1000, $0x38;
	[tilespmem:$0x6D00] =	vst v63  }
0x2c1: {  	_ =	swait.ge [sflag:s5], $0x1000  }
0x2c2: {  	[sflag:s5] =	ssyncset.done $0x0  }
0x2c3: {  	[sflag:s5] =	ssyncadd.s32 $0xFFFFF000  }
0x2c4: {  	[tilespmem:s4], [sflag:$0x1] =	stream.indirect.gather [hbm4b:s6+s8], $0x20, s25, s8, $0xb8;
	[tilespmem:$0x6D00] =	vst v63  }
0x2c5: {  	_ =	swait.ge [sflag:s21], $0x1000  }
0x2c6: {  	[sflag:s21] =	ssyncset.done $0x0  }
0x2c7: {  	s25 =	rddreg [dreg:$0x18];
	[sflag:s21] =	ssyncadd.s32 $0xFFFFF000  }
0x2c8: {  	[hbm4b:s25+s2] =	stream.linear.scatter [tilespmem:s13], [sflag:$0xA], $0x1000, $0x38;
	[tilespmem:$0x6D00] =	vst v63  }
0x2c9: {  	_ =	swait.ge [sflag:s7], $0x1000  }
0x2ca: {  	[sflag:s7] =	ssyncset.done $0x0  }
0x2cb: {  	s26 =	simm.s32 $0xC80;
	[sflag:s7] =	ssyncadd.s32 $0xFFFFF000  }
0x2cc: {  	[tilespmem:s3], [sflag:$0x2] =	stream.indirect.gather [hbm4b:s6+s8], $0x20, s26, s8, $0xb8;
	[tilespmem:$0x6D00] =	vst v63  }
0x2cd: {  	_ =	swait.ge [sflag:s19], $0x1000  }
0x2ce: {  	[sflag:s19] =	ssyncset.done $0x0  }
0x2cf: {  	s28 =	rddreg [dreg:$0x19];
	[sflag:s19] =	ssyncadd.s32 $0xFFFFF000  }
0x2d0: {  	[hbm4b:s28+s2] =	stream.linear.scatter [tilespmem:s11], [sflag:$0xB], $0x1000, $0x38;
	[tilespmem:$0x6D00] =	vst v63  }
0x2d1: {  	_ =	swait.ge [sflag:s20], $0x1000  }
0x2d2: {  	[sflag:s20] =	ssyncset.done $0x0  }
0x2d3: {  	s29 =	rddreg [dreg:$0x1a];
	[sflag:s20] =	ssyncadd.s32 $0xFFFFF000  }
0x2d4: {  	[hbm4b:s29+s2] =	stream.linear.scatter [tilespmem:s12], [sflag:$0xC], $0x1000, $0x38;
	[tilespmem:$0x6D00] =	vst v63  }
0x2d5: {  	_ =	swait.ge [sflag:s9], $0x1000  }
0x2d6: {  	[sflag:s9] =	ssyncset.done $0x0  }
0x2d7: {  	s30 =	rddreg [dreg:$0x1b];
	[sflag:s9] =	ssyncadd.s32 $0xFFFFF000  }
0x2d8: {  	[hbm4b:s30+s2] =	stream.linear.scatter [tilespmem:s4], [sflag:$0x7], $0x1000, $0x38;
	[tilespmem:$0x6D00] =	vst v63  }
0x2d9: {  	_ =	swait.ge [sflag:s10], $0x1000  }
0x2da: {  	[sflag:s10] =	ssyncset.done $0x0  }
0x2db: {  	s31 =	rddreg [dreg:$0x1c];
	[sflag:s10] =	ssyncadd.s32 $0xFFFFF000  }
0x2dc: {  	[hbm4b:s31+s2] =	stream.linear.scatter [tilespmem:s3], [sflag:$0x8], $0x1000, $0x38;
	[tilespmem:$0x6D00] =	vst v63  }
0x2dd: {  	_ =	swait.ge [sflag:s14], $0x1000  }
0x2de: {  	[sflag:s14] =	ssyncset.done $0x0  }
0x2df: {  	[sflag:s14] =	ssyncadd.s32 $0xFFFFF000  }
0x2e0: {  	_ =	swait.ge [sflag:s16], $0x1000  }
0x2e1: {  	[sflag:s16] =	ssyncset.done $0x0  }
0x2e2: {  	[sflag:s16] =	ssyncadd.s32 $0xFFFFF000  }
0x2e3: {  	_ =	swait.ge [sflag:s17], $0x1000  }
0x2e4: {  	[sflag:s17] =	ssyncset.done $0x0  }
0x2e5: {  	[sflag:s17] =	ssyncadd.s32 $0xFFFFF000  }
0x2e6: {  	_ =	swait.ge [sflag:s18], $0x1000  }
0x2e7: {  	[sflag:s18] =	ssyncset.done $0x0  }
0x2e8: {  	[sflag:s18] =	ssyncadd.s32 $0xFFFFF000  }
0x2e9: {  	_ =	swait.ge [sflag:s5], $0x1000  }
0x2ea: {  	[sflag:s5] =	ssyncset.done $0x0  }
0x2eb: {  	[sflag:s5] =	ssyncadd.s32 $0xFFFFF000  }
0x2ec: {  	_ =	swait.ge [sflag:s7], $0x1000  }
0x2ed: {  	[sflag:s7] =	ssyncset.done $0x0  }
0x2ee: {  	[sflag:s7] =	ssyncadd.s32 $0xFFFFF000  }
0x2ef: {  	_ =	sfence.sel $0x180000  }
0x2f0: {  	[bflag:$0x0] =	sbarrier.arrive $0xFFFF  }
0x2f1: {  	_ =	strace $0x90000047  }
0x2f2: {  	[bflag:$0x2] =	sbarrier.arrive $0xFFFF  }
0x2f3: {  	p0 =	sne.s32 s23, $0x0;
	s0 =	rddreg [dreg:$0x2]  }
0x2f4: {  	s0 =	sadd.s32 @!p0 $0x100000, s0  }
0x2f5: {  	[sflag:s0] =	ssyncadd.tile.s32 @!p0 $0x1;
	_ =	shalt  }
.LBB2_1:
.Ltmp3:
0x2f6: {  	(pc) =	sbr.rel .LBB2_6-.Ltmp3, $3  }
0x2f7: {  	_ =	sdelay $0x1  }
0x2f8: {  	s24 =	simm.s32 $0xA00;
	s29 =	simm.s32 $0xA80  }
0x2f9: {  	s28 =	simm.s32 $0xB00;
	s26 =	simm.s32 $0xB80;
	s25 =	simm.s32 $0xC00  }
.LBB2_3:
.Ltmp4:
0x2fa: {  	(pc) =	sbr.rel .LBB2_6-.Ltmp4, $3  }
0x2fb: {  	_ =	sdelay $0x1  }
0x2fc: {  	s24 =	simm.s32 $0xA00;
	s29 =	simm.s32 $0xA80;
	s28 =	simm.s32 $0xB00  }
0x2fd: {  	s26 =	simm.s32 $0xB80;
	s25 =	simm.s32 $0xC00;
	s23 =	stileid.u32  }
.Lfunc_end2:
_tile_overlayer_lowered:
.L_overlay_start_2:
0x2fe: {  	(tag) =	ssettag $0x2  }
0x2ff: {  	s0 =	rddreg [dreg:$0x0];
	s2 =	stileid.u32  }
0x300: {  	s1 =	rddreg [dreg:$0x1];
	p0 =	sne.s32 s2, $0x0  }
0x301: {  	s3 =	rddreg [dreg:$0x2];
	[bflag:$0x3] =	sbarrier.arrive $0xFFFF;
	s2 =	simm.s32 @!p0 $0x1C0D  }
0x302: {  	[timem:s3], [sflag:s2] =	dma.local @!p0 [hbm:s0], s1  }
0x303: {  	s0 =	simm.s32 @!p0 $0xD  }
0x304: {  	_ =	swait.ge @!p0 [sflag:s0], s1  }
0x305: {  	s1 =	ssub.s32 @!p0 $0x0, s1;
	[sflag:s0] =	ssyncset.done @!p0 $0x0  }
0x306: {  	[sflag:s0] =	ssyncadd.s32 @!p0 s1  }
0x307: {  	[bflag:$0x3] =	sbarrier.arrive $0xFFFF  }
0x308: {  	_ =	shalt  }

</sc_bundles>
